<compile_context>
chip_gen: v7x
topology: tpu7x:2x2x1
jax: 0.10.2.dev20260603
libtpu: 0.0.44.dev20260713+nightly
codegen_flags: <defaults>
</compile_context>

<pallas_src>
import functools

import jax
import jax.numpy as jnp
from jax import lax
from jax.experimental import pallas as pl
from jax.experimental.pallas import tpu as pltpu
from jax.experimental.pallas import tpu_sc as plsc

N = 50000
E = 800000
G = 512
D_IN = 75
D_H = 64

NPAD = 53248
EPAD = 819200
GPAD = 528
EROWS = EPAD // 128
NROWS = NPAD // 128
ROWS_PER_SUB = NPAD // 16
EDGE_CHUNKS = EPAD // (16 * 128)
EB = 20
NB = EDGE_CHUNKS // EB
DEG_CHUNKS = EPAD // (2 * 16 * 128)
POOL_W = 13
POOL_CHUNKS = NROWS // (2 * POOL_W)

_mesh = plsc.VectorSubcoreMesh(core_axis_name="c", subcore_axis_name="s")
_sc_params = pltpu.CompilerParams(use_tc_tiling_on_sc=False)
_sc_params_nl = pltpu.CompilerParams(
    use_tc_tiling_on_sc=False, needs_layout_passes=False
)

HIST_ROWS = NPAD // 16
HIST_ROWS_PER_SUB = HIST_ROWS // 16
HIST_ID_ROWS = HIST_ROWS // 128


@functools.partial(
    pl.kernel,
    out_type=jax.ShapeDtypeStruct((2, HIST_ROWS, 16), jnp.float32),
    mesh=_mesh,
    scratch_types=[
        pltpu.VMEM((DEG_CHUNKS, 128), jnp.int32),
        pltpu.VMEM((HIST_ROWS, 16), jnp.float32),
        pltpu.VMEM((HIST_ID_ROWS, 128), jnp.int32),
        pltpu.VMEM_SHARED((HIST_ROWS, 16), jnp.float32),
    ],
    compiler_params=_sc_params_nl,
)
def _deg_kernel(dst_hbm, out_hbm, didx, hist, ident, deg_sh):
    c = lax.axis_index("c")
    w = lax.axis_index("s")

    @pl.loop(0, HIST_ROWS)
    def _(r):
        hist[r, :] = jnp.zeros((16,), jnp.float32)

    @pl.loop(0, HIST_ID_ROWS)
    def _(r):
        @pl.loop(0, 8)
        def _(k):
            ident[r, pl.ds(k * 16, 16)] = lax.iota(jnp.int32, 16) + (r * 128 + k * 16)

    pltpu.sync_copy(
        hist.at[pl.ds(0, HIST_ROWS_PER_SUB)],
        deg_sh.at[pl.ds(w * HIST_ROWS_PER_SUB, HIST_ROWS_PER_SUB)],
    )
    plsc.subcore_barrier()
    pltpu.sync_copy(dst_hbm.at[pl.ds(c * (EROWS // 2) + w * DEG_CHUNKS, DEG_CHUNKS)], didx)

    @pl.loop(0, DEG_CHUNKS)
    def _(j):
        @pl.loop(0, 8)
        def _(k):
            idx = didx[j, pl.ds(k * 16, 16)]
            cnt, mlast = plsc.scan_count(idx)
            plsc.addupdate_scatter(
                hist,
                [lax.shift_right_logical(idx, 4), lax.bitwise_and(idx, 15)],
                cnt.astype(jnp.float32),
                mask=mlast,
            )

    @pl.loop(0, HIST_ID_ROWS)
    def _(j):
        pltpu.sync_copy(hist.at[pl.ds(j * 128, 128)], deg_sh.at[ident.at[j]], add=True)

    plsc.subcore_barrier()
    pltpu.sync_copy(
        deg_sh.at[pl.ds(w * HIST_ROWS_PER_SUB, HIST_ROWS_PER_SUB)],
        out_hbm.at[c, pl.ds(w * HIST_ROWS_PER_SUB, HIST_ROWS_PER_SUB)],
    )


@functools.partial(
    pl.kernel,
    out_type=jax.ShapeDtypeStruct((2, NPAD, 32), jnp.float32),
    mesh=_mesh,
    scratch_types=[
        pltpu.VMEM((EB, 128), jnp.int32),
        pltpu.VMEM((EB, 128), jnp.int32),
        pltpu.VMEM((128, 32), jnp.float32),
        pltpu.VMEM((128, 32), jnp.float32),
        pltpu.VMEM((128, 32), jnp.float32),
        pltpu.VMEM((128, 32), jnp.float32),
        pltpu.VMEM_SHARED((NPAD, 32), jnp.float32),
        pltpu.SemaphoreType.DMA,
        pltpu.SemaphoreType.DMA,
        pltpu.SemaphoreType.DMA,
        pltpu.SemaphoreType.DMA,
    ],
    compiler_params=_sc_params,
)
def _edge_kernel(
    g_hbm, src_hbm, dst_hbm, acc_hbm, sidx, didx, r0, r1, r2, r3, acc_sh, s0, s1, s2, s3
):
    c = lax.axis_index("c")
    w = lax.axis_index("s")
    rows = [r0, r1, r2, r3]
    sems = [s0, s1, s2, s3]

    @pl.loop(0, 128)
    def _(r):
        r0[r, 0:16] = jnp.zeros((16,), jnp.float32)
        r0[r, 16:32] = jnp.zeros((16,), jnp.float32)

    @pl.loop(0, ROWS_PER_SUB // 128)
    def _(j):
        pltpu.sync_copy(r0, acc_sh.at[pl.ds(w * ROWS_PER_SUB + j * 128, 128)])

    plsc.subcore_barrier()

    @pl.loop(0, NB)
    def _(b):
        pltpu.sync_copy(src_hbm.at[pl.ds(w * EDGE_CHUNKS + b * EB, EB)], sidx)
        pltpu.sync_copy(dst_hbm.at[pl.ds(w * EDGE_CHUNKS + b * EB, EB)], didx)

        for k in range(3):
            pltpu.async_copy(g_hbm.at[c].at[sidx.at[k]], rows[k], sems[k])

        @pl.loop(0, EB // 4)
        def _(t):
            j = t * 4
            for k in range(4):
                jk = j + k
                pltpu.make_async_copy(g_hbm.at[c].at[sidx.at[jk]], rows[k], sems[k]).wait()

                @pl.when(jk + 3 < EB)
                def _():
                    pltpu.async_copy(
                        g_hbm.at[c].at[sidx.at[jk + 3]], rows[(k + 3) % 4], sems[(k + 3) % 4]
                    )

                pltpu.sync_copy(rows[k], acc_sh.at[didx.at[jk]], add=True)

    plsc.subcore_barrier()
    pltpu.sync_copy(
        acc_sh.at[pl.ds(w * ROWS_PER_SUB, ROWS_PER_SUB)],
        acc_hbm.at[c, pl.ds(w * ROWS_PER_SUB, ROWS_PER_SUB)],
    )


@functools.partial(
    pl.kernel,
    out_type=jax.ShapeDtypeStruct((2, GPAD, 16), jnp.float32),
    mesh=_mesh,
    scratch_types=[
        pltpu.VMEM((POOL_CHUNKS, 128), jnp.int32),
        pltpu.VMEM((POOL_CHUNKS * 128, 16), jnp.float32),
        pltpu.VMEM_SHARED((GPAD, 16), jnp.float32),
    ],
    compiler_params=_sc_params,
)
def _pool_kernel(s16_hbm, batch_hbm, out_hbm, bidx, slab, pool_sh):
    c = lax.axis_index("c")
    w = lax.axis_index("s")

    @pl.loop(0, GPAD // 2)
    def _(r):
        slab[r, :] = jnp.zeros((16,), jnp.float32)

    @pl.when(w == 0)
    def _():
        pltpu.sync_copy(slab.at[pl.ds(0, GPAD // 2)], pool_sh.at[pl.ds(0, GPAD // 2)])
        pltpu.sync_copy(slab.at[pl.ds(0, GPAD // 2)], pool_sh.at[pl.ds(GPAD // 2, GPAD // 2)])

    plsc.subcore_barrier()

    @pl.when(w < POOL_W)
    def _():
        base_row = c * (POOL_W * POOL_CHUNKS) + w * POOL_CHUNKS
        pltpu.sync_copy(batch_hbm.at[pl.ds(base_row, POOL_CHUNKS)], bidx)
        pltpu.sync_copy(s16_hbm.at[pl.ds(base_row * 128, POOL_CHUNKS * 128)], slab)

        @pl.loop(0, POOL_CHUNKS)
        def _(j):
            pltpu.sync_copy(slab.at[pl.ds(j * 128, 128)], pool_sh.at[bidx.at[j]], add=True)

    plsc.subcore_barrier()

    @pl.when(w == 0)
    def _():
        pltpu.sync_copy(pool_sh, out_hbm.at[c])


_BLK = 1024
_NBLK = NPAD // _BLK


def _half(g, j):
    return jnp.where(j == 0, g[:, 0:32], g[:, 32:64])


def _tc1_body(x_ref, d0_ref, d1_ref, W1_ref, h_ref, dinv_ref, g_ref):
    j = pl.program_id(0)
    h = jnp.dot(x_ref[...], W1_ref[...], preferred_element_type=jnp.float32)
    deg = d0_ref[...] + d1_ref[...] + 1.0
    dinv = lax.rsqrt(deg)
    g = h * dinv
    h_ref[...] = h
    dinv_ref[...] = dinv
    g_ref[0] = _half(g, j)


def _tc1(x_pad, deg0, deg1, W1):
    return pl.pallas_call(
        _tc1_body,
        grid=(2, _NBLK),
        in_specs=[
            pl.BlockSpec((_BLK, D_IN), lambda j, i: (i, 0)),
            pl.BlockSpec((_BLK, 1), lambda j, i: (i, 0)),
            pl.BlockSpec((_BLK, 1), lambda j, i: (i, 0)),
            pl.BlockSpec((D_IN, D_H), lambda j, i: (0, 0)),
        ],
        out_specs=[
            pl.BlockSpec((_BLK, D_H), lambda j, i: (i, 0)),
            pl.BlockSpec((_BLK, 1), lambda j, i: (i, 0)),
            pl.BlockSpec((1, _BLK, 32), lambda j, i: (j, i, 0)),
        ],
        out_shape=[
            jax.ShapeDtypeStruct((NPAD, D_H), jnp.float32),
            jax.ShapeDtypeStruct((NPAD, 1), jnp.float32),
            jax.ShapeDtypeStruct((2, NPAD, 32), jnp.float32),
        ],
    )(x_pad, deg0, deg1, W1)


def _tc2_body(a0, a1, h_ref, dinv_ref, W2_ref, b1_ref, h2_ref, g_ref):
    j = pl.program_id(0)
    dinv = dinv_ref[...]
    acc = jnp.concatenate([a0[0], a1[0]], axis=1)
    z = jax.nn.relu(acc * dinv + h_ref[...] * (dinv * dinv) + b1_ref[...])
    h2 = jnp.dot(z, W2_ref[...], preferred_element_type=jnp.float32)
    g = h2 * dinv
    h2_ref[...] = h2
    g_ref[0] = _half(g, j)


def _tc2(acc, h1, dinv, W2, b1r):
    acc_spec = lambda k: pl.BlockSpec((1, _BLK, 32), lambda j, i, k=k: (k, i, 0))
    return pl.pallas_call(
        _tc2_body,
        grid=(2, _NBLK),
        in_specs=[
            acc_spec(0),
            acc_spec(1),
            pl.BlockSpec((_BLK, D_H), lambda j, i: (i, 0)),
            pl.BlockSpec((_BLK, 1), lambda j, i: (i, 0)),
            pl.BlockSpec((D_H, D_H), lambda j, i: (0, 0)),
            pl.BlockSpec((1, D_H), lambda j, i: (0, 0)),
        ],
        out_specs=[
            pl.BlockSpec((_BLK, D_H), lambda j, i: (i, 0)),
            pl.BlockSpec((1, _BLK, 32), lambda j, i: (j, i, 0)),
        ],
        out_shape=[
            jax.ShapeDtypeStruct((NPAD, D_H), jnp.float32),
            jax.ShapeDtypeStruct((2, NPAD, 32), jnp.float32),
        ],
    )(acc, acc, h1, dinv, W2, b1r)


def _tc3_body(a0, a1, h_ref, dinv_ref, Wfc_ref, b2_ref, s16_ref):
    dinv = dinv_ref[...]
    acc = jnp.concatenate([a0[0], a1[0]], axis=1)
    z = jax.nn.relu(acc * dinv + h_ref[...] * (dinv * dinv) + b2_ref[...])
    s = jnp.dot(z, Wfc_ref[...], preferred_element_type=jnp.float32)
    ones = jnp.ones_like(s)
    zeros = jnp.zeros((s.shape[0], 14), jnp.float32)
    s16_ref[...] = jnp.concatenate([s, ones, zeros], axis=1)


def _tc3(acc, h2, dinv, Wfc, b2r):
    acc_spec = lambda k: pl.BlockSpec((1, _BLK, 32), lambda i, k=k: (k, i, 0))
    return pl.pallas_call(
        _tc3_body,
        grid=(_NBLK,),
        in_specs=[
            acc_spec(0),
            acc_spec(1),
            pl.BlockSpec((_BLK, D_H), lambda i: (i, 0)),
            pl.BlockSpec((_BLK, 1), lambda i: (i, 0)),
            pl.BlockSpec((D_H, 1), lambda i: (0, 0)),
            pl.BlockSpec((1, D_H), lambda i: (0, 0)),
        ],
        out_specs=pl.BlockSpec((_BLK, 16), lambda i: (i, 0)),
        out_shape=jax.ShapeDtypeStruct((NPAD, 16), jnp.float32),
    )(acc, acc, h2, dinv, Wfc, b2r)


def _tc4_body(p_ref, bfc_ref, o_ref):
    p = p_ref[0] + p_ref[1]
    sums = p[:G, 0:1]
    cnt = p[:G, 1:2]
    o_ref[...] = sums / jnp.maximum(cnt, 1.0) + bfc_ref[...]


def _tc4(pool, bfc):
    return pl.pallas_call(
        _tc4_body,
        out_shape=jax.ShapeDtypeStruct((G, 1), jnp.float32),
    )(pool, bfc.reshape(1, 1))


def kernel(x, edge_index, batch, W1, b1, W2, b2, Wfc, bfc):
    src = edge_index[0]
    dst = edge_index[1]
    x_pad = jnp.pad(x, ((0, NPAD - N), (0, 0)))
    src_p = jnp.pad(src, (0, EPAD - E), constant_values=N)
    dst_p = jnp.pad(dst, (0, EPAD - E), constant_values=N)
    src2d = src_p.reshape(EROWS, 128)
    dst2d = dst_p.reshape(EROWS, 128)
    batch2d = jnp.pad(batch, (0, NPAD - N), constant_values=G).reshape(NROWS, 128)

    deg16 = _deg_kernel(dst2d)
    deg0 = deg16[0].reshape(NPAD, 1)
    deg1 = deg16[1].reshape(NPAD, 1)

    h1, dinv, g1 = _tc1(x_pad, deg0, deg1, W1)
    acc1 = _edge_kernel(g1, src2d, dst2d)
    h2, g2 = _tc2(acc1, h1, dinv, W2, b1.reshape(1, D_H))
    acc2 = _edge_kernel(g2, src2d, dst2d)
    s16 = _tc3(acc2, h2, dinv, Wfc, b2.reshape(1, D_H))
    pool = _pool_kernel(s16, batch2d)
    return _tc4(pool, bfc)

# --- scband reference (transcript-rebuilt; emitter-appended) ---
"""Pipeline reference for scband-drug-property-gnn-11931419148847 (READ-ONLY COPY).

The authoritative reference and input builder live on the scoring server;
editing this copy changes nothing except your own understanding.
"""

import jax, jax.numpy as jnp
import numpy as np

N = 50000
E = 800000
G = 512
D_IN = 75
D_H = 64
D_OUT = 1


def gcn_conv(x, edge_index, W, b):
    n = x.shape[0]
    loop = jnp.arange(n, dtype=edge_index.dtype)
    src = jnp.concatenate([edge_index[0], loop])
    dst = jnp.concatenate([edge_index[1], loop])
    deg = jnp.zeros((n,), x.dtype).at[dst].add(1.0)
    dinv = jnp.where(deg > 0, 1.0 / jnp.sqrt(deg), 0.0)
    norm = dinv[src] * dinv[dst]
    h = x @ W
    out = jnp.zeros((n, W.shape[1]), x.dtype).at[dst].add(h[src] * norm[:, None])
    return out + b


def setup_inputs(seed: int = 0):
    key = jax.random.key(seed)
    ks = jax.random.split(key, 8)
    x = jax.random.normal(ks[0], (N, D_IN), dtype=jnp.float32)
    edge_index = jax.random.randint(ks[1], (2, E), 0, N, dtype=jnp.int32)
    batch = jnp.sort(jax.random.randint(ks[2], (N,), 0, G, dtype=jnp.int32))
    W1 = jax.random.normal(ks[3], (D_IN, D_H), dtype=jnp.float32) * (1.0 / np.sqrt(D_IN))
    b1 = jnp.zeros((D_H,), dtype=jnp.float32)
    W2 = jax.random.normal(ks[4], (D_H, D_H), dtype=jnp.float32) * (1.0 / np.sqrt(D_H))
    b2 = jnp.zeros((D_H,), dtype=jnp.float32)
    Wfc = jax.random.normal(ks[5], (D_H, D_OUT), dtype=jnp.float32) * (1.0 / np.sqrt(D_H))
    bfc = jnp.zeros((D_OUT,), dtype=jnp.float32)
    return {"x": x, "edge_index": edge_index, "batch": batch,
            "W1": W1, "b1": b1, "W2": W2, "b2": b2, "Wfc": Wfc, "bfc": bfc}


def reference(x, edge_index, batch, W1, b1, W2, b2, Wfc, bfc):
    h = jax.nn.relu(gcn_conv(x, edge_index, W1, b1))
    h = jax.nn.relu(gcn_conv(h, edge_index, W2, b2))
    sums = jax.ops.segment_sum(h, batch, num_segments=G)
    cnt = jax.ops.segment_sum(jnp.ones((h.shape[0], 1), h.dtype), batch, num_segments=G)
    pooled = sums / jnp.maximum(cnt, 1.0)
    return pooled @ Wfc + bfc

if __name__ == "__main__":
    import jax
    _d = setup_inputs()
    print(jax.jit(kernel)(*tuple(_d.values())))

</pallas_src>

<mosaic_0001>
#map = affine_map<(d0, d1) -> (0, 0, 0)>
#map1 = affine_map<(d0, d1) -> (0, 0)>
module attributes {stable_mosaic.version = 14 : i64} {
  func.func @_edge_kernel(%arg0: i32, %arg1: i32, %arg2: memref<2x53248x32xf32, #tpu.memory_space<hbm>>, %arg3: memref<6400x128xi32, #tpu.memory_space<hbm>>, %arg4: memref<6400x128xi32, #tpu.memory_space<hbm>>, %arg5: memref<2x53248x32xf32, #tpu.memory_space<hbm>>, %arg6: memref<20x128xi32, #tpu.memory_space<vmem>>, %arg7: memref<20x128xi32, #tpu.memory_space<vmem>>, %arg8: memref<128x32xf32, #tpu.memory_space<vmem>>, %arg9: memref<128x32xf32, #tpu.memory_space<vmem>>, %arg10: memref<128x32xf32, #tpu.memory_space<vmem>>, %arg11: memref<128x32xf32, #tpu.memory_space<vmem>>, %arg12: memref<53248x32xf32, #tpu.memory_space<vmem_shared>>, %arg13: memref<!tpu.dma_semaphore, #tpu.memory_space<semaphore_mem>>, %arg14: memref<!tpu.dma_semaphore, #tpu.memory_space<semaphore_mem>>, %arg15: memref<!tpu.dma_semaphore, #tpu.memory_space<semaphore_mem>>, %arg16: memref<!tpu.dma_semaphore, #tpu.memory_space<semaphore_mem>>) attributes {dimension_semantics = [#tpu.dimension_semantics<core_parallel>, #tpu.dimension_semantics<subcore_parallel>], iteration_bounds = array<i64: 2, 16>, scalar_prefetch = 0 : i64, scratch_operands = 11 : i64, tpu.core_type = #tpu.core_type<sc_vector_subcore>, window_params = [{transform_indices = #map}, {transform_indices = #map1}, {transform_indices = #map1}, {transform_indices = #map}]} {
    %scan3A = arith.constant 0 : i32
    %scan3A_0 = arith.constant 128 : i32
    %scan3A_1 = arith.addi %scan3A, %scan3A_0 : i32
    %scan3A_2 = arith.constant 1 : i32
    scf.for %scan3A_18 = %scan3A to %scan3A_1 step %scan3A_2  : i32 {
      %mul3A_19 = arith.constant 1 : i32
      %mul3A_20 = arith.muli %scan3A_18, %mul3A_19 : i32
      %add3A = arith.constant 0 : i32
      %add3A_21 = arith.addi %add3A, %mul3A_20 : i32
      %broadcast_in_dim3A = arith.constant 0.000000e+00 : f32
      %broadcast_in_dim3A_22 = vector.broadcast %broadcast_in_dim3A : f32 to vector<16xf32>
      %swap3A = arith.index_cast %add3A_21 : i32 to index
      %swap3A_23 = arith.constant 0 : index
      %swap3A_24 = tpu.vector_load %arg8[%swap3A, %swap3A_23] {strides = array<i32>} : memref<128x32xf32, #tpu.memory_space<vmem>>, vector<1x16xf32>,
      %swap3A_25 = vector.shape_cast %swap3A_24 : vector<1x16xf32> to vector<16xf32>
      %swap3A_26 = vector.shape_cast %broadcast_in_dim3A_22 : vector<16xf32> to vector<1x16xf32>
      tpu.vector_store %arg8[%swap3A, %swap3A_23], %swap3A_26 {strides = array<i32>} : memref<128x32xf32, #tpu.memory_space<vmem>>, vector<1x16xf32>,
      %broadcast_in_dim3A_27 = arith.constant 0.000000e+00 : f32
      %broadcast_in_dim3A_28 = vector.broadcast %broadcast_in_dim3A_27 : f32 to vector<16xf32>
      %swap3A_29 = arith.index_cast %add3A_21 : i32 to index
      %swap3A_30 = arith.constant 16 : index
      %swap3A_31 = tpu.vector_load %arg8[%swap3A_29, %swap3A_30] {strides = array<i32>} : memref<128x32xf32, #tpu.memory_space<vmem>>, vector<1x16xf32>,
      %swap3A_32 = vector.shape_cast %swap3A_31 : vector<1x16xf32> to vector<16xf32>
      %swap3A_33 = vector.shape_cast %broadcast_in_dim3A_28 : vector<16xf32> to vector<1x16xf32>
      tpu.vector_store %arg8[%swap3A_29, %swap3A_30], %swap3A_33 {strides = array<i32>} : memref<128x32xf32, #tpu.memory_space<vmem>>, vector<1x16xf32>,
    }
    %scan3A_3 = arith.constant 128 : i32
    %scan3A_4 = arith.constant 0 : i32
    %scan3A_5 = arith.constant 26 : i32
    %scan3A_6 = arith.addi %scan3A_4, %scan3A_5 : i32
    %scan3A_7 = arith.constant 1 : i32
    scf.for %scan3A_18 = %scan3A_4 to %scan3A_6 step %scan3A_7  : i32 {
      %mul3A_19 = arith.constant 1 : i32
      %mul3A_20 = arith.muli %scan3A_18, %mul3A_19 : i32
      %add3A = arith.constant 0 : i32
      %add3A_21 = arith.addi %add3A, %mul3A_20 : i32
      %mul3A_22 = arith.constant 3328 : i32
      %mul3A_23 = arith.muli %arg1, %mul3A_22 : i32
      %mul3A_24 = arith.constant 128 : i32
      %mul3A_25 = arith.muli %add3A_21, %mul3A_24 : i32
      %add3A_26 = arith.addi %mul3A_23, %mul3A_25 : i32
      "tpu.region"() ({
        %run_scoped3A = tpu.sem_alloc : memref<!tpu.dma_semaphore, #tpu.memory_space<semaphore_mem>>
        %dma_start3A = arith.constant 0 : i32
        %dma_start3A_27 = tpu.memref_slice %arg12[%add3A_26, %dma_start3A] : memref<53248x32xf32, #tpu.memory_space<vmem_shared>> -> memref<128x32xf32, #tpu.memory_space<vmem_shared>>
        %dma_start3A_28 = arith.constant 0 : i32
        %dma_start3A_29 = tpu.memref_slice %arg12[%add3A_26, %dma_start3A_28] : memref<53248x32xf32, #tpu.memory_space<vmem_shared>> -> memref<128x32xf32, #tpu.memory_space<vmem_shared>>
        tpu.enqueue_dma source(%arg8 : memref<128x32xf32, #tpu.memory_space<vmem>>) target(%dma_start3A_29 : memref<128x32xf32, #tpu.memory_space<vmem_shared>>) target_semaphore(%run_scoped3A : memref<!tpu.dma_semaphore, #tpu.memory_space<semaphore_mem>>)
        %dma_wait3A = arith.constant 0 : i32
        %dma_wait3A_30 = tpu.memref_slice %arg12[%add3A_26, %dma_wait3A] : memref<53248x32xf32, #tpu.memory_space<vmem_shared>> -> memref<128x32xf32, #tpu.memory_space<vmem_shared>>
        %dma_wait3A_31 = arith.constant 0 : i32
        %dma_wait3A_32 = tpu.memref_slice %arg12[%add3A_26, %dma_wait3A_31] : memref<53248x32xf32, #tpu.memory_space<vmem_shared>> -> memref<128x32xf32, #tpu.memory_space<vmem_shared>>
        tpu.wait_dma2 semaphore(%run_scoped3A : memref<!tpu.dma_semaphore, #tpu.memory_space<semaphore_mem>>) src(%arg8 : memref<128x32xf32, #tpu.memory_space<vmem>>) dst(%dma_wait3A_32 : memref<128x32xf32, #tpu.memory_space<vmem_shared>>)
        tpu.yield
      }) : () -> ()
    }
    %scan3A_8 = arith.constant 26 : i32
    %barrier3A = arith.constant 0 : index
    tpu.barrier barrier_id(%barrier3A)
    %scan3A_9 = arith.constant 0 : i32
    %scan3A_10 = arith.constant 20 : i32
    %scan3A_11 = arith.addi %scan3A_9, %scan3A_10 : i32
    %scan3A_12 = arith.constant 1 : i32
    scf.for %scan3A_18 = %scan3A_9 to %scan3A_11 step %scan3A_12  : i32 {
      %mul3A_19 = arith.constant 1 : i32
      %mul3A_20 = arith.muli %scan3A_18, %mul3A_19 : i32
      %add3A = arith.constant 0 : i32
      %add3A_21 = arith.addi %add3A, %mul3A_20 : i32
      %mul3A_22 = arith.constant 400 : i32
      %mul3A_23 = arith.muli %arg1, %mul3A_22 : i32
      %mul3A_24 = arith.constant 20 : i32
      %mul3A_25 = arith.muli %add3A_21, %mul3A_24 : i32
      %add3A_26 = arith.addi %mul3A_23, %mul3A_25 : i32
      "tpu.region"() ({
        %run_scoped3A = tpu.sem_alloc : memref<!tpu.dma_semaphore, #tpu.memory_space<semaphore_mem>>
        %dma_start3A_69 = arith.constant 0 : i32
        %dma_start3A_70 = tpu.memref_slice %arg3[%add3A_26, %dma_start3A_69] : memref<6400x128xi32, #tpu.memory_space<hbm>> -> memref<20x128xi32, #tpu.memory_space<hbm>>
        %dma_start3A_71 = arith.constant 0 : i32
        %dma_start3A_72 = tpu.memref_slice %arg3[%add3A_26, %dma_start3A_71] : memref<6400x128xi32, #tpu.memory_space<hbm>> -> memref<20x128xi32, #tpu.memory_space<hbm>>
        tpu.enqueue_dma source(%dma_start3A_72 : memref<20x128xi32, #tpu.memory_space<hbm>>) target(%arg6 : memref<20x128xi32, #tpu.memory_space<vmem>>) target_semaphore(%run_scoped3A : memref<!tpu.dma_semaphore, #tpu.memory_space<semaphore_mem>>)
        %dma_wait3A = arith.constant 0 : i32
        %dma_wait3A_73 = tpu.memref_slice %arg3[%add3A_26, %dma_wait3A] : memref<6400x128xi32, #tpu.memory_space<hbm>> -> memref<20x128xi32, #tpu.memory_space<hbm>>
        %dma_wait3A_74 = arith.constant 0 : i32
        %dma_wait3A_75 = tpu.memref_slice %arg3[%add3A_26, %dma_wait3A_74] : memref<6400x128xi32, #tpu.memory_space<hbm>> -> memref<20x128xi32, #tpu.memory_space<hbm>>
        tpu.wait_dma2 semaphore(%run_scoped3A : memref<!tpu.dma_semaphore, #tpu.memory_space<semaphore_mem>>) src(%dma_wait3A_75 : memref<20x128xi32, #tpu.memory_space<hbm>>) dst(%arg6 : memref<20x128xi32, #tpu.memory_space<vmem>>)
        tpu.yield
      }) : () -> ()
      %mul3A_27 = arith.constant 400 : i32
      %mul3A_28 = arith.muli %arg1, %mul3A_27 : i32
      %mul3A_29 = arith.constant 20 : i32
      %mul3A_30 = arith.muli %add3A_21, %mul3A_29 : i32
      %add3A_31 = arith.addi %mul3A_28, %mul3A_30 : i32
      "tpu.region"() ({
        %run_scoped3A = tpu.sem_alloc : memref<!tpu.dma_semaphore, #tpu.memory_space<semaphore_mem>>
        %dma_start3A_69 = arith.constant 0 : i32
        %dma_start3A_70 = tpu.memref_slice %arg4[%add3A_31, %dma_start3A_69] : memref<6400x128xi32, #tpu.memory_space<hbm>> -> memref<20x128xi32, #tpu.memory_space<hbm>>
        %dma_start3A_71 = arith.constant 0 : i32
        %dma_start3A_72 = tpu.memref_slice %arg4[%add3A_31, %dma_start3A_71] : memref<6400x128xi32, #tpu.memory_space<hbm>> -> memref<20x128xi32, #tpu.memory_space<hbm>>
        tpu.enqueue_dma source(%dma_start3A_72 : memref<20x128xi32, #tpu.memory_space<hbm>>) target(%arg7 : memref<20x128xi32, #tpu.memory_space<vmem>>) target_semaphore(%run_scoped3A : memref<!tpu.dma_semaphore, #tpu.memory_space<semaphore_mem>>)
        %dma_wait3A = arith.constant 0 : i32
        %dma_wait3A_73 = tpu.memref_slice %arg4[%add3A_31, %dma_wait3A] : memref<6400x128xi32, #tpu.memory_space<hbm>> -> memref<20x128xi32, #tpu.memory_space<hbm>>
        %dma_wait3A_74 = arith.constant 0 : i32
        %dma_wait3A_75 = tpu.memref_slice %arg4[%add3A_31, %dma_wait3A_74] : memref<6400x128xi32, #tpu.memory_space<hbm>> -> memref<20x128xi32, #tpu.memory_space<hbm>>
        tpu.wait_dma2 semaphore(%run_scoped3A : memref<!tpu.dma_semaphore, #tpu.memory_space<semaphore_mem>>) src(%dma_wait3A_75 : memref<20x128xi32, #tpu.memory_space<hbm>>) dst(%arg7 : memref<20x128xi32, #tpu.memory_space<vmem>>)
        tpu.yield
      }) : () -> ()
      %dma_start3A = arith.constant 0 : i32
      %dma_start3A_32 = arith.constant 0 : i32
      %dma_start3A_33 = tpu.memref_slice %arg6[%dma_start3A, %dma_start3A_32] : memref<20x128xi32, #tpu.memory_space<vmem>> -> memref<1x128xi32, #tpu.memory_space<vmem>>
      %dma_start3A_34 = tpu.memref_squeeze %dma_start3A_33 : memref<1x128xi32, #tpu.memory_space<vmem>> -> memref<128xi32, #tpu.memory_space<vmem>>
      %dma_start3A_35 = arith.constant 0 : i32
      %dma_start3A_36 = arith.constant 0 : i32
      %dma_start3A_37 = tpu.memref_slice %arg2[%arg0, %dma_start3A_35, %dma_start3A_36] : memref<2x53248x32xf32, #tpu.memory_space<hbm>> -> memref<1x53248x32xf32, #tpu.memory_space<hbm>>
      %dma_start3A_38 = tpu.memref_squeeze %dma_start3A_37 : memref<1x53248x32xf32, #tpu.memory_space<hbm>> -> memref<53248x32xf32, #tpu.memory_space<hbm>>
      %dma_start3A_39 = arith.constant 0 : i32
      %dma_start3A_40 = arith.constant 0 : i32
      %dma_start3A_41 = tpu.memref_slice %dma_start3A_38[%dma_start3A_39, %dma_start3A_40] : memref<53248x32xf32, #tpu.memory_space<hbm>> -> memref<53248x32xf32, #tpu.memory_space<hbm>>
      tpu.enqueue_indirect_dma source(%dma_start3A_41 : memref<53248x32xf32, #tpu.memory_space<hbm>>) target(%arg8 : memref<128x32xf32, #tpu.memory_space<vmem>>) offsets(%dma_start3A_34 : memref<128xi32, #tpu.memory_space<vmem>>) semaphore(%arg13 : memref<!tpu.dma_semaphore, #tpu.memory_space<semaphore_mem>>)
      %dma_start3A_42 = arith.constant 1 : i32
      %dma_start3A_43 = arith.constant 0 : i32
      %dma_start3A_44 = tpu.memref_slice %arg6[%dma_start3A_42, %dma_start3A_43] : memref<20x128xi32, #tpu.memory_space<vmem>> -> memref<1x128xi32, #tpu.memory_space<vmem>>
      %dma_start3A_45 = tpu.memref_squeeze %dma_start3A_44 : memref<1x128xi32, #tpu.memory_space<vmem>> -> memref<128xi32, #tpu.memory_space<vmem>>
      %dma_start3A_46 = arith.constant 0 : i32
      %dma_start3A_47 = arith.constant 0 : i32
      %dma_start3A_48 = tpu.memref_slice %arg2[%arg0, %dma_start3A_46, %dma_start3A_47] : memref<2x53248x32xf32, #tpu.memory_space<hbm>> -> memref<1x53248x32xf32, #tpu.memory_space<hbm>>
      %dma_start3A_49 = tpu.memref_squeeze %dma_start3A_48 : memref<1x53248x32xf32, #tpu.memory_space<hbm>> -> memref<53248x32xf32, #tpu.memory_space<hbm>>
      %dma_start3A_50 = arith.constant 0 : i32
      %dma_start3A_51 = arith.constant 0 : i32
      %dma_start3A_52 = tpu.memref_slice %dma_start3A_49[%dma_start3A_50, %dma_start3A_51] : memref<53248x32xf32, #tpu.memory_space<hbm>> -> memref<53248x32xf32, #tpu.memory_space<hbm>>
      tpu.enqueue_indirect_dma source(%dma_start3A_52 : memref<53248x32xf32, #tpu.memory_space<hbm>>) target(%arg9 : memref<128x32xf32, #tpu.memory_space<vmem>>) offsets(%dma_start3A_45 : memref<128xi32, #tpu.memory_space<vmem>>) semaphore(%arg14 : memref<!tpu.dma_semaphore, #tpu.memory_space<semaphore_mem>>)
      %dma_start3A_53 = arith.constant 2 : i32
      %dma_start3A_54 = arith.constant 0 : i32
      %dma_start3A_55 = tpu.memref_slice %arg6[%dma_start3A_53, %dma_start3A_54] : memref<20x128xi32, #tpu.memory_space<vmem>> -> memref<1x128xi32, #tpu.memory_space<vmem>>
      %dma_start3A_56 = tpu.memref_squeeze %dma_start3A_55 : memref<1x128xi32, #tpu.memory_space<vmem>> -> memref<128xi32, #tpu.memory_space<vmem>>
      %dma_start3A_57 = arith.constant 0 : i32
      %dma_start3A_58 = arith.constant 0 : i32
      %dma_start3A_59 = tpu.memref_slice %arg2[%arg0, %dma_start3A_57, %dma_start3A_58] : memref<2x53248x32xf32, #tpu.memory_space<hbm>> -> memref<1x53248x32xf32, #tpu.memory_space<hbm>>
      %dma_start3A_60 = tpu.memref_squeeze %dma_start3A_59 : memref<1x53248x32xf32, #tpu.memory_space<hbm>> -> memref<53248x32xf32, #tpu.memory_space<hbm>>
      %dma_start3A_61 = arith.constant 0 : i32
      %dma_start3A_62 = arith.constant 0 : i32
      %dma_start3A_63 = tpu.memref_slice %dma_start3A_60[%dma_start3A_61, %dma_start3A_62] : memref<53248x32xf32, #tpu.memory_space<hbm>> -> memref<53248x32xf32, #tpu.memory_space<hbm>>
      tpu.enqueue_indirect_dma source(%dma_start3A_63 : memref<53248x32xf32, #tpu.memory_space<hbm>>) target(%arg10 : memref<128x32xf32, #tpu.memory_space<vmem>>) offsets(%dma_start3A_56 : memref<128xi32, #tpu.memory_space<vmem>>) semaphore(%arg15 : memref<!tpu.dma_semaphore, #tpu.memory_space<semaphore_mem>>)
      %scan3A_64 = arith.constant 0 : i32
      %scan3A_65 = arith.constant 5 : i32
      %scan3A_66 = arith.addi %scan3A_64, %scan3A_65 : i32
      %scan3A_67 = arith.constant 1 : i32
      scf.for %scan3A_69 = %scan3A_64 to %scan3A_66 step %scan3A_67  : i32 {
        %mul3A_70 = arith.constant 1 : i32
        %mul3A_71 = arith.muli %scan3A_69, %mul3A_70 : i32
        %add3A_72 = arith.constant 0 : i32
        %add3A_73 = arith.addi %add3A_72, %mul3A_71 : i32
        %mul3A_74 = arith.constant 4 : i32
        %mul3A_75 = arith.muli %add3A_73, %mul3A_74 : i32
        %add3A_76 = arith.constant 0 : i32
        %add3A_77 = arith.addi %mul3A_75, %add3A_76 : i32
        %dma_wait3A = arith.constant 0 : i32
        %dma_wait3A_78 = tpu.memref_slice %arg6[%add3A_77, %dma_wait3A] : memref<20x128xi32, #tpu.memory_space<vmem>> -> memref<1x128xi32, #tpu.memory_space<vmem>>
        %dma_wait3A_79 = tpu.memref_squeeze %dma_wait3A_78 : memref<1x128xi32, #tpu.memory_space<vmem>> -> memref<128xi32, #tpu.memory_space<vmem>>
        %dma_wait3A_80 = arith.constant 0 : i32
        %dma_wait3A_81 = arith.constant 0 : i32
        %dma_wait3A_82 = tpu.memref_slice %arg2[%arg0, %dma_wait3A_80, %dma_wait3A_81] : memref<2x53248x32xf32, #tpu.memory_space<hbm>> -> memref<1x53248x32xf32, #tpu.memory_space<hbm>>
        %dma_wait3A_83 = tpu.memref_squeeze %dma_wait3A_82 : memref<1x53248x32xf32, #tpu.memory_space<hbm>> -> memref<53248x32xf32, #tpu.memory_space<hbm>>
        %dma_wait3A_84 = arith.constant 0 : i32
        %dma_wait3A_85 = arith.constant 0 : i32
        %dma_wait3A_86 = tpu.memref_slice %dma_wait3A_83[%dma_wait3A_84, %dma_wait3A_85] : memref<53248x32xf32, #tpu.memory_space<hbm>> -> memref<53248x32xf32, #tpu.memory_space<hbm>>
        tpu.wait_indirect_dma semaphore(%arg13 : memref<!tpu.dma_semaphore, #tpu.memory_space<semaphore_mem>>) src(%dma_wait3A_86 : memref<53248x32xf32, #tpu.memory_space<hbm>>) dst(%arg8 : memref<128x32xf32, #tpu.memory_space<vmem>>)
        %add3A_87 = arith.constant 3 : i32
        %add3A_88 = arith.addi %add3A_77, %add3A_87 : i32
        %lt3A = arith.constant 20 : i32
        %lt3A_89 = arith.cmpi slt, %add3A_88, %lt3A : i32
        %convert_element_type3A = arith.extui %lt3A_89 : i1 to i32
        %cond3A = arith.constant 0 : i32
        %cond3A_90 = arith.cmpi ne, %convert_element_type3A, %cond3A : i32
        scf.if %cond3A_90 {
          %add3A_148 = arith.constant 3 : i32
          %add3A_149 = arith.addi %add3A_77, %add3A_148 : i32
          %dma_start3A_150 = arith.constant 0 : i32
          %dma_start3A_151 = tpu.memref_slice %arg6[%add3A_149, %dma_start3A_150] : memref<20x128xi32, #tpu.memory_space<vmem>> -> memref<1x128xi32, #tpu.memory_space<vmem>>
          %dma_start3A_152 = tpu.memref_squeeze %dma_start3A_151 : memref<1x128xi32, #tpu.memory_space<vmem>> -> memref<128xi32, #tpu.memory_space<vmem>>
          %dma_start3A_153 = arith.constant 0 : i32
          %dma_start3A_154 = arith.constant 0 : i32
          %dma_start3A_155 = tpu.memref_slice %arg2[%arg0, %dma_start3A_153, %dma_start3A_154] : memref<2x53248x32xf32, #tpu.memory_space<hbm>> -> memref<1x53248x32xf32, #tpu.memory_space<hbm>>
          %dma_start3A_156 = tpu.memref_squeeze %dma_start3A_155 : memref<1x53248x32xf32, #tpu.memory_space<hbm>> -> memref<53248x32xf32, #tpu.memory_space<hbm>>
          %dma_start3A_157 = arith.constant 0 : i32
          %dma_start3A_158 = arith.constant 0 : i32
          %dma_start3A_159 = tpu.memref_slice %dma_start3A_156[%dma_start3A_157, %dma_start3A_158] : memref<53248x32xf32, #tpu.memory_space<hbm>> -> memref<53248x32xf32, #tpu.memory_space<hbm>>
          tpu.enqueue_indirect_dma source(%dma_start3A_159 : memref<53248x32xf32, #tpu.memory_space<hbm>>) target(%arg11 : memref<128x32xf32, #tpu.memory_space<vmem>>) offsets(%dma_start3A_152 : memref<128xi32, #tpu.memory_space<vmem>>) semaphore(%arg16 : memref<!tpu.dma_semaphore, #tpu.memory_space<semaphore_mem>>)
        } else {
        }
        "tpu.region"() ({
          %run_scoped3A = tpu.sem_alloc : memref<!tpu.dma_semaphore, #tpu.memory_space<semaphore_mem>>
          %dma_start3A_148 = arith.constant 0 : i32
          %dma_start3A_149 = tpu.memref_slice %arg7[%add3A_77, %dma_start3A_148] : memref<20x128xi32, #tpu.memory_space<vmem>> -> memref<1x128xi32, #tpu.memory_space<vmem>>
          %dma_start3A_150 = tpu.memref_squeeze %dma_start3A_149 : memref<1x128xi32, #tpu.memory_space<vmem>> -> memref<128xi32, #tpu.memory_space<vmem>>
          %dma_start3A_151 = arith.constant 0 : i32
          %dma_start3A_152 = arith.constant 0 : i32
          %dma_start3A_153 = tpu.memref_slice %arg12[%dma_start3A_151, %dma_start3A_152] : memref<53248x32xf32, #tpu.memory_space<vmem_shared>> -> memref<53248x32xf32, #tpu.memory_space<vmem_shared>>
          tpu.enqueue_indirect_dma source(%arg8 : memref<128x32xf32, #tpu.memory_space<vmem>>) target(%dma_start3A_153 : memref<53248x32xf32, #tpu.memory_space<vmem_shared>>) offsets(%dma_start3A_150 : memref<128xi32, #tpu.memory_space<vmem>>) semaphore(%run_scoped3A : memref<!tpu.dma_semaphore, #tpu.memory_space<semaphore_mem>>) {add = true}
          %dma_wait3A_154 = arith.constant 0 : i32
          %dma_wait3A_155 = tpu.memref_slice %arg7[%add3A_77, %dma_wait3A_154] : memref<20x128xi32, #tpu.memory_space<vmem>> -> memref<1x128xi32, #tpu.memory_space<vmem>>
          %dma_wait3A_156 = tpu.memref_squeeze %dma_wait3A_155 : memref<1x128xi32, #tpu.memory_space<vmem>> -> memref<128xi32, #tpu.memory_space<vmem>>
          %dma_wait3A_157 = arith.constant 0 : i32
          %dma_wait3A_158 = arith.constant 0 : i32
          %dma_wait3A_159 = tpu.memref_slice %arg12[%dma_wait3A_157, %dma_wait3A_158] : memref<53248x32xf32, #tpu.memory_space<vmem_shared>> -> memref<53248x32xf32, #tpu.memory_space<vmem_shared>>
          tpu.wait_indirect_dma semaphore(%run_scoped3A : memref<!tpu.dma_semaphore, #tpu.memory_space<semaphore_mem>>) src(%arg8 : memref<128x32xf32, #tpu.memory_space<vmem>>) dst(%dma_wait3A_159 : memref<53248x32xf32, #tpu.memory_space<vmem_shared>>)
          tpu.yield
        }) : () -> ()
        %add3A_91 = arith.constant 1 : i32
        %add3A_92 = arith.addi %mul3A_75, %add3A_91 : i32
        %dma_wait3A_93 = arith.constant 0 : i32
        %dma_wait3A_94 = tpu.memref_slice %arg6[%add3A_92, %dma_wait3A_93] : memref<20x128xi32, #tpu.memory_space<vmem>> -> memref<1x128xi32, #tpu.memory_space<vmem>>
        %dma_wait3A_95 = tpu.memref_squeeze %dma_wait3A_94 : memref<1x128xi32, #tpu.memory_space<vmem>> -> memref<128xi32, #tpu.memory_space<vmem>>
        %dma_wait3A_96 = arith.constant 0 : i32
        %dma_wait3A_97 = arith.constant 0 : i32
        %dma_wait3A_98 = tpu.memref_slice %arg2[%arg0, %dma_wait3A_96, %dma_wait3A_97] : memref<2x53248x32xf32, #tpu.memory_space<hbm>> -> memref<1x53248x32xf32, #tpu.memory_space<hbm>>
        %dma_wait3A_99 = tpu.memref_squeeze %dma_wait3A_98 : memref<1x53248x32xf32, #tpu.memory_space<hbm>> -> memref<53248x32xf32, #tpu.memory_space<hbm>>
        %dma_wait3A_100 = arith.constant 0 : i32
        %dma_wait3A_101 = arith.constant 0 : i32
        %dma_wait3A_102 = tpu.memref_slice %dma_wait3A_99[%dma_wait3A_100, %dma_wait3A_101] : memref<53248x32xf32, #tpu.memory_space<hbm>> -> memref<53248x32xf32, #tpu.memory_space<hbm>>
        tpu.wait_indirect_dma semaphore(%arg14 : memref<!tpu.dma_semaphore, #tpu.memory_space<semaphore_mem>>) src(%dma_wait3A_102 : memref<53248x32xf32, #tpu.memory_space<hbm>>) dst(%arg9 : memref<128x32xf32, #tpu.memory_space<vmem>>)
        %add3A_103 = arith.constant 3 : i32
        %add3A_104 = arith.addi %add3A_92, %add3A_103 : i32
        %lt3A_105 = arith.constant 20 : i32
        %lt3A_106 = arith.cmpi slt, %add3A_104, %lt3A_105 : i32
        %convert_element_type3A_107 = arith.extui %lt3A_106 : i1 to i32
        %cond3A_108 = arith.constant 0 : i32
        %cond3A_109 = arith.cmpi ne, %convert_element_type3A_107, %cond3A_108 : i32
        scf.if %cond3A_109 {
          %add3A_148 = arith.constant 3 : i32
          %add3A_149 = arith.addi %add3A_92, %add3A_148 : i32
          %dma_start3A_150 = arith.constant 0 : i32
          %dma_start3A_151 = tpu.memref_slice %arg6[%add3A_149, %dma_start3A_150] : memref<20x128xi32, #tpu.memory_space<vmem>> -> memref<1x128xi32, #tpu.memory_space<vmem>>
          %dma_start3A_152 = tpu.memref_squeeze %dma_start3A_151 : memref<1x128xi32, #tpu.memory_space<vmem>> -> memref<128xi32, #tpu.memory_space<vmem>>
          %dma_start3A_153 = arith.constant 0 : i32
          %dma_start3A_154 = arith.constant 0 : i32
          %dma_start3A_155 = tpu.memref_slice %arg2[%arg0, %dma_start3A_153, %dma_start3A_154] : memref<2x53248x32xf32, #tpu.memory_space<hbm>> -> memref<1x53248x32xf32, #tpu.memory_space<hbm>>
          %dma_start3A_156 = tpu.memref_squeeze %dma_start3A_155 : memref<1x53248x32xf32, #tpu.memory_space<hbm>> -> memref<53248x32xf32, #tpu.memory_space<hbm>>
          %dma_start3A_157 = arith.constant 0 : i32
          %dma_start3A_158 = arith.constant 0 : i32
          %dma_start3A_159 = tpu.memref_slice %dma_start3A_156[%dma_start3A_157, %dma_start3A_158] : memref<53248x32xf32, #tpu.memory_space<hbm>> -> memref<53248x32xf32, #tpu.memory_space<hbm>>
          tpu.enqueue_indirect_dma source(%dma_start3A_159 : memref<53248x32xf32, #tpu.memory_space<hbm>>) target(%arg8 : memref<128x32xf32, #tpu.memory_space<vmem>>) offsets(%dma_start3A_152 : memref<128xi32, #tpu.memory_space<vmem>>) semaphore(%arg13 : memref<!tpu.dma_semaphore, #tpu.memory_space<semaphore_mem>>)
        } else {
        }
        "tpu.region"() ({
          %run_scoped3A = tpu.sem_alloc : memref<!tpu.dma_semaphore, #tpu.memory_space<semaphore_mem>>
          %dma_start3A_148 = arith.constant 0 : i32
          %dma_start3A_149 = tpu.memref_slice %arg7[%add3A_92, %dma_start3A_148] : memref<20x128xi32, #tpu.memory_space<vmem>> -> memref<1x128xi32, #tpu.memory_space<vmem>>
          %dma_start3A_150 = tpu.memref_squeeze %dma_start3A_149 : memref<1x128xi32, #tpu.memory_space<vmem>> -> memref<128xi32, #tpu.memory_space<vmem>>
          %dma_start3A_151 = arith.constant 0 : i32
          %dma_start3A_152 = arith.constant 0 : i32
          %dma_start3A_153 = tpu.memref_slice %arg12[%dma_start3A_151, %dma_start3A_152] : memref<53248x32xf32, #tpu.memory_space<vmem_shared>> -> memref<53248x32xf32, #tpu.memory_space<vmem_shared>>
          tpu.enqueue_indirect_dma source(%arg9 : memref<128x32xf32, #tpu.memory_space<vmem>>) target(%dma_start3A_153 : memref<53248x32xf32, #tpu.memory_space<vmem_shared>>) offsets(%dma_start3A_150 : memref<128xi32, #tpu.memory_space<vmem>>) semaphore(%run_scoped3A : memref<!tpu.dma_semaphore, #tpu.memory_space<semaphore_mem>>) {add = true}
          %dma_wait3A_154 = arith.constant 0 : i32
          %dma_wait3A_155 = tpu.memref_slice %arg7[%add3A_92, %dma_wait3A_154] : memref<20x128xi32, #tpu.memory_space<vmem>> -> memref<1x128xi32, #tpu.memory_space<vmem>>
          %dma_wait3A_156 = tpu.memref_squeeze %dma_wait3A_155 : memref<1x128xi32, #tpu.memory_space<vmem>> -> memref<128xi32, #tpu.memory_space<vmem>>
          %dma_wait3A_157 = arith.constant 0 : i32
          %dma_wait3A_158 = arith.constant 0 : i32
          %dma_wait3A_159 = tpu.memref_slice %arg12[%dma_wait3A_157, %dma_wait3A_158] : memref<53248x32xf32, #tpu.memory_space<vmem_shared>> -> memref<53248x32xf32, #tpu.memory_space<vmem_shared>>
          tpu.wait_indirect_dma semaphore(%run_scoped3A : memref<!tpu.dma_semaphore, #tpu.memory_space<semaphore_mem>>) src(%arg9 : memref<128x32xf32, #tpu.memory_space<vmem>>) dst(%dma_wait3A_159 : memref<53248x32xf32, #tpu.memory_space<vmem_shared>>)
          tpu.yield
        }) : () -> ()
        %add3A_110 = arith.constant 2 : i32
        %add3A_111 = arith.addi %mul3A_75, %add3A_110 : i32
        %dma_wait3A_112 = arith.constant 0 : i32
        %dma_wait3A_113 = tpu.memref_slice %arg6[%add3A_111, %dma_wait3A_112] : memref<20x128xi32, #tpu.memory_space<vmem>> -> memref<1x128xi32, #tpu.memory_space<vmem>>
        %dma_wait3A_114 = tpu.memref_squeeze %dma_wait3A_113 : memref<1x128xi32, #tpu.memory_space<vmem>> -> memref<128xi32, #tpu.memory_space<vmem>>
        %dma_wait3A_115 = arith.constant 0 : i32
        %dma_wait3A_116 = arith.constant 0 : i32
        %dma_wait3A_117 = tpu.memref_slice %arg2[%arg0, %dma_wait3A_115, %dma_wait3A_116] : memref<2x53248x32xf32, #tpu.memory_space<hbm>> -> memref<1x53248x32xf32, #tpu.memory_space<hbm>>
        %dma_wait3A_118 = tpu.memref_squeeze %dma_wait3A_117 : memref<1x53248x32xf32, #tpu.memory_space<hbm>> -> memref<53248x32xf32, #tpu.memory_space<hbm>>
        %dma_wait3A_119 = arith.constant 0 : i32
        %dma_wait3A_120 = arith.constant 0 : i32
        %dma_wait3A_121 = tpu.memref_slice %dma_wait3A_118[%dma_wait3A_119, %dma_wait3A_120] : memref<53248x32xf32, #tpu.memory_space<hbm>> -> memref<53248x32xf32, #tpu.memory_space<hbm>>
        tpu.wait_indirect_dma semaphore(%arg15 : memref<!tpu.dma_semaphore, #tpu.memory_space<semaphore_mem>>) src(%dma_wait3A_121 : memref<53248x32xf32, #tpu.memory_space<hbm>>) dst(%arg10 : memref<128x32xf32, #tpu.memory_space<vmem>>)
        %add3A_122 = arith.constant 3 : i32
        %add3A_123 = arith.addi %add3A_111, %add3A_122 : i32
        %lt3A_124 = arith.constant 20 : i32
        %lt3A_125 = arith.cmpi slt, %add3A_123, %lt3A_124 : i32
        %convert_element_type3A_126 = arith.extui %lt3A_125 : i1 to i32
        %cond3A_127 = arith.constant 0 : i32
        %cond3A_128 = arith.cmpi ne, %convert_element_type3A_126, %cond3A_127 : i32
        scf.if %cond3A_128 {
          %add3A_148 = arith.constant 3 : i32
          %add3A_149 = arith.addi %add3A_111, %add3A_148 : i32
          %dma_start3A_150 = arith.constant 0 : i32
          %dma_start3A_151 = tpu.memref_slice %arg6[%add3A_149, %dma_start3A_150] : memref<20x128xi32, #tpu.memory_space<vmem>> -> memref<1x128xi32, #tpu.memory_space<vmem>>
          %dma_start3A_152 = tpu.memref_squeeze %dma_start3A_151 : memref<1x128xi32, #tpu.memory_space<vmem>> -> memref<128xi32, #tpu.memory_space<vmem>>
          %dma_start3A_153 = arith.constant 0 : i32
          %dma_start3A_154 = arith.constant 0 : i32
          %dma_start3A_155 = tpu.memref_slice %arg2[%arg0, %dma_start3A_153, %dma_start3A_154] : memref<2x53248x32xf32, #tpu.memory_space<hbm>> -> memref<1x53248x32xf32, #tpu.memory_space<hbm>>
          %dma_start3A_156 = tpu.memref_squeeze %dma_start3A_155 : memref<1x53248x32xf32, #tpu.memory_space<hbm>> -> memref<53248x32xf32, #tpu.memory_space<hbm>>
          %dma_start3A_157 = arith.constant 0 : i32
          %dma_start3A_158 = arith.constant 0 : i32
          %dma_start3A_159 = tpu.memref_slice %dma_start3A_156[%dma_start3A_157, %dma_start3A_158] : memref<53248x32xf32, #tpu.memory_space<hbm>> -> memref<53248x32xf32, #tpu.memory_space<hbm>>
          tpu.enqueue_indirect_dma source(%dma_start3A_159 : memref<53248x32xf32, #tpu.memory_space<hbm>>) target(%arg9 : memref<128x32xf32, #tpu.memory_space<vmem>>) offsets(%dma_start3A_152 : memref<128xi32, #tpu.memory_space<vmem>>) semaphore(%arg14 : memref<!tpu.dma_semaphore, #tpu.memory_space<semaphore_mem>>)
        } else {
        }
        "tpu.region"() ({
          %run_scoped3A = tpu.sem_alloc : memref<!tpu.dma_semaphore, #tpu.memory_space<semaphore_mem>>
          %dma_start3A_148 = arith.constant 0 : i32
          %dma_start3A_149 = tpu.memref_slice %arg7[%add3A_111, %dma_start3A_148] : memref<20x128xi32, #tpu.memory_space<vmem>> -> memref<1x128xi32, #tpu.memory_space<vmem>>
          %dma_start3A_150 = tpu.memref_squeeze %dma_start3A_149 : memref<1x128xi32, #tpu.memory_space<vmem>> -> memref<128xi32, #tpu.memory_space<vmem>>
          %dma_start3A_151 = arith.constant 0 : i32
          %dma_start3A_152 = arith.constant 0 : i32
          %dma_start3A_153 = tpu.memref_slice %arg12[%dma_start3A_151, %dma_start3A_152] : memref<53248x32xf32, #tpu.memory_space<vmem_shared>> -> memref<53248x32xf32, #tpu.memory_space<vmem_shared>>
          tpu.enqueue_indirect_dma source(%arg10 : memref<128x32xf32, #tpu.memory_space<vmem>>) target(%dma_start3A_153 : memref<53248x32xf32, #tpu.memory_space<vmem_shared>>) offsets(%dma_start3A_150 : memref<128xi32, #tpu.memory_space<vmem>>) semaphore(%run_scoped3A : memref<!tpu.dma_semaphore, #tpu.memory_space<semaphore_mem>>) {add = true}
          %dma_wait3A_154 = arith.constant 0 : i32
          %dma_wait3A_155 = tpu.memref_slice %arg7[%add3A_111, %dma_wait3A_154] : memref<20x128xi32, #tpu.memory_space<vmem>> -> memref<1x128xi32, #tpu.memory_space<vmem>>
          %dma_wait3A_156 = tpu.memref_squeeze %dma_wait3A_155 : memref<1x128xi32, #tpu.memory_space<vmem>> -> memref<128xi32, #tpu.memory_space<vmem>>
          %dma_wait3A_157 = arith.constant 0 : i32
          %dma_wait3A_158 = arith.constant 0 : i32
          %dma_wait3A_159 = tpu.memref_slice %arg12[%dma_wait3A_157, %dma_wait3A_158] : memref<53248x32xf32, #tpu.memory_space<vmem_shared>> -> memref<53248x32xf32, #tpu.memory_space<vmem_shared>>
          tpu.wait_indirect_dma semaphore(%run_scoped3A : memref<!tpu.dma_semaphore, #tpu.memory_space<semaphore_mem>>) src(%arg10 : memref<128x32xf32, #tpu.memory_space<vmem>>) dst(%dma_wait3A_159 : memref<53248x32xf32, #tpu.memory_space<vmem_shared>>)
          tpu.yield
        }) : () -> ()
        %add3A_129 = arith.constant 3 : i32
        %add3A_130 = arith.addi %mul3A_75, %add3A_129 : i32
        %dma_wait3A_131 = arith.constant 0 : i32
        %dma_wait3A_132 = tpu.memref_slice %arg6[%add3A_130, %dma_wait3A_131] : memref<20x128xi32, #tpu.memory_space<vmem>> -> memref<1x128xi32, #tpu.memory_space<vmem>>
        %dma_wait3A_133 = tpu.memref_squeeze %dma_wait3A_132 : memref<1x128xi32, #tpu.memory_space<vmem>> -> memref<128xi32, #tpu.memory_space<vmem>>
        %dma_wait3A_134 = arith.constant 0 : i32
        %dma_wait3A_135 = arith.constant 0 : i32
        %dma_wait3A_136 = tpu.memref_slice %arg2[%arg0, %dma_wait3A_134, %dma_wait3A_135] : memref<2x53248x32xf32, #tpu.memory_space<hbm>> -> memref<1x53248x32xf32, #tpu.memory_space<hbm>>
        %dma_wait3A_137 = tpu.memref_squeeze %dma_wait3A_136 : memref<1x53248x32xf32, #tpu.memory_space<hbm>> -> memref<53248x32xf32, #tpu.memory_space<hbm>>
        %dma_wait3A_138 = arith.constant 0 : i32
        %dma_wait3A_139 = arith.constant 0 : i32
        %dma_wait3A_140 = tpu.memref_slice %dma_wait3A_137[%dma_wait3A_138, %dma_wait3A_139] : memref<53248x32xf32, #tpu.memory_space<hbm>> -> memref<53248x32xf32, #tpu.memory_space<hbm>>
        tpu.wait_indirect_dma semaphore(%arg16 : memref<!tpu.dma_semaphore, #tpu.memory_space<semaphore_mem>>) src(%dma_wait3A_140 : memref<53248x32xf32, #tpu.memory_space<hbm>>) dst(%arg11 : memref<128x32xf32, #tpu.memory_space<vmem>>)
        %add3A_141 = arith.constant 3 : i32
        %add3A_142 = arith.addi %add3A_130, %add3A_141 : i32
        %lt3A_143 = arith.constant 20 : i32
        %lt3A_144 = arith.cmpi slt, %add3A_142, %lt3A_143 : i32
        %convert_element_type3A_145 = arith.extui %lt3A_144 : i1 to i32
        %cond3A_146 = arith.constant 0 : i32
        %cond3A_147 = arith.cmpi ne, %convert_element_type3A_145, %cond3A_146 : i32
        scf.if %cond3A_147 {
          %add3A_148 = arith.constant 3 : i32
          %add3A_149 = arith.addi %add3A_130, %add3A_148 : i32
          %dma_start3A_150 = arith.constant 0 : i32
          %dma_start3A_151 = tpu.memref_slice %arg6[%add3A_149, %dma_start3A_150] : memref<20x128xi32, #tpu.memory_space<vmem>> -> memref<1x128xi32, #tpu.memory_space<vmem>>
          %dma_start3A_152 = tpu.memref_squeeze %dma_start3A_151 : memref<1x128xi32, #tpu.memory_space<vmem>> -> memref<128xi32, #tpu.memory_space<vmem>>
          %dma_start3A_153 = arith.constant 0 : i32
          %dma_start3A_154 = arith.constant 0 : i32
          %dma_start3A_155 = tpu.memref_slice %arg2[%arg0, %dma_start3A_153, %dma_start3A_154] : memref<2x53248x32xf32, #tpu.memory_space<hbm>> -> memref<1x53248x32xf32, #tpu.memory_space<hbm>>
          %dma_start3A_156 = tpu.memref_squeeze %dma_start3A_155 : memref<1x53248x32xf32, #tpu.memory_space<hbm>> -> memref<53248x32xf32, #tpu.memory_space<hbm>>
          %dma_start3A_157 = arith.constant 0 : i32
          %dma_start3A_158 = arith.constant 0 : i32
          %dma_start3A_159 = tpu.memref_slice %dma_start3A_156[%dma_start3A_157, %dma_start3A_158] : memref<53248x32xf32, #tpu.memory_space<hbm>> -> memref<53248x32xf32, #tpu.memory_space<hbm>>
          tpu.enqueue_indirect_dma source(%dma_start3A_159 : memref<53248x32xf32, #tpu.memory_space<hbm>>) target(%arg10 : memref<128x32xf32, #tpu.memory_space<vmem>>) offsets(%dma_start3A_152 : memref<128xi32, #tpu.memory_space<vmem>>) semaphore(%arg15 : memref<!tpu.dma_semaphore, #tpu.memory_space<semaphore_mem>>)
        } else {
        }
        "tpu.region"() ({
          %run_scoped3A = tpu.sem_alloc : memref<!tpu.dma_semaphore, #tpu.memory_space<semaphore_mem>>
          %dma_start3A_148 = arith.constant 0 : i32
          %dma_start3A_149 = tpu.memref_slice %arg7[%add3A_130, %dma_start3A_148] : memref<20x128xi32, #tpu.memory_space<vmem>> -> memref<1x128xi32, #tpu.memory_space<vmem>>
          %dma_start3A_150 = tpu.memref_squeeze %dma_start3A_149 : memref<1x128xi32, #tpu.memory_space<vmem>> -> memref<128xi32, #tpu.memory_space<vmem>>
          %dma_start3A_151 = arith.constant 0 : i32
          %dma_start3A_152 = arith.constant 0 : i32
          %dma_start3A_153 = tpu.memref_slice %arg12[%dma_start3A_151, %dma_start3A_152] : memref<53248x32xf32, #tpu.memory_space<vmem_shared>> -> memref<53248x32xf32, #tpu.memory_space<vmem_shared>>
          tpu.enqueue_indirect_dma source(%arg11 : memref<128x32xf32, #tpu.memory_space<vmem>>) target(%dma_start3A_153 : memref<53248x32xf32, #tpu.memory_space<vmem_shared>>) offsets(%dma_start3A_150 : memref<128xi32, #tpu.memory_space<vmem>>) semaphore(%run_scoped3A : memref<!tpu.dma_semaphore, #tpu.memory_space<semaphore_mem>>) {add = true}
          %dma_wait3A_154 = arith.constant 0 : i32
          %dma_wait3A_155 = tpu.memref_slice %arg7[%add3A_130, %dma_wait3A_154] : memref<20x128xi32, #tpu.memory_space<vmem>> -> memref<1x128xi32, #tpu.memory_space<vmem>>
          %dma_wait3A_156 = tpu.memref_squeeze %dma_wait3A_155 : memref<1x128xi32, #tpu.memory_space<vmem>> -> memref<128xi32, #tpu.memory_space<vmem>>
          %dma_wait3A_157 = arith.constant 0 : i32
          %dma_wait3A_158 = arith.constant 0 : i32
          %dma_wait3A_159 = tpu.memref_slice %arg12[%dma_wait3A_157, %dma_wait3A_158] : memref<53248x32xf32, #tpu.memory_space<vmem_shared>> -> memref<53248x32xf32, #tpu.memory_space<vmem_shared>>
          tpu.wait_indirect_dma semaphore(%run_scoped3A : memref<!tpu.dma_semaphore, #tpu.memory_space<semaphore_mem>>) src(%arg11 : memref<128x32xf32, #tpu.memory_space<vmem>>) dst(%dma_wait3A_159 : memref<53248x32xf32, #tpu.memory_space<vmem_shared>>)
          tpu.yield
        }) : () -> ()
      }
      %scan3A_68 = arith.constant 5 : i32
    }
    %scan3A_13 = arith.constant 20 : i32
    %barrier3A_14 = arith.constant 0 : index
    tpu.barrier barrier_id(%barrier3A_14)
    %mul3A = arith.constant 3328 : i32
    %mul3A_15 = arith.muli %arg1, %mul3A : i32
    %mul3A_16 = arith.constant 3328 : i32
    %mul3A_17 = arith.muli %arg1, %mul3A_16 : i32
    "tpu.region"() ({
      %run_scoped3A = tpu.sem_alloc : memref<!tpu.dma_semaphore, #tpu.memory_space<semaphore_mem>>
      %dma_start3A = arith.constant 0 : i32
      %dma_start3A_18 = tpu.memref_slice %arg5[%arg0, %mul3A_17, %dma_start3A] : memref<2x53248x32xf32, #tpu.memory_space<hbm>> -> memref<1x3328x32xf32, #tpu.memory_space<hbm>>
      %dma_start3A_19 = tpu.memref_squeeze %dma_start3A_18 : memref<1x3328x32xf32, #tpu.memory_space<hbm>> -> memref<3328x32xf32, #tpu.memory_space<hbm>>
      %dma_start3A_20 = arith.constant 0 : i32
      %dma_start3A_21 = tpu.memref_slice %arg12[%mul3A_15, %dma_start3A_20] : memref<53248x32xf32, #tpu.memory_space<vmem_shared>> -> memref<3328x32xf32, #tpu.memory_space<vmem_shared>>
      tpu.enqueue_dma source(%dma_start3A_21 : memref<3328x32xf32, #tpu.memory_space<vmem_shared>>) target(%dma_start3A_19 : memref<3328x32xf32, #tpu.memory_space<hbm>>) target_semaphore(%run_scoped3A : memref<!tpu.dma_semaphore, #tpu.memory_space<semaphore_mem>>)
      %dma_wait3A = arith.constant 0 : i32
      %dma_wait3A_22 = tpu.memref_slice %arg5[%arg0, %mul3A_17, %dma_wait3A] : memref<2x53248x32xf32, #tpu.memory_space<hbm>> -> memref<1x3328x32xf32, #tpu.memory_space<hbm>>
      %dma_wait3A_23 = tpu.memref_squeeze %dma_wait3A_22 : memref<1x3328x32xf32, #tpu.memory_space<hbm>> -> memref<3328x32xf32, #tpu.memory_space<hbm>>
      %dma_wait3A_24 = arith.constant 0 : i32
      %dma_wait3A_25 = tpu.memref_slice %arg12[%mul3A_15, %dma_wait3A_24] : memref<53248x32xf32, #tpu.memory_space<vmem_shared>> -> memref<3328x32xf32, #tpu.memory_space<vmem_shared>>
      tpu.wait_dma2 semaphore(%run_scoped3A : memref<!tpu.dma_semaphore, #tpu.memory_space<semaphore_mem>>) src(%dma_wait3A_25 : memref<3328x32xf32, #tpu.memory_space<vmem_shared>>) dst(%dma_wait3A_23 : memref<3328x32xf32, #tpu.memory_space<hbm>>)
      tpu.yield
    }) : () -> ()
    return
  }
}

#map = affine_map<(d0, d1) -> (0, 0)>
#map1 = affine_map<(d0, d1) -> (0, 0, 0)>
module attributes {stable_mosaic.version = 14 : i64} {
  func.func @_deg_kernel(%arg0: i32, %arg1: i32, %arg2: memref<6400x128xi32, #tpu.memory_space<hbm>>, %arg3: memref<2x3328x16xf32, #tpu.memory_space<hbm>>, %arg4: memref<200x128xi32, #tpu.memory_space<vmem>>, %arg5: memref<3328x16xf32, #tpu.memory_space<vmem>>, %arg6: memref<26x128xi32, #tpu.memory_space<vmem>>, %arg7: memref<3328x16xf32, #tpu.memory_space<vmem_shared>>) attributes {dimension_semantics = [#tpu.dimension_semantics<core_parallel>, #tpu.dimension_semantics<subcore_parallel>], iteration_bounds = array<i64: 2, 16>, scalar_prefetch = 0 : i64, scratch_operands = 4 : i64, tpu.core_type = #tpu.core_type<sc_vector_subcore>, window_params = [{transform_indices = #map}, {transform_indices = #map1}]} {
    %scan3A = arith.constant 0 : i32
    %scan3A_0 = arith.constant 3328 : i32
    %scan3A_1 = arith.addi %scan3A, %scan3A_0 : i32
    %scan3A_2 = arith.constant 1 : i32
    scf.for %scan3A_29 = %scan3A to %scan3A_1 step %scan3A_2  : i32 {
      %mul3A_30 = arith.constant 1 : i32
      %mul3A_31 = arith.muli %scan3A_29, %mul3A_30 : i32
      %add3A_32 = arith.constant 0 : i32
      %add3A_33 = arith.addi %add3A_32, %mul3A_31 : i32
      %broadcast_in_dim3A = arith.constant 0.000000e+00 : f32
      %broadcast_in_dim3A_34 = vector.broadcast %broadcast_in_dim3A : f32 to vector<16xf32>
      %swap3A = arith.index_cast %add3A_33 : i32 to index
      %swap3A_35 = arith.constant 0 : index
      %swap3A_36 = tpu.vector_load %arg5[%swap3A, %swap3A_35] {strides = array<i32>} : memref<3328x16xf32, #tpu.memory_space<vmem>>, vector<16xf32>,
      tpu.vector_store %arg5[%swap3A, %swap3A_35], %broadcast_in_dim3A_34 {strides = array<i32>} : memref<3328x16xf32, #tpu.memory_space<vmem>>, vector<16xf32>,
    }
    %scan3A_3 = arith.constant 3328 : i32
    %scan3A_4 = arith.constant 0 : i32
    %scan3A_5 = arith.constant 26 : i32
    %scan3A_6 = arith.addi %scan3A_4, %scan3A_5 : i32
    %scan3A_7 = arith.constant 1 : i32
    scf.for %scan3A_29 = %scan3A_4 to %scan3A_6 step %scan3A_7  : i32 {
      %mul3A_30 = arith.constant 1 : i32
      %mul3A_31 = arith.muli %scan3A_29, %mul3A_30 : i32
      %add3A_32 = arith.constant 0 : i32
      %add3A_33 = arith.addi %add3A_32, %mul3A_31 : i32
      %scan3A_34 = arith.constant 0 : i32
      %scan3A_35 = arith.constant 8 : i32
      %scan3A_36 = arith.addi %scan3A_34, %scan3A_35 : i32
      %scan3A_37 = arith.constant 1 : i32
      scf.for %scan3A_39 = %scan3A_34 to %scan3A_36 step %scan3A_37  : i32 {
        %mul3A_40 = arith.constant 1 : i32
        %mul3A_41 = arith.muli %scan3A_39, %mul3A_40 : i32
        %add3A_42 = arith.constant 0 : i32
        %add3A_43 = arith.addi %add3A_42, %mul3A_41 : i32
        %iota3A = tpu.iota {dimensions = array<i32: 0>} : vector<16xi32>
        %mul3A_44 = arith.constant 128 : i32
        %mul3A_45 = arith.muli %add3A_33, %mul3A_44 : i32
        %mul3A_46 = arith.constant 16 : i32
        %mul3A_47 = arith.muli %add3A_43, %mul3A_46 : i32
        %add3A_48 = arith.addi %mul3A_45, %mul3A_47 : i32
        %add3A_49 = vector.broadcast %add3A_48 : i32 to vector<16xi32>
        %add3A_50 = arith.addi %iota3A, %add3A_49 : vector<16xi32>
        %mul3A_51 = arith.constant 16 : i32
        %mul3A_52 = arith.muli %add3A_43, %mul3A_51 : i32
        %swap3A = arith.index_cast %add3A_33 : i32 to index
        %swap3A_53 = arith.index_cast %mul3A_52 : i32 to index
        %swap3A_54 = tpu.vector_load %arg6[%swap3A, %swap3A_53] {strides = array<i32>} : memref<26x128xi32, #tpu.memory_space<vmem>>, vector<16xi32>,
        tpu.vector_store %arg6[%swap3A, %swap3A_53], %add3A_50 {strides = array<i32>} : memref<26x128xi32, #tpu.memory_space<vmem>>, vector<16xi32>,
      }
      %scan3A_38 = arith.constant 8 : i32
    }
    %scan3A_8 = arith.constant 26 : i32
    %mul3A = arith.constant 208 : i32
    %mul3A_9 = arith.muli %arg1, %mul3A : i32
    "tpu.region"() ({
      %run_scoped3A = tpu.sem_alloc : memref<!tpu.dma_semaphore, #tpu.memory_space<semaphore_mem>>
      %dma_start3A = arith.constant 0 : i32
      %dma_start3A_29 = arith.constant 0 : i32
      %dma_start3A_30 = tpu.memref_slice %arg5[%dma_start3A, %dma_start3A_29] : memref<3328x16xf32, #tpu.memory_space<vmem>> -> memref<208x16xf32, #tpu.memory_space<vmem>>
      %dma_start3A_31 = arith.constant 0 : i32
      %dma_start3A_32 = tpu.memref_slice %arg7[%mul3A_9, %dma_start3A_31] : memref<3328x16xf32, #tpu.memory_space<vmem_shared>> -> memref<208x16xf32, #tpu.memory_space<vmem_shared>>
      %dma_start3A_33 = arith.constant 0 : i32
      %dma_start3A_34 = tpu.memref_slice %arg7[%mul3A_9, %dma_start3A_33] : memref<3328x16xf32, #tpu.memory_space<vmem_shared>> -> memref<208x16xf32, #tpu.memory_space<vmem_shared>>
      %dma_start3A_35 = arith.constant 0 : i32
      %dma_start3A_36 = arith.constant 0 : i32
      %dma_start3A_37 = tpu.memref_slice %arg5[%dma_start3A_35, %dma_start3A_36] : memref<3328x16xf32, #tpu.memory_space<vmem>> -> memref<208x16xf32, #tpu.memory_space<vmem>>
      tpu.enqueue_dma source(%dma_start3A_37 : memref<208x16xf32, #tpu.memory_space<vmem>>) target(%dma_start3A_34 : memref<208x16xf32, #tpu.memory_space<vmem_shared>>) target_semaphore(%run_scoped3A : memref<!tpu.dma_semaphore, #tpu.memory_space<semaphore_mem>>)
      %dma_wait3A = arith.constant 0 : i32
      %dma_wait3A_38 = arith.constant 0 : i32
      %dma_wait3A_39 = tpu.memref_slice %arg5[%dma_wait3A, %dma_wait3A_38] : memref<3328x16xf32, #tpu.memory_space<vmem>> -> memref<208x16xf32, #tpu.memory_space<vmem>>
      %dma_wait3A_40 = arith.constant 0 : i32
      %dma_wait3A_41 = tpu.memref_slice %arg7[%mul3A_9, %dma_wait3A_40] : memref<3328x16xf32, #tpu.memory_space<vmem_shared>> -> memref<208x16xf32, #tpu.memory_space<vmem_shared>>
      %dma_wait3A_42 = arith.constant 0 : i32
      %dma_wait3A_43 = tpu.memref_slice %arg7[%mul3A_9, %dma_wait3A_42] : memref<3328x16xf32, #tpu.memory_space<vmem_shared>> -> memref<208x16xf32, #tpu.memory_space<vmem_shared>>
      %dma_wait3A_44 = arith.constant 0 : i32
      %dma_wait3A_45 = arith.constant 0 : i32
      %dma_wait3A_46 = tpu.memref_slice %arg5[%dma_wait3A_44, %dma_wait3A_45] : memref<3328x16xf32, #tpu.memory_space<vmem>> -> memref<208x16xf32, #tpu.memory_space<vmem>>
      tpu.wait_dma2 semaphore(%run_scoped3A : memref<!tpu.dma_semaphore, #tpu.memory_space<semaphore_mem>>) src(%dma_wait3A_46 : memref<208x16xf32, #tpu.memory_space<vmem>>) dst(%dma_wait3A_43 : memref<208x16xf32, #tpu.memory_space<vmem_shared>>)
      tpu.yield
    }) : () -> ()
    %barrier3A = arith.constant 0 : index
    tpu.barrier barrier_id(%barrier3A)
    %mul3A_10 = arith.constant 3200 : i32
    %mul3A_11 = arith.muli %arg0, %mul3A_10 : i32
    %mul3A_12 = arith.constant 200 : i32
    %mul3A_13 = arith.muli %arg1, %mul3A_12 : i32
    %add3A = arith.addi %mul3A_11, %mul3A_13 : i32
    "tpu.region"() ({
      %run_scoped3A = tpu.sem_alloc : memref<!tpu.dma_semaphore, #tpu.memory_space<semaphore_mem>>
      %dma_start3A = arith.constant 0 : i32
      %dma_start3A_29 = tpu.memref_slice %arg2[%add3A, %dma_start3A] : memref<6400x128xi32, #tpu.memory_space<hbm>> -> memref<200x128xi32, #tpu.memory_space<hbm>>
      %dma_start3A_30 = arith.constant 0 : i32
      %dma_start3A_31 = tpu.memref_slice %arg2[%add3A, %dma_start3A_30] : memref<6400x128xi32, #tpu.memory_space<hbm>> -> memref<200x128xi32, #tpu.memory_space<hbm>>
      tpu.enqueue_dma source(%dma_start3A_31 : memref<200x128xi32, #tpu.memory_space<hbm>>) target(%arg4 : memref<200x128xi32, #tpu.memory_space<vmem>>) target_semaphore(%run_scoped3A : memref<!tpu.dma_semaphore, #tpu.memory_space<semaphore_mem>>)
      %dma_wait3A = arith.constant 0 : i32
      %dma_wait3A_32 = tpu.memref_slice %arg2[%add3A, %dma_wait3A] : memref<6400x128xi32, #tpu.memory_space<hbm>> -> memref<200x128xi32, #tpu.memory_space<hbm>>
      %dma_wait3A_33 = arith.constant 0 : i32
      %dma_wait3A_34 = tpu.memref_slice %arg2[%add3A, %dma_wait3A_33] : memref<6400x128xi32, #tpu.memory_space<hbm>> -> memref<200x128xi32, #tpu.memory_space<hbm>>
      tpu.wait_dma2 semaphore(%run_scoped3A : memref<!tpu.dma_semaphore, #tpu.memory_space<semaphore_mem>>) src(%dma_wait3A_34 : memref<200x128xi32, #tpu.memory_space<hbm>>) dst(%arg4 : memref<200x128xi32, #tpu.memory_space<vmem>>)
      tpu.yield
    }) : () -> ()
    %scan3A_14 = arith.constant 0 : i32
    %scan3A_15 = arith.constant 200 : i32
    %scan3A_16 = arith.addi %scan3A_14, %scan3A_15 : i32
    %scan3A_17 = arith.constant 1 : i32
    scf.for %scan3A_29 = %scan3A_14 to %scan3A_16 step %scan3A_17  : i32 {
      %mul3A_30 = arith.constant 1 : i32
      %mul3A_31 = arith.muli %scan3A_29, %mul3A_30 : i32
      %add3A_32 = arith.constant 0 : i32
      %add3A_33 = arith.addi %add3A_32, %mul3A_31 : i32
      %scan3A_34 = arith.constant 0 : i32
      %scan3A_35 = arith.constant 8 : i32
      %scan3A_36 = arith.addi %scan3A_34, %scan3A_35 : i32
      %scan3A_37 = arith.constant 1 : i32
      scf.for %scan3A_39 = %scan3A_34 to %scan3A_36 step %scan3A_37  : i32 {
        %mul3A_40 = arith.constant 1 : i32
        %mul3A_41 = arith.muli %scan3A_39, %mul3A_40 : i32
        %add3A_42 = arith.constant 0 : i32
        %add3A_43 = arith.addi %add3A_42, %mul3A_41 : i32
        %mul3A_44 = arith.constant 16 : i32
        %mul3A_45 = arith.muli %add3A_43, %mul3A_44 : i32
        %get3A = arith.index_cast %add3A_33 : i32 to index
        %get3A_46 = arith.index_cast %mul3A_45 : i32 to index
        %get3A_47 = tpu.vector_load %arg4[%get3A, %get3A_46] {strides = array<i32>} : memref<200x128xi32, #tpu.memory_space<vmem>>, vector<16xi32>,
        %broadcast_in_dim3A = arith.constant true
        %broadcast_in_dim3A_48 = vector.broadcast %broadcast_in_dim3A : i1 to vector<16xi1>
        %unique3A, %unique3A_49 = tpu.scan_count mask(%broadcast_in_dim3A_48 : vector<16xi1>) value(%get3A_47 : vector<16xi32>) : vector<16xi1>, vector<16xi32>
        %shift_right_logical3A = arith.constant 4 : i32
        %shift_right_logical3A_50 = vector.broadcast %shift_right_logical3A : i32 to vector<16xi32>
        %shift_right_logical3A_51 = arith.shrui %get3A_47, %shift_right_logical3A_50 : vector<16xi32>
        %and3A = arith.constant 15 : i32
        %and3A_52 = vector.broadcast %and3A : i32 to vector<16xi32>
        %and3A_53 = arith.andi %get3A_47, %and3A_52 : vector<16xi32>
        %convert_element_type3A = arith.sitofp %unique3A_49 : vector<16xi32> to vector<16xf32>
        tpu.vector_store_idx %arg5[%shift_right_logical3A_51, %and3A_53], %convert_element_type3A masked %unique3A {add = true} : memref<3328x16xf32, #tpu.memory_space<vmem>>[vector<16xi32>, vector<16xi32>], vector<16xf32>, vector<16xi1>
      }
      %scan3A_38 = arith.constant 8 : i32
    }
    %scan3A_18 = arith.constant 200 : i32
    %scan3A_19 = arith.constant 0 : i32
    %scan3A_20 = arith.constant 26 : i32
    %scan3A_21 = arith.addi %scan3A_19, %scan3A_20 : i32
    %scan3A_22 = arith.constant 1 : i32
    scf.for %scan3A_29 = %scan3A_19 to %scan3A_21 step %scan3A_22  : i32 {
      %mul3A_30 = arith.constant 1 : i32
      %mul3A_31 = arith.muli %scan3A_29, %mul3A_30 : i32
      %add3A_32 = arith.constant 0 : i32
      %add3A_33 = arith.addi %add3A_32, %mul3A_31 : i32
      %mul3A_34 = arith.constant 128 : i32
      %mul3A_35 = arith.muli %add3A_33, %mul3A_34 : i32
      "tpu.region"() ({
        %run_scoped3A = tpu.sem_alloc : memref<!tpu.dma_semaphore, #tpu.memory_space<semaphore_mem>>
        %dma_start3A = arith.constant 0 : i32
        %dma_start3A_36 = tpu.memref_slice %arg5[%mul3A_35, %dma_start3A] : memref<3328x16xf32, #tpu.memory_space<vmem>> -> memref<128x16xf32, #tpu.memory_space<vmem>>
        %dma_start3A_37 = arith.constant 0 : i32
        %dma_start3A_38 = tpu.memref_slice %arg6[%add3A_33, %dma_start3A_37] : memref<26x128xi32, #tpu.memory_space<vmem>> -> memref<1x128xi32, #tpu.memory_space<vmem>>
        %dma_start3A_39 = tpu.memref_squeeze %dma_start3A_38 : memref<1x128xi32, #tpu.memory_space<vmem>> -> memref<128xi32, #tpu.memory_space<vmem>>
        %dma_start3A_40 = arith.constant 0 : i32
        %dma_start3A_41 = arith.constant 0 : i32
        %dma_start3A_42 = tpu.memref_slice %arg7[%dma_start3A_40, %dma_start3A_41] : memref<3328x16xf32, #tpu.memory_space<vmem_shared>> -> memref<3328x16xf32, #tpu.memory_space<vmem_shared>>
        tpu.enqueue_indirect_dma source(%dma_start3A_36 : memref<128x16xf32, #tpu.memory_space<vmem>>) target(%dma_start3A_42 : memref<3328x16xf32, #tpu.memory_space<vmem_shared>>) offsets(%dma_start3A_39 : memref<128xi32, #tpu.memory_space<vmem>>) semaphore(%run_scoped3A : memref<!tpu.dma_semaphore, #tpu.memory_space<semaphore_mem>>) {add = true}
        %dma_wait3A = arith.constant 0 : i32
        %dma_wait3A_43 = tpu.memref_slice %arg5[%mul3A_35, %dma_wait3A] : memref<3328x16xf32, #tpu.memory_space<vmem>> -> memref<128x16xf32, #tpu.memory_space<vmem>>
        %dma_wait3A_44 = arith.constant 0 : i32
        %dma_wait3A_45 = tpu.memref_slice %arg6[%add3A_33, %dma_wait3A_44] : memref<26x128xi32, #tpu.memory_space<vmem>> -> memref<1x128xi32, #tpu.memory_space<vmem>>
        %dma_wait3A_46 = tpu.memref_squeeze %dma_wait3A_45 : memref<1x128xi32, #tpu.memory_space<vmem>> -> memref<128xi32, #tpu.memory_space<vmem>>
        %dma_wait3A_47 = arith.constant 0 : i32
        %dma_wait3A_48 = arith.constant 0 : i32
        %dma_wait3A_49 = tpu.memref_slice %arg7[%dma_wait3A_47, %dma_wait3A_48] : memref<3328x16xf32, #tpu.memory_space<vmem_shared>> -> memref<3328x16xf32, #tpu.memory_space<vmem_shared>>
        tpu.wait_indirect_dma semaphore(%run_scoped3A : memref<!tpu.dma_semaphore, #tpu.memory_space<semaphore_mem>>) src(%dma_wait3A_43 : memref<128x16xf32, #tpu.memory_space<vmem>>) dst(%dma_wait3A_49 : memref<3328x16xf32, #tpu.memory_space<vmem_shared>>)
        tpu.yield
      }) : () -> ()
    }
    %scan3A_23 = arith.constant 26 : i32
    %barrier3A_24 = arith.constant 0 : index
    tpu.barrier barrier_id(%barrier3A_24)
    %mul3A_25 = arith.constant 208 : i32
    %mul3A_26 = arith.muli %arg1, %mul3A_25 : i32
    %mul3A_27 = arith.constant 208 : i32
    %mul3A_28 = arith.muli %arg1, %mul3A_27 : i32
    "tpu.region"() ({
      %run_scoped3A = tpu.sem_alloc : memref<!tpu.dma_semaphore, #tpu.memory_space<semaphore_mem>>
      %dma_start3A = arith.constant 0 : i32
      %dma_start3A_29 = tpu.memref_slice %arg3[%arg0, %mul3A_28, %dma_start3A] : memref<2x3328x16xf32, #tpu.memory_space<hbm>> -> memref<1x208x16xf32, #tpu.memory_space<hbm>>
      %dma_start3A_30 = tpu.memref_squeeze %dma_start3A_29 : memref<1x208x16xf32, #tpu.memory_space<hbm>> -> memref<208x16xf32, #tpu.memory_space<hbm>>
      %dma_start3A_31 = arith.constant 0 : i32
      %dma_start3A_32 = tpu.memref_slice %arg7[%mul3A_26, %dma_start3A_31] : memref<3328x16xf32, #tpu.memory_space<vmem_shared>> -> memref<208x16xf32, #tpu.memory_space<vmem_shared>>
      tpu.enqueue_dma source(%dma_start3A_32 : memref<208x16xf32, #tpu.memory_space<vmem_shared>>) target(%dma_start3A_30 : memref<208x16xf32, #tpu.memory_space<hbm>>) target_semaphore(%run_scoped3A : memref<!tpu.dma_semaphore, #tpu.memory_space<semaphore_mem>>)
      %dma_wait3A = arith.constant 0 : i32
      %dma_wait3A_33 = tpu.memref_slice %arg3[%arg0, %mul3A_28, %dma_wait3A] : memref<2x3328x16xf32, #tpu.memory_space<hbm>> -> memref<1x208x16xf32, #tpu.memory_space<hbm>>
      %dma_wait3A_34 = tpu.memref_squeeze %dma_wait3A_33 : memref<1x208x16xf32, #tpu.memory_space<hbm>> -> memref<208x16xf32, #tpu.memory_space<hbm>>
      %dma_wait3A_35 = arith.constant 0 : i32
      %dma_wait3A_36 = tpu.memref_slice %arg7[%mul3A_26, %dma_wait3A_35] : memref<3328x16xf32, #tpu.memory_space<vmem_shared>> -> memref<208x16xf32, #tpu.memory_space<vmem_shared>>
      tpu.wait_dma2 semaphore(%run_scoped3A : memref<!tpu.dma_semaphore, #tpu.memory_space<semaphore_mem>>) src(%dma_wait3A_36 : memref<208x16xf32, #tpu.memory_space<vmem_shared>>) dst(%dma_wait3A_34 : memref<208x16xf32, #tpu.memory_space<hbm>>)
      tpu.yield
    }) : () -> ()
    return
  }
}

#map = affine_map<(d0, d1) -> (0, 0)>
#map1 = affine_map<(d0, d1) -> (0, 0, 0)>
module attributes {stable_mosaic.version = 14 : i64} {
  func.func @_pool_kernel(%arg0: i32, %arg1: i32, %arg2: memref<53248x16xf32, #tpu.memory_space<hbm>>, %arg3: memref<416x128xi32, #tpu.memory_space<hbm>>, %arg4: memref<2x528x16xf32, #tpu.memory_space<hbm>>, %arg5: memref<16x128xi32, #tpu.memory_space<vmem>>, %arg6: memref<2048x16xf32, #tpu.memory_space<vmem>>, %arg7: memref<528x16xf32, #tpu.memory_space<vmem_shared>>) attributes {dimension_semantics = [#tpu.dimension_semantics<core_parallel>, #tpu.dimension_semantics<subcore_parallel>], iteration_bounds = array<i64: 2, 16>, scalar_prefetch = 0 : i64, scratch_operands = 3 : i64, tpu.core_type = #tpu.core_type<sc_vector_subcore>, window_params = [{transform_indices = #map}, {transform_indices = #map}, {transform_indices = #map1}]} {
    %scan3A = arith.constant 0 : i32
    %scan3A_0 = arith.constant 264 : i32
    %scan3A_1 = arith.addi %scan3A, %scan3A_0 : i32
    %scan3A_2 = arith.constant 1 : i32
    scf.for %scan3A_16 = %scan3A to %scan3A_1 step %scan3A_2  : i32 {
      %mul3A = arith.constant 1 : i32
      %mul3A_17 = arith.muli %scan3A_16, %mul3A : i32
      %add3A = arith.constant 0 : i32
      %add3A_18 = arith.addi %add3A, %mul3A_17 : i32
      %broadcast_in_dim3A = arith.constant 0.000000e+00 : f32
      %broadcast_in_dim3A_19 = vector.broadcast %broadcast_in_dim3A : f32 to vector<16xf32>
      %swap3A = arith.index_cast %add3A_18 : i32 to index
      %swap3A_20 = arith.constant 0 : index
      %swap3A_21 = tpu.vector_load %arg6[%swap3A, %swap3A_20] {strides = array<i32>} : memref<2048x16xf32, #tpu.memory_space<vmem>>, vector<1x16xf32>,
      %swap3A_22 = vector.shape_cast %swap3A_21 : vector<1x16xf32> to vector<16xf32>
      %swap3A_23 = vector.shape_cast %broadcast_in_dim3A_19 : vector<16xf32> to vector<1x16xf32>
      tpu.vector_store %arg6[%swap3A, %swap3A_20], %swap3A_23 {strides = array<i32>} : memref<2048x16xf32, #tpu.memory_space<vmem>>, vector<1x16xf32>,
    }
    %scan3A_3 = arith.constant 264 : i32
    %eq3A = arith.constant 0 : i32
    %eq3A_4 = arith.cmpi eq, %arg1, %eq3A : i32
    %convert_element_type3A = arith.extui %eq3A_4 : i1 to i32
    %cond3A = arith.constant 0 : i32
    %cond3A_5 = arith.cmpi ne, %convert_element_type3A, %cond3A : i32
    scf.if %cond3A_5 {
      "tpu.region"() ({
        %run_scoped3A = tpu.sem_alloc : memref<!tpu.dma_semaphore, #tpu.memory_space<semaphore_mem>>
        %dma_start3A = arith.constant 0 : i32
        %dma_start3A_16 = arith.constant 0 : i32
        %dma_start3A_17 = tpu.memref_slice %arg6[%dma_start3A, %dma_start3A_16] : memref<2048x16xf32, #tpu.memory_space<vmem>> -> memref<264x16xf32, #tpu.memory_space<vmem>>
        %dma_start3A_18 = arith.constant 0 : i32
        %dma_start3A_19 = arith.constant 0 : i32
        %dma_start3A_20 = tpu.memref_slice %arg7[%dma_start3A_18, %dma_start3A_19] : memref<528x16xf32, #tpu.memory_space<vmem_shared>> -> memref<264x16xf32, #tpu.memory_space<vmem_shared>>
        %dma_start3A_21 = arith.constant 0 : i32
        %dma_start3A_22 = arith.constant 0 : i32
        %dma_start3A_23 = tpu.memref_slice %arg7[%dma_start3A_21, %dma_start3A_22] : memref<528x16xf32, #tpu.memory_space<vmem_shared>> -> memref<264x16xf32, #tpu.memory_space<vmem_shared>>
        %dma_start3A_24 = arith.constant 0 : i32
        %dma_start3A_25 = arith.constant 0 : i32
        %dma_start3A_26 = tpu.memref_slice %arg6[%dma_start3A_24, %dma_start3A_25] : memref<2048x16xf32, #tpu.memory_space<vmem>> -> memref<264x16xf32, #tpu.memory_space<vmem>>
        tpu.enqueue_dma source(%dma_start3A_26 : memref<264x16xf32, #tpu.memory_space<vmem>>) target(%dma_start3A_23 : memref<264x16xf32, #tpu.memory_space<vmem_shared>>) target_semaphore(%run_scoped3A : memref<!tpu.dma_semaphore, #tpu.memory_space<semaphore_mem>>)
        %dma_wait3A = arith.constant 0 : i32
        %dma_wait3A_27 = arith.constant 0 : i32
        %dma_wait3A_28 = tpu.memref_slice %arg6[%dma_wait3A, %dma_wait3A_27] : memref<2048x16xf32, #tpu.memory_space<vmem>> -> memref<264x16xf32, #tpu.memory_space<vmem>>
        %dma_wait3A_29 = arith.constant 0 : i32
        %dma_wait3A_30 = arith.constant 0 : i32
        %dma_wait3A_31 = tpu.memref_slice %arg7[%dma_wait3A_29, %dma_wait3A_30] : memref<528x16xf32, #tpu.memory_space<vmem_shared>> -> memref<264x16xf32, #tpu.memory_space<vmem_shared>>
        %dma_wait3A_32 = arith.constant 0 : i32
        %dma_wait3A_33 = arith.constant 0 : i32
        %dma_wait3A_34 = tpu.memref_slice %arg7[%dma_wait3A_32, %dma_wait3A_33] : memref<528x16xf32, #tpu.memory_space<vmem_shared>> -> memref<264x16xf32, #tpu.memory_space<vmem_shared>>
        %dma_wait3A_35 = arith.constant 0 : i32
        %dma_wait3A_36 = arith.constant 0 : i32
        %dma_wait3A_37 = tpu.memref_slice %arg6[%dma_wait3A_35, %dma_wait3A_36] : memref<2048x16xf32, #tpu.memory_space<vmem>> -> memref<264x16xf32, #tpu.memory_space<vmem>>
        tpu.wait_dma2 semaphore(%run_scoped3A : memref<!tpu.dma_semaphore, #tpu.memory_space<semaphore_mem>>) src(%dma_wait3A_37 : memref<264x16xf32, #tpu.memory_space<vmem>>) dst(%dma_wait3A_34 : memref<264x16xf32, #tpu.memory_space<vmem_shared>>)
        tpu.yield
      }) : () -> ()
      "tpu.region"() ({
        %run_scoped3A = tpu.sem_alloc : memref<!tpu.dma_semaphore, #tpu.memory_space<semaphore_mem>>
        %dma_start3A = arith.constant 0 : i32
        %dma_start3A_16 = arith.constant 0 : i32
        %dma_start3A_17 = tpu.memref_slice %arg6[%dma_start3A, %dma_start3A_16] : memref<2048x16xf32, #tpu.memory_space<vmem>> -> memref<264x16xf32, #tpu.memory_space<vmem>>
        %dma_start3A_18 = arith.constant 264 : i32
        %dma_start3A_19 = arith.constant 0 : i32
        %dma_start3A_20 = tpu.memref_slice %arg7[%dma_start3A_18, %dma_start3A_19] : memref<528x16xf32, #tpu.memory_space<vmem_shared>> -> memref<264x16xf32, #tpu.memory_space<vmem_shared>>
        %dma_start3A_21 = arith.constant 264 : i32
        %dma_start3A_22 = arith.constant 0 : i32
        %dma_start3A_23 = tpu.memref_slice %arg7[%dma_start3A_21, %dma_start3A_22] : memref<528x16xf32, #tpu.memory_space<vmem_shared>> -> memref<264x16xf32, #tpu.memory_space<vmem_shared>>
        %dma_start3A_24 = arith.constant 0 : i32
        %dma_start3A_25 = arith.constant 0 : i32
        %dma_start3A_26 = tpu.memref_slice %arg6[%dma_start3A_24, %dma_start3A_25] : memref<2048x16xf32, #tpu.memory_space<vmem>> -> memref<264x16xf32, #tpu.memory_space<vmem>>
        tpu.enqueue_dma source(%dma_start3A_26 : memref<264x16xf32, #tpu.memory_space<vmem>>) target(%dma_start3A_23 : memref<264x16xf32, #tpu.memory_space<vmem_shared>>) target_semaphore(%run_scoped3A : memref<!tpu.dma_semaphore, #tpu.memory_space<semaphore_mem>>)
        %dma_wait3A = arith.constant 0 : i32
        %dma_wait3A_27 = arith.constant 0 : i32
        %dma_wait3A_28 = tpu.memref_slice %arg6[%dma_wait3A, %dma_wait3A_27] : memref<2048x16xf32, #tpu.memory_space<vmem>> -> memref<264x16xf32, #tpu.memory_space<vmem>>
        %dma_wait3A_29 = arith.constant 264 : i32
        %dma_wait3A_30 = arith.constant 0 : i32
        %dma_wait3A_31 = tpu.memref_slice %arg7[%dma_wait3A_29, %dma_wait3A_30] : memref<528x16xf32, #tpu.memory_space<vmem_shared>> -> memref<264x16xf32, #tpu.memory_space<vmem_shared>>
        %dma_wait3A_32 = arith.constant 264 : i32
        %dma_wait3A_33 = arith.constant 0 : i32
        %dma_wait3A_34 = tpu.memref_slice %arg7[%dma_wait3A_32, %dma_wait3A_33] : memref<528x16xf32, #tpu.memory_space<vmem_shared>> -> memref<264x16xf32, #tpu.memory_space<vmem_shared>>
        %dma_wait3A_35 = arith.constant 0 : i32
        %dma_wait3A_36 = arith.constant 0 : i32
        %dma_wait3A_37 = tpu.memref_slice %arg6[%dma_wait3A_35, %dma_wait3A_36] : memref<2048x16xf32, #tpu.memory_space<vmem>> -> memref<264x16xf32, #tpu.memory_space<vmem>>
        tpu.wait_dma2 semaphore(%run_scoped3A : memref<!tpu.dma_semaphore, #tpu.memory_space<semaphore_mem>>) src(%dma_wait3A_37 : memref<264x16xf32, #tpu.memory_space<vmem>>) dst(%dma_wait3A_34 : memref<264x16xf32, #tpu.memory_space<vmem_shared>>)
        tpu.yield
      }) : () -> ()
    } else {
    }
    %barrier3A = arith.constant 0 : index
    tpu.barrier barrier_id(%barrier3A)
    %lt3A = arith.constant 13 : i32
    %lt3A_6 = arith.cmpi slt, %arg1, %lt3A : i32
    %convert_element_type3A_7 = arith.extui %lt3A_6 : i1 to i32
    %cond3A_8 = arith.constant 0 : i32
    %cond3A_9 = arith.cmpi ne, %convert_element_type3A_7, %cond3A_8 : i32
    scf.if %cond3A_9 {
      %mul3A = arith.constant 208 : i32
      %mul3A_16 = arith.muli %arg0, %mul3A : i32
      %mul3A_17 = arith.constant 16 : i32
      %mul3A_18 = arith.muli %arg1, %mul3A_17 : i32
      %add3A = arith.addi %mul3A_16, %mul3A_18 : i32
      "tpu.region"() ({
        %run_scoped3A = tpu.sem_alloc : memref<!tpu.dma_semaphore, #tpu.memory_space<semaphore_mem>>
        %dma_start3A = arith.constant 0 : i32
        %dma_start3A_26 = tpu.memref_slice %arg3[%add3A, %dma_start3A] : memref<416x128xi32, #tpu.memory_space<hbm>> -> memref<16x128xi32, #tpu.memory_space<hbm>>
        %dma_start3A_27 = arith.constant 0 : i32
        %dma_start3A_28 = tpu.memref_slice %arg3[%add3A, %dma_start3A_27] : memref<416x128xi32, #tpu.memory_space<hbm>> -> memref<16x128xi32, #tpu.memory_space<hbm>>
        tpu.enqueue_dma source(%dma_start3A_28 : memref<16x128xi32, #tpu.memory_space<hbm>>) target(%arg5 : memref<16x128xi32, #tpu.memory_space<vmem>>) target_semaphore(%run_scoped3A : memref<!tpu.dma_semaphore, #tpu.memory_space<semaphore_mem>>)
        %dma_wait3A = arith.constant 0 : i32
        %dma_wait3A_29 = tpu.memref_slice %arg3[%add3A, %dma_wait3A] : memref<416x128xi32, #tpu.memory_space<hbm>> -> memref<16x128xi32, #tpu.memory_space<hbm>>
        %dma_wait3A_30 = arith.constant 0 : i32
        %dma_wait3A_31 = tpu.memref_slice %arg3[%add3A, %dma_wait3A_30] : memref<416x128xi32, #tpu.memory_space<hbm>> -> memref<16x128xi32, #tpu.memory_space<hbm>>
        tpu.wait_dma2 semaphore(%run_scoped3A : memref<!tpu.dma_semaphore, #tpu.memory_space<semaphore_mem>>) src(%dma_wait3A_31 : memref<16x128xi32, #tpu.memory_space<hbm>>) dst(%arg5 : memref<16x128xi32, #tpu.memory_space<vmem>>)
        tpu.yield
      }) : () -> ()
      %mul3A_19 = arith.constant 128 : i32
      %mul3A_20 = arith.muli %add3A, %mul3A_19 : i32
      "tpu.region"() ({
        %run_scoped3A = tpu.sem_alloc : memref<!tpu.dma_semaphore, #tpu.memory_space<semaphore_mem>>
        %dma_start3A = arith.constant 0 : i32
        %dma_start3A_26 = tpu.memref_slice %arg2[%mul3A_20, %dma_start3A] : memref<53248x16xf32, #tpu.memory_space<hbm>> -> memref<2048x16xf32, #tpu.memory_space<hbm>>
        %dma_start3A_27 = arith.constant 0 : i32
        %dma_start3A_28 = tpu.memref_slice %arg2[%mul3A_20, %dma_start3A_27] : memref<53248x16xf32, #tpu.memory_space<hbm>> -> memref<2048x16xf32, #tpu.memory_space<hbm>>
        tpu.enqueue_dma source(%dma_start3A_28 : memref<2048x16xf32, #tpu.memory_space<hbm>>) target(%arg6 : memref<2048x16xf32, #tpu.memory_space<vmem>>) target_semaphore(%run_scoped3A : memref<!tpu.dma_semaphore, #tpu.memory_space<semaphore_mem>>)
        %dma_wait3A = arith.constant 0 : i32
        %dma_wait3A_29 = tpu.memref_slice %arg2[%mul3A_20, %dma_wait3A] : memref<53248x16xf32, #tpu.memory_space<hbm>> -> memref<2048x16xf32, #tpu.memory_space<hbm>>
        %dma_wait3A_30 = arith.constant 0 : i32
        %dma_wait3A_31 = tpu.memref_slice %arg2[%mul3A_20, %dma_wait3A_30] : memref<53248x16xf32, #tpu.memory_space<hbm>> -> memref<2048x16xf32, #tpu.memory_space<hbm>>
        tpu.wait_dma2 semaphore(%run_scoped3A : memref<!tpu.dma_semaphore, #tpu.memory_space<semaphore_mem>>) src(%dma_wait3A_31 : memref<2048x16xf32, #tpu.memory_space<hbm>>) dst(%arg6 : memref<2048x16xf32, #tpu.memory_space<vmem>>)
        tpu.yield
      }) : () -> ()
      %scan3A_21 = arith.constant 0 : i32
      %scan3A_22 = arith.constant 16 : i32
      %scan3A_23 = arith.addi %scan3A_21, %scan3A_22 : i32
      %scan3A_24 = arith.constant 1 : i32
      scf.for %scan3A_26 = %scan3A_21 to %scan3A_23 step %scan3A_24  : i32 {
        %mul3A_27 = arith.constant 1 : i32
        %mul3A_28 = arith.muli %scan3A_26, %mul3A_27 : i32
        %add3A_29 = arith.constant 0 : i32
        %add3A_30 = arith.addi %add3A_29, %mul3A_28 : i32
        %mul3A_31 = arith.constant 128 : i32
        %mul3A_32 = arith.muli %add3A_30, %mul3A_31 : i32
        "tpu.region"() ({
          %run_scoped3A = tpu.sem_alloc : memref<!tpu.dma_semaphore, #tpu.memory_space<semaphore_mem>>
          %dma_start3A = arith.constant 0 : i32
          %dma_start3A_33 = tpu.memref_slice %arg6[%mul3A_32, %dma_start3A] : memref<2048x16xf32, #tpu.memory_space<vmem>> -> memref<128x16xf32, #tpu.memory_space<vmem>>
          %dma_start3A_34 = arith.constant 0 : i32
          %dma_start3A_35 = tpu.memref_slice %arg5[%add3A_30, %dma_start3A_34] : memref<16x128xi32, #tpu.memory_space<vmem>> -> memref<1x128xi32, #tpu.memory_space<vmem>>
          %dma_start3A_36 = tpu.memref_squeeze %dma_start3A_35 : memref<1x128xi32, #tpu.memory_space<vmem>> -> memref<128xi32, #tpu.memory_space<vmem>>
          %dma_start3A_37 = arith.constant 0 : i32
          %dma_start3A_38 = arith.constant 0 : i32
          %dma_start3A_39 = tpu.memref_slice %arg7[%dma_start3A_37, %dma_start3A_38] : memref<528x16xf32, #tpu.memory_space<vmem_shared>> -> memref<528x16xf32, #tpu.memory_space<vmem_shared>>
          tpu.enqueue_indirect_dma source(%dma_start3A_33 : memref<128x16xf32, #tpu.memory_space<vmem>>) target(%dma_start3A_39 : memref<528x16xf32, #tpu.memory_space<vmem_shared>>) offsets(%dma_start3A_36 : memref<128xi32, #tpu.memory_space<vmem>>) semaphore(%run_scoped3A : memref<!tpu.dma_semaphore, #tpu.memory_space<semaphore_mem>>) {add = true}
          %dma_wait3A = arith.constant 0 : i32
          %dma_wait3A_40 = tpu.memref_slice %arg6[%mul3A_32, %dma_wait3A] : memref<2048x16xf32, #tpu.memory_space<vmem>> -> memref<128x16xf32, #tpu.memory_space<vmem>>
          %dma_wait3A_41 = arith.constant 0 : i32
          %dma_wait3A_42 = tpu.memref_slice %arg5[%add3A_30, %dma_wait3A_41] : memref<16x128xi32, #tpu.memory_space<vmem>> -> memref<1x128xi32, #tpu.memory_space<vmem>>
          %dma_wait3A_43 = tpu.memref_squeeze %dma_wait3A_42 : memref<1x128xi32, #tpu.memory_space<vmem>> -> memref<128xi32, #tpu.memory_space<vmem>>
          %dma_wait3A_44 = arith.constant 0 : i32
          %dma_wait3A_45 = arith.constant 0 : i32
          %dma_wait3A_46 = tpu.memref_slice %arg7[%dma_wait3A_44, %dma_wait3A_45] : memref<528x16xf32, #tpu.memory_space<vmem_shared>> -> memref<528x16xf32, #tpu.memory_space<vmem_shared>>
          tpu.wait_indirect_dma semaphore(%run_scoped3A : memref<!tpu.dma_semaphore, #tpu.memory_space<semaphore_mem>>) src(%dma_wait3A_40 : memref<128x16xf32, #tpu.memory_space<vmem>>) dst(%dma_wait3A_46 : memref<528x16xf32, #tpu.memory_space<vmem_shared>>)
          tpu.yield
        }) : () -> ()
      }
      %scan3A_25 = arith.constant 16 : i32
    } else {
    }
    %barrier3A_10 = arith.constant 0 : index
    tpu.barrier barrier_id(%barrier3A_10)
    %eq3A_11 = arith.constant 0 : i32
    %eq3A_12 = arith.cmpi eq, %arg1, %eq3A_11 : i32
    %convert_element_type3A_13 = arith.extui %eq3A_12 : i1 to i32
    %cond3A_14 = arith.constant 0 : i32
    %cond3A_15 = arith.cmpi ne, %convert_element_type3A_13, %cond3A_14 : i32
    scf.if %cond3A_15 {
      "tpu.region"() ({
        %run_scoped3A = tpu.sem_alloc : memref<!tpu.dma_semaphore, #tpu.memory_space<semaphore_mem>>
        %dma_start3A = arith.constant 0 : i32
        %dma_start3A_16 = arith.constant 0 : i32
        %dma_start3A_17 = tpu.memref_slice %arg4[%arg0, %dma_start3A, %dma_start3A_16] : memref<2x528x16xf32, #tpu.memory_space<hbm>> -> memref<1x528x16xf32, #tpu.memory_space<hbm>>
        %dma_start3A_18 = tpu.memref_squeeze %dma_start3A_17 : memref<1x528x16xf32, #tpu.memory_space<hbm>> -> memref<528x16xf32, #tpu.memory_space<hbm>>
        tpu.enqueue_dma source(%arg7 : memref<528x16xf32, #tpu.memory_space<vmem_shared>>) target(%dma_start3A_18 : memref<528x16xf32, #tpu.memory_space<hbm>>) target_semaphore(%run_scoped3A : memref<!tpu.dma_semaphore, #tpu.memory_space<semaphore_mem>>)
        %dma_wait3A = arith.constant 0 : i32
        %dma_wait3A_19 = arith.constant 0 : i32
        %dma_wait3A_20 = tpu.memref_slice %arg4[%arg0, %dma_wait3A, %dma_wait3A_19] : memref<2x528x16xf32, #tpu.memory_space<hbm>> -> memref<1x528x16xf32, #tpu.memory_space<hbm>>
        %dma_wait3A_21 = tpu.memref_squeeze %dma_wait3A_20 : memref<1x528x16xf32, #tpu.memory_space<hbm>> -> memref<528x16xf32, #tpu.memory_space<hbm>>
        tpu.wait_dma2 semaphore(%run_scoped3A : memref<!tpu.dma_semaphore, #tpu.memory_space<semaphore_mem>>) src(%arg7 : memref<528x16xf32, #tpu.memory_space<vmem_shared>>) dst(%dma_wait3A_21 : memref<528x16xf32, #tpu.memory_space<hbm>>)
        tpu.yield
      }) : () -> ()
    } else {
    }
    return
  }
}

#map = affine_map<(d0, d1) -> (0, 0, 0)>
#map1 = affine_map<(d0, d1) -> (0, 0)>
module attributes {stable_mosaic.version = 14 : i64} {
  func.func @_edge_kernel(%arg0: i32, %arg1: i32, %arg2: memref<2x53248x32xf32, #tpu.memory_space<hbm>>, %arg3: memref<6400x128xi32, #tpu.memory_space<hbm>>, %arg4: memref<6400x128xi32, #tpu.memory_space<hbm>>, %arg5: memref<2x53248x32xf32, #tpu.memory_space<hbm>>, %arg6: memref<20x128xi32, #tpu.memory_space<vmem>>, %arg7: memref<20x128xi32, #tpu.memory_space<vmem>>, %arg8: memref<128x32xf32, #tpu.memory_space<vmem>>, %arg9: memref<128x32xf32, #tpu.memory_space<vmem>>, %arg10: memref<128x32xf32, #tpu.memory_space<vmem>>, %arg11: memref<128x32xf32, #tpu.memory_space<vmem>>, %arg12: memref<53248x32xf32, #tpu.memory_space<vmem_shared>>, %arg13: memref<!tpu.dma_semaphore, #tpu.memory_space<semaphore_mem>>, %arg14: memref<!tpu.dma_semaphore, #tpu.memory_space<semaphore_mem>>, %arg15: memref<!tpu.dma_semaphore, #tpu.memory_space<semaphore_mem>>, %arg16: memref<!tpu.dma_semaphore, #tpu.memory_space<semaphore_mem>>) attributes {dimension_semantics = [#tpu.dimension_semantics<core_parallel>, #tpu.dimension_semantics<subcore_parallel>], iteration_bounds = array<i64: 2, 16>, scalar_prefetch = 0 : i64, scratch_operands = 11 : i64, tpu.core_type = #tpu.core_type<sc_vector_subcore>, window_params = [{transform_indices = #map}, {transform_indices = #map1}, {transform_indices = #map1}, {transform_indices = #map}]} {
    %scan3A = arith.constant 0 : i32
    %scan3A_0 = arith.constant 128 : i32
    %scan3A_1 = arith.addi %scan3A, %scan3A_0 : i32
    %scan3A_2 = arith.constant 1 : i32
    scf.for %scan3A_18 = %scan3A to %scan3A_1 step %scan3A_2  : i32 {
      %mul3A_19 = arith.constant 1 : i32
      %mul3A_20 = arith.muli %scan3A_18, %mul3A_19 : i32
      %add3A = arith.constant 0 : i32
      %add3A_21 = arith.addi %add3A, %mul3A_20 : i32
      %broadcast_in_dim3A = arith.constant 0.000000e+00 : f32
      %broadcast_in_dim3A_22 = vector.broadcast %broadcast_in_dim3A : f32 to vector<16xf32>
      %swap3A = arith.index_cast %add3A_21 : i32 to index
      %swap3A_23 = arith.constant 0 : index
      %swap3A_24 = tpu.vector_load %arg8[%swap3A, %swap3A_23] {strides = array<i32>} : memref<128x32xf32, #tpu.memory_space<vmem>>, vector<1x16xf32>,
      %swap3A_25 = vector.shape_cast %swap3A_24 : vector<1x16xf32> to vector<16xf32>
      %swap3A_26 = vector.shape_cast %broadcast_in_dim3A_22 : vector<16xf32> to vector<1x16xf32>
      tpu.vector_store %arg8[%swap3A, %swap3A_23], %swap3A_26 {strides = array<i32>} : memref<128x32xf32, #tpu.memory_space<vmem>>, vector<1x16xf32>,
      %broadcast_in_dim3A_27 = arith.constant 0.000000e+00 : f32
      %broadcast_in_dim3A_28 = vector.broadcast %broadcast_in_dim3A_27 : f32 to vector<16xf32>
      %swap3A_29 = arith.index_cast %add3A_21 : i32 to index
      %swap3A_30 = arith.constant 16 : index
      %swap3A_31 = tpu.vector_load %arg8[%swap3A_29, %swap3A_30] {strides = array<i32>} : memref<128x32xf32, #tpu.memory_space<vmem>>, vector<1x16xf32>,
      %swap3A_32 = vector.shape_cast %swap3A_31 : vector<1x16xf32> to vector<16xf32>
      %swap3A_33 = vector.shape_cast %broadcast_in_dim3A_28 : vector<16xf32> to vector<1x16xf32>
      tpu.vector_store %arg8[%swap3A_29, %swap3A_30], %swap3A_33 {strides = array<i32>} : memref<128x32xf32, #tpu.memory_space<vmem>>, vector<1x16xf32>,
    }
    %scan3A_3 = arith.constant 128 : i32
    %scan3A_4 = arith.constant 0 : i32
    %scan3A_5 = arith.constant 26 : i32
    %scan3A_6 = arith.addi %scan3A_4, %scan3A_5 : i32
    %scan3A_7 = arith.constant 1 : i32
    scf.for %scan3A_18 = %scan3A_4 to %scan3A_6 step %scan3A_7  : i32 {
      %mul3A_19 = arith.constant 1 : i32
      %mul3A_20 = arith.muli %scan3A_18, %mul3A_19 : i32
      %add3A = arith.constant 0 : i32
      %add3A_21 = arith.addi %add3A, %mul3A_20 : i32
      %mul3A_22 = arith.constant 3328 : i32
      %mul3A_23 = arith.muli %arg1, %mul3A_22 : i32
      %mul3A_24 = arith.constant 128 : i32
      %mul3A_25 = arith.muli %add3A_21, %mul3A_24 : i32
      %add3A_26 = arith.addi %mul3A_23, %mul3A_25 : i32
      "tpu.region"() ({
        %run_scoped3A = tpu.sem_alloc : memref<!tpu.dma_semaphore, #tpu.memory_space<semaphore_mem>>
        %dma_start3A = arith.constant 0 : i32
        %dma_start3A_27 = tpu.memref_slice %arg12[%add3A_26, %dma_start3A] : memref<53248x32xf32, #tpu.memory_space<vmem_shared>> -> memref<128x32xf32, #tpu.memory_space<vmem_shared>>
        %dma_start3A_28 = arith.constant 0 : i32
        %dma_start3A_29 = tpu.memref_slice %arg12[%add3A_26, %dma_start3A_28] : memref<53248x32xf32, #tpu.memory_space<vmem_shared>> -> memref<128x32xf32, #tpu.memory_space<vmem_shared>>
        tpu.enqueue_dma source(%arg8 : memref<128x32xf32, #tpu.memory_space<vmem>>) target(%dma_start3A_29 : memref<128x32xf32, #tpu.memory_space<vmem_shared>>) target_semaphore(%run_scoped3A : memref<!tpu.dma_semaphore, #tpu.memory_space<semaphore_mem>>)
        %dma_wait3A = arith.constant 0 : i32
        %dma_wait3A_30 = tpu.memref_slice %arg12[%add3A_26, %dma_wait3A] : memref<53248x32xf32, #tpu.memory_space<vmem_shared>> -> memref<128x32xf32, #tpu.memory_space<vmem_shared>>
        %dma_wait3A_31 = arith.constant 0 : i32
        %dma_wait3A_32 = tpu.memref_slice %arg12[%add3A_26, %dma_wait3A_31] : memref<53248x32xf32, #tpu.memory_space<vmem_shared>> -> memref<128x32xf32, #tpu.memory_space<vmem_shared>>
        tpu.wait_dma2 semaphore(%run_scoped3A : memref<!tpu.dma_semaphore, #tpu.memory_space<semaphore_mem>>) src(%arg8 : memref<128x32xf32, #tpu.memory_space<vmem>>) dst(%dma_wait3A_32 : memref<128x32xf32, #tpu.memory_space<vmem_shared>>)
        tpu.yield
      }) : () -> ()
    }
    %scan3A_8 = arith.constant 26 : i32
    %barrier3A = arith.constant 0 : index
    tpu.barrier barrier_id(%barrier3A)
    %scan3A_9 = arith.constant 0 : i32
    %scan3A_10 = arith.constant 20 : i32
    %scan3A_11 = arith.addi %scan3A_9, %scan3A_10 : i32
    %scan3A_12 = arith.constant 1 : i32
    scf.for %scan3A_18 = %scan3A_9 to %scan3A_11 step %scan3A_12  : i32 {
      %mul3A_19 = arith.constant 1 : i32
      %mul3A_20 = arith.muli %scan3A_18, %mul3A_19 : i32
      %add3A = arith.constant 0 : i32
      %add3A_21 = arith.addi %add3A, %mul3A_20 : i32
      %mul3A_22 = arith.constant 400 : i32
      %mul3A_23 = arith.muli %arg1, %mul3A_22 : i32
      %mul3A_24 = arith.constant 20 : i32
      %mul3A_25 = arith.muli %add3A_21, %mul3A_24 : i32
      %add3A_26 = arith.addi %mul3A_23, %mul3A_25 : i32
      "tpu.region"() ({
        %run_scoped3A = tpu.sem_alloc : memref<!tpu.dma_semaphore, #tpu.memory_space<semaphore_mem>>
        %dma_start3A_69 = arith.constant 0 : i32
        %dma_start3A_70 = tpu.memref_slice %arg3[%add3A_26, %dma_start3A_69] : memref<6400x128xi32, #tpu.memory_space<hbm>> -> memref<20x128xi32, #tpu.memory_space<hbm>>
        %dma_start3A_71 = arith.constant 0 : i32
        %dma_start3A_72 = tpu.memref_slice %arg3[%add3A_26, %dma_start3A_71] : memref<6400x128xi32, #tpu.memory_space<hbm>> -> memref<20x128xi32, #tpu.memory_space<hbm>>
        tpu.enqueue_dma source(%dma_start3A_72 : memref<20x128xi32, #tpu.memory_space<hbm>>) target(%arg6 : memref<20x128xi32, #tpu.memory_space<vmem>>) target_semaphore(%run_scoped3A : memref<!tpu.dma_semaphore, #tpu.memory_space<semaphore_mem>>)
        %dma_wait3A = arith.constant 0 : i32
        %dma_wait3A_73 = tpu.memref_slice %arg3[%add3A_26, %dma_wait3A] : memref<6400x128xi32, #tpu.memory_space<hbm>> -> memref<20x128xi32, #tpu.memory_space<hbm>>
        %dma_wait3A_74 = arith.constant 0 : i32
        %dma_wait3A_75 = tpu.memref_slice %arg3[%add3A_26, %dma_wait3A_74] : memref<6400x128xi32, #tpu.memory_space<hbm>> -> memref<20x128xi32, #tpu.memory_space<hbm>>
        tpu.wait_dma2 semaphore(%run_scoped3A : memref<!tpu.dma_semaphore, #tpu.memory_space<semaphore_mem>>) src(%dma_wait3A_75 : memref<20x128xi32, #tpu.memory_space<hbm>>) dst(%arg6 : memref<20x128xi32, #tpu.memory_space<vmem>>)
        tpu.yield
      }) : () -> ()
      %mul3A_27 = arith.constant 400 : i32
      %mul3A_28 = arith.muli %arg1, %mul3A_27 : i32
      %mul3A_29 = arith.constant 20 : i32
      %mul3A_30 = arith.muli %add3A_21, %mul3A_29 : i32
      %add3A_31 = arith.addi %mul3A_28, %mul3A_30 : i32
      "tpu.region"() ({
        %run_scoped3A = tpu.sem_alloc : memref<!tpu.dma_semaphore, #tpu.memory_space<semaphore_mem>>
        %dma_start3A_69 = arith.constant 0 : i32
        %dma_start3A_70 = tpu.memref_slice %arg4[%add3A_31, %dma_start3A_69] : memref<6400x128xi32, #tpu.memory_space<hbm>> -> memref<20x128xi32, #tpu.memory_space<hbm>>
        %dma_start3A_71 = arith.constant 0 : i32
        %dma_start3A_72 = tpu.memref_slice %arg4[%add3A_31, %dma_start3A_71] : memref<6400x128xi32, #tpu.memory_space<hbm>> -> memref<20x128xi32, #tpu.memory_space<hbm>>
        tpu.enqueue_dma source(%dma_start3A_72 : memref<20x128xi32, #tpu.memory_space<hbm>>) target(%arg7 : memref<20x128xi32, #tpu.memory_space<vmem>>) target_semaphore(%run_scoped3A : memref<!tpu.dma_semaphore, #tpu.memory_space<semaphore_mem>>)
        %dma_wait3A = arith.constant 0 : i32
        %dma_wait3A_73 = tpu.memref_slice %arg4[%add3A_31, %dma_wait3A] : memref<6400x128xi32, #tpu.memory_space<hbm>> -> memref<20x128xi32, #tpu.memory_space<hbm>>
        %dma_wait3A_74 = arith.constant 0 : i32
        %dma_wait3A_75 = tpu.memref_slice %arg4[%add3A_31, %dma_wait3A_74] : memref<6400x128xi32, #tpu.memory_space<hbm>> -> memref<20x128xi32, #tpu.memory_space<hbm>>
        tpu.wait_dma2 semaphore(%run_scoped3A : memref<!tpu.dma_semaphore, #tpu.memory_space<semaphore_mem>>) src(%dma_wait3A_75 : memref<20x128xi32, #tpu.memory_space<hbm>>) dst(%arg7 : memref<20x128xi32, #tpu.memory_space<vmem>>)
        tpu.yield
      }) : () -> ()
      %dma_start3A = arith.constant 0 : i32
      %dma_start3A_32 = arith.constant 0 : i32
      %dma_start3A_33 = tpu.memref_slice %arg6[%dma_start3A, %dma_start3A_32] : memref<20x128xi32, #tpu.memory_space<vmem>> -> memref<1x128xi32, #tpu.memory_space<vmem>>
      %dma_start3A_34 = tpu.memref_squeeze %dma_start3A_33 : memref<1x128xi32, #tpu.memory_space<vmem>> -> memref<128xi32, #tpu.memory_space<vmem>>
      %dma_start3A_35 = arith.constant 0 : i32
      %dma_start3A_36 = arith.constant 0 : i32
      %dma_start3A_37 = tpu.memref_slice %arg2[%arg0, %dma_start3A_35, %dma_start3A_36] : memref<2x53248x32xf32, #tpu.memory_space<hbm>> -> memref<1x53248x32xf32, #tpu.memory_space<hbm>>
      %dma_start3A_38 = tpu.memref_squeeze %dma_start3A_37 : memref<1x53248x32xf32, #tpu.memory_space<hbm>> -> memref<53248x32xf32, #tpu.memory_space<hbm>>
      %dma_start3A_39 = arith.constant 0 : i32
      %dma_start3A_40 = arith.constant 0 : i32
      %dma_start3A_41 = tpu.memref_slice %dma_start3A_38[%dma_start3A_39, %dma_start3A_40] : memref<53248x32xf32, #tpu.memory_space<hbm>> -> memref<53248x32xf32, #tpu.memory_space<hbm>>
      tpu.enqueue_indirect_dma source(%dma_start3A_41 : memref<53248x32xf32, #tpu.memory_space<hbm>>) target(%arg8 : memref<128x32xf32, #tpu.memory_space<vmem>>) offsets(%dma_start3A_34 : memref<128xi32, #tpu.memory_space<vmem>>) semaphore(%arg13 : memref<!tpu.dma_semaphore, #tpu.memory_space<semaphore_mem>>)
      %dma_start3A_42 = arith.constant 1 : i32
      %dma_start3A_43 = arith.constant 0 : i32
      %dma_start3A_44 = tpu.memref_slice %arg6[%dma_start3A_42, %dma_start3A_43] : memref<20x128xi32, #tpu.memory_space<vmem>> -> memref<1x128xi32, #tpu.memory_space<vmem>>
      %dma_start3A_45 = tpu.memref_squeeze %dma_start3A_44 : memref<1x128xi32, #tpu.memory_space<vmem>> -> memref<128xi32, #tpu.memory_space<vmem>>
      %dma_start3A_46 = arith.constant 0 : i32
      %dma_start3A_47 = arith.constant 0 : i32
      %dma_start3A_48 = tpu.memref_slice %arg2[%arg0, %dma_start3A_46, %dma_start3A_47] : memref<2x53248x32xf32, #tpu.memory_space<hbm>> -> memref<1x53248x32xf32, #tpu.memory_space<hbm>>
      %dma_start3A_49 = tpu.memref_squeeze %dma_start3A_48 : memref<1x53248x32xf32, #tpu.memory_space<hbm>> -> memref<53248x32xf32, #tpu.memory_space<hbm>>
      %dma_start3A_50 = arith.constant 0 : i32
      %dma_start3A_51 = arith.constant 0 : i32
      %dma_start3A_52 = tpu.memref_slice %dma_start3A_49[%dma_start3A_50, %dma_start3A_51] : memref<53248x32xf32, #tpu.memory_space<hbm>> -> memref<53248x32xf32, #tpu.memory_space<hbm>>
      tpu.enqueue_indirect_dma source(%dma_start3A_52 : memref<53248x32xf32, #tpu.memory_space<hbm>>) target(%arg9 : memref<128x32xf32, #tpu.memory_space<vmem>>) offsets(%dma_start3A_45 : memref<128xi32, #tpu.memory_space<vmem>>) semaphore(%arg14 : memref<!tpu.dma_semaphore, #tpu.memory_space<semaphore_mem>>)
      %dma_start3A_53 = arith.constant 2 : i32
      %dma_start3A_54 = arith.constant 0 : i32
      %dma_start3A_55 = tpu.memref_slice %arg6[%dma_start3A_53, %dma_start3A_54] : memref<20x128xi32, #tpu.memory_space<vmem>> -> memref<1x128xi32, #tpu.memory_space<vmem>>
      %dma_start3A_56 = tpu.memref_squeeze %dma_start3A_55 : memref<1x128xi32, #tpu.memory_space<vmem>> -> memref<128xi32, #tpu.memory_space<vmem>>
      %dma_start3A_57 = arith.constant 0 : i32
      %dma_start3A_58 = arith.constant 0 : i32
      %dma_start3A_59 = tpu.memref_slice %arg2[%arg0, %dma_start3A_57, %dma_start3A_58] : memref<2x53248x32xf32, #tpu.memory_space<hbm>> -> memref<1x53248x32xf32, #tpu.memory_space<hbm>>
      %dma_start3A_60 = tpu.memref_squeeze %dma_start3A_59 : memref<1x53248x32xf32, #tpu.memory_space<hbm>> -> memref<53248x32xf32, #tpu.memory_space<hbm>>
      %dma_start3A_61 = arith.constant 0 : i32
      %dma_start3A_62 = arith.constant 0 : i32
      %dma_start3A_63 = tpu.memref_slice %dma_start3A_60[%dma_start3A_61, %dma_start3A_62] : memref<53248x32xf32, #tpu.memory_space<hbm>> -> memref<53248x32xf32, #tpu.memory_space<hbm>>
      tpu.enqueue_indirect_dma source(%dma_start3A_63 : memref<53248x32xf32, #tpu.memory_space<hbm>>) target(%arg10 : memref<128x32xf32, #tpu.memory_space<vmem>>) offsets(%dma_start3A_56 : memref<128xi32, #tpu.memory_space<vmem>>) semaphore(%arg15 : memref<!tpu.dma_semaphore, #tpu.memory_space<semaphore_mem>>)
      %scan3A_64 = arith.constant 0 : i32
      %scan3A_65 = arith.constant 5 : i32
      %scan3A_66 = arith.addi %scan3A_64, %scan3A_65 : i32
      %scan3A_67 = arith.constant 1 : i32
      scf.for %scan3A_69 = %scan3A_64 to %scan3A_66 step %scan3A_67  : i32 {
        %mul3A_70 = arith.constant 1 : i32
        %mul3A_71 = arith.muli %scan3A_69, %mul3A_70 : i32
        %add3A_72 = arith.constant 0 : i32
        %add3A_73 = arith.addi %add3A_72, %mul3A_71 : i32
        %mul3A_74 = arith.constant 4 : i32
        %mul3A_75 = arith.muli %add3A_73, %mul3A_74 : i32
        %add3A_76 = arith.constant 0 : i32
        %add3A_77 = arith.addi %mul3A_75, %add3A_76 : i32
        %dma_wait3A = arith.constant 0 : i32
        %dma_wait3A_78 = tpu.memref_slice %arg6[%add3A_77, %dma_wait3A] : memref<20x128xi32, #tpu.memory_space<vmem>> -> memref<1x128xi32, #tpu.memory_space<vmem>>
        %dma_wait3A_79 = tpu.memref_squeeze %dma_wait3A_78 : memref<1x128xi32, #tpu.memory_space<vmem>> -> memref<128xi32, #tpu.memory_space<vmem>>
        %dma_wait3A_80 = arith.constant 0 : i32
        %dma_wait3A_81 = arith.constant 0 : i32
        %dma_wait3A_82 = tpu.memref_slice %arg2[%arg0, %dma_wait3A_80, %dma_wait3A_81] : memref<2x53248x32xf32, #tpu.memory_space<hbm>> -> memref<1x53248x32xf32, #tpu.memory_space<hbm>>
        %dma_wait3A_83 = tpu.memref_squeeze %dma_wait3A_82 : memref<1x53248x32xf32, #tpu.memory_space<hbm>> -> memref<53248x32xf32, #tpu.memory_space<hbm>>
        %dma_wait3A_84 = arith.constant 0 : i32
        %dma_wait3A_85 = arith.constant 0 : i32
        %dma_wait3A_86 = tpu.memref_slice %dma_wait3A_83[%dma_wait3A_84, %dma_wait3A_85] : memref<53248x32xf32, #tpu.memory_space<hbm>> -> memref<53248x32xf32, #tpu.memory_space<hbm>>
        tpu.wait_indirect_dma semaphore(%arg13 : memref<!tpu.dma_semaphore, #tpu.memory_space<semaphore_mem>>) src(%dma_wait3A_86 : memref<53248x32xf32, #tpu.memory_space<hbm>>) dst(%arg8 : memref<128x32xf32, #tpu.memory_space<vmem>>)
        %add3A_87 = arith.constant 3 : i32
        %add3A_88 = arith.addi %add3A_77, %add3A_87 : i32
        %lt3A = arith.constant 20 : i32
        %lt3A_89 = arith.cmpi slt, %add3A_88, %lt3A : i32
        %convert_element_type3A = arith.extui %lt3A_89 : i1 to i32
        %cond3A = arith.constant 0 : i32
        %cond3A_90 = arith.cmpi ne, %convert_element_type3A, %cond3A : i32
        scf.if %cond3A_90 {
          %add3A_148 = arith.constant 3 : i32
          %add3A_149 = arith.addi %add3A_77, %add3A_148 : i32
          %dma_start3A_150 = arith.constant 0 : i32
          %dma_start3A_151 = tpu.memref_slice %arg6[%add3A_149, %dma_start3A_150] : memref<20x128xi32, #tpu.memory_space<vmem>> -> memref<1x128xi32, #tpu.memory_space<vmem>>
          %dma_start3A_152 = tpu.memref_squeeze %dma_start3A_151 : memref<1x128xi32, #tpu.memory_space<vmem>> -> memref<128xi32, #tpu.memory_space<vmem>>
          %dma_start3A_153 = arith.constant 0 : i32
          %dma_start3A_154 = arith.constant 0 : i32
          %dma_start3A_155 = tpu.memref_slice %arg2[%arg0, %dma_start3A_153, %dma_start3A_154] : memref<2x53248x32xf32, #tpu.memory_space<hbm>> -> memref<1x53248x32xf32, #tpu.memory_space<hbm>>
          %dma_start3A_156 = tpu.memref_squeeze %dma_start3A_155 : memref<1x53248x32xf32, #tpu.memory_space<hbm>> -> memref<53248x32xf32, #tpu.memory_space<hbm>>
          %dma_start3A_157 = arith.constant 0 : i32
          %dma_start3A_158 = arith.constant 0 : i32
          %dma_start3A_159 = tpu.memref_slice %dma_start3A_156[%dma_start3A_157, %dma_start3A_158] : memref<53248x32xf32, #tpu.memory_space<hbm>> -> memref<53248x32xf32, #tpu.memory_space<hbm>>
          tpu.enqueue_indirect_dma source(%dma_start3A_159 : memref<53248x32xf32, #tpu.memory_space<hbm>>) target(%arg11 : memref<128x32xf32, #tpu.memory_space<vmem>>) offsets(%dma_start3A_152 : memref<128xi32, #tpu.memory_space<vmem>>) semaphore(%arg16 : memref<!tpu.dma_semaphore, #tpu.memory_space<semaphore_mem>>)
        } else {
        }
        "tpu.region"() ({
          %run_scoped3A = tpu.sem_alloc : memref<!tpu.dma_semaphore, #tpu.memory_space<semaphore_mem>>
          %dma_start3A_148 = arith.constant 0 : i32
          %dma_start3A_149 = tpu.memref_slice %arg7[%add3A_77, %dma_start3A_148] : memref<20x128xi32, #tpu.memory_space<vmem>> -> memref<1x128xi32, #tpu.memory_space<vmem>>
          %dma_start3A_150 = tpu.memref_squeeze %dma_start3A_149 : memref<1x128xi32, #tpu.memory_space<vmem>> -> memref<128xi32, #tpu.memory_space<vmem>>
          %dma_start3A_151 = arith.constant 0 : i32
          %dma_start3A_152 = arith.constant 0 : i32
          %dma_start3A_153 = tpu.memref_slice %arg12[%dma_start3A_151, %dma_start3A_152] : memref<53248x32xf32, #tpu.memory_space<vmem_shared>> -> memref<53248x32xf32, #tpu.memory_space<vmem_shared>>
          tpu.enqueue_indirect_dma source(%arg8 : memref<128x32xf32, #tpu.memory_space<vmem>>) target(%dma_start3A_153 : memref<53248x32xf32, #tpu.memory_space<vmem_shared>>) offsets(%dma_start3A_150 : memref<128xi32, #tpu.memory_space<vmem>>) semaphore(%run_scoped3A : memref<!tpu.dma_semaphore, #tpu.memory_space<semaphore_mem>>) {add = true}
          %dma_wait3A_154 = arith.constant 0 : i32
          %dma_wait3A_155 = tpu.memref_slice %arg7[%add3A_77, %dma_wait3A_154] : memref<20x128xi32, #tpu.memory_space<vmem>> -> memref<1x128xi32, #tpu.memory_space<vmem>>
          %dma_wait3A_156 = tpu.memref_squeeze %dma_wait3A_155 : memref<1x128xi32, #tpu.memory_space<vmem>> -> memref<128xi32, #tpu.memory_space<vmem>>
          %dma_wait3A_157 = arith.constant 0 : i32
          %dma_wait3A_158 = arith.constant 0 : i32
          %dma_wait3A_159 = tpu.memref_slice %arg12[%dma_wait3A_157, %dma_wait3A_158] : memref<53248x32xf32, #tpu.memory_space<vmem_shared>> -> memref<53248x32xf32, #tpu.memory_space<vmem_shared>>
          tpu.wait_indirect_dma semaphore(%run_scoped3A : memref<!tpu.dma_semaphore, #tpu.memory_space<semaphore_mem>>) src(%arg8 : memref<128x32xf32, #tpu.memory_space<vmem>>) dst(%dma_wait3A_159 : memref<53248x32xf32, #tpu.memory_space<vmem_shared>>)
          tpu.yield
        }) : () -> ()
        %add3A_91 = arith.constant 1 : i32
        %add3A_92 = arith.addi %mul3A_75, %add3A_91 : i32
        %dma_wait3A_93 = arith.constant 0 : i32
        %dma_wait3A_94 = tpu.memref_slice %arg6[%add3A_92, %dma_wait3A_93] : memref<20x128xi32, #tpu.memory_space<vmem>> -> memref<1x128xi32, #tpu.memory_space<vmem>>
        %dma_wait3A_95 = tpu.memref_squeeze %dma_wait3A_94 : memref<1x128xi32, #tpu.memory_space<vmem>> -> memref<128xi32, #tpu.memory_space<vmem>>
        %dma_wait3A_96 = arith.constant 0 : i32
        %dma_wait3A_97 = arith.constant 0 : i32
        %dma_wait3A_98 = tpu.memref_slice %arg2[%arg0, %dma_wait3A_96, %dma_wait3A_97] : memref<2x53248x32xf32, #tpu.memory_space<hbm>> -> memref<1x53248x32xf32, #tpu.memory_space<hbm>>
        %dma_wait3A_99 = tpu.memref_squeeze %dma_wait3A_98 : memref<1x53248x32xf32, #tpu.memory_space<hbm>> -> memref<53248x32xf32, #tpu.memory_space<hbm>>
        %dma_wait3A_100 = arith.constant 0 : i32
        %dma_wait3A_101 = arith.constant 0 : i32
        %dma_wait3A_102 = tpu.memref_slice %dma_wait3A_99[%dma_wait3A_100, %dma_wait3A_101] : memref<53248x32xf32, #tpu.memory_space<hbm>> -> memref<53248x32xf32, #tpu.memory_space<hbm>>
        tpu.wait_indirect_dma semaphore(%arg14 : memref<!tpu.dma_semaphore, #tpu.memory_space<semaphore_mem>>) src(%dma_wait3A_102 : memref<53248x32xf32, #tpu.memory_space<hbm>>) dst(%arg9 : memref<128x32xf32, #tpu.memory_space<vmem>>)
        %add3A_103 = arith.constant 3 : i32
        %add3A_104 = arith.addi %add3A_92, %add3A_103 : i32
        %lt3A_105 = arith.constant 20 : i32
        %lt3A_106 = arith.cmpi slt, %add3A_104, %lt3A_105 : i32
        %convert_element_type3A_107 = arith.extui %lt3A_106 : i1 to i32
        %cond3A_108 = arith.constant 0 : i32
        %cond3A_109 = arith.cmpi ne, %convert_element_type3A_107, %cond3A_108 : i32
        scf.if %cond3A_109 {
          %add3A_148 = arith.constant 3 : i32
          %add3A_149 = arith.addi %add3A_92, %add3A_148 : i32
          %dma_start3A_150 = arith.constant 0 : i32
          %dma_start3A_151 = tpu.memref_slice %arg6[%add3A_149, %dma_start3A_150] : memref<20x128xi32, #tpu.memory_space<vmem>> -> memref<1x128xi32, #tpu.memory_space<vmem>>
          %dma_start3A_152 = tpu.memref_squeeze %dma_start3A_151 : memref<1x128xi32, #tpu.memory_space<vmem>> -> memref<128xi32, #tpu.memory_space<vmem>>
          %dma_start3A_153 = arith.constant 0 : i32
          %dma_start3A_154 = arith.constant 0 : i32
          %dma_start3A_155 = tpu.memref_slice %arg2[%arg0, %dma_start3A_153, %dma_start3A_154] : memref<2x53248x32xf32, #tpu.memory_space<hbm>> -> memref<1x53248x32xf32, #tpu.memory_space<hbm>>
          %dma_start3A_156 = tpu.memref_squeeze %dma_start3A_155 : memref<1x53248x32xf32, #tpu.memory_space<hbm>> -> memref<53248x32xf32, #tpu.memory_space<hbm>>
          %dma_start3A_157 = arith.constant 0 : i32
          %dma_start3A_158 = arith.constant 0 : i32
          %dma_start3A_159 = tpu.memref_slice %dma_start3A_156[%dma_start3A_157, %dma_start3A_158] : memref<53248x32xf32, #tpu.memory_space<hbm>> -> memref<53248x32xf32, #tpu.memory_space<hbm>>
          tpu.enqueue_indirect_dma source(%dma_start3A_159 : memref<53248x32xf32, #tpu.memory_space<hbm>>) target(%arg8 : memref<128x32xf32, #tpu.memory_space<vmem>>) offsets(%dma_start3A_152 : memref<128xi32, #tpu.memory_space<vmem>>) semaphore(%arg13 : memref<!tpu.dma_semaphore, #tpu.memory_space<semaphore_mem>>)
        } else {
        }
        "tpu.region"() ({
          %run_scoped3A = tpu.sem_alloc : memref<!tpu.dma_semaphore, #tpu.memory_space<semaphore_mem>>
          %dma_start3A_148 = arith.constant 0 : i32
          %dma_start3A_149 = tpu.memref_slice %arg7[%add3A_92, %dma_start3A_148] : memref<20x128xi32, #tpu.memory_space<vmem>> -> memref<1x128xi32, #tpu.memory_space<vmem>>
          %dma_start3A_150 = tpu.memref_squeeze %dma_start3A_149 : memref<1x128xi32, #tpu.memory_space<vmem>> -> memref<128xi32, #tpu.memory_space<vmem>>
          %dma_start3A_151 = arith.constant 0 : i32
          %dma_start3A_152 = arith.constant 0 : i32
          %dma_start3A_153 = tpu.memref_slice %arg12[%dma_start3A_151, %dma_start3A_152] : memref<53248x32xf32, #tpu.memory_space<vmem_shared>> -> memref<53248x32xf32, #tpu.memory_space<vmem_shared>>
          tpu.enqueue_indirect_dma source(%arg9 : memref<128x32xf32, #tpu.memory_space<vmem>>) target(%dma_start3A_153 : memref<53248x32xf32, #tpu.memory_space<vmem_shared>>) offsets(%dma_start3A_150 : memref<128xi32, #tpu.memory_space<vmem>>) semaphore(%run_scoped3A : memref<!tpu.dma_semaphore, #tpu.memory_space<semaphore_mem>>) {add = true}
          %dma_wait3A_154 = arith.constant 0 : i32
          %dma_wait3A_155 = tpu.memref_slice %arg7[%add3A_92, %dma_wait3A_154] : memref<20x128xi32, #tpu.memory_space<vmem>> -> memref<1x128xi32, #tpu.memory_space<vmem>>
          %dma_wait3A_156 = tpu.memref_squeeze %dma_wait3A_155 : memref<1x128xi32, #tpu.memory_space<vmem>> -> memref<128xi32, #tpu.memory_space<vmem>>
          %dma_wait3A_157 = arith.constant 0 : i32
          %dma_wait3A_158 = arith.constant 0 : i32
          %dma_wait3A_159 = tpu.memref_slice %arg12[%dma_wait3A_157, %dma_wait3A_158] : memref<53248x32xf32, #tpu.memory_space<vmem_shared>> -> memref<53248x32xf32, #tpu.memory_space<vmem_shared>>
          tpu.wait_indirect_dma semaphore(%run_scoped3A : memref<!tpu.dma_semaphore, #tpu.memory_space<semaphore_mem>>) src(%arg9 : memref<128x32xf32, #tpu.memory_space<vmem>>) dst(%dma_wait3A_159 : memref<53248x32xf32, #tpu.memory_space<vmem_shared>>)
          tpu.yield
        }) : () -> ()
        %add3A_110 = arith.constant 2 : i32
        %add3A_111 = arith.addi %mul3A_75, %add3A_110 : i32
        %dma_wait3A_112 = arith.constant 0 : i32
        %dma_wait3A_113 = tpu.memref_slice %arg6[%add3A_111, %dma_wait3A_112] : memref<20x128xi32, #tpu.memory_space<vmem>> -> memref<1x128xi32, #tpu.memory_space<vmem>>
        %dma_wait3A_114 = tpu.memref_squeeze %dma_wait3A_113 : memref<1x128xi32, #tpu.memory_space<vmem>> -> memref<128xi32, #tpu.memory_space<vmem>>
        %dma_wait3A_115 = arith.constant 0 : i32
        %dma_wait3A_116 = arith.constant 0 : i32
        %dma_wait3A_117 = tpu.memref_slice %arg2[%arg0, %dma_wait3A_115, %dma_wait3A_116] : memref<2x53248x32xf32, #tpu.memory_space<hbm>> -> memref<1x53248x32xf32, #tpu.memory_space<hbm>>
        %dma_wait3A_118 = tpu.memref_squeeze %dma_wait3A_117 : memref<1x53248x32xf32, #tpu.memory_space<hbm>> -> memref<53248x32xf32, #tpu.memory_space<hbm>>
        %dma_wait3A_119 = arith.constant 0 : i32
        %dma_wait3A_120 = arith.constant 0 : i32
        %dma_wait3A_121 = tpu.memref_slice %dma_wait3A_118[%dma_wait3A_119, %dma_wait3A_120] : memref<53248x32xf32, #tpu.memory_space<hbm>> -> memref<53248x32xf32, #tpu.memory_space<hbm>>
        tpu.wait_indirect_dma semaphore(%arg15 : memref<!tpu.dma_semaphore, #tpu.memory_space<semaphore_mem>>) src(%dma_wait3A_121 : memref<53248x32xf32, #tpu.memory_space<hbm>>) dst(%arg10 : memref<128x32xf32, #tpu.memory_space<vmem>>)
        %add3A_122 = arith.constant 3 : i32
        %add3A_123 = arith.addi %add3A_111, %add3A_122 : i32
        %lt3A_124 = arith.constant 20 : i32
        %lt3A_125 = arith.cmpi slt, %add3A_123, %lt3A_124 : i32
        %convert_element_type3A_126 = arith.extui %lt3A_125 : i1 to i32
        %cond3A_127 = arith.constant 0 : i32
        %cond3A_128 = arith.cmpi ne, %convert_element_type3A_126, %cond3A_127 : i32
        scf.if %cond3A_128 {
          %add3A_148 = arith.constant 3 : i32
          %add3A_149 = arith.addi %add3A_111, %add3A_148 : i32
          %dma_start3A_150 = arith.constant 0 : i32
          %dma_start3A_151 = tpu.memref_slice %arg6[%add3A_149, %dma_start3A_150] : memref<20x128xi32, #tpu.memory_space<vmem>> -> memref<1x128xi32, #tpu.memory_space<vmem>>
          %dma_start3A_152 = tpu.memref_squeeze %dma_start3A_151 : memref<1x128xi32, #tpu.memory_space<vmem>> -> memref<128xi32, #tpu.memory_space<vmem>>
          %dma_start3A_153 = arith.constant 0 : i32
          %dma_start3A_154 = arith.constant 0 : i32
          %dma_start3A_155 = tpu.memref_slice %arg2[%arg0, %dma_start3A_153, %dma_start3A_154] : memref<2x53248x32xf32, #tpu.memory_space<hbm>> -> memref<1x53248x32xf32, #tpu.memory_space<hbm>>
          %dma_start3A_156 = tpu.memref_squeeze %dma_start3A_155 : memref<1x53248x32xf32, #tpu.memory_space<hbm>> -> memref<53248x32xf32, #tpu.memory_space<hbm>>
          %dma_start3A_157 = arith.constant 0 : i32
          %dma_start3A_158 = arith.constant 0 : i32
          %dma_start3A_159 = tpu.memref_slice %dma_start3A_156[%dma_start3A_157, %dma_start3A_158] : memref<53248x32xf32, #tpu.memory_space<hbm>> -> memref<53248x32xf32, #tpu.memory_space<hbm>>
          tpu.enqueue_indirect_dma source(%dma_start3A_159 : memref<53248x32xf32, #tpu.memory_space<hbm>>) target(%arg9 : memref<128x32xf32, #tpu.memory_space<vmem>>) offsets(%dma_start3A_152 : memref<128xi32, #tpu.memory_space<vmem>>) semaphore(%arg14 : memref<!tpu.dma_semaphore, #tpu.memory_space<semaphore_mem>>)
        } else {
        }
        "tpu.region"() ({
          %run_scoped3A = tpu.sem_alloc : memref<!tpu.dma_semaphore, #tpu.memory_space<semaphore_mem>>
          %dma_start3A_148 = arith.constant 0 : i32
          %dma_start3A_149 = tpu.memref_slice %arg7[%add3A_111, %dma_start3A_148] : memref<20x128xi32, #tpu.memory_space<vmem>> -> memref<1x128xi32, #tpu.memory_space<vmem>>
          %dma_start3A_150 = tpu.memref_squeeze %dma_start3A_149 : memref<1x128xi32, #tpu.memory_space<vmem>> -> memref<128xi32, #tpu.memory_space<vmem>>
          %dma_start3A_151 = arith.constant 0 : i32
          %dma_start3A_152 = arith.constant 0 : i32
          %dma_start3A_153 = tpu.memref_slice %arg12[%dma_start3A_151, %dma_start3A_152] : memref<53248x32xf32, #tpu.memory_space<vmem_shared>> -> memref<53248x32xf32, #tpu.memory_space<vmem_shared>>
          tpu.enqueue_indirect_dma source(%arg10 : memref<128x32xf32, #tpu.memory_space<vmem>>) target(%dma_start3A_153 : memref<53248x32xf32, #tpu.memory_space<vmem_shared>>) offsets(%dma_start3A_150 : memref<128xi32, #tpu.memory_space<vmem>>) semaphore(%run_scoped3A : memref<!tpu.dma_semaphore, #tpu.memory_space<semaphore_mem>>) {add = true}
          %dma_wait3A_154 = arith.constant 0 : i32
          %dma_wait3A_155 = tpu.memref_slice %arg7[%add3A_111, %dma_wait3A_154] : memref<20x128xi32, #tpu.memory_space<vmem>> -> memref<1x128xi32, #tpu.memory_space<vmem>>
          %dma_wait3A_156 = tpu.memref_squeeze %dma_wait3A_155 : memref<1x128xi32, #tpu.memory_space<vmem>> -> memref<128xi32, #tpu.memory_space<vmem>>
          %dma_wait3A_157 = arith.constant 0 : i32
          %dma_wait3A_158 = arith.constant 0 : i32
          %dma_wait3A_159 = tpu.memref_slice %arg12[%dma_wait3A_157, %dma_wait3A_158] : memref<53248x32xf32, #tpu.memory_space<vmem_shared>> -> memref<53248x32xf32, #tpu.memory_space<vmem_shared>>
          tpu.wait_indirect_dma semaphore(%run_scoped3A : memref<!tpu.dma_semaphore, #tpu.memory_space<semaphore_mem>>) src(%arg10 : memref<128x32xf32, #tpu.memory_space<vmem>>) dst(%dma_wait3A_159 : memref<53248x32xf32, #tpu.memory_space<vmem_shared>>)
          tpu.yield
        }) : () -> ()
        %add3A_129 = arith.constant 3 : i32
        %add3A_130 = arith.addi %mul3A_75, %add3A_129 : i32
        %dma_wait3A_131 = arith.constant 0 : i32
        %dma_wait3A_132 = tpu.memref_slice %arg6[%add3A_130, %dma_wait3A_131] : memref<20x128xi32, #tpu.memory_space<vmem>> -> memref<1x128xi32, #tpu.memory_space<vmem>>
        %dma_wait3A_133 = tpu.memref_squeeze %dma_wait3A_132 : memref<1x128xi32, #tpu.memory_space<vmem>> -> memref<128xi32, #tpu.memory_space<vmem>>
        %dma_wait3A_134 = arith.constant 0 : i32
        %dma_wait3A_135 = arith.constant 0 : i32
        %dma_wait3A_136 = tpu.memref_slice %arg2[%arg0, %dma_wait3A_134, %dma_wait3A_135] : memref<2x53248x32xf32, #tpu.memory_space<hbm>> -> memref<1x53248x32xf32, #tpu.memory_space<hbm>>
        %dma_wait3A_137 = tpu.memref_squeeze %dma_wait3A_136 : memref<1x53248x32xf32, #tpu.memory_space<hbm>> -> memref<53248x32xf32, #tpu.memory_space<hbm>>
        %dma_wait3A_138 = arith.constant 0 : i32
        %dma_wait3A_139 = arith.constant 0 : i32
        %dma_wait3A_140 = tpu.memref_slice %dma_wait3A_137[%dma_wait3A_138, %dma_wait3A_139] : memref<53248x32xf32, #tpu.memory_space<hbm>> -> memref<53248x32xf32, #tpu.memory_space<hbm>>
        tpu.wait_indirect_dma semaphore(%arg16 : memref<!tpu.dma_semaphore, #tpu.memory_space<semaphore_mem>>) src(%dma_wait3A_140 : memref<53248x32xf32, #tpu.memory_space<hbm>>) dst(%arg11 : memref<128x32xf32, #tpu.memory_space<vmem>>)
        %add3A_141 = arith.constant 3 : i32
        %add3A_142 = arith.addi %add3A_130, %add3A_141 : i32
        %lt3A_143 = arith.constant 20 : i32
        %lt3A_144 = arith.cmpi slt, %add3A_142, %lt3A_143 : i32
        %convert_element_type3A_145 = arith.extui %lt3A_144 : i1 to i32
        %cond3A_146 = arith.constant 0 : i32
        %cond3A_147 = arith.cmpi ne, %convert_element_type3A_145, %cond3A_146 : i32
        scf.if %cond3A_147 {
          %add3A_148 = arith.constant 3 : i32
          %add3A_149 = arith.addi %add3A_130, %add3A_148 : i32
          %dma_start3A_150 = arith.constant 0 : i32
          %dma_start3A_151 = tpu.memref_slice %arg6[%add3A_149, %dma_start3A_150] : memref<20x128xi32, #tpu.memory_space<vmem>> -> memref<1x128xi32, #tpu.memory_space<vmem>>
          %dma_start3A_152 = tpu.memref_squeeze %dma_start3A_151 : memref<1x128xi32, #tpu.memory_space<vmem>> -> memref<128xi32, #tpu.memory_space<vmem>>
          %dma_start3A_153 = arith.constant 0 : i32
          %dma_start3A_154 = arith.constant 0 : i32
          %dma_start3A_155 = tpu.memref_slice %arg2[%arg0, %dma_start3A_153, %dma_start3A_154] : memref<2x53248x32xf32, #tpu.memory_space<hbm>> -> memref<1x53248x32xf32, #tpu.memory_space<hbm>>
          %dma_start3A_156 = tpu.memref_squeeze %dma_start3A_155 : memref<1x53248x32xf32, #tpu.memory_space<hbm>> -> memref<53248x32xf32, #tpu.memory_space<hbm>>
          %dma_start3A_157 = arith.constant 0 : i32
          %dma_start3A_158 = arith.constant 0 : i32
          %dma_start3A_159 = tpu.memref_slice %dma_start3A_156[%dma_start3A_157, %dma_start3A_158] : memref<53248x32xf32, #tpu.memory_space<hbm>> -> memref<53248x32xf32, #tpu.memory_space<hbm>>
          tpu.enqueue_indirect_dma source(%dma_start3A_159 : memref<53248x32xf32, #tpu.memory_space<hbm>>) target(%arg10 : memref<128x32xf32, #tpu.memory_space<vmem>>) offsets(%dma_start3A_152 : memref<128xi32, #tpu.memory_space<vmem>>) semaphore(%arg15 : memref<!tpu.dma_semaphore, #tpu.memory_space<semaphore_mem>>)
        } else {
        }
        "tpu.region"() ({
          %run_scoped3A = tpu.sem_alloc : memref<!tpu.dma_semaphore, #tpu.memory_space<semaphore_mem>>
          %dma_start3A_148 = arith.constant 0 : i32
          %dma_start3A_149 = tpu.memref_slice %arg7[%add3A_130, %dma_start3A_148] : memref<20x128xi32, #tpu.memory_space<vmem>> -> memref<1x128xi32, #tpu.memory_space<vmem>>
          %dma_start3A_150 = tpu.memref_squeeze %dma_start3A_149 : memref<1x128xi32, #tpu.memory_space<vmem>> -> memref<128xi32, #tpu.memory_space<vmem>>
          %dma_start3A_151 = arith.constant 0 : i32
          %dma_start3A_152 = arith.constant 0 : i32
          %dma_start3A_153 = tpu.memref_slice %arg12[%dma_start3A_151, %dma_start3A_152] : memref<53248x32xf32, #tpu.memory_space<vmem_shared>> -> memref<53248x32xf32, #tpu.memory_space<vmem_shared>>
          tpu.enqueue_indirect_dma source(%arg11 : memref<128x32xf32, #tpu.memory_space<vmem>>) target(%dma_start3A_153 : memref<53248x32xf32, #tpu.memory_space<vmem_shared>>) offsets(%dma_start3A_150 : memref<128xi32, #tpu.memory_space<vmem>>) semaphore(%run_scoped3A : memref<!tpu.dma_semaphore, #tpu.memory_space<semaphore_mem>>) {add = true}
          %dma_wait3A_154 = arith.constant 0 : i32
          %dma_wait3A_155 = tpu.memref_slice %arg7[%add3A_130, %dma_wait3A_154] : memref<20x128xi32, #tpu.memory_space<vmem>> -> memref<1x128xi32, #tpu.memory_space<vmem>>
          %dma_wait3A_156 = tpu.memref_squeeze %dma_wait3A_155 : memref<1x128xi32, #tpu.memory_space<vmem>> -> memref<128xi32, #tpu.memory_space<vmem>>
          %dma_wait3A_157 = arith.constant 0 : i32
          %dma_wait3A_158 = arith.constant 0 : i32
          %dma_wait3A_159 = tpu.memref_slice %arg12[%dma_wait3A_157, %dma_wait3A_158] : memref<53248x32xf32, #tpu.memory_space<vmem_shared>> -> memref<53248x32xf32, #tpu.memory_space<vmem_shared>>
          tpu.wait_indirect_dma semaphore(%run_scoped3A : memref<!tpu.dma_semaphore, #tpu.memory_space<semaphore_mem>>) src(%arg11 : memref<128x32xf32, #tpu.memory_space<vmem>>) dst(%dma_wait3A_159 : memref<53248x32xf32, #tpu.memory_space<vmem_shared>>)
          tpu.yield
        }) : () -> ()
      }
      %scan3A_68 = arith.constant 5 : i32
    }
    %scan3A_13 = arith.constant 20 : i32
    %barrier3A_14 = arith.constant 0 : index
    tpu.barrier barrier_id(%barrier3A_14)
    %mul3A = arith.constant 3328 : i32
    %mul3A_15 = arith.muli %arg1, %mul3A : i32
    %mul3A_16 = arith.constant 3328 : i32
    %mul3A_17 = arith.muli %arg1, %mul3A_16 : i32
    "tpu.region"() ({
      %run_scoped3A = tpu.sem_alloc : memref<!tpu.dma_semaphore, #tpu.memory_space<semaphore_mem>>
      %dma_start3A = arith.constant 0 : i32
      %dma_start3A_18 = tpu.memref_slice %arg5[%arg0, %mul3A_17, %dma_start3A] : memref<2x53248x32xf32, #tpu.memory_space<hbm>> -> memref<1x3328x32xf32, #tpu.memory_space<hbm>>
      %dma_start3A_19 = tpu.memref_squeeze %dma_start3A_18 : memref<1x3328x32xf32, #tpu.memory_space<hbm>> -> memref<3328x32xf32, #tpu.memory_space<hbm>>
      %dma_start3A_20 = arith.constant 0 : i32
      %dma_start3A_21 = tpu.memref_slice %arg12[%mul3A_15, %dma_start3A_20] : memref<53248x32xf32, #tpu.memory_space<vmem_shared>> -> memref<3328x32xf32, #tpu.memory_space<vmem_shared>>
      tpu.enqueue_dma source(%dma_start3A_21 : memref<3328x32xf32, #tpu.memory_space<vmem_shared>>) target(%dma_start3A_19 : memref<3328x32xf32, #tpu.memory_space<hbm>>) target_semaphore(%run_scoped3A : memref<!tpu.dma_semaphore, #tpu.memory_space<semaphore_mem>>)
      %dma_wait3A = arith.constant 0 : i32
      %dma_wait3A_22 = tpu.memref_slice %arg5[%arg0, %mul3A_17, %dma_wait3A] : memref<2x53248x32xf32, #tpu.memory_space<hbm>> -> memref<1x3328x32xf32, #tpu.memory_space<hbm>>
      %dma_wait3A_23 = tpu.memref_squeeze %dma_wait3A_22 : memref<1x3328x32xf32, #tpu.memory_space<hbm>> -> memref<3328x32xf32, #tpu.memory_space<hbm>>
      %dma_wait3A_24 = arith.constant 0 : i32
      %dma_wait3A_25 = tpu.memref_slice %arg12[%mul3A_15, %dma_wait3A_24] : memref<53248x32xf32, #tpu.memory_space<vmem_shared>> -> memref<3328x32xf32, #tpu.memory_space<vmem_shared>>
      tpu.wait_dma2 semaphore(%run_scoped3A : memref<!tpu.dma_semaphore, #tpu.memory_space<semaphore_mem>>) src(%dma_wait3A_25 : memref<3328x32xf32, #tpu.memory_space<vmem_shared>>) dst(%dma_wait3A_23 : memref<3328x32xf32, #tpu.memory_space<hbm>>)
      tpu.yield
    }) : () -> ()
    return
  }
}

module attributes {stable_mosaic.version = 14 : i64} {
  func.func @_tc1_body(%arg0: i32, %arg1: i32, %arg2: memref<1024x75xf32, #tpu.memory_space<vmem>>, %arg3: memref<1024x1xf32, #tpu.memory_space<vmem>>, %arg4: memref<1024x1xf32, #tpu.memory_space<vmem>>, %arg5: memref<75x64xf32, #tpu.memory_space<vmem>>, %arg6: memref<1024x64xf32, #tpu.memory_space<vmem>>, %arg7: memref<1024x1xf32, #tpu.memory_space<vmem>>, %arg8: memref<1x1024x32xf32, #tpu.memory_space<vmem>>) attributes {dimension_semantics = [#tpu.dimension_semantics<arbitrary>, #tpu.dimension_semantics<arbitrary>], iteration_bounds = array<i64: 2, 52>, scalar_prefetch = 0 : i64, scratch_operands = 0 : i64, tpu.core_type = #tpu.core_type<tc>, window_params = [{transform_indices = @transform_0, window_bounds = array<i64: 1024, 75>}, {transform_indices = @transform_1, window_bounds = array<i64: 1024, 1>}, {transform_indices = @transform_2, window_bounds = array<i64: 1024, 1>}, {pipeline_mode = #tpu.pipeline_mode<synchronous>, transform_indices = @transform_3, window_bounds = array<i64: 75, 64>}, {transform_indices = @transform_4, window_bounds = array<i64: 1024, 64>}, {transform_indices = @transform_5, window_bounds = array<i64: 1024, 1>}, {transform_indices = @transform_6, window_bounds = array<i64: 1, 1024, 32>}]} {
    %get3A = arith.constant 0 : index
    %get3A_0 = arith.constant 0 : index
    %get3A_1 = vector.load %arg2[%get3A, %get3A_0] : memref<1024x75xf32, #tpu.memory_space<vmem>>, vector<1024x75xf32>
    %get3A_2 = arith.constant 0 : index
    %get3A_3 = arith.constant 0 : index
    %get3A_4 = vector.load %arg5[%get3A_2, %get3A_3] : memref<75x64xf32, #tpu.memory_space<vmem>>, vector<75x64xf32>
    %dot_general3A = arith.constant dense<0.000000e+00> : vector<1024x64xf32>
    %dot_general3A_5 = tpu.matmul %get3A_1, %get3A_4, %dot_general3A {dimension_numbers = #tpu.dot_dimension_numbers<[1], [0], [0], [1], [0, 0, 1, 1], [], []>, transpose_lhs_hint = false} : vector<1024x75xf32>, vector<75x64xf32>, vector<1024x64xf32> -> vector<1024x64xf32>
    %get3A_6 = arith.constant 0 : index
    %get3A_7 = arith.constant 0 : index
    %get3A_8 = vector.load %arg3[%get3A_6, %get3A_7] : memref<1024x1xf32, #tpu.memory_space<vmem>>, vector<1024x1xf32>
    %get3A_9 = arith.constant 0 : index
    %get3A_10 = arith.constant 0 : index
    %get3A_11 = vector.load %arg4[%get3A_9, %get3A_10] : memref<1024x1xf32, #tpu.memory_space<vmem>>, vector<1024x1xf32>
    %add3A = arith.addf %get3A_8, %get3A_11 : vector<1024x1xf32>
    %add3A_12 = arith.constant 1.000000e+00 : f32
    %add3A_13 = vector.broadcast %add3A_12 : f32 to vector<1024x1xf32>
    %add3A_14 = arith.addf %add3A, %add3A_13 : vector<1024x1xf32>
    %rsqrt3A = math.rsqrt %add3A_14 : vector<1024x1xf32>
    %mul3A = vector.broadcast %rsqrt3A : vector<1024x1xf32> to vector<1024x64xf32>
    %mul3A_15 = arith.mulf %dot_general3A_5, %mul3A : vector<1024x64xf32>
    %swap3A = arith.constant 0 : index
    %swap3A_16 = arith.constant 0 : index
    %swap3A_17 = vector.load %arg6[%swap3A, %swap3A_16] : memref<1024x64xf32, #tpu.memory_space<vmem>>, vector<1024x64xf32>
    tpu.vector_store %arg6[%swap3A, %swap3A_16], %dot_general3A_5 {strides = array<i32>} : memref<1024x64xf32, #tpu.memory_space<vmem>>, vector<1024x64xf32>,
    %swap3A_18 = arith.constant 0 : index
    %swap3A_19 = arith.constant 0 : index
    %swap3A_20 = vector.load %arg7[%swap3A_18, %swap3A_19] : memref<1024x1xf32, #tpu.memory_space<vmem>>, vector<1024x1xf32>
    tpu.vector_store %arg7[%swap3A_18, %swap3A_19], %rsqrt3A {strides = array<i32>} : memref<1024x1xf32, #tpu.memory_space<vmem>>, vector<1024x1xf32>,
    %eq3A = arith.constant 0 : i32
    %eq3A_21 = arith.cmpi eq, %arg0, %eq3A : i32
    %slice3A = vector.extract_strided_slice %mul3A_15 {offsets = [0, 0], sizes = [1024, 32], strides = [1, 1]} : vector<1024x64xf32> to vector<1024x32xf32>
    %slice3A_22 = vector.extract_strided_slice %mul3A_15 {offsets = [0, 32], sizes = [1024, 32], strides = [1, 1]} : vector<1024x64xf32> to vector<1024x32xf32>
    %select_n3A = arith.select %eq3A_21, %slice3A, %slice3A_22 : vector<1024x32xf32>
    %swap3A_23 = arith.constant 0 : index
    %swap3A_24 = arith.constant 0 : index
    %swap3A_25 = arith.constant 0 : index
    %swap3A_26 = vector.load %arg8[%swap3A_23, %swap3A_24, %swap3A_25] : memref<1x1024x32xf32, #tpu.memory_space<vmem>>, vector<1x1024x32xf32>
    %swap3A_27 = vector.shape_cast %swap3A_26 : vector<1x1024x32xf32> to vector<1024x32xf32>
    %swap3A_28 = vector.shape_cast %select_n3A : vector<1024x32xf32> to vector<1x1024x32xf32>
    tpu.vector_store %arg8[%swap3A_23, %swap3A_24, %swap3A_25], %swap3A_28 {strides = array<i32>} : memref<1x1024x32xf32, #tpu.memory_space<vmem>>, vector<1x1024x32xf32>,
    return
  }
  func.func @transform_0(%arg0: i32, %arg1: i32) -> (i32, i32) {
    %c0_i32 = arith.constant 0 : i32
    %c0_i32_0 = arith.constant 0 : i32
    return %arg1, %c0_i32 : i32, i32
  }
  func.func @transform_1(%arg0: i32, %arg1: i32) -> (i32, i32) {
    %c0_i32 = arith.constant 0 : i32
    %c0_i32_0 = arith.constant 0 : i32
    return %arg1, %c0_i32 : i32, i32
  }
  func.func @transform_2(%arg0: i32, %arg1: i32) -> (i32, i32) {
    %c0_i32 = arith.constant 0 : i32
    %c0_i32_0 = arith.constant 0 : i32
    return %arg1, %c0_i32 : i32, i32
  }
  func.func @transform_3(%arg0: i32, %arg1: i32) -> (i32, i32) {
    %c0_i32 = arith.constant 0 : i32
    %c0_i32_0 = arith.constant 0 : i32
    %c0_i32_1 = arith.constant 0 : i32
    return %c0_i32, %c0_i32_0 : i32, i32
  }
  func.func @transform_4(%arg0: i32, %arg1: i32) -> (i32, i32) {
    %c0_i32 = arith.constant 0 : i32
    %c0_i32_0 = arith.constant 0 : i32
    return %arg1, %c0_i32 : i32, i32
  }
  func.func @transform_5(%arg0: i32, %arg1: i32) -> (i32, i32) {
    %c0_i32 = arith.constant 0 : i32
    %c0_i32_0 = arith.constant 0 : i32
    return %arg1, %c0_i32 : i32, i32
  }
  func.func @transform_6(%arg0: i32, %arg1: i32) -> (i32, i32, i32) {
    %c0_i32 = arith.constant 0 : i32
    %c0_i32_0 = arith.constant 0 : i32
    return %arg0, %arg1, %c0_i32 : i32, i32, i32
  }
}

module attributes {stable_mosaic.version = 14 : i64} {
  func.func @_tc2_body(%arg0: i32, %arg1: i32, %arg2: memref<1x1024x32xf32, #tpu.memory_space<vmem>>, %arg3: memref<1x1024x32xf32, #tpu.memory_space<vmem>>, %arg4: memref<1024x64xf32, #tpu.memory_space<vmem>>, %arg5: memref<1024x1xf32, #tpu.memory_space<vmem>>, %arg6: memref<64x64xf32, #tpu.memory_space<vmem>>, %arg7: memref<1x64xf32, #tpu.memory_space<vmem>>, %arg8: memref<1024x64xf32, #tpu.memory_space<vmem>>, %arg9: memref<1x1024x32xf32, #tpu.memory_space<vmem>>) attributes {dimension_semantics = [#tpu.dimension_semantics<arbitrary>, #tpu.dimension_semantics<arbitrary>], iteration_bounds = array<i64: 2, 52>, scalar_prefetch = 0 : i64, scratch_operands = 0 : i64, tpu.core_type = #tpu.core_type<tc>, window_params = [{transform_indices = @transform_0, window_bounds = array<i64: 1, 1024, 32>}, {transform_indices = @transform_1, window_bounds = array<i64: 1, 1024, 32>}, {transform_indices = @transform_2, window_bounds = array<i64: 1024, 64>}, {transform_indices = @transform_3, window_bounds = array<i64: 1024, 1>}, {pipeline_mode = #tpu.pipeline_mode<synchronous>, transform_indices = @transform_4, window_bounds = array<i64: 64, 64>}, {pipeline_mode = #tpu.pipeline_mode<synchronous>, transform_indices = @transform_5, window_bounds = array<i64: 1, 64>}, {transform_indices = @transform_6, window_bounds = array<i64: 1024, 64>}, {transform_indices = @transform_7, window_bounds = array<i64: 1, 1024, 32>}]} {
    %get3A = arith.constant 0 : index
    %get3A_0 = arith.constant 0 : index
    %get3A_1 = vector.load %arg5[%get3A, %get3A_0] : memref<1024x1xf32, #tpu.memory_space<vmem>>, vector<1024x1xf32>
    %get3A_2 = arith.constant 0 : index
    %get3A_3 = arith.constant 0 : index
    %get3A_4 = arith.constant 0 : index
    %get3A_5 = vector.load %arg2[%get3A_2, %get3A_3, %get3A_4] : memref<1x1024x32xf32, #tpu.memory_space<vmem>>, vector<1x1024x32xf32>
    %get3A_6 = vector.shape_cast %get3A_5 : vector<1x1024x32xf32> to vector<1024x32xf32>
    %get3A_7 = arith.constant 0 : index
    %get3A_8 = arith.constant 0 : index
    %get3A_9 = arith.constant 0 : index
    %get3A_10 = vector.load %arg3[%get3A_7, %get3A_8, %get3A_9] : memref<1x1024x32xf32, #tpu.memory_space<vmem>>, vector<1x1024x32xf32>
    %get3A_11 = vector.shape_cast %get3A_10 : vector<1x1024x32xf32> to vector<1024x32xf32>
    %concatenate3A = tpu.concatenate %get3A_6, %get3A_11 in 1 : vector<1024x32xf32>, vector<1024x32xf32> -> vector<1024x64xf32>
    %mul3A = vector.broadcast %get3A_1 : vector<1024x1xf32> to vector<1024x64xf32>
    %mul3A_12 = arith.mulf %concatenate3A, %mul3A : vector<1024x64xf32>
    %get3A_13 = arith.constant 0 : index
    %get3A_14 = arith.constant 0 : index
    %get3A_15 = vector.load %arg4[%get3A_13, %get3A_14] : memref<1024x64xf32, #tpu.memory_space<vmem>>, vector<1024x64xf32>
    %mul3A_16 = arith.mulf %get3A_1, %get3A_1 : vector<1024x1xf32>
    %mul3A_17 = vector.broadcast %mul3A_16 : vector<1024x1xf32> to vector<1024x64xf32>
    %mul3A_18 = arith.mulf %get3A_15, %mul3A_17 : vector<1024x64xf32>
    %add3A = arith.addf %mul3A_12, %mul3A_18 : vector<1024x64xf32>
    %get3A_19 = arith.constant 0 : index
    %get3A_20 = arith.constant 0 : index
    %get3A_21 = vector.load %arg7[%get3A_19, %get3A_20] : memref<1x64xf32, #tpu.memory_space<vmem>>, vector<1x64xf32>
    %add3A_22 = vector.broadcast %get3A_21 : vector<1x64xf32> to vector<1024x64xf32>
    %add3A_23 = arith.addf %add3A, %add3A_22 : vector<1024x64xf32>
    %max3A = arith.constant 0.000000e+00 : f32
    %max3A_24 = vector.broadcast %max3A : f32 to vector<1024x64xf32>
    %max3A_25 = arith.maximumf %add3A_23, %max3A_24 : vector<1024x64xf32>
    %get3A_26 = arith.constant 0 : index
    %get3A_27 = arith.constant 0 : index
    %get3A_28 = vector.load %arg6[%get3A_26, %get3A_27] : memref<64x64xf32, #tpu.memory_space<vmem>>, vector<64x64xf32>
    %dot_general3A = arith.constant dense<0.000000e+00> : vector<1024x64xf32>
    %dot_general3A_29 = tpu.matmul %max3A_25, %get3A_28, %dot_general3A {dimension_numbers = #tpu.dot_dimension_numbers<[1], [0], [0], [1], [0, 0, 1, 1], [], []>, transpose_lhs_hint = false} : vector<1024x64xf32>, vector<64x64xf32>, vector<1024x64xf32> -> vector<1024x64xf32>
    %mul3A_30 = vector.broadcast %get3A_1 : vector<1024x1xf32> to vector<1024x64xf32>
    %mul3A_31 = arith.mulf %dot_general3A_29, %mul3A_30 : vector<1024x64xf32>
    %swap3A = arith.constant 0 : index
    %swap3A_32 = arith.constant 0 : index
    %swap3A_33 = vector.load %arg8[%swap3A, %swap3A_32] : memref<1024x64xf32, #tpu.memory_space<vmem>>, vector<1024x64xf32>
    tpu.vector_store %arg8[%swap3A, %swap3A_32], %dot_general3A_29 {strides = array<i32>} : memref<1024x64xf32, #tpu.memory_space<vmem>>, vector<1024x64xf32>,
    %eq3A = arith.constant 0 : i32
    %eq3A_34 = arith.cmpi eq, %arg0, %eq3A : i32
    %slice3A = vector.extract_strided_slice %mul3A_31 {offsets = [0, 0], sizes = [1024, 32], strides = [1, 1]} : vector<1024x64xf32> to vector<1024x32xf32>
    %slice3A_35 = vector.extract_strided_slice %mul3A_31 {offsets = [0, 32], sizes = [1024, 32], strides = [1, 1]} : vector<1024x64xf32> to vector<1024x32xf32>
    %select_n3A = arith.select %eq3A_34, %slice3A, %slice3A_35 : vector<1024x32xf32>
    %swap3A_36 = arith.constant 0 : index
    %swap3A_37 = arith.constant 0 : index
    %swap3A_38 = arith.constant 0 : index
    %swap3A_39 = vector.load %arg9[%swap3A_36, %swap3A_37, %swap3A_38] : memref<1x1024x32xf32, #tpu.memory_space<vmem>>, vector<1x1024x32xf32>
    %swap3A_40 = vector.shape_cast %swap3A_39 : vector<1x1024x32xf32> to vector<1024x32xf32>
    %swap3A_41 = vector.shape_cast %select_n3A : vector<1024x32xf32> to vector<1x1024x32xf32>
    tpu.vector_store %arg9[%swap3A_36, %swap3A_37, %swap3A_38], %swap3A_41 {strides = array<i32>} : memref<1x1024x32xf32, #tpu.memory_space<vmem>>, vector<1x1024x32xf32>,
    return
  }
  func.func @transform_0(%arg0: i32, %arg1: i32) -> (i32, i32, i32) {
    %c0_i32 = arith.constant 0 : i32
    %c0_i32_0 = arith.constant 0 : i32
    %c0_i32_1 = arith.constant 0 : i32
    return %c0_i32, %arg1, %c0_i32_0 : i32, i32, i32
  }
  func.func @transform_1(%arg0: i32, %arg1: i32) -> (i32, i32, i32) {
    %c1_i32 = arith.constant 1 : i32
    %c0_i32 = arith.constant 0 : i32
    %c0_i32_0 = arith.constant 0 : i32
    return %c1_i32, %arg1, %c0_i32 : i32, i32, i32
  }
  func.func @transform_2(%arg0: i32, %arg1: i32) -> (i32, i32) {
    %c0_i32 = arith.constant 0 : i32
    %c0_i32_0 = arith.constant 0 : i32
    return %arg1, %c0_i32 : i32, i32
  }
  func.func @transform_3(%arg0: i32, %arg1: i32) -> (i32, i32) {
    %c0_i32 = arith.constant 0 : i32
    %c0_i32_0 = arith.constant 0 : i32
    return %arg1, %c0_i32 : i32, i32
  }
  func.func @transform_4(%arg0: i32, %arg1: i32) -> (i32, i32) {
    %c0_i32 = arith.constant 0 : i32
    %c0_i32_0 = arith.constant 0 : i32
    %c0_i32_1 = arith.constant 0 : i32
    return %c0_i32, %c0_i32_0 : i32, i32
  }
  func.func @transform_5(%arg0: i32, %arg1: i32) -> (i32, i32) {
    %c0_i32 = arith.constant 0 : i32
    %c0_i32_0 = arith.constant 0 : i32
    %c0_i32_1 = arith.constant 0 : i32
    return %c0_i32, %c0_i32_0 : i32, i32
  }
  func.func @transform_6(%arg0: i32, %arg1: i32) -> (i32, i32) {
    %c0_i32 = arith.constant 0 : i32
    %c0_i32_0 = arith.constant 0 : i32
    return %arg1, %c0_i32 : i32, i32
  }
  func.func @transform_7(%arg0: i32, %arg1: i32) -> (i32, i32, i32) {
    %c0_i32 = arith.constant 0 : i32
    %c0_i32_0 = arith.constant 0 : i32
    return %arg0, %arg1, %c0_i32 : i32, i32, i32
  }
}

module attributes {stable_mosaic.version = 14 : i64} {
  func.func @_tc3_body(%arg0: i32, %arg1: memref<1x1024x32xf32, #tpu.memory_space<vmem>>, %arg2: memref<1x1024x32xf32, #tpu.memory_space<vmem>>, %arg3: memref<1024x64xf32, #tpu.memory_space<vmem>>, %arg4: memref<1024x1xf32, #tpu.memory_space<vmem>>, %arg5: memref<64x1xf32, #tpu.memory_space<vmem>>, %arg6: memref<1x64xf32, #tpu.memory_space<vmem>>, %arg7: memref<1024x16xf32, #tpu.memory_space<vmem>>) attributes {dimension_semantics = [#tpu.dimension_semantics<arbitrary>], iteration_bounds = array<i64: 52>, scalar_prefetch = 0 : i64, scratch_operands = 0 : i64, tpu.core_type = #tpu.core_type<tc>, window_params = [{transform_indices = @transform_0, window_bounds = array<i64: 1, 1024, 32>}, {transform_indices = @transform_1, window_bounds = array<i64: 1, 1024, 32>}, {transform_indices = @transform_2, window_bounds = array<i64: 1024, 64>}, {transform_indices = @transform_3, window_bounds = array<i64: 1024, 1>}, {pipeline_mode = #tpu.pipeline_mode<synchronous>, transform_indices = @transform_4, window_bounds = array<i64: 64, 1>}, {pipeline_mode = #tpu.pipeline_mode<synchronous>, transform_indices = @transform_5, window_bounds = array<i64: 1, 64>}, {transform_indices = @transform_6, window_bounds = array<i64: 1024, 16>}]} {
    %get3A = arith.constant 0 : index
    %get3A_0 = arith.constant 0 : index
    %get3A_1 = vector.load %arg4[%get3A, %get3A_0] : memref<1024x1xf32, #tpu.memory_space<vmem>>, vector<1024x1xf32>
    %get3A_2 = arith.constant 0 : index
    %get3A_3 = arith.constant 0 : index
    %get3A_4 = arith.constant 0 : index
    %get3A_5 = vector.load %arg1[%get3A_2, %get3A_3, %get3A_4] : memref<1x1024x32xf32, #tpu.memory_space<vmem>>, vector<1x1024x32xf32>
    %get3A_6 = vector.shape_cast %get3A_5 : vector<1x1024x32xf32> to vector<1024x32xf32>
    %get3A_7 = arith.constant 0 : index
    %get3A_8 = arith.constant 0 : index
    %get3A_9 = arith.constant 0 : index
    %get3A_10 = vector.load %arg2[%get3A_7, %get3A_8, %get3A_9] : memref<1x1024x32xf32, #tpu.memory_space<vmem>>, vector<1x1024x32xf32>
    %get3A_11 = vector.shape_cast %get3A_10 : vector<1x1024x32xf32> to vector<1024x32xf32>
    %concatenate3A = tpu.concatenate %get3A_6, %get3A_11 in 1 : vector<1024x32xf32>, vector<1024x32xf32> -> vector<1024x64xf32>
    %mul3A = vector.broadcast %get3A_1 : vector<1024x1xf32> to vector<1024x64xf32>
    %mul3A_12 = arith.mulf %concatenate3A, %mul3A : vector<1024x64xf32>
    %get3A_13 = arith.constant 0 : index
    %get3A_14 = arith.constant 0 : index
    %get3A_15 = vector.load %arg3[%get3A_13, %get3A_14] : memref<1024x64xf32, #tpu.memory_space<vmem>>, vector<1024x64xf32>
    %mul3A_16 = arith.mulf %get3A_1, %get3A_1 : vector<1024x1xf32>
    %mul3A_17 = vector.broadcast %mul3A_16 : vector<1024x1xf32> to vector<1024x64xf32>
    %mul3A_18 = arith.mulf %get3A_15, %mul3A_17 : vector<1024x64xf32>
    %add3A = arith.addf %mul3A_12, %mul3A_18 : vector<1024x64xf32>
    %get3A_19 = arith.constant 0 : index
    %get3A_20 = arith.constant 0 : index
    %get3A_21 = vector.load %arg6[%get3A_19, %get3A_20] : memref<1x64xf32, #tpu.memory_space<vmem>>, vector<1x64xf32>
    %add3A_22 = vector.broadcast %get3A_21 : vector<1x64xf32> to vector<1024x64xf32>
    %add3A_23 = arith.addf %add3A, %add3A_22 : vector<1024x64xf32>
    %max3A = arith.constant 0.000000e+00 : f32
    %max3A_24 = vector.broadcast %max3A : f32 to vector<1024x64xf32>
    %max3A_25 = arith.maximumf %add3A_23, %max3A_24 : vector<1024x64xf32>
    %get3A_26 = arith.constant 0 : index
    %get3A_27 = arith.constant 0 : index
    %get3A_28 = vector.load %arg5[%get3A_26, %get3A_27] : memref<64x1xf32, #tpu.memory_space<vmem>>, vector<64x1xf32>
    %dot_general3A = arith.constant dense<0.000000e+00> : vector<1024x1xf32>
    %dot_general3A_29 = tpu.matmul %max3A_25, %get3A_28, %dot_general3A {dimension_numbers = #tpu.dot_dimension_numbers<[1], [0], [0], [1], [0, 0, 1, 1], [], []>, transpose_lhs_hint = false} : vector<1024x64xf32>, vector<64x1xf32>, vector<1024x1xf32> -> vector<1024x1xf32>
    %broadcast_in_dim3A = arith.constant 1.000000e+00 : f32
    %broadcast_in_dim3A_30 = vector.broadcast %broadcast_in_dim3A : f32 to vector<1024x1xf32>
    %broadcast_in_dim3A_31 = arith.constant 0.000000e+00 : f32
    %broadcast_in_dim3A_32 = vector.broadcast %broadcast_in_dim3A_31 : f32 to vector<1024x14xf32>
    %concatenate3A_33 = tpu.concatenate %dot_general3A_29, %broadcast_in_dim3A_30, %broadcast_in_dim3A_32 in 1 : vector<1024x1xf32>, vector<1024x1xf32>, vector<1024x14xf32> -> vector<1024x16xf32>
    %swap3A = arith.constant 0 : index
    %swap3A_34 = arith.constant 0 : index
    %swap3A_35 = vector.load %arg7[%swap3A, %swap3A_34] : memref<1024x16xf32, #tpu.memory_space<vmem>>, vector<1024x16xf32>
    tpu.vector_store %arg7[%swap3A, %swap3A_34], %concatenate3A_33 {strides = array<i32>} : memref<1024x16xf32, #tpu.memory_space<vmem>>, vector<1024x16xf32>,
    return
  }
  func.func @transform_0(%arg0: i32) -> (i32, i32, i32) {
    %c0_i32 = arith.constant 0 : i32
    %c0_i32_0 = arith.constant 0 : i32
    %c0_i32_1 = arith.constant 0 : i32
    return %c0_i32, %arg0, %c0_i32_0 : i32, i32, i32
  }
  func.func @transform_1(%arg0: i32) -> (i32, i32, i32) {
    %c1_i32 = arith.constant 1 : i32
    %c0_i32 = arith.constant 0 : i32
    %c0_i32_0 = arith.constant 0 : i32
    return %c1_i32, %arg0, %c0_i32 : i32, i32, i32
  }
  func.func @transform_2(%arg0: i32) -> (i32, i32) {
    %c0_i32 = arith.constant 0 : i32
    %c0_i32_0 = arith.constant 0 : i32
    return %arg0, %c0_i32 : i32, i32
  }
  func.func @transform_3(%arg0: i32) -> (i32, i32) {
    %c0_i32 = arith.constant 0 : i32
    %c0_i32_0 = arith.constant 0 : i32
    return %arg0, %c0_i32 : i32, i32
  }
  func.func @transform_4(%arg0: i32) -> (i32, i32) {
    %c0_i32 = arith.constant 0 : i32
    %c0_i32_0 = arith.constant 0 : i32
    %c0_i32_1 = arith.constant 0 : i32
    return %c0_i32, %c0_i32_0 : i32, i32
  }
  func.func @transform_5(%arg0: i32) -> (i32, i32) {
    %c0_i32 = arith.constant 0 : i32
    %c0_i32_0 = arith.constant 0 : i32
    %c0_i32_1 = arith.constant 0 : i32
    return %c0_i32, %c0_i32_0 : i32, i32
  }
  func.func @transform_6(%arg0: i32) -> (i32, i32) {
    %c0_i32 = arith.constant 0 : i32
    %c0_i32_0 = arith.constant 0 : i32
    return %arg0, %c0_i32 : i32, i32
  }
}

module attributes {stable_mosaic.version = 14 : i64} {
  func.func @_tc4_body(%arg0: memref<2x528x16xf32, #tpu.memory_space<vmem>>, %arg1: memref<1x1xf32, #tpu.memory_space<vmem>>, %arg2: memref<512x1xf32, #tpu.memory_space<vmem>>) attributes {dimension_semantics = [], scalar_prefetch = 0 : i64, scratch_operands = 0 : i64, tpu.core_type = #tpu.core_type<tc>} {
    %get3A = arith.constant 0 : index
    %get3A_0 = arith.constant 0 : index
    %get3A_1 = arith.constant 0 : index
    %get3A_2 = vector.load %arg0[%get3A, %get3A_0, %get3A_1] : memref<2x528x16xf32, #tpu.memory_space<vmem>>, vector<1x528x16xf32>
    %get3A_3 = vector.shape_cast %get3A_2 : vector<1x528x16xf32> to vector<528x16xf32>
    %get3A_4 = arith.constant 1 : index
    %get3A_5 = arith.constant 0 : index
    %get3A_6 = arith.constant 0 : index
    %get3A_7 = vector.load %arg0[%get3A_4, %get3A_5, %get3A_6] : memref<2x528x16xf32, #tpu.memory_space<vmem>>, vector<1x528x16xf32>
    %get3A_8 = vector.shape_cast %get3A_7 : vector<1x528x16xf32> to vector<528x16xf32>
    %add3A = arith.addf %get3A_3, %get3A_8 : vector<528x16xf32>
    %slice3A = vector.extract_strided_slice %add3A {offsets = [0, 0], sizes = [512, 1], strides = [1, 1]} : vector<528x16xf32> to vector<512x1xf32>
    %slice3A_9 = vector.extract_strided_slice %add3A {offsets = [0, 1], sizes = [512, 1], strides = [1, 1]} : vector<528x16xf32> to vector<512x1xf32>
    %max3A = arith.constant 1.000000e+00 : f32
    %max3A_10 = vector.broadcast %max3A : f32 to vector<512x1xf32>
    %max3A_11 = arith.maximumf %slice3A_9, %max3A_10 : vector<512x1xf32>
    %div3A = arith.divf %slice3A, %max3A_11 : vector<512x1xf32>
    %get3A_12 = arith.constant 0 : index
    %get3A_13 = arith.constant 0 : index
    %get3A_14 = vector.load %arg1[%get3A_12, %get3A_13] : memref<1x1xf32, #tpu.memory_space<vmem>>, vector<1x1xf32>
    %add3A_15 = vector.broadcast %get3A_14 : vector<1x1xf32> to vector<512x1xf32>
    %add3A_16 = arith.addf %div3A, %add3A_15 : vector<512x1xf32>
    %swap3A = arith.constant 0 : index
    %swap3A_17 = arith.constant 0 : index
    %swap3A_18 = vector.load %arg2[%swap3A, %swap3A_17] : memref<512x1xf32, #tpu.memory_space<vmem>>, vector<512x1xf32>
    tpu.vector_store %arg2[%swap3A, %swap3A_17], %add3A_16 {strides = array<i32>} : memref<512x1xf32, #tpu.memory_space<vmem>>, vector<512x1xf32>,
    return
  }
}

</mosaic_0001>

<sc_bundles>
// kernel: kernel.10.cloned.1.call-start
scs
__scs_entry_jumppad:
0x0: {  	(pc) =	sbr.rel $0x88, $3  }
0x1: {  	(tag) =	ssettag $0x0;
	lr =	simm.s32 $0x1  }
0x2: {  	[smem:$0x3F98] =	sst lr;
	_ =	strace $0xD0000000  }
0x3: {  	_ = 	snop  }
0x4: {  	_ = 	snop  }
0x5: {  	_ = 	snop  }
0x6: {  	_ = 	snop  }
0x7: {  	_ = 	snop  }
__scs_overlays_trampoline_lowered:
0x8: {  	[smem:$0x3FA7] =	sst s0  }
0x9: {  	[smem:$0x3FA8] =	sst s1  }
0xa: {  	[smem:$0x3FA9] =	sst s2  }
0xb: {  	[smem:$0x3FAA] =	sst s3  }
0xc: {  	[smem:$0x3FAB] =	sst s4  }
0xd: {  	[smem:$0x3FAC] =	sst s5  }
0xe: {  	[smem:$0x3FAD] =	sst s6  }
0xf: {  	[smem:$0x3FAE] =	sst s7  }
0x10: {  	[smem:$0x3FAF] =	sst s8  }
0x11: {  	[smem:$0x3FB0] =	sst s9;
	s0 =	simm.s32 @!p0 $0x0  }
0x12: {  	s1 =	sld [smem:$0x3F96];
	s0 =	simm.s32 @p0 $0x1  }
0x13: {  	[smem:$0x3FB1] =	sst s0;
	s0 =	simm.s32 @!p1 $0x0  }
0x14: {  	s2 =	sld [smem:$0x3F95];
	s0 =	simm.s32 @p1 $0x1  }
0x15: {  	[smem:$0x3FB2] =	sst s0;
	s0 =	simm.s32 @!p2 $0x0  }
0x16: {  	s3 =	sld [smem:$0x3FDB];
	s0 =	simm.s32 @p2 $0x1  }
0x17: {  	s4 =	simm.s32 $0x1BF5;
	[smem:$0x3FB4] =	sst s0  }
0x18: {  	s0 =	sld [smem:$0x3F97];
	_ =	swait.ge [sflag:s4], $0x0  }
0x19: {  	s7 =	sld [smem:$0x3F98]  }
0x1a: {  	s8 =	sadd.s32 $0xFFFFE003, lr  }
0x1b: {  	s9 =	sadd.s32 $0xFFFFFEF7, lr;
	s5 =	simm.s32 $0xFFFFFFFF;
	p2 =	slt.u32 s8, $0xFFFFF086  }
0x1c: {  	p1 =	slt.u32 s9, $0xF7A;
	s5 =	simm.s32 @!p2 $0x0  }
0x1d: {  	s5 =	simm.s32 @p1 $0x1;
	p0 =	seq.s32 s7, s2  }
0x1e: {  	s7 =	smul.u32 @!p0 $0xF7A, s2;
	p2 =	seq.s32 @!p0 s5, $0x0  }
0x1f: {  	s9 =	smul.u32 $0xF7A, s1;
	s8 =	simm.s32 @!p0 $0x1BF5;
	p2 =	por !p2, p0  }
0x20: {  	[sflag:s8] =	ssyncset.s32 @!p0 $0xFFFFF086;
	s6 =	sadd.s32 @!p0 s3, s7;
	s7 =	simm.s32 @!p0 $0x108  }
0x21: {  	s3 =	sadd.s32 s3, s9;
	s6 =	sadd.s32 @!p0 $0x88, s6;
	s7 =	simm.s32 @p2 $0x1082  }
0x22: {  	[simem:s7], [sflag:s8] =	dma.local @!p0 [hbm:s6], $0xF7A  }
0x23: {  	s9 =	sor.u32 $0xD0000000, s2;
	s6 =	simm.s32 $0x108;
	_ =	swait.ge @!p0 [sflag:s8], $0x0  }
0x24: {  	s3 =	sadd.s32 $0x88, s3;
	s6 =	simm.s32 @!p1 $0x1082;
	[sflag:s4] =	ssyncset.s32 $0xFFFFF086  }
0x25: {  	[simem:s6], [sflag:s4] =	dma.local [hbm:s3], $0xF7A  }
0x26: {  	[smem:$0x3F98] =	sst s1;
	(tag) =	ssettag s2;
	_ =	strace s9  }
0x27: {  	s1 =	sld [smem:$0x3FA8]  }
0x28: {  	s2 =	sld [smem:$0x3FA9]  }
0x29: {  	s4 =	sld [smem:$0x3FAB]  }
0x2a: {  	p0 =	seq.s32 s5, $0x0;
	s5 =	sld [smem:$0x3FAC]  }
0x2b: {  	s6 =	sld [smem:$0x3FAD]  }
0x2c: {  	s7 =	sld [smem:$0x3FAE]  }
0x2d: {  	s3 =	simm.s32 $0x108;
	s8 =	sld [smem:$0x3FAF]  }
0x2e: {  	s3 =	simm.s32 @!p0 $0x1082;
	s9 =	sld [smem:$0x3FB0]  }
0x2f: {  	lr =	sadd.s32 s0, s3;
	s0 =	sld [smem:$0x3FA7]  }
0x30: {  	s3 =	sld [smem:$0x3FAA]  }
0x31: {  	[smem:$0x3FB3] =	sst s10  }
0x32: {  	s10 =	sld [smem:$0x3FB1];
	_ =	sdelay $0x3  }
0x33: {  	p0 =	seq.s32 s10, $0x1;
	s10 =	sld [smem:$0x3FB3];
	_ =	sdelay $0x3  }
0x34: {  	[smem:$0x3FB3] =	sst s10  }
0x35: {  	s10 =	sld [smem:$0x3FB2];
	_ =	sdelay $0x3  }
0x36: {  	p1 =	seq.s32 s10, $0x1;
	s10 =	sld [smem:$0x3FB3];
	_ =	sdelay $0x3  }
0x37: {  	[smem:$0x3FB3] =	sst s10  }
0x38: {  	s10 =	sld [smem:$0x3FB4]  }
0x39: {  	_ = 	snop;
	(pc) =	sbr.ind lr, $3  }
0x3a: {  	_ = 	snop  }
0x3b: {  	_ = 	snop  }
0x3c: {  	p2 =	seq.s32 s10, $0x1;
	s10 =	sld [smem:$0x3FB3]  }
0x3d: {  	_ =	shalt  }
0x3e: {  	_ =	shalt  }
0x3f: {  	_ =	shalt  }
0x40: {  	_ =	shalt  }
0x41: {  	_ =	shalt  }
0x42: {  	_ =	shalt  }
0x43: {  	_ =	shalt  }
0x44: {  	_ =	shalt  }
0x45: {  	_ =	shalt  }
0x46: {  	_ =	shalt  }
0x47: {  	_ =	shalt  }
0x48: {  	_ =	shalt  }
0x49: {  	_ =	shalt  }
0x4a: {  	_ =	shalt  }
0x4b: {  	_ =	shalt  }
0x4c: {  	_ =	shalt  }
0x4d: {  	_ =	shalt  }
0x4e: {  	_ =	shalt  }
0x4f: {  	_ =	shalt  }
0x50: {  	_ =	shalt  }
0x51: {  	_ =	shalt  }
0x52: {  	_ =	shalt  }
0x53: {  	_ =	shalt  }
0x54: {  	_ =	shalt  }
0x55: {  	_ =	shalt  }
0x56: {  	_ =	shalt  }
0x57: {  	_ =	shalt  }
0x58: {  	_ =	shalt  }
0x59: {  	_ =	shalt  }
0x5a: {  	_ =	shalt  }
0x5b: {  	_ =	shalt  }
0x5c: {  	_ =	shalt  }
0x5d: {  	_ =	shalt  }
0x5e: {  	_ =	shalt  }
0x5f: {  	_ =	shalt  }
0x60: {  	_ =	shalt  }
0x61: {  	_ =	shalt  }
0x62: {  	_ =	shalt  }
0x63: {  	_ =	shalt  }
0x64: {  	_ =	shalt  }
0x65: {  	_ =	shalt  }
0x66: {  	_ =	shalt  }
0x67: {  	_ =	shalt  }
0x68: {  	_ =	shalt  }
0x69: {  	_ =	shalt  }
0x6a: {  	_ =	shalt  }
0x6b: {  	_ =	shalt  }
0x6c: {  	_ =	shalt  }
0x6d: {  	_ =	shalt  }
0x6e: {  	_ =	shalt  }
0x6f: {  	_ =	shalt  }
0x70: {  	_ =	shalt  }
0x71: {  	_ =	shalt  }
0x72: {  	_ =	shalt  }
0x73: {  	_ =	shalt  }
0x74: {  	_ =	shalt  }
0x75: {  	_ =	shalt  }
0x76: {  	_ =	shalt  }
0x77: {  	_ =	shalt  }
0x78: {  	_ =	shalt  }
0x79: {  	_ =	shalt  }
0x7a: {  	_ =	shalt  }
0x7b: {  	_ =	shalt  }
0x7c: {  	_ =	shalt  }
0x7d: {  	_ =	shalt  }
0x7e: {  	_ =	shalt  }
0x7f: {  	_ =	shalt  }
0x80: {  	_ =	shalt  }
0x81: {  	_ =	shalt  }
0x82: {  	_ =	shalt  }
0x83: {  	_ =	shalt  }
0x84: {  	_ =	shalt  }
0x85: {  	_ =	shalt  }
0x86: {  	_ =	shalt  }
0x87: {  	_ =	shalt  }
.Lfunc_end0:
.L_simem_size_0:
called_computation_lowered:
.L_overlay_start_0:
0x88: {  	s2 =	sld [smem:$0x3FD9]  }
0x89: {  	s3 =	sld [smem:$0x3FFE];
	_ =	sdelay $0x1  }
0x8a: {  	s1 =	srdreg.scid  }
0x8b: {  	s0 =	sand.u32 $0x1, s1  }
0x8c: {  	s16 =	sshll.u32 s0, $0xA;
	s2 =	sadd.s32 s3, s2  }
0x8d: {  	s2 =	sadd.s32 s2, s16  }
0x8e: {  	[smem:$0x3FBF] =	sst s2  }
0x8f: {  	_ = 	snop  }
0x90: {  	(tm) =	ssettm $0x1  }
0x91: {  	s17 =	sld [smem:$0x3FFB];
	_ =	sdelay $0x3  }
0x92: {  	_ =	strace s17  }
0x93: {  	s2 =	sld [smem:$0x3FFC];
	_ =	sdelay $0x3  }
0x94: {  	_ =	strace s2  }
0x95: {  	s2 =	sld [smem:$0x3FFD];
	_ =	sdelay $0x3  }
0x96: {  	_ =	strace s2  }
0x97: {  	_ =	strace $0x8FFFFFFF  }
0x98: {  	s18 =	sld [smem:$0x3FDB];
	_ =	sdelay $0x1  }
0x99: {  	s19 =	simm.s32 $_scs_section_size  }
0x9a: {  	s4 =	simm.s32 $_size__tile_overlayer_lowered;
	s5 =	simm.s32 $_tile_overlayer_lowered  }
0x9b: {  	s22 =	simm.s32 $0x1BFF;
	s21 =	sshll.u32 s5, $0x1;
	s2 =	sadd.s32 s19, s18  }
0x9c: {  	s6 =	simm.s32 $0x0;
	s20 =	sshll.u32 s4, $0x1;
	s4 =	sadd.s32 s21, s2  }
0x9d: {  	[timem:s6], [sflag:s22] =	dma.local [hbm:s4], s20  }
0x9e: {  	_ =	swait.ge [sflag:s22], s20  }
0x9f: {  	s3 =	ssub.s32 $0x0, s20;
	[sflag:s22] =	ssyncset.done $0x0  }
0xa0: {  	[sflag:s22] =	ssyncadd.s32 s3;
	_ =	sdelay $0x1  }
0xa1: {  	s23 =	simm.s32 $0x1B8B  }
0xa2: {  	_ =	swait.ge [sflag:s23], $0x1  }
0xa3: {  	[sflag:s23] =	ssyncset.done $0x0  }
0xa4: {  	s25 =	simm.s32 $0x1B8E;
	s24 =	sld [smem:$0x3FFE];
	[sflag:s23] =	ssyncadd.s32 $0xFFFFFFFF  }
0xa5: {  	s26 =	simm.s32 $execute0_lowered;
	[smem:$0x3FD2] =	sst s25  }
0xa6: {  	s4 =	sshll.u32 s26, $0x1;
	_ =	strace $0x80000046;
	[dreg:$0x1] =	wrdreg $0xFFFFFFFF  }
0xa7: {  	s28 =	simm.s32 $_size_execute0_lowered;
	s2 =	sadd.s32 s2, s4;
	[dreg:$0x0] =	wrdreg $0x0  }
0xa8: {  	s4 =	sshll.u32 s28, $0x1;
	[dreg:$0x2] =	wrdreg s2  }
0xa9: {  	[dreg:$0x3] =	wrdreg s4  }
0xaa: {  	[dreg:$0x4] =	wrdreg $0xC0  }
0xab: {  	_ =	task [dreg:s6], $0x5FFFF  }
0xac: {  	[dreg:$0x1] =	wrdreg $0xFFFFFFFF  }
0xad: {  	[dreg:$0x0] =	wrdreg $0x60  }
0xae: {  	[dreg:$0x2] =	wrdreg s24  }
0xaf: {  	[dreg:$0x3] =	wrdreg $0x141000  }
0xb0: {  	[dreg:$0x4] =	wrdreg $0x9  }
0xb1: {  	_ =	task.clear_ibuf [dreg:s6], $0x5FFFF;
	_ =	strace $0x90000046  }
0xb2: {  	s29 =	simm.s32 $0x9;
	_ =	strace $0x80000048  }
0xb3: {  	_ =	swait.ge [sflag:s29], $0x1  }
0xb4: {  	[sflag:s29] =	ssyncadd.s32 $0xFFFFFFFF  }
0xb5: {  	_ =	strace $0x90000048  }
0xb6: {  	_ =	sfence  }
0xb7: {  	s30 =	sld [smem:$0x0];
	_ =	sdelay $0x2  }
0xb8: {  	s31 =	sshll.u32 s1, $0xD;
	s1 =	sshrl.u32 s1, $0x2  }
0xb9: {  	s3 =	sand.u32 $0x4000, s31;
	s1 =	sadd.s32 s1, s30  }
0xba: {  	s0 =	sor.u32 s3, s0;
	s1 =	sshll.u32 s1, $0x11  }
0xbb: {  	s0 =	sor.u32 s1, s0  }
0xbc: {  	s0 =	sadd.s32 $0x8F2B, s0  }
0xbd: {  	[sflag:s0] =	ssyncadd.remote.s32 $0x1  }
0xbe: {  	_ =	sfence.sel $0xFFFF  }
0xbf: {  	[dreg:$0x0] =	wrdreg $0xFFFFFFFF;
	(pc) =	sbr.abs _section_cstart, $3  }
0xc0: {  	[dreg:$0x1] =	wrdreg $0xFFFFFFFF  }
0xc1: {  	_ =	task.clear_ibuf [dreg:s6], $0x2FFFF;
	_ =	strace $0x9FFFFFFF  }
0xc2: {  	(tm) =	ssettm $0x7FFFFFFF  }
0xc3: {  	_ =	shalt  }
tec
execute0_lowered:
.L_overlay_start_1:
0x0: {  	(tag) =	ssettag $0x1  }
0x1: {  	s0 =	srdreg.scid;
	s4 =	rddreg [dreg:$0x0]  }
0x2: {  	s2 =	rddreg [dreg:$0x1];
	s5 =	sand.u32 $0x1, s0  }
0x3: {  	s0 =	stileid.u32;
	s6 =	smul.u32 $0xC800, s5  }
0x4: {  	s1 =	rddreg [dreg:$0x2];
	s7 =	smul.u32 $0xD00, s0  }
0x5: {  	s3 =	simm.s32 $0x0;
	s10 =	simm.s32 $0x80;
	s8 =	smul.u32 $0xD000, s5  }
0x6: {  	[smem:$0x7FF] =	sst s3;
	s9 =	smul.u32 $0xC80, s0;
	s5 =	ssub.s32 $0x2, s5  }
0x7: {  	s11 =	simm.s32 $0x0;
	_ =	strace $0x80000047;
	s30 =	sshrl.u32 s5, $0x1  }
0x8: {  	s8 =	sadd.s32 s7, s8;
	s6 =	sadd.s32 s9, s6;
	s31 =	ssub.s32 s5, s30  }
0x9: {  	s9 =	simm.s32 $0x1;
	s8 =	sshrl.u32 s8, $0x3;
	s6 =	sadd.s32 s6, s4  }
0xa: {  	s8 =	sadd.s32 s8, s4;
	s4 =	sadd.s32 s7, s2;
	s5 =	sadd.s32 $0x1A00, s6  }
0xb: {  	v0 =	vimm.f32 $0.0e+00;
	v1 =	vlaneseq.u32;
	s7 =	smax.u32 s31, $0x1;
	s6 =	sadd.s32 $0x1AA00, s8;
	s8 =	simm.s32 $0x6400  }
.LBB2_1:
0xc: {  	s12 =	simm.s32 $0x0  }
.LBB2_2:
0xd: {  	p0 =	sne.s32 s12, $0x33FC0  }
.Ltmp0:
0xe: {  	_ = 	snop;
	(pc) =	sbr.rel @p0 .LBB2_2-.Ltmp0, $3  }
0xf: {  	_ =	sdelay $0x1  }
0x10: {  	s13 =	sshra.s32 s12, $0x2  }
0x11: {  	s12 =	sadd.s32 $0x40, s12;
	[tilespmem:s13+$0x6400] =	vst v0  }
0x12: {  	s13 =	simm.s32 $0x70  }
0x13: {  	s12 =	simm.s32 $0x13440;
	s14 =	simm.s32 $0x10;
	v2 =	vor.u32 s13, v1  }
0x14: {  	s26 =	simm.s32 $0x20;
	v3 =	vor.u32 s14, v1;
	[tilespmem:s12+$0x30] =	vst v2  }
0x15: {  	s31 =	simm.s32 $0x60;
	[tilespmem:s12+$0xFFFFFFD0] =	vst v3;
	v2 =	vor.u32 s26, v1  }
0x16: {  	s28 =	simm.s32 $0x30;
	v3 =	vor.u32 s31, v1;
	[tilespmem:s12+$0xFFFFFFE0] =	vst v2  }
0x17: {  	s29 =	simm.s32 $0x40;
	v2 =	vor.u32 s28, v1;
	[tilespmem:s12+$0x20] =	vst v3  }
0x18: {  	s30 =	simm.s32 $0x50;
	[tilespmem:s12+$0xFFFFFFF0] =	vst v2;
	v2 =	vor.u32 s29, v1  }
0x19: {  	s16 =	simm.s32 $0x0;
	[tilespmem:s12+$0x0] =	vst v2;
	v2 =	vor.u32 s30, v1  }
0x1a: {  	s15 =	simm.s32 $0xF0;
	s13 =	simm.s32 $0x80;
	s14 =	simm.s32 $0x100;
	[tilespmem:s12+$0x10] =	vst v2;
	v2 =	vor.u32 s16, v1  }
.LBB2_4:
0x1b: {  	p0 =	sne.s32 s14, $0xC80;
	s16 =	sadd.s32 $0x10, s13;
	v3 =	vor.u32 s15, v1;
	[tilespmem:s12+$0xFFFFFFC0] =	vst v2;
	s12 =	sadd.s32 $0x80, s12  }
0x1c: {  	s15 =	sadd.s32 $0x20, s13;
	v2 =	vor.u32 s16, v1;
	[tilespmem:s12+$0x30] =	vst v3  }
0x1d: {  	[tilespmem:s12+$0xFFFFFFD0] =	vst v2;
	v2 =	vor.u32 s15, v1;
	s15 =	sadd.s32 $0x30, s13  }
.Ltmp1:
0x1e: {  	[tilespmem:s12+$0xFFFFFFE0] =	vst v2;
	v2 =	vor.u32 s15, v1;
	s15 =	sadd.s32 $0x40, s13;
	(pc) =	sbr.rel @p0 .LBB2_4-.Ltmp1, $4  }
0x1f: {  	[tilespmem:s12+$0xFFFFFFF0] =	vst v2;
	v2 =	vor.u32 s15, v1;
	s15 =	sadd.s32 $0x50, s13  }
0x20: {  	[tilespmem:s12+$0x0] =	vst v2;
	v2 =	vor.u32 s15, v1;
	s15 =	sadd.s32 $0x60, s13  }
0x21: {  	[tilespmem:s12+$0x10] =	vst v2;
	v3 =	vor.u32 s15, v1  }
0x22: {  	s15 =	sadd.s32 $0x70, s14;
	v2 =	vor.u32 s13, v1;
	s13 =	smov.u32 s14;
	s14 =	sadd.s32 $0x80, s14;
	[tilespmem:s12+$0x20] =	vst v3  }
0x23: {  	s14 =	sadd.s32 $0x10, s13;
	v3 =	vor.u32 s15, v1;
	[tilespmem:s12+$0xFFFFFFC0] =	vst v2;
	s25 =	sadd.s32 $0x80, s12  }
0x24: {  	v2 =	vor.u32 s14, v1;
	[tilespmem:s25+$0x30] =	vst v3  }
0x25: {  	s26 =	sadd.s32 $0x20, s13;
	v3 =	vor.u32 s13, v1;
	[tilespmem:s25+$0xFFFFFFD0] =	vst v2  }
0x26: {  	s28 =	sadd.s32 $0x30, s13;
	v2 =	vor.u32 s26, v1;
	[tilespmem:s25+$0xFFFFFFC0] =	vst v3  }
0x27: {  	s29 =	sadd.s32 $0x40, s13;
	[tilespmem:s25+$0xFFFFFFE0] =	vst v2;
	v2 =	vor.u32 s28, v1  }
0x28: {  	s30 =	sadd.s32 $0x50, s13;
	[tilespmem:s25+$0xFFFFFFF0] =	vst v2;
	v2 =	vor.u32 s29, v1  }
0x29: {  	s31 =	sadd.s32 $0x60, s13;
	[tilespmem:s25+$0x0] =	vst v2;
	v2 =	vor.u32 s30, v1  }
0x2a: {  	[tilespmem:s25+$0x10] =	vst v2;
	v2 =	vor.u32 s31, v1  }
0x2b: {  	[tilespmem:s25+$0x20] =	vst v2  }
0x2c: {  	[spmem:s4] =	stream.linear.scatter [tilespmem:s8], [sflag:$0x1], $0xD00, $0x38;
	[tilespmem:$0x14E00] =	vst v63  }
0x2d: {  	_ =	swait.ge [sflag:s9], $0xD00  }
0x2e: {  	[sflag:s9] =	ssyncset.done $0x0  }
0x2f: {  	[sflag:s9] =	ssyncadd.s32 $0xFFFFF300  }
0x30: {  	[bflag:$0x0] =	sbarrier.arrive $0xFFFF  }
0x31: {  	[tilespmem:s3], [sflag:$0x1] =	stream.linear.gather [hbm4b:s5+s3], $0x6400, $0x38;
	[tilespmem:$0x14E00] =	vst v63  }
0x32: {  	_ =	swait.ge [sflag:s9], $0x6400  }
0x33: {  	[sflag:s9] =	ssyncset.done $0x0  }
0x34: {  	s13 =	simm.s32 $0x1C0;
	[sflag:s9] =	ssyncadd.s32 $0xFFFF9C00  }
.LBB2_6:
0x35: {  	s14 =	sshra.s32 s13, $0x2  }
0x36: {  	v2 =	vld [tilespmem:s14+$0xFFFFFF90];
	_ =	sdelay $0x4  }
0x37: {  	(xrf1) =	vunique.msk.u32 $0xffff, v2;
	_ =	sdelay $0xd  }
0x38: {  	_, v3, vm0 =	vpop (xrf1);
	_ =	sdelay $0x3  }
0x39: {  	v3 =	vcvt.s32.f32 v3  }
0x3a: {  	s12 =	simm.s32 $0x6400  }
0x3b: {  	[tilespmem:v2+s12+$0x0] =	vst.idx.add.f32.msk vm0, v3  }
0x3c: {  	v2 =	vld [tilespmem:s14+$0xFFFFFFA0];
	_ =	sdelay $0x4  }
0x3d: {  	(xrf1) =	vunique.msk.u32 $0xffff, v2;
	_ =	sdelay $0xd  }
0x3e: {  	_, v3, vm0 =	vpop (xrf1);
	_ =	sdelay $0x3  }
0x3f: {  	v3 =	vcvt.s32.f32 v3;
	_ =	sdelay $0x1  }
0x40: {  	[tilespmem:v2+s12+$0x0] =	vst.idx.add.f32.msk vm0, v3  }
0x41: {  	v2 =	vld [tilespmem:s14+$0xFFFFFFB0];
	_ =	sdelay $0x4  }
0x42: {  	(xrf1) =	vunique.msk.u32 $0xffff, v2;
	_ =	sdelay $0xd  }
0x43: {  	_, v3, vm0 =	vpop (xrf1);
	_ =	sdelay $0x3  }
0x44: {  	v3 =	vcvt.s32.f32 v3;
	_ =	sdelay $0x1  }
0x45: {  	[tilespmem:v2+s12+$0x0] =	vst.idx.add.f32.msk vm0, v3  }
0x46: {  	v2 =	vld [tilespmem:s14+$0xFFFFFFC0];
	_ =	sdelay $0x4  }
0x47: {  	(xrf1) =	vunique.msk.u32 $0xffff, v2;
	_ =	sdelay $0xd  }
0x48: {  	_, v3, vm0 =	vpop (xrf1);
	_ =	sdelay $0x3  }
0x49: {  	v3 =	vcvt.s32.f32 v3;
	_ =	sdelay $0x1  }
0x4a: {  	[tilespmem:v2+s12+$0x0] =	vst.idx.add.f32.msk vm0, v3  }
0x4b: {  	v2 =	vld [tilespmem:s14+$0xFFFFFFD0];
	_ =	sdelay $0x4  }
0x4c: {  	(xrf1) =	vunique.msk.u32 $0xffff, v2;
	_ =	sdelay $0xd  }
0x4d: {  	_, v3, vm0 =	vpop (xrf1);
	_ =	sdelay $0x3  }
0x4e: {  	v3 =	vcvt.s32.f32 v3;
	_ =	sdelay $0x1  }
0x4f: {  	[tilespmem:v2+s12+$0x0] =	vst.idx.add.f32.msk vm0, v3  }
0x50: {  	v2 =	vld [tilespmem:s14+$0xFFFFFFE0];
	_ =	sdelay $0x4  }
0x51: {  	(xrf1) =	vunique.msk.u32 $0xffff, v2;
	_ =	sdelay $0xd  }
0x52: {  	_, v3, vm0 =	vpop (xrf1);
	_ =	sdelay $0x3  }
0x53: {  	v3 =	vcvt.s32.f32 v3;
	_ =	sdelay $0x1  }
0x54: {  	[tilespmem:v2+s12+$0x0] =	vst.idx.add.f32.msk vm0, v3  }
0x55: {  	v2 =	vld [tilespmem:s14+$0xFFFFFFF0];
	_ =	sdelay $0x4  }
0x56: {  	(xrf1) =	vunique.msk.u32 $0xffff, v2;
	_ =	sdelay $0xd  }
0x57: {  	_, v3, vm0 =	vpop (xrf1);
	_ =	sdelay $0x3  }
0x58: {  	v3 =	vcvt.s32.f32 v3;
	_ =	sdelay $0x1  }
0x59: {  	[tilespmem:v2+s12+$0x0] =	vst.idx.add.f32.msk vm0, v3  }
0x5a: {  	v2 =	vld [tilespmem:s14+$0x0];
	_ =	sdelay $0x4  }
0x5b: {  	(xrf1) =	vunique.msk.u32 $0xffff, v2;
	_ =	sdelay $0xd  }
0x5c: {  	_, v3, vm0 =	vpop (xrf1)  }
0x5d: {  	p0 =	sne.s32 s13, $0x18FC0  }
.Ltmp2:
0x5e: {  	_ = 	snop;
	(pc) =	sbr.rel @p0 .LBB2_6-.Ltmp2, $3  }
0x5f: {  	_ = 	snop  }
0x60: {  	v3 =	vcvt.s32.f32 v3;
	_ =	sdelay $0x1  }
0x61: {  	s13 =	sadd.s32 $0x200, s13;
	[tilespmem:v2+s12+$0x0] =	vst.idx.add.f32.msk vm0, v3  }
0x62: {  	s13 =	simm.s32 $0x13400  }
0x63: {  	[spmem:s2] =	stream.indirect.scatter.add.f32 [tilespmem:s12], [sflag:$0x1], $0x10, s13, s10, $0xb8;
	[tilespmem:$0x14E00] =	vst v63  }
0x64: {  	s13 =	simm.s32 $0x200;
	_ =	swait.ge [sflag:s9], $0x800  }
.LBB2_8:
0x65: {  	s14 =	sshra.s32 s13, $0x2  }
0x66: {  	[sflag:s9] =	ssyncset.done $0x0;
	s12 =	sadd.s32 $0x800, s12;
	p0 =	sne.s32 s13, $0x3200  }
.Ltmp3:
0x67: {  	s14 =	sadd.s32 $0x13400, s14;
	[sflag:s9] =	ssyncadd.s32 $0xFFFFF800;
	(pc) =	sbr.rel @p0 .LBB2_8-.Ltmp3, $3  }
0x68: {  	[spmem:s2] =	stream.indirect.scatter.add.f32 [tilespmem:s12], [sflag:$0x1], $0x10, s14, s10, $0xb8;
	[tilespmem:$0x14E00] =	vst v63  }
0x69: {  	s13 =	sadd.s32 $0x200, s13;
	_ =	sdelay $0x1  }
0x6a: {  	_ =	swait.ge [sflag:s9], $0x800  }
0x6b: {  	[sflag:s9] =	ssyncset.done $0x0;
	s12 =	sshll.u32 s0, $0x6;
	s11 =	sadd.s32 $0x1, s11  }
0x6c: {  	s13 =	sshrl.u32 s4, $0x3;
	[sflag:s9] =	ssyncadd.s32 $0xFFFFF800;
	p0 =	sne.s32 s11, s7  }
.Ltmp4:
0x6d: {  	s12 =	sor.u32 $0x1C01, s12;
	[bflag:$0x0] =	sbarrier.arrive $0xFFFF;
	(pc) =	sbr.rel @p0 .LBB2_1-.Ltmp4, $4  }
0x6e: {  	[hbm:s6], [sflag:s12] =	dma.local [spmem:s13], $0x1A0  }
0x6f: {  	_ =	swait.ge [sflag:s9], $0x1A0  }
0x70: {  	[sflag:s9] =	ssyncset.done $0x0  }
0x71: {  	[sflag:s9] =	ssyncadd.s32 $0xFFFFFE60  }
0x72: {  	_ =	sfence.sel $0x180000  }
0x73: {  	[bflag:$0x0] =	sbarrier.arrive $0xFFFF  }
0x74: {  	p0 =	sne.s32 s0, $0x0;
	_ =	strace $0x90000047  }
0x75: {  	s0 =	sadd.s32 @!p0 $0x100000, s1;
	[bflag:$0x2] =	sbarrier.arrive $0xFFFF  }
0x76: {  	[sflag:s0] =	ssyncadd.tile.s32 @!p0 $0x1;
	_ =	shalt  }
.Lfunc_end2:
_tile_overlayer_lowered:
.L_overlay_start_2:
0x77: {  	(tag) =	ssettag $0x2  }
0x78: {  	s0 =	rddreg [dreg:$0x0];
	s2 =	stileid.u32  }
0x79: {  	s1 =	rddreg [dreg:$0x1];
	p0 =	sne.s32 s2, $0x0  }
0x7a: {  	s3 =	rddreg [dreg:$0x2];
	[bflag:$0x3] =	sbarrier.arrive $0xFFFF;
	s2 =	simm.s32 @!p0 $0x1C01  }
0x7b: {  	[timem:s3], [sflag:s2] =	dma.local @!p0 [hbm:s0], s1  }
0x7c: {  	s0 =	simm.s32 @!p0 $0x1  }
0x7d: {  	_ =	swait.ge @!p0 [sflag:s0], s1  }
0x7e: {  	s1 =	ssub.s32 @!p0 $0x0, s1;
	[sflag:s0] =	ssyncset.done @!p0 $0x0  }
0x7f: {  	[sflag:s0] =	ssyncadd.s32 @!p0 s1  }
0x80: {  	[bflag:$0x3] =	sbarrier.arrive $0xFFFF  }
0x81: {  	_ =	shalt  }

// kernel: kernel.13.cloned.1.call-start
scs
__scs_entry_jumppad:
0x0: {  	(pc) =	sbr.rel $0x88, $3  }
0x1: {  	(tag) =	ssettag $0x0;
	lr =	simm.s32 $0x1  }
0x2: {  	[smem:$0x3F98] =	sst lr;
	_ =	strace $0xD0000000  }
0x3: {  	_ = 	snop  }
0x4: {  	_ = 	snop  }
0x5: {  	_ = 	snop  }
0x6: {  	_ = 	snop  }
0x7: {  	_ = 	snop  }
__scs_overlays_trampoline_lowered:
0x8: {  	[smem:$0x3FA7] =	sst s0  }
0x9: {  	[smem:$0x3FA8] =	sst s1  }
0xa: {  	[smem:$0x3FA9] =	sst s2  }
0xb: {  	[smem:$0x3FAA] =	sst s3  }
0xc: {  	[smem:$0x3FAB] =	sst s4  }
0xd: {  	[smem:$0x3FAC] =	sst s5  }
0xe: {  	[smem:$0x3FAD] =	sst s6  }
0xf: {  	[smem:$0x3FAE] =	sst s7  }
0x10: {  	[smem:$0x3FAF] =	sst s8  }
0x11: {  	[smem:$0x3FB0] =	sst s9;
	s0 =	simm.s32 @!p0 $0x0  }
0x12: {  	s1 =	sld [smem:$0x3F96];
	s0 =	simm.s32 @p0 $0x1  }
0x13: {  	[smem:$0x3FB1] =	sst s0;
	s0 =	simm.s32 @!p1 $0x0  }
0x14: {  	s2 =	sld [smem:$0x3F95];
	s0 =	simm.s32 @p1 $0x1  }
0x15: {  	[smem:$0x3FB2] =	sst s0;
	s0 =	simm.s32 @!p2 $0x0  }
0x16: {  	s3 =	sld [smem:$0x3FDB];
	s0 =	simm.s32 @p2 $0x1  }
0x17: {  	s4 =	simm.s32 $0x1BF5;
	[smem:$0x3FB4] =	sst s0  }
0x18: {  	s0 =	sld [smem:$0x3F97];
	_ =	swait.ge [sflag:s4], $0x0  }
0x19: {  	s7 =	sld [smem:$0x3F98]  }
0x1a: {  	s8 =	sadd.s32 $0xFFFFE003, lr  }
0x1b: {  	s9 =	sadd.s32 $0xFFFFFEF7, lr;
	s5 =	simm.s32 $0xFFFFFFFF;
	p2 =	slt.u32 s8, $0xFFFFF086  }
0x1c: {  	p1 =	slt.u32 s9, $0xF7A;
	s5 =	simm.s32 @!p2 $0x0  }
0x1d: {  	s5 =	simm.s32 @p1 $0x1;
	p0 =	seq.s32 s7, s2  }
0x1e: {  	s7 =	smul.u32 @!p0 $0xF7A, s2;
	p2 =	seq.s32 @!p0 s5, $0x0  }
0x1f: {  	s9 =	smul.u32 $0xF7A, s1;
	s8 =	simm.s32 @!p0 $0x1BF5;
	p2 =	por !p2, p0  }
0x20: {  	[sflag:s8] =	ssyncset.s32 @!p0 $0xFFFFF086;
	s6 =	sadd.s32 @!p0 s3, s7;
	s7 =	simm.s32 @!p0 $0x108  }
0x21: {  	s3 =	sadd.s32 s3, s9;
	s6 =	sadd.s32 @!p0 $0x88, s6;
	s7 =	simm.s32 @p2 $0x1082  }
0x22: {  	[simem:s7], [sflag:s8] =	dma.local @!p0 [hbm:s6], $0xF7A  }
0x23: {  	s9 =	sor.u32 $0xD0000000, s2;
	s6 =	simm.s32 $0x108;
	_ =	swait.ge @!p0 [sflag:s8], $0x0  }
0x24: {  	s3 =	sadd.s32 $0x88, s3;
	s6 =	simm.s32 @!p1 $0x1082;
	[sflag:s4] =	ssyncset.s32 $0xFFFFF086  }
0x25: {  	[simem:s6], [sflag:s4] =	dma.local [hbm:s3], $0xF7A  }
0x26: {  	[smem:$0x3F98] =	sst s1;
	(tag) =	ssettag s2;
	_ =	strace s9  }
0x27: {  	s1 =	sld [smem:$0x3FA8]  }
0x28: {  	s2 =	sld [smem:$0x3FA9]  }
0x29: {  	s4 =	sld [smem:$0x3FAB]  }
0x2a: {  	p0 =	seq.s32 s5, $0x0;
	s5 =	sld [smem:$0x3FAC]  }
0x2b: {  	s6 =	sld [smem:$0x3FAD]  }
0x2c: {  	s7 =	sld [smem:$0x3FAE]  }
0x2d: {  	s3 =	simm.s32 $0x108;
	s8 =	sld [smem:$0x3FAF]  }
0x2e: {  	s3 =	simm.s32 @!p0 $0x1082;
	s9 =	sld [smem:$0x3FB0]  }
0x2f: {  	lr =	sadd.s32 s0, s3;
	s0 =	sld [smem:$0x3FA7]  }
0x30: {  	s3 =	sld [smem:$0x3FAA]  }
0x31: {  	[smem:$0x3FB3] =	sst s10  }
0x32: {  	s10 =	sld [smem:$0x3FB1];
	_ =	sdelay $0x3  }
0x33: {  	p0 =	seq.s32 s10, $0x1;
	s10 =	sld [smem:$0x3FB3];
	_ =	sdelay $0x3  }
0x34: {  	[smem:$0x3FB3] =	sst s10  }
0x35: {  	s10 =	sld [smem:$0x3FB2];
	_ =	sdelay $0x3  }
0x36: {  	p1 =	seq.s32 s10, $0x1;
	s10 =	sld [smem:$0x3FB3];
	_ =	sdelay $0x3  }
0x37: {  	[smem:$0x3FB3] =	sst s10  }
0x38: {  	s10 =	sld [smem:$0x3FB4]  }
0x39: {  	_ = 	snop;
	(pc) =	sbr.ind lr, $3  }
0x3a: {  	_ = 	snop  }
0x3b: {  	_ = 	snop  }
0x3c: {  	p2 =	seq.s32 s10, $0x1;
	s10 =	sld [smem:$0x3FB3]  }
0x3d: {  	_ =	shalt  }
0x3e: {  	_ =	shalt  }
0x3f: {  	_ =	shalt  }
0x40: {  	_ =	shalt  }
0x41: {  	_ =	shalt  }
0x42: {  	_ =	shalt  }
0x43: {  	_ =	shalt  }
0x44: {  	_ =	shalt  }
0x45: {  	_ =	shalt  }
0x46: {  	_ =	shalt  }
0x47: {  	_ =	shalt  }
0x48: {  	_ =	shalt  }
0x49: {  	_ =	shalt  }
0x4a: {  	_ =	shalt  }
0x4b: {  	_ =	shalt  }
0x4c: {  	_ =	shalt  }
0x4d: {  	_ =	shalt  }
0x4e: {  	_ =	shalt  }
0x4f: {  	_ =	shalt  }
0x50: {  	_ =	shalt  }
0x51: {  	_ =	shalt  }
0x52: {  	_ =	shalt  }
0x53: {  	_ =	shalt  }
0x54: {  	_ =	shalt  }
0x55: {  	_ =	shalt  }
0x56: {  	_ =	shalt  }
0x57: {  	_ =	shalt  }
0x58: {  	_ =	shalt  }
0x59: {  	_ =	shalt  }
0x5a: {  	_ =	shalt  }
0x5b: {  	_ =	shalt  }
0x5c: {  	_ =	shalt  }
0x5d: {  	_ =	shalt  }
0x5e: {  	_ =	shalt  }
0x5f: {  	_ =	shalt  }
0x60: {  	_ =	shalt  }
0x61: {  	_ =	shalt  }
0x62: {  	_ =	shalt  }
0x63: {  	_ =	shalt  }
0x64: {  	_ =	shalt  }
0x65: {  	_ =	shalt  }
0x66: {  	_ =	shalt  }
0x67: {  	_ =	shalt  }
0x68: {  	_ =	shalt  }
0x69: {  	_ =	shalt  }
0x6a: {  	_ =	shalt  }
0x6b: {  	_ =	shalt  }
0x6c: {  	_ =	shalt  }
0x6d: {  	_ =	shalt  }
0x6e: {  	_ =	shalt  }
0x6f: {  	_ =	shalt  }
0x70: {  	_ =	shalt  }
0x71: {  	_ =	shalt  }
0x72: {  	_ =	shalt  }
0x73: {  	_ =	shalt  }
0x74: {  	_ =	shalt  }
0x75: {  	_ =	shalt  }
0x76: {  	_ =	shalt  }
0x77: {  	_ =	shalt  }
0x78: {  	_ =	shalt  }
0x79: {  	_ =	shalt  }
0x7a: {  	_ =	shalt  }
0x7b: {  	_ =	shalt  }
0x7c: {  	_ =	shalt  }
0x7d: {  	_ =	shalt  }
0x7e: {  	_ =	shalt  }
0x7f: {  	_ =	shalt  }
0x80: {  	_ =	shalt  }
0x81: {  	_ =	shalt  }
0x82: {  	_ =	shalt  }
0x83: {  	_ =	shalt  }
0x84: {  	_ =	shalt  }
0x85: {  	_ =	shalt  }
0x86: {  	_ =	shalt  }
0x87: {  	_ =	shalt  }
.Lfunc_end0:
.L_simem_size_0:
called_computation.1_lowered:
.L_overlay_start_0:
0x88: {  	s2 =	sld [smem:$0x3FD9]  }
0x89: {  	s3 =	sld [smem:$0x3FFE];
	_ =	sdelay $0x1  }
0x8a: {  	s1 =	srdreg.scid  }
0x8b: {  	s0 =	sand.u32 $0x1, s1  }
0x8c: {  	s16 =	sshll.u32 s0, $0xA;
	s2 =	sadd.s32 s3, s2  }
0x8d: {  	s2 =	sadd.s32 s2, s16  }
0x8e: {  	[smem:$0x3FBF] =	sst s2  }
0x8f: {  	_ = 	snop  }
0x90: {  	(tm) =	ssettm $0x1  }
0x91: {  	s17 =	sld [smem:$0x3FFB];
	_ =	sdelay $0x3  }
0x92: {  	_ =	strace s17  }
0x93: {  	s2 =	sld [smem:$0x3FFC];
	_ =	sdelay $0x3  }
0x94: {  	_ =	strace s2  }
0x95: {  	s2 =	sld [smem:$0x3FFD];
	_ =	sdelay $0x3  }
0x96: {  	_ =	strace s2  }
0x97: {  	_ =	strace $0x8FFFFFFF  }
0x98: {  	s18 =	sld [smem:$0x3FDB];
	_ =	sdelay $0x1  }
0x99: {  	s19 =	simm.s32 $_scs_section_size  }
0x9a: {  	s4 =	simm.s32 $_size__tile_overlayer_lowered;
	s5 =	simm.s32 $_tile_overlayer_lowered  }
0x9b: {  	s22 =	simm.s32 $0x1BFF;
	s21 =	sshll.u32 s5, $0x1;
	s2 =	sadd.s32 s19, s18  }
0x9c: {  	s6 =	simm.s32 $0x0;
	s20 =	sshll.u32 s4, $0x1;
	s4 =	sadd.s32 s21, s2  }
0x9d: {  	[timem:s6], [sflag:s22] =	dma.local [hbm:s4], s20  }
0x9e: {  	_ =	swait.ge [sflag:s22], s20  }
0x9f: {  	s3 =	ssub.s32 $0x0, s20;
	[sflag:s22] =	ssyncset.done $0x0  }
0xa0: {  	[sflag:s22] =	ssyncadd.s32 s3;
	_ =	sdelay $0x1  }
0xa1: {  	s23 =	simm.s32 $0x1B8B  }
0xa2: {  	_ =	swait.ge [sflag:s23], $0x1  }
0xa3: {  	[sflag:s23] =	ssyncset.done $0x0  }
0xa4: {  	s25 =	simm.s32 $0x1B8E;
	s24 =	sld [smem:$0x3FFE];
	[sflag:s23] =	ssyncadd.s32 $0xFFFFFFFF  }
0xa5: {  	s26 =	simm.s32 $execute0_lowered;
	[smem:$0x3FD2] =	sst s25  }
0xa6: {  	s4 =	sshll.u32 s26, $0x1;
	_ =	strace $0x80000049;
	[dreg:$0x1] =	wrdreg $0xFFFFFFFF  }
0xa7: {  	s28 =	simm.s32 $_size_execute0_lowered;
	s2 =	sadd.s32 s2, s4;
	[dreg:$0x0] =	wrdreg $0x0  }
0xa8: {  	s4 =	sshll.u32 s28, $0x1;
	[dreg:$0x2] =	wrdreg s2  }
0xa9: {  	[dreg:$0x3] =	wrdreg s4  }
0xaa: {  	[dreg:$0x4] =	wrdreg $0xC0  }
0xab: {  	_ =	task [dreg:s6], $0x5FFFF  }
0xac: {  	[dreg:$0x1] =	wrdreg $0xFFFFFFFF  }
0xad: {  	[dreg:$0x0] =	wrdreg $0x60  }
0xae: {  	[dreg:$0x2] =	wrdreg s24  }
0xaf: {  	[dreg:$0x3] =	wrdreg $0x54000  }
0xb0: {  	[dreg:$0x4] =	wrdreg $0x9  }
0xb1: {  	_ =	task.clear_ibuf [dreg:s6], $0x5FFFF;
	_ =	strace $0x90000049  }
0xb2: {  	s29 =	simm.s32 $0x9;
	_ =	strace $0x8000004B  }
0xb3: {  	_ =	swait.ge [sflag:s29], $0x1  }
0xb4: {  	[sflag:s29] =	ssyncadd.s32 $0xFFFFFFFF  }
0xb5: {  	_ =	strace $0x9000004B  }
0xb6: {  	_ =	sfence  }
0xb7: {  	s30 =	sld [smem:$0x0];
	_ =	sdelay $0x2  }
0xb8: {  	s31 =	sshll.u32 s1, $0xD;
	s1 =	sshrl.u32 s1, $0x2  }
0xb9: {  	s3 =	sand.u32 $0x4000, s31;
	s1 =	sadd.s32 s1, s30  }
0xba: {  	s0 =	sor.u32 s3, s0;
	s1 =	sshll.u32 s1, $0x11  }
0xbb: {  	s0 =	sor.u32 s1, s0  }
0xbc: {  	s0 =	sadd.s32 $0x8F2B, s0  }
0xbd: {  	[sflag:s0] =	ssyncadd.remote.s32 $0x1  }
0xbe: {  	_ =	sfence.sel $0xFFFF  }
0xbf: {  	[dreg:$0x0] =	wrdreg $0xFFFFFFFF;
	(pc) =	sbr.abs _section_cstart, $3  }
0xc0: {  	[dreg:$0x1] =	wrdreg $0xFFFFFFFF  }
0xc1: {  	_ =	task.clear_ibuf [dreg:s6], $0x2FFFF;
	_ =	strace $0x9FFFFFFF  }
0xc2: {  	(tm) =	ssettm $0x7FFFFFFF  }
0xc3: {  	_ =	shalt  }
tec
execute0_lowered:
.L_overlay_start_1:
0x0: {  	(tag) =	ssettag $0x1  }
0x1: {  	s0 =	rddreg [dreg:$0x0]  }
0x2: {  	s2 =	rddreg [dreg:$0x1];
	s3 =	simm.s32 $0x0  }
0x3: {  	s8 =	stileid.u32;
	s11 =	simm.s32 $0x100;
	[smem:$0x7FF] =	sst s3  }
0x4: {  	s12 =	simm.s32 $0x180;
	_ =	strace $0x8000004A;
	[dreg:$0x5] =	wrdreg s11  }
0x5: {  	s4 =	srdreg.scid;
	s13 =	simm.s32 $0x200;
	[dreg:$0x6] =	wrdreg s12  }
0x6: {  	s14 =	simm.s32 $0xA80;
	s15 =	simm.s32 $0x280;
	[dreg:$0x7] =	wrdreg s13  }
0x7: {  	s16 =	simm.s32 $0xB00;
	s18 =	simm.s32 $0x300;
	[dreg:$0x8] =	wrdreg s14  }
0x8: {  	s19 =	simm.s32 $0xB80;
	s20 =	simm.s32 $0x380;
	[dreg:$0x9] =	wrdreg s15  }
0x9: {  	s22 =	simm.s32 $0xC00;
	s23 =	simm.s32 $0x400;
	[dreg:$0xa] =	wrdreg s16  }
0xa: {  	s24 =	simm.s32 $0xC80;
	s25 =	simm.s32 $0x480;
	[dreg:$0xb] =	wrdreg s18  }
0xb: {  	s9 =	simm.s32 $0x5;
	s28 =	simm.s32 $0x1180;
	[dreg:$0xc] =	wrdreg s19  }
0xc: {  	s29 =	simm.s32 $0x980;
	s1 =	smul.u32 $0x1900, s8;
	[dreg:$0xd] =	wrdreg s20  }
0xd: {  	s30 =	simm.s32 $0x1200;
	s10 =	smul.u32 $0x1A000, s8;
	[dreg:$0xe] =	wrdreg s22  }
0xe: {  	s4 =	sand.u32 $0x1, s4;
	s8 =	smul.u32 $0x68000, s8;
	[dreg:$0xf] =	wrdreg s23  }
0xf: {  	s31 =	simm.s32 $0x1280;
	s5 =	smul.u32 $0x34000, s4;
	[dreg:$0x10] =	wrdreg s24  }
0x10: {  	s7 =	smul.u32 $0x1A0000, s4;
	s4 =	ssub.s32 $0x2, s4;
	[dreg:$0x11] =	wrdreg s25  }
0x11: {  	s14 =	simm.s32 $0xD00;
	s16 =	simm.s32 $0x500;
	s18 =	simm.s32 $0x580  }
0x12: {  	s19 =	simm.s32 $0xE00;
	s11 =	simm.s32 $0x80;
	[dreg:$0x12] =	wrdreg s14  }
0x13: {  	s20 =	simm.s32 $0x600;
	s12 =	simm.s32 $0x2400;
	[dreg:$0x13] =	wrdreg s16  }
0x14: {  	s13 =	simm.s32 $0x3400;
	s22 =	simm.s32 $0x680;
	[dreg:$0x15] =	wrdreg s18  }
0x15: {  	s23 =	simm.s32 $0xF00;
	s24 =	simm.s32 $0x700;
	[dreg:$0x16] =	wrdreg s19  }
0x16: {  	s25 =	simm.s32 $0xF80;
	s1 =	sadd.s32 s1, s0;
	[dreg:$0x17] =	wrdreg s20  }
0x17: {  	s17 =	sshrl.u32 s4, $0x1;
	s21 =	sshrl.u32 s8, $0x2;
	[dreg:$0x19] =	wrdreg s22  }
0x18: {  	s26 =	sadd.s32 s10, s2;
	s8 =	simm.s32 $0x1400;
	[dreg:$0x1a] =	wrdreg s23  }
0x19: {  	s14 =	simm.s32 $0x1;
	s16 =	simm.s32 $0x2;
	[dreg:$0x1b] =	wrdreg s24  }
0x1a: {  	s18 =	simm.s32 $0x4;
	[dreg:$0x1c] =	wrdreg s25;
	s19 =	simm.s32 $0x780  }
0x1b: {  	s20 =	simm.s32 $0x1000;
	s22 =	simm.s32 $0x1080;
	s23 =	simm.s32 $0x880  }
0x1c: {  	s24 =	simm.s32 $0x1100;
	s6 =	sadd.s32 $0x1A00, s1;
	s1 =	sadd.s32 $0x1DE00, s1  }
0x1d: {  	s5 =	sadd.s32 s5, s0;
	s7 =	sadd.s32 s10, s7;
	[dreg:$0x3] =	wrdreg s6  }
0x1e: {  	s10 =	simm.s32 $0xA00;
	s26 =	sshrl.u32 s26, $0x3;
	[dreg:$0x4] =	wrdreg s1  }
0x1f: {  	s7 =	sshrl.u32 s7, $0x3;
	s5 =	sadd.s32 $0x36E00, s5;
	[dreg:$0x1f] =	wrdreg s26  }
0x20: {  	s26 =	simm.s32 $0x900;
	s1 =	simm.s32 $0x1300;
	s0 =	sadd.s32 s7, s0  }
0x21: {  	s7 =	ssub.s32 s4, s17;
	s4 =	sadd.s32 s21, s2;
	s17 =	simm.s32 $0xD80  }
0x22: {  	s21 =	simm.s32 $0xE80;
	s0 =	sadd.s32 $0x9EE00, s0;
	[dreg:$0x14] =	wrdreg s17  }
0x23: {  	s15 =	smax.u32 s7, $0x1;
	[dreg:$0x18] =	wrdreg s21;
	s17 =	simm.s32 $0x3  }
0x24: {  	s21 =	simm.s32 $0x800;
	s7 =	simm.s32 $0x0;
	[dreg:$0x1d] =	wrdreg s0  }
0x25: {  	v0 =	vimm.f32 $0.0e+00;
	[dreg:$0x1e] =	wrdreg s15;
	s15 =	simm.s32 $0x4400;
	s0 =	simm.s32 $0x1380  }
.LBB2_1:
0x26: {  	[smem:$0x7FD] =	sst s7;
	s6 =	simm.s32 $0x0  }
.LBB2_2:
0x27: {  	p0 =	sne.s32 s6, $0x3F80  }
.Ltmp0:
0x28: {  	_ = 	snop;
	(pc) =	sbr.rel @p0 .LBB2_2-.Ltmp0, $4  }
0x29: {  	_ = 	snop  }
0x2a: {  	s7 =	sshra.s32 s6, $0x2  }
0x2b: {  	[tilespmem:s7+$0x1400] =	vst v0  }
0x2c: {  	s6 =	sadd.s32 $0x80, s6;
	[tilespmem:s7+$0x1410] =	vst v0  }
0x2d: {  	s6 =	sadd.s32 $0x0, s4  }
0x2e: {  	[spmem:s6] =	stream.linear.scatter [tilespmem:s8], [sflag:$0x5], $0x1000, $0x38;
	[tilespmem:$0x1F400] =	vst v63  }
0x2f: {  	s7 =	simm.s32 $0x4000;
	_ =	swait.ge [sflag:s9], $0x1000  }
.LBB2_4:
0x30: {  	s6 =	sshra.s32 s7, $0x2;
	[sflag:s9] =	ssyncset.done $0x0;
	p0 =	sne.s32 s7, $0x64000  }
.Ltmp1:
0x31: {  	s6 =	sadd.s32 s6, s4;
	[sflag:s9] =	ssyncadd.s32 $0xFFFFF000;
	(pc) =	sbr.rel @p0 .LBB2_4-.Ltmp1, $3  }
0x32: {  	[spmem:s6] =	stream.linear.scatter [tilespmem:s8], [sflag:$0x5], $0x1000, $0x38;
	[tilespmem:$0x1F400] =	vst v63  }
0x33: {  	s7 =	sadd.s32 $0x4000, s7;
	_ =	sdelay $0x1  }
0x34: {  	_ =	swait.ge [sflag:s9], $0x1000  }
0x35: {  	[sflag:s9] =	ssyncset.done $0x0  }
0x36: {  	[sflag:s9] =	ssyncadd.s32 $0xFFFFF000  }
0x37: {  	[bflag:$0x0] =	sbarrier.arrive $0xFFFF  }
0x38: {  	s6 =	rddreg [dreg:$0x4]  }
0x39: {  	s6 =	sadd.s32 $0x0, s6  }
0x3a: {  	[tilespmem:s3], [sflag:$0x5] =	stream.linear.gather [hbm4b:s6+s3], $0xA00, $0x38;
	[tilespmem:$0x1F400] =	vst v63  }
0x3b: {  	_ =	swait.ge [sflag:s9], $0xA00  }
0x3c: {  	s7 =	rddreg [dreg:$0x3];
	[sflag:s9] =	ssyncset.done $0x0  }
0x3d: {  	[sflag:s9] =	ssyncadd.s32 $0xFFFFF600;
	s6 =	sadd.s32 $0x0, s7  }
0x3e: {  	[tilespmem:s10], [sflag:$0x5] =	stream.linear.gather [hbm4b:s6+s3], $0xA00, $0x38;
	[tilespmem:$0x1F400] =	vst v63  }
0x3f: {  	_ =	swait.ge [sflag:s9], $0xA00  }
0x40: {  	[sflag:s9] =	ssyncset.done $0x0  }
0x41: {  	[sflag:s9] =	ssyncadd.s32 $0xFFFFF600  }
0x42: {  	[tilespmem:s8], [sflag:$0x1] =	stream.indirect.gather [hbm4b:s5+s11], $0x20, s3, s11, $0xb8;
	[tilespmem:$0x1F400] =	vst v63  }
0x43: {  	_ = 	snop  }
0x44: {  	[tilespmem:s12], [sflag:$0x2] =	stream.indirect.gather [hbm4b:s5+s11], $0x20, s11, s11, $0xb8;
	[tilespmem:$0x1F400] =	vst v63  }
0x45: {  	s25 =	rddreg [dreg:$0x5]  }
0x46: {  	[tilespmem:s13], [sflag:$0x3] =	stream.indirect.gather [hbm4b:s5+s11], $0x20, s25, s11, $0xb8;
	[tilespmem:$0x1F400] =	vst v63  }
0x47: {  	_ =	swait.ge [sflag:s14], $0x1000  }
0x48: {  	[sflag:s14] =	ssyncset.done $0x0  }
0x49: {  	s7 =	rddreg [dreg:$0x6];
	[sflag:s14] =	ssyncadd.s32 $0xFFFFF000  }
0x4a: {  	[tilespmem:s15], [sflag:$0x4] =	stream.indirect.gather [hbm4b:s5+s11], $0x20, s7, s11, $0xb8;
	[tilespmem:$0x1F400] =	vst v63  }
0x4b: {  	_ = 	snop  }
0x4c: {  	[spmem:s2] =	stream.indirect.scatter.add.f32 [tilespmem:s8], [sflag:$0x5], $0x20, s10, s11, $0xb8;
	[tilespmem:$0x1F400] =	vst v63  }
0x4d: {  	_ =	swait.ge [sflag:s9], $0x1000  }
0x4e: {  	[sflag:s9] =	ssyncset.done $0x0  }
0x4f: {  	[sflag:s9] =	ssyncadd.s32 $0xFFFFF000  }
0x50: {  	_ =	swait.ge [sflag:s16], $0x1000  }
0x51: {  	[sflag:s16] =	ssyncset.done $0x0  }
0x52: {  	s25 =	rddreg [dreg:$0x7];
	[sflag:s16] =	ssyncadd.s32 $0xFFFFF000  }
0x53: {  	[tilespmem:s8], [sflag:$0x1] =	stream.indirect.gather [hbm4b:s5+s11], $0x20, s25, s11, $0xb8;
	[tilespmem:$0x1F400] =	vst v63  }
0x54: {  	s7 =	rddreg [dreg:$0x8]  }
0x55: {  	[spmem:s2] =	stream.indirect.scatter.add.f32 [tilespmem:s12], [sflag:$0x5], $0x20, s7, s11, $0xb8;
	[tilespmem:$0x1F400] =	vst v63  }
0x56: {  	_ =	swait.ge [sflag:s9], $0x1000  }
0x57: {  	[sflag:s9] =	ssyncset.done $0x0  }
0x58: {  	[sflag:s9] =	ssyncadd.s32 $0xFFFFF000  }
0x59: {  	_ =	swait.ge [sflag:s17], $0x1000  }
0x5a: {  	[sflag:s17] =	ssyncset.done $0x0  }
0x5b: {  	s7 =	rddreg [dreg:$0x9];
	[sflag:s17] =	ssyncadd.s32 $0xFFFFF000  }
0x5c: {  	[tilespmem:s12], [sflag:$0x2] =	stream.indirect.gather [hbm4b:s5+s11], $0x20, s7, s11, $0xb8;
	[tilespmem:$0x1F400] =	vst v63  }
0x5d: {  	s25 =	rddreg [dreg:$0xa]  }
0x5e: {  	[spmem:s2] =	stream.indirect.scatter.add.f32 [tilespmem:s13], [sflag:$0x5], $0x20, s25, s11, $0xb8;
	[tilespmem:$0x1F400] =	vst v63  }
0x5f: {  	_ =	swait.ge [sflag:s9], $0x1000  }
0x60: {  	[sflag:s9] =	ssyncset.done $0x0  }
0x61: {  	[sflag:s9] =	ssyncadd.s32 $0xFFFFF000  }
0x62: {  	_ =	swait.ge [sflag:s18], $0x1000  }
0x63: {  	[sflag:s18] =	ssyncset.done $0x0  }
0x64: {  	s7 =	rddreg [dreg:$0xb];
	[sflag:s18] =	ssyncadd.s32 $0xFFFFF000  }
0x65: {  	[tilespmem:s13], [sflag:$0x3] =	stream.indirect.gather [hbm4b:s5+s11], $0x20, s7, s11, $0xb8;
	[tilespmem:$0x1F400] =	vst v63  }
0x66: {  	s25 =	rddreg [dreg:$0xc]  }
0x67: {  	[spmem:s2] =	stream.indirect.scatter.add.f32 [tilespmem:s15], [sflag:$0x5], $0x20, s25, s11, $0xb8;
	[tilespmem:$0x1F400] =	vst v63  }
0x68: {  	_ =	swait.ge [sflag:s9], $0x1000  }
0x69: {  	[sflag:s9] =	ssyncset.done $0x0  }
0x6a: {  	[sflag:s9] =	ssyncadd.s32 $0xFFFFF000  }
0x6b: {  	_ =	swait.ge [sflag:s14], $0x1000  }
0x6c: {  	[sflag:s14] =	ssyncset.done $0x0  }
0x6d: {  	s7 =	rddreg [dreg:$0xd];
	[sflag:s14] =	ssyncadd.s32 $0xFFFFF000  }
0x6e: {  	[tilespmem:s15], [sflag:$0x4] =	stream.indirect.gather [hbm4b:s5+s11], $0x20, s7, s11, $0xb8;
	[tilespmem:$0x1F400] =	vst v63  }
0x6f: {  	s25 =	rddreg [dreg:$0xe]  }
0x70: {  	[spmem:s2] =	stream.indirect.scatter.add.f32 [tilespmem:s8], [sflag:$0x5], $0x20, s25, s11, $0xb8;
	[tilespmem:$0x1F400] =	vst v63  }
0x71: {  	_ =	swait.ge [sflag:s9], $0x1000  }
0x72: {  	[sflag:s9] =	ssyncset.done $0x0  }
0x73: {  	[sflag:s9] =	ssyncadd.s32 $0xFFFFF000  }
0x74: {  	_ =	swait.ge [sflag:s16], $0x1000  }
0x75: {  	[sflag:s16] =	ssyncset.done $0x0  }
0x76: {  	s7 =	rddreg [dreg:$0xf];
	[sflag:s16] =	ssyncadd.s32 $0xFFFFF000  }
0x77: {  	[tilespmem:s8], [sflag:$0x1] =	stream.indirect.gather [hbm4b:s5+s11], $0x20, s7, s11, $0xb8;
	[tilespmem:$0x1F400] =	vst v63  }
0x78: {  	s25 =	rddreg [dreg:$0x10]  }
0x79: {  	[spmem:s2] =	stream.indirect.scatter.add.f32 [tilespmem:s12], [sflag:$0x5], $0x20, s25, s11, $0xb8;
	[tilespmem:$0x1F400] =	vst v63  }
0x7a: {  	_ =	swait.ge [sflag:s9], $0x1000  }
0x7b: {  	[sflag:s9] =	ssyncset.done $0x0  }
0x7c: {  	[sflag:s9] =	ssyncadd.s32 $0xFFFFF000  }
0x7d: {  	_ =	swait.ge [sflag:s17], $0x1000  }
0x7e: {  	[sflag:s17] =	ssyncset.done $0x0  }
0x7f: {  	s7 =	rddreg [dreg:$0x11];
	[sflag:s17] =	ssyncadd.s32 $0xFFFFF000  }
0x80: {  	[tilespmem:s12], [sflag:$0x2] =	stream.indirect.gather [hbm4b:s5+s11], $0x20, s7, s11, $0xb8;
	[tilespmem:$0x1F400] =	vst v63  }
0x81: {  	s25 =	rddreg [dreg:$0x12]  }
0x82: {  	[spmem:s2] =	stream.indirect.scatter.add.f32 [tilespmem:s13], [sflag:$0x5], $0x20, s25, s11, $0xb8;
	[tilespmem:$0x1F400] =	vst v63  }
0x83: {  	_ =	swait.ge [sflag:s9], $0x1000  }
0x84: {  	[sflag:s9] =	ssyncset.done $0x0  }
0x85: {  	[sflag:s9] =	ssyncadd.s32 $0xFFFFF000  }
0x86: {  	_ =	swait.ge [sflag:s18], $0x1000  }
0x87: {  	[sflag:s18] =	ssyncset.done $0x0  }
0x88: {  	s7 =	rddreg [dreg:$0x13];
	[sflag:s18] =	ssyncadd.s32 $0xFFFFF000  }
0x89: {  	[tilespmem:s13], [sflag:$0x3] =	stream.indirect.gather [hbm4b:s5+s11], $0x20, s7, s11, $0xb8;
	[tilespmem:$0x1F400] =	vst v63  }
0x8a: {  	s25 =	rddreg [dreg:$0x14]  }
0x8b: {  	[spmem:s2] =	stream.indirect.scatter.add.f32 [tilespmem:s15], [sflag:$0x5], $0x20, s25, s11, $0xb8;
	[tilespmem:$0x1F400] =	vst v63  }
0x8c: {  	_ =	swait.ge [sflag:s9], $0x1000  }
0x8d: {  	[sflag:s9] =	ssyncset.done $0x0  }
0x8e: {  	[sflag:s9] =	ssyncadd.s32 $0xFFFFF000  }
0x8f: {  	_ =	swait.ge [sflag:s14], $0x1000  }
0x90: {  	[sflag:s14] =	ssyncset.done $0x0  }
0x91: {  	s7 =	rddreg [dreg:$0x15];
	[sflag:s14] =	ssyncadd.s32 $0xFFFFF000  }
0x92: {  	[tilespmem:s15], [sflag:$0x4] =	stream.indirect.gather [hbm4b:s5+s11], $0x20, s7, s11, $0xb8;
	[tilespmem:$0x1F400] =	vst v63  }
0x93: {  	s25 =	rddreg [dreg:$0x16]  }
0x94: {  	[spmem:s2] =	stream.indirect.scatter.add.f32 [tilespmem:s8], [sflag:$0x5], $0x20, s25, s11, $0xb8;
	[tilespmem:$0x1F400] =	vst v63  }
0x95: {  	_ =	swait.ge [sflag:s9], $0x1000  }
0x96: {  	[sflag:s9] =	ssyncset.done $0x0  }
0x97: {  	[sflag:s9] =	ssyncadd.s32 $0xFFFFF000  }
0x98: {  	_ =	swait.ge [sflag:s16], $0x1000  }
0x99: {  	[sflag:s16] =	ssyncset.done $0x0  }
0x9a: {  	s7 =	rddreg [dreg:$0x17];
	[sflag:s16] =	ssyncadd.s32 $0xFFFFF000  }
0x9b: {  	[tilespmem:s8], [sflag:$0x1] =	stream.indirect.gather [hbm4b:s5+s11], $0x20, s7, s11, $0xb8;
	[tilespmem:$0x1F400] =	vst v63  }
0x9c: {  	s25 =	rddreg [dreg:$0x18]  }
0x9d: {  	[spmem:s2] =	stream.indirect.scatter.add.f32 [tilespmem:s12], [sflag:$0x5], $0x20, s25, s11, $0xb8;
	[tilespmem:$0x1F400] =	vst v63  }
0x9e: {  	_ =	swait.ge [sflag:s9], $0x1000  }
0x9f: {  	[sflag:s9] =	ssyncset.done $0x0  }
0xa0: {  	[sflag:s9] =	ssyncadd.s32 $0xFFFFF000  }
0xa1: {  	_ =	swait.ge [sflag:s17], $0x1000  }
0xa2: {  	[sflag:s17] =	ssyncset.done $0x0  }
0xa3: {  	s7 =	rddreg [dreg:$0x19];
	[sflag:s17] =	ssyncadd.s32 $0xFFFFF000  }
0xa4: {  	[tilespmem:s12], [sflag:$0x2] =	stream.indirect.gather [hbm4b:s5+s11], $0x20, s7, s11, $0xb8;
	[tilespmem:$0x1F400] =	vst v63  }
0xa5: {  	s25 =	rddreg [dreg:$0x1a]  }
0xa6: {  	[spmem:s2] =	stream.indirect.scatter.add.f32 [tilespmem:s13], [sflag:$0x5], $0x20, s25, s11, $0xb8;
	[tilespmem:$0x1F400] =	vst v63  }
0xa7: {  	_ =	swait.ge [sflag:s9], $0x1000  }
0xa8: {  	[sflag:s9] =	ssyncset.done $0x0  }
0xa9: {  	[sflag:s9] =	ssyncadd.s32 $0xFFFFF000  }
0xaa: {  	_ =	swait.ge [sflag:s18], $0x1000  }
0xab: {  	[sflag:s18] =	ssyncset.done $0x0  }
0xac: {  	s7 =	rddreg [dreg:$0x1b];
	[sflag:s18] =	ssyncadd.s32 $0xFFFFF000  }
0xad: {  	[tilespmem:s13], [sflag:$0x3] =	stream.indirect.gather [hbm4b:s5+s11], $0x20, s7, s11, $0xb8;
	[tilespmem:$0x1F400] =	vst v63  }
0xae: {  	s25 =	rddreg [dreg:$0x1c]  }
0xaf: {  	[spmem:s2] =	stream.indirect.scatter.add.f32 [tilespmem:s15], [sflag:$0x5], $0x20, s25, s11, $0xb8;
	[tilespmem:$0x1F400] =	vst v63  }
0xb0: {  	_ =	swait.ge [sflag:s9], $0x1000  }
0xb1: {  	[sflag:s9] =	ssyncset.done $0x0  }
0xb2: {  	[sflag:s9] =	ssyncadd.s32 $0xFFFFF000  }
0xb3: {  	_ =	swait.ge [sflag:s14], $0x1000  }
0xb4: {  	[sflag:s14] =	ssyncset.done $0x0  }
0xb5: {  	[sflag:s14] =	ssyncadd.s32 $0xFFFFF000  }
0xb6: {  	[tilespmem:s15], [sflag:$0x4] =	stream.indirect.gather [hbm4b:s5+s11], $0x20, s19, s11, $0xb8;
	[tilespmem:$0x1F400] =	vst v63  }
0xb7: {  	_ = 	snop  }
0xb8: {  	[spmem:s2] =	stream.indirect.scatter.add.f32 [tilespmem:s8], [sflag:$0x5], $0x20, s20, s11, $0xb8;
	[tilespmem:$0x1F400] =	vst v63  }
0xb9: {  	_ =	swait.ge [sflag:s9], $0x1000  }
0xba: {  	[sflag:s9] =	ssyncset.done $0x0  }
0xbb: {  	[sflag:s9] =	ssyncadd.s32 $0xFFFFF000  }
0xbc: {  	_ =	swait.ge [sflag:s16], $0x1000  }
0xbd: {  	[sflag:s16] =	ssyncset.done $0x0  }
0xbe: {  	[sflag:s16] =	ssyncadd.s32 $0xFFFFF000  }
0xbf: {  	[tilespmem:s8], [sflag:$0x1] =	stream.indirect.gather [hbm4b:s5+s11], $0x20, s21, s11, $0xb8;
	[tilespmem:$0x1F400] =	vst v63  }
0xc0: {  	_ = 	snop  }
0xc1: {  	[spmem:s2] =	stream.indirect.scatter.add.f32 [tilespmem:s12], [sflag:$0x5], $0x20, s22, s11, $0xb8;
	[tilespmem:$0x1F400] =	vst v63  }
0xc2: {  	_ =	swait.ge [sflag:s9], $0x1000  }
0xc3: {  	[sflag:s9] =	ssyncset.done $0x0  }
0xc4: {  	[sflag:s9] =	ssyncadd.s32 $0xFFFFF000  }
0xc5: {  	_ =	swait.ge [sflag:s17], $0x1000  }
0xc6: {  	[sflag:s17] =	ssyncset.done $0x0  }
0xc7: {  	[sflag:s17] =	ssyncadd.s32 $0xFFFFF000  }
0xc8: {  	[tilespmem:s12], [sflag:$0x2] =	stream.indirect.gather [hbm4b:s5+s11], $0x20, s23, s11, $0xb8;
	[tilespmem:$0x1F400] =	vst v63  }
0xc9: {  	_ = 	snop  }
0xca: {  	[spmem:s2] =	stream.indirect.scatter.add.f32 [tilespmem:s13], [sflag:$0x5], $0x20, s24, s11, $0xb8;
	[tilespmem:$0x1F400] =	vst v63  }
0xcb: {  	_ =	swait.ge [sflag:s9], $0x1000  }
0xcc: {  	[sflag:s9] =	ssyncset.done $0x0  }
0xcd: {  	[sflag:s9] =	ssyncadd.s32 $0xFFFFF000  }
0xce: {  	_ =	swait.ge [sflag:s18], $0x1000  }
0xcf: {  	[sflag:s18] =	ssyncset.done $0x0  }
0xd0: {  	[sflag:s18] =	ssyncadd.s32 $0xFFFFF000  }
0xd1: {  	[tilespmem:s13], [sflag:$0x3] =	stream.indirect.gather [hbm4b:s5+s11], $0x20, s26, s11, $0xb8;
	[tilespmem:$0x1F400] =	vst v63  }
0xd2: {  	_ = 	snop  }
0xd3: {  	[spmem:s2] =	stream.indirect.scatter.add.f32 [tilespmem:s15], [sflag:$0x5], $0x20, s28, s11, $0xb8;
	[tilespmem:$0x1F400] =	vst v63  }
0xd4: {  	_ =	swait.ge [sflag:s9], $0x1000  }
0xd5: {  	[sflag:s9] =	ssyncset.done $0x0  }
0xd6: {  	[sflag:s9] =	ssyncadd.s32 $0xFFFFF000  }
0xd7: {  	_ =	swait.ge [sflag:s14], $0x1000  }
0xd8: {  	[sflag:s14] =	ssyncset.done $0x0  }
0xd9: {  	[sflag:s14] =	ssyncadd.s32 $0xFFFFF000  }
0xda: {  	[tilespmem:s15], [sflag:$0x4] =	stream.indirect.gather [hbm4b:s5+s11], $0x20, s29, s11, $0xb8;
	[tilespmem:$0x1F400] =	vst v63  }
0xdb: {  	_ = 	snop  }
0xdc: {  	[spmem:s2] =	stream.indirect.scatter.add.f32 [tilespmem:s8], [sflag:$0x5], $0x20, s30, s11, $0xb8;
	[tilespmem:$0x1F400] =	vst v63  }
0xdd: {  	_ =	swait.ge [sflag:s9], $0x1000  }
0xde: {  	[sflag:s9] =	ssyncset.done $0x0  }
0xdf: {  	[sflag:s9] =	ssyncadd.s32 $0xFFFFF000  }
0xe0: {  	_ =	swait.ge [sflag:s16], $0x1000  }
0xe1: {  	[sflag:s16] =	ssyncset.done $0x0  }
0xe2: {  	[sflag:s16] =	ssyncadd.s32 $0xFFFFF000  }
0xe3: {  	[spmem:s2] =	stream.indirect.scatter.add.f32 [tilespmem:s12], [sflag:$0x5], $0x20, s31, s11, $0xb8;
	[tilespmem:$0x1F400] =	vst v63  }
0xe4: {  	_ =	swait.ge [sflag:s9], $0x1000  }
0xe5: {  	[sflag:s9] =	ssyncset.done $0x0  }
0xe6: {  	[sflag:s9] =	ssyncadd.s32 $0xFFFFF000  }
0xe7: {  	_ =	swait.ge [sflag:s17], $0x1000  }
0xe8: {  	[sflag:s17] =	ssyncset.done $0x0  }
0xe9: {  	[sflag:s17] =	ssyncadd.s32 $0xFFFFF000  }
0xea: {  	[spmem:s2] =	stream.indirect.scatter.add.f32 [tilespmem:s13], [sflag:$0x5], $0x20, s1, s11, $0xb8;
	[tilespmem:$0x1F400] =	vst v63  }
0xeb: {  	_ =	swait.ge [sflag:s9], $0x1000  }
0xec: {  	[sflag:s9] =	ssyncset.done $0x0  }
0xed: {  	[sflag:s9] =	ssyncadd.s32 $0xFFFFF000  }
0xee: {  	_ =	swait.ge [sflag:s18], $0x1000  }
0xef: {  	[sflag:s18] =	ssyncset.done $0x0  }
0xf0: {  	[sflag:s18] =	ssyncadd.s32 $0xFFFFF000  }
0xf1: {  	[spmem:s2] =	stream.indirect.scatter.add.f32 [tilespmem:s15], [sflag:$0x5], $0x20, s0, s11, $0xb8;
	[tilespmem:$0x1F400] =	vst v63  }
0xf2: {  	s7 =	simm.s32 $0x140;
	_ =	swait.ge [sflag:s9], $0x1000  }
0xf3: {  	s25 =	simm.s32 $0x280;
	s6 =	rddreg [dreg:$0x4];
	[sflag:s9] =	ssyncset.done $0x0  }
.LBB2_6:
0xf4: {  	[sflag:s9] =	ssyncadd.s32 $0xFFFFF000;
	s6 =	sadd.s32 s7, s6  }
0xf5: {  	[tilespmem:s3], [sflag:$0x5] =	stream.linear.gather [hbm4b:s6+s3], $0xA00, $0x38;
	[tilespmem:$0x1F400] =	vst v63  }
0xf6: {  	_ =	swait.ge [sflag:s9], $0xA00  }
0xf7: {  	s6 =	rddreg [dreg:$0x3];
	[sflag:s9] =	ssyncset.done $0x0  }
0xf8: {  	[sflag:s9] =	ssyncadd.s32 $0xFFFFF600;
	s6 =	sadd.s32 s7, s6  }
0xf9: {  	[tilespmem:s10], [sflag:$0x5] =	stream.linear.gather [hbm4b:s6+s3], $0xA00, $0x38;
	[tilespmem:$0x1F400] =	vst v63  }
0xfa: {  	_ =	swait.ge [sflag:s9], $0xA00  }
0xfb: {  	[sflag:s9] =	ssyncset.done $0x0  }
0xfc: {  	[sflag:s9] =	ssyncadd.s32 $0xFFFFF600  }
0xfd: {  	[tilespmem:s8], [sflag:$0x1] =	stream.indirect.gather [hbm4b:s5+s11], $0x20, s3, s11, $0xb8;
	[tilespmem:$0x1F400] =	vst v63  }
0xfe: {  	s19 =	smov.u32 s25  }
0xff: {  	[tilespmem:s12], [sflag:$0x2] =	stream.indirect.gather [hbm4b:s5+s11], $0x20, s11, s11, $0xb8;
	[tilespmem:$0x1F400] =	vst v63  }
0x100: {  	s7 =	smov.u32 s19;
	s19 =	rddreg [dreg:$0x5]  }
0x101: {  	[tilespmem:s13], [sflag:$0x3] =	stream.indirect.gather [hbm4b:s5+s11], $0x20, s19, s11, $0xb8;
	[tilespmem:$0x1F400] =	vst v63  }
0x102: {  	_ =	swait.ge [sflag:s14], $0x1000  }
0x103: {  	[sflag:s14] =	ssyncset.done $0x0  }
0x104: {  	s19 =	rddreg [dreg:$0x6];
	[sflag:s14] =	ssyncadd.s32 $0xFFFFF000  }
0x105: {  	[tilespmem:s15], [sflag:$0x4] =	stream.indirect.gather [hbm4b:s5+s11], $0x20, s19, s11, $0xb8;
	[tilespmem:$0x1F400] =	vst v63  }
0x106: {  	_ = 	snop  }
0x107: {  	[spmem:s2] =	stream.indirect.scatter.add.f32 [tilespmem:s8], [sflag:$0x5], $0x20, s10, s11, $0xb8;
	[tilespmem:$0x1F400] =	vst v63  }
0x108: {  	_ =	swait.ge [sflag:s9], $0x1000  }
0x109: {  	[sflag:s9] =	ssyncset.done $0x0  }
0x10a: {  	[sflag:s9] =	ssyncadd.s32 $0xFFFFF000  }
0x10b: {  	_ =	swait.ge [sflag:s16], $0x1000  }
0x10c: {  	[sflag:s16] =	ssyncset.done $0x0  }
0x10d: {  	s6 =	rddreg [dreg:$0x7];
	[sflag:s16] =	ssyncadd.s32 $0xFFFFF000  }
0x10e: {  	[tilespmem:s8], [sflag:$0x1] =	stream.indirect.gather [hbm4b:s5+s11], $0x20, s6, s11, $0xb8;
	[tilespmem:$0x1F400] =	vst v63  }
0x10f: {  	s19 =	rddreg [dreg:$0x8]  }
0x110: {  	[spmem:s2] =	stream.indirect.scatter.add.f32 [tilespmem:s12], [sflag:$0x5], $0x20, s19, s11, $0xb8;
	[tilespmem:$0x1F400] =	vst v63  }
0x111: {  	_ =	swait.ge [sflag:s9], $0x1000  }
0x112: {  	[sflag:s9] =	ssyncset.done $0x0  }
0x113: {  	[sflag:s9] =	ssyncadd.s32 $0xFFFFF000  }
0x114: {  	_ =	swait.ge [sflag:s17], $0x1000  }
0x115: {  	[sflag:s17] =	ssyncset.done $0x0  }
0x116: {  	s6 =	rddreg [dreg:$0x9];
	[sflag:s17] =	ssyncadd.s32 $0xFFFFF000  }
0x117: {  	[tilespmem:s12], [sflag:$0x2] =	stream.indirect.gather [hbm4b:s5+s11], $0x20, s6, s11, $0xb8;
	[tilespmem:$0x1F400] =	vst v63  }
0x118: {  	s19 =	rddreg [dreg:$0xa]  }
0x119: {  	[spmem:s2] =	stream.indirect.scatter.add.f32 [tilespmem:s13], [sflag:$0x5], $0x20, s19, s11, $0xb8;
	[tilespmem:$0x1F400] =	vst v63  }
0x11a: {  	_ =	swait.ge [sflag:s9], $0x1000  }
0x11b: {  	[sflag:s9] =	ssyncset.done $0x0  }
0x11c: {  	[sflag:s9] =	ssyncadd.s32 $0xFFFFF000  }
0x11d: {  	_ =	swait.ge [sflag:s18], $0x1000  }
0x11e: {  	[sflag:s18] =	ssyncset.done $0x0  }
0x11f: {  	s6 =	rddreg [dreg:$0xb];
	[sflag:s18] =	ssyncadd.s32 $0xFFFFF000  }
0x120: {  	[tilespmem:s13], [sflag:$0x3] =	stream.indirect.gather [hbm4b:s5+s11], $0x20, s6, s11, $0xb8;
	[tilespmem:$0x1F400] =	vst v63  }
0x121: {  	s19 =	rddreg [dreg:$0xc]  }
0x122: {  	[spmem:s2] =	stream.indirect.scatter.add.f32 [tilespmem:s15], [sflag:$0x5], $0x20, s19, s11, $0xb8;
	[tilespmem:$0x1F400] =	vst v63  }
0x123: {  	_ =	swait.ge [sflag:s9], $0x1000  }
0x124: {  	[sflag:s9] =	ssyncset.done $0x0  }
0x125: {  	[sflag:s9] =	ssyncadd.s32 $0xFFFFF000  }
0x126: {  	_ =	swait.ge [sflag:s14], $0x1000  }
0x127: {  	[sflag:s14] =	ssyncset.done $0x0  }
0x128: {  	s6 =	rddreg [dreg:$0xd];
	[sflag:s14] =	ssyncadd.s32 $0xFFFFF000  }
0x129: {  	[tilespmem:s15], [sflag:$0x4] =	stream.indirect.gather [hbm4b:s5+s11], $0x20, s6, s11, $0xb8;
	[tilespmem:$0x1F400] =	vst v63  }
0x12a: {  	s19 =	rddreg [dreg:$0xe]  }
0x12b: {  	[spmem:s2] =	stream.indirect.scatter.add.f32 [tilespmem:s8], [sflag:$0x5], $0x20, s19, s11, $0xb8;
	[tilespmem:$0x1F400] =	vst v63  }
0x12c: {  	_ =	swait.ge [sflag:s9], $0x1000  }
0x12d: {  	[sflag:s9] =	ssyncset.done $0x0  }
0x12e: {  	[sflag:s9] =	ssyncadd.s32 $0xFFFFF000  }
0x12f: {  	_ =	swait.ge [sflag:s16], $0x1000  }
0x130: {  	[sflag:s16] =	ssyncset.done $0x0  }
0x131: {  	s6 =	rddreg [dreg:$0xf];
	[sflag:s16] =	ssyncadd.s32 $0xFFFFF000  }
0x132: {  	[tilespmem:s8], [sflag:$0x1] =	stream.indirect.gather [hbm4b:s5+s11], $0x20, s6, s11, $0xb8;
	[tilespmem:$0x1F400] =	vst v63  }
0x133: {  	s19 =	rddreg [dreg:$0x10]  }
0x134: {  	[spmem:s2] =	stream.indirect.scatter.add.f32 [tilespmem:s12], [sflag:$0x5], $0x20, s19, s11, $0xb8;
	[tilespmem:$0x1F400] =	vst v63  }
0x135: {  	_ =	swait.ge [sflag:s9], $0x1000  }
0x136: {  	[sflag:s9] =	ssyncset.done $0x0  }
0x137: {  	[sflag:s9] =	ssyncadd.s32 $0xFFFFF000  }
0x138: {  	_ =	swait.ge [sflag:s17], $0x1000  }
0x139: {  	[sflag:s17] =	ssyncset.done $0x0  }
0x13a: {  	s6 =	rddreg [dreg:$0x11];
	[sflag:s17] =	ssyncadd.s32 $0xFFFFF000  }
0x13b: {  	[tilespmem:s12], [sflag:$0x2] =	stream.indirect.gather [hbm4b:s5+s11], $0x20, s6, s11, $0xb8;
	[tilespmem:$0x1F400] =	vst v63  }
0x13c: {  	s19 =	rddreg [dreg:$0x12]  }
0x13d: {  	[spmem:s2] =	stream.indirect.scatter.add.f32 [tilespmem:s13], [sflag:$0x5], $0x20, s19, s11, $0xb8;
	[tilespmem:$0x1F400] =	vst v63  }
0x13e: {  	_ =	swait.ge [sflag:s9], $0x1000  }
0x13f: {  	[sflag:s9] =	ssyncset.done $0x0  }
0x140: {  	[sflag:s9] =	ssyncadd.s32 $0xFFFFF000  }
0x141: {  	_ =	swait.ge [sflag:s18], $0x1000  }
0x142: {  	[sflag:s18] =	ssyncset.done $0x0  }
0x143: {  	s6 =	rddreg [dreg:$0x13];
	[sflag:s18] =	ssyncadd.s32 $0xFFFFF000  }
0x144: {  	[tilespmem:s13], [sflag:$0x3] =	stream.indirect.gather [hbm4b:s5+s11], $0x20, s6, s11, $0xb8;
	[tilespmem:$0x1F400] =	vst v63  }
0x145: {  	s19 =	rddreg [dreg:$0x14]  }
0x146: {  	[spmem:s2] =	stream.indirect.scatter.add.f32 [tilespmem:s15], [sflag:$0x5], $0x20, s19, s11, $0xb8;
	[tilespmem:$0x1F400] =	vst v63  }
0x147: {  	_ =	swait.ge [sflag:s9], $0x1000  }
0x148: {  	[sflag:s9] =	ssyncset.done $0x0  }
0x149: {  	[sflag:s9] =	ssyncadd.s32 $0xFFFFF000  }
0x14a: {  	_ =	swait.ge [sflag:s14], $0x1000  }
0x14b: {  	[sflag:s14] =	ssyncset.done $0x0  }
0x14c: {  	s6 =	rddreg [dreg:$0x15];
	[sflag:s14] =	ssyncadd.s32 $0xFFFFF000  }
0x14d: {  	[tilespmem:s15], [sflag:$0x4] =	stream.indirect.gather [hbm4b:s5+s11], $0x20, s6, s11, $0xb8;
	[tilespmem:$0x1F400] =	vst v63  }
0x14e: {  	s19 =	rddreg [dreg:$0x16]  }
0x14f: {  	[spmem:s2] =	stream.indirect.scatter.add.f32 [tilespmem:s8], [sflag:$0x5], $0x20, s19, s11, $0xb8;
	[tilespmem:$0x1F400] =	vst v63  }
0x150: {  	_ =	swait.ge [sflag:s9], $0x1000  }
0x151: {  	[sflag:s9] =	ssyncset.done $0x0  }
0x152: {  	[sflag:s9] =	ssyncadd.s32 $0xFFFFF000  }
0x153: {  	_ =	swait.ge [sflag:s16], $0x1000  }
0x154: {  	[sflag:s16] =	ssyncset.done $0x0  }
0x155: {  	s6 =	rddreg [dreg:$0x17];
	[sflag:s16] =	ssyncadd.s32 $0xFFFFF000  }
0x156: {  	[tilespmem:s8], [sflag:$0x1] =	stream.indirect.gather [hbm4b:s5+s11], $0x20, s6, s11, $0xb8;
	[tilespmem:$0x1F400] =	vst v63  }
0x157: {  	s19 =	rddreg [dreg:$0x18]  }
0x158: {  	[spmem:s2] =	stream.indirect.scatter.add.f32 [tilespmem:s12], [sflag:$0x5], $0x20, s19, s11, $0xb8;
	[tilespmem:$0x1F400] =	vst v63  }
0x159: {  	_ =	swait.ge [sflag:s9], $0x1000  }
0x15a: {  	[sflag:s9] =	ssyncset.done $0x0  }
0x15b: {  	[sflag:s9] =	ssyncadd.s32 $0xFFFFF000  }
0x15c: {  	_ =	swait.ge [sflag:s17], $0x1000  }
0x15d: {  	[sflag:s17] =	ssyncset.done $0x0  }
0x15e: {  	s6 =	rddreg [dreg:$0x19];
	[sflag:s17] =	ssyncadd.s32 $0xFFFFF000  }
0x15f: {  	[tilespmem:s12], [sflag:$0x2] =	stream.indirect.gather [hbm4b:s5+s11], $0x20, s6, s11, $0xb8;
	[tilespmem:$0x1F400] =	vst v63  }
0x160: {  	s19 =	rddreg [dreg:$0x1a]  }
0x161: {  	[spmem:s2] =	stream.indirect.scatter.add.f32 [tilespmem:s13], [sflag:$0x5], $0x20, s19, s11, $0xb8;
	[tilespmem:$0x1F400] =	vst v63  }
0x162: {  	_ =	swait.ge [sflag:s9], $0x1000  }
0x163: {  	[sflag:s9] =	ssyncset.done $0x0  }
0x164: {  	[sflag:s9] =	ssyncadd.s32 $0xFFFFF000  }
0x165: {  	_ =	swait.ge [sflag:s18], $0x1000  }
0x166: {  	[sflag:s18] =	ssyncset.done $0x0  }
0x167: {  	s6 =	rddreg [dreg:$0x1b];
	[sflag:s18] =	ssyncadd.s32 $0xFFFFF000  }
0x168: {  	[tilespmem:s13], [sflag:$0x3] =	stream.indirect.gather [hbm4b:s5+s11], $0x20, s6, s11, $0xb8;
	[tilespmem:$0x1F400] =	vst v63  }
0x169: {  	s19 =	rddreg [dreg:$0x1c]  }
0x16a: {  	[spmem:s2] =	stream.indirect.scatter.add.f32 [tilespmem:s15], [sflag:$0x5], $0x20, s19, s11, $0xb8;
	[tilespmem:$0x1F400] =	vst v63  }
0x16b: {  	_ =	swait.ge [sflag:s9], $0x1000  }
0x16c: {  	[sflag:s9] =	ssyncset.done $0x0  }
0x16d: {  	[sflag:s9] =	ssyncadd.s32 $0xFFFFF000  }
0x16e: {  	_ =	swait.ge [sflag:s14], $0x1000  }
0x16f: {  	[sflag:s14] =	ssyncset.done $0x0  }
0x170: {  	s19 =	simm.s32 $0x780;
	[sflag:s14] =	ssyncadd.s32 $0xFFFFF000  }
0x171: {  	[tilespmem:s15], [sflag:$0x4] =	stream.indirect.gather [hbm4b:s5+s11], $0x20, s19, s11, $0xb8;
	[tilespmem:$0x1F400] =	vst v63  }
0x172: {  	_ = 	snop  }
0x173: {  	[spmem:s2] =	stream.indirect.scatter.add.f32 [tilespmem:s8], [sflag:$0x5], $0x20, s20, s11, $0xb8;
	[tilespmem:$0x1F400] =	vst v63  }
0x174: {  	_ =	swait.ge [sflag:s9], $0x1000  }
0x175: {  	[sflag:s9] =	ssyncset.done $0x0  }
0x176: {  	[sflag:s9] =	ssyncadd.s32 $0xFFFFF000  }
0x177: {  	_ =	swait.ge [sflag:s16], $0x1000  }
0x178: {  	[sflag:s16] =	ssyncset.done $0x0  }
0x179: {  	[sflag:s16] =	ssyncadd.s32 $0xFFFFF000  }
0x17a: {  	[tilespmem:s8], [sflag:$0x1] =	stream.indirect.gather [hbm4b:s5+s11], $0x20, s21, s11, $0xb8;
	[tilespmem:$0x1F400] =	vst v63  }
0x17b: {  	_ = 	snop  }
0x17c: {  	[spmem:s2] =	stream.indirect.scatter.add.f32 [tilespmem:s12], [sflag:$0x5], $0x20, s22, s11, $0xb8;
	[tilespmem:$0x1F400] =	vst v63  }
0x17d: {  	_ =	swait.ge [sflag:s9], $0x1000  }
0x17e: {  	[sflag:s9] =	ssyncset.done $0x0  }
0x17f: {  	[sflag:s9] =	ssyncadd.s32 $0xFFFFF000  }
0x180: {  	_ =	swait.ge [sflag:s17], $0x1000  }
0x181: {  	[sflag:s17] =	ssyncset.done $0x0  }
0x182: {  	[sflag:s17] =	ssyncadd.s32 $0xFFFFF000  }
0x183: {  	[tilespmem:s12], [sflag:$0x2] =	stream.indirect.gather [hbm4b:s5+s11], $0x20, s23, s11, $0xb8;
	[tilespmem:$0x1F400] =	vst v63  }
0x184: {  	_ = 	snop  }
0x185: {  	[spmem:s2] =	stream.indirect.scatter.add.f32 [tilespmem:s13], [sflag:$0x5], $0x20, s24, s11, $0xb8;
	[tilespmem:$0x1F400] =	vst v63  }
0x186: {  	_ =	swait.ge [sflag:s9], $0x1000  }
0x187: {  	[sflag:s9] =	ssyncset.done $0x0  }
0x188: {  	[sflag:s9] =	ssyncadd.s32 $0xFFFFF000  }
0x189: {  	_ =	swait.ge [sflag:s18], $0x1000  }
0x18a: {  	[sflag:s18] =	ssyncset.done $0x0  }
0x18b: {  	[sflag:s18] =	ssyncadd.s32 $0xFFFFF000  }
0x18c: {  	[tilespmem:s13], [sflag:$0x3] =	stream.indirect.gather [hbm4b:s5+s11], $0x20, s26, s11, $0xb8;
	[tilespmem:$0x1F400] =	vst v63  }
0x18d: {  	_ = 	snop  }
0x18e: {  	[spmem:s2] =	stream.indirect.scatter.add.f32 [tilespmem:s15], [sflag:$0x5], $0x20, s28, s11, $0xb8;
	[tilespmem:$0x1F400] =	vst v63  }
0x18f: {  	_ =	swait.ge [sflag:s9], $0x1000  }
0x190: {  	[sflag:s9] =	ssyncset.done $0x0  }
0x191: {  	[sflag:s9] =	ssyncadd.s32 $0xFFFFF000  }
0x192: {  	_ =	swait.ge [sflag:s14], $0x1000  }
0x193: {  	[sflag:s14] =	ssyncset.done $0x0  }
0x194: {  	[sflag:s14] =	ssyncadd.s32 $0xFFFFF000  }
0x195: {  	[tilespmem:s15], [sflag:$0x4] =	stream.indirect.gather [hbm4b:s5+s11], $0x20, s29, s11, $0xb8;
	[tilespmem:$0x1F400] =	vst v63  }
0x196: {  	_ = 	snop  }
0x197: {  	[spmem:s2] =	stream.indirect.scatter.add.f32 [tilespmem:s8], [sflag:$0x5], $0x20, s30, s11, $0xb8;
	[tilespmem:$0x1F400] =	vst v63  }
0x198: {  	_ =	swait.ge [sflag:s9], $0x1000  }
0x199: {  	[sflag:s9] =	ssyncset.done $0x0  }
0x19a: {  	[sflag:s9] =	ssyncadd.s32 $0xFFFFF000  }
0x19b: {  	_ =	swait.ge [sflag:s16], $0x1000  }
0x19c: {  	[sflag:s16] =	ssyncset.done $0x0  }
0x19d: {  	[sflag:s16] =	ssyncadd.s32 $0xFFFFF000  }
0x19e: {  	[spmem:s2] =	stream.indirect.scatter.add.f32 [tilespmem:s12], [sflag:$0x5], $0x20, s31, s11, $0xb8;
	[tilespmem:$0x1F400] =	vst v63  }
0x19f: {  	_ =	swait.ge [sflag:s9], $0x1000  }
0x1a0: {  	[sflag:s9] =	ssyncset.done $0x0  }
0x1a1: {  	[sflag:s9] =	ssyncadd.s32 $0xFFFFF000  }
0x1a2: {  	_ =	swait.ge [sflag:s17], $0x1000  }
0x1a3: {  	[sflag:s17] =	ssyncset.done $0x0  }
0x1a4: {  	[sflag:s17] =	ssyncadd.s32 $0xFFFFF000  }
0x1a5: {  	[spmem:s2] =	stream.indirect.scatter.add.f32 [tilespmem:s13], [sflag:$0x5], $0x20, s1, s11, $0xb8;
	[tilespmem:$0x1F400] =	vst v63  }
0x1a6: {  	_ =	swait.ge [sflag:s9], $0x1000  }
0x1a7: {  	[sflag:s9] =	ssyncset.done $0x0  }
0x1a8: {  	[sflag:s9] =	ssyncadd.s32 $0xFFFFF000  }
0x1a9: {  	p0 =	sne.s32 s25, $0x17C0;
	_ =	swait.ge [sflag:s18], $0x1000  }
.Ltmp2:
0x1aa: {  	[sflag:s18] =	ssyncset.done $0x0;
	(pc) =	sbr.rel @p0 .LBB2_6-.Ltmp2, $4  }
0x1ab: {  	[sflag:s18] =	ssyncadd.s32 $0xFFFFF000  }
0x1ac: {  	[spmem:s2] =	stream.indirect.scatter.add.f32 [tilespmem:s15], [sflag:$0x5], $0x20, s0, s11, $0xb8;
	[tilespmem:$0x1F400] =	vst v63  }
0x1ad: {  	_ =	swait.ge [sflag:s9], $0x1000  }
0x1ae: {  	s25 =	sadd.s32 $0x140, s25;
	s6 =	rddreg [dreg:$0x4];
	[sflag:s9] =	ssyncset.done $0x0  }
0x1af: {  	[sflag:s9] =	ssyncadd.s32 $0xFFFFF000;
	s6 =	sadd.s32 s7, s6  }
0x1b0: {  	[tilespmem:s3], [sflag:$0x5] =	stream.linear.gather [hbm4b:s6+s3], $0xA00, $0x38;
	[tilespmem:$0x1F400] =	vst v63  }
0x1b1: {  	_ =	swait.ge [sflag:s9], $0xA00  }
0x1b2: {  	s25 =	rddreg [dreg:$0x3];
	[sflag:s9] =	ssyncset.done $0x0  }
0x1b3: {  	[sflag:s9] =	ssyncadd.s32 $0xFFFFF600;
	s6 =	sadd.s32 s7, s25  }
0x1b4: {  	[tilespmem:s10], [sflag:$0x5] =	stream.linear.gather [hbm4b:s6+s3], $0xA00, $0x38;
	[tilespmem:$0x1F400] =	vst v63  }
0x1b5: {  	_ =	swait.ge [sflag:s9], $0xA00  }
0x1b6: {  	[sflag:s9] =	ssyncset.done $0x0  }
0x1b7: {  	[sflag:s9] =	ssyncadd.s32 $0xFFFFF600  }
0x1b8: {  	[tilespmem:s8], [sflag:$0x1] =	stream.indirect.gather [hbm4b:s5+s11], $0x20, s3, s11, $0xb8;
	[tilespmem:$0x1F400] =	vst v63  }
0x1b9: {  	_ = 	snop  }
0x1ba: {  	[tilespmem:s12], [sflag:$0x2] =	stream.indirect.gather [hbm4b:s5+s11], $0x20, s11, s11, $0xb8;
	[tilespmem:$0x1F400] =	vst v63  }
0x1bb: {  	s7 =	rddreg [dreg:$0x5]  }
0x1bc: {  	[tilespmem:s13], [sflag:$0x3] =	stream.indirect.gather [hbm4b:s5+s11], $0x20, s7, s11, $0xb8;
	[tilespmem:$0x1F400] =	vst v63  }
0x1bd: {  	_ =	swait.ge [sflag:s14], $0x1000  }
0x1be: {  	[sflag:s14] =	ssyncset.done $0x0  }
0x1bf: {  	s25 =	rddreg [dreg:$0x6];
	[sflag:s14] =	ssyncadd.s32 $0xFFFFF000  }
0x1c0: {  	[tilespmem:s15], [sflag:$0x4] =	stream.indirect.gather [hbm4b:s5+s11], $0x20, s25, s11, $0xb8;
	[tilespmem:$0x1F400] =	vst v63  }
0x1c1: {  	_ = 	snop  }
0x1c2: {  	[spmem:s2] =	stream.indirect.scatter.add.f32 [tilespmem:s8], [sflag:$0x5], $0x20, s10, s11, $0xb8;
	[tilespmem:$0x1F400] =	vst v63  }
0x1c3: {  	_ =	swait.ge [sflag:s9], $0x1000  }
0x1c4: {  	[sflag:s9] =	ssyncset.done $0x0  }
0x1c5: {  	[sflag:s9] =	ssyncadd.s32 $0xFFFFF000  }
0x1c6: {  	_ =	swait.ge [sflag:s16], $0x1000  }
0x1c7: {  	[sflag:s16] =	ssyncset.done $0x0  }
0x1c8: {  	s7 =	rddreg [dreg:$0x7];
	[sflag:s16] =	ssyncadd.s32 $0xFFFFF000  }
0x1c9: {  	[tilespmem:s8], [sflag:$0x1] =	stream.indirect.gather [hbm4b:s5+s11], $0x20, s7, s11, $0xb8;
	[tilespmem:$0x1F400] =	vst v63  }
0x1ca: {  	s25 =	rddreg [dreg:$0x8]  }
0x1cb: {  	[spmem:s2] =	stream.indirect.scatter.add.f32 [tilespmem:s12], [sflag:$0x5], $0x20, s25, s11, $0xb8;
	[tilespmem:$0x1F400] =	vst v63  }
0x1cc: {  	_ =	swait.ge [sflag:s9], $0x1000  }
0x1cd: {  	[sflag:s9] =	ssyncset.done $0x0  }
0x1ce: {  	[sflag:s9] =	ssyncadd.s32 $0xFFFFF000  }
0x1cf: {  	_ =	swait.ge [sflag:s17], $0x1000  }
0x1d0: {  	[sflag:s17] =	ssyncset.done $0x0  }
0x1d1: {  	s7 =	rddreg [dreg:$0x9];
	[sflag:s17] =	ssyncadd.s32 $0xFFFFF000  }
0x1d2: {  	[tilespmem:s12], [sflag:$0x2] =	stream.indirect.gather [hbm4b:s5+s11], $0x20, s7, s11, $0xb8;
	[tilespmem:$0x1F400] =	vst v63  }
0x1d3: {  	s25 =	rddreg [dreg:$0xa]  }
0x1d4: {  	[spmem:s2] =	stream.indirect.scatter.add.f32 [tilespmem:s13], [sflag:$0x5], $0x20, s25, s11, $0xb8;
	[tilespmem:$0x1F400] =	vst v63  }
0x1d5: {  	_ =	swait.ge [sflag:s9], $0x1000  }
0x1d6: {  	[sflag:s9] =	ssyncset.done $0x0  }
0x1d7: {  	[sflag:s9] =	ssyncadd.s32 $0xFFFFF000  }
0x1d8: {  	_ =	swait.ge [sflag:s18], $0x1000  }
0x1d9: {  	[sflag:s18] =	ssyncset.done $0x0  }
0x1da: {  	s7 =	rddreg [dreg:$0xb];
	[sflag:s18] =	ssyncadd.s32 $0xFFFFF000  }
0x1db: {  	[tilespmem:s13], [sflag:$0x3] =	stream.indirect.gather [hbm4b:s5+s11], $0x20, s7, s11, $0xb8;
	[tilespmem:$0x1F400] =	vst v63  }
0x1dc: {  	s25 =	rddreg [dreg:$0xc]  }
0x1dd: {  	[spmem:s2] =	stream.indirect.scatter.add.f32 [tilespmem:s15], [sflag:$0x5], $0x20, s25, s11, $0xb8;
	[tilespmem:$0x1F400] =	vst v63  }
0x1de: {  	_ =	swait.ge [sflag:s9], $0x1000  }
0x1df: {  	[sflag:s9] =	ssyncset.done $0x0  }
0x1e0: {  	[sflag:s9] =	ssyncadd.s32 $0xFFFFF000  }
0x1e1: {  	_ =	swait.ge [sflag:s14], $0x1000  }
0x1e2: {  	[sflag:s14] =	ssyncset.done $0x0  }
0x1e3: {  	s7 =	rddreg [dreg:$0xd];
	[sflag:s14] =	ssyncadd.s32 $0xFFFFF000  }
0x1e4: {  	[tilespmem:s15], [sflag:$0x4] =	stream.indirect.gather [hbm4b:s5+s11], $0x20, s7, s11, $0xb8;
	[tilespmem:$0x1F400] =	vst v63  }
0x1e5: {  	s25 =	rddreg [dreg:$0xe]  }
0x1e6: {  	[spmem:s2] =	stream.indirect.scatter.add.f32 [tilespmem:s8], [sflag:$0x5], $0x20, s25, s11, $0xb8;
	[tilespmem:$0x1F400] =	vst v63  }
0x1e7: {  	_ =	swait.ge [sflag:s9], $0x1000  }
0x1e8: {  	[sflag:s9] =	ssyncset.done $0x0  }
0x1e9: {  	[sflag:s9] =	ssyncadd.s32 $0xFFFFF000  }
0x1ea: {  	_ =	swait.ge [sflag:s16], $0x1000  }
0x1eb: {  	[sflag:s16] =	ssyncset.done $0x0  }
0x1ec: {  	s7 =	rddreg [dreg:$0xf];
	[sflag:s16] =	ssyncadd.s32 $0xFFFFF000  }
0x1ed: {  	[tilespmem:s8], [sflag:$0x1] =	stream.indirect.gather [hbm4b:s5+s11], $0x20, s7, s11, $0xb8;
	[tilespmem:$0x1F400] =	vst v63  }
0x1ee: {  	s25 =	rddreg [dreg:$0x10]  }
0x1ef: {  	[spmem:s2] =	stream.indirect.scatter.add.f32 [tilespmem:s12], [sflag:$0x5], $0x20, s25, s11, $0xb8;
	[tilespmem:$0x1F400] =	vst v63  }
0x1f0: {  	_ =	swait.ge [sflag:s9], $0x1000  }
0x1f1: {  	[sflag:s9] =	ssyncset.done $0x0  }
0x1f2: {  	[sflag:s9] =	ssyncadd.s32 $0xFFFFF000  }
0x1f3: {  	_ =	swait.ge [sflag:s17], $0x1000  }
0x1f4: {  	[sflag:s17] =	ssyncset.done $0x0  }
0x1f5: {  	s7 =	rddreg [dreg:$0x11];
	[sflag:s17] =	ssyncadd.s32 $0xFFFFF000  }
0x1f6: {  	[tilespmem:s12], [sflag:$0x2] =	stream.indirect.gather [hbm4b:s5+s11], $0x20, s7, s11, $0xb8;
	[tilespmem:$0x1F400] =	vst v63  }
0x1f7: {  	s25 =	rddreg [dreg:$0x12]  }
0x1f8: {  	[spmem:s2] =	stream.indirect.scatter.add.f32 [tilespmem:s13], [sflag:$0x5], $0x20, s25, s11, $0xb8;
	[tilespmem:$0x1F400] =	vst v63  }
0x1f9: {  	_ =	swait.ge [sflag:s9], $0x1000  }
0x1fa: {  	[sflag:s9] =	ssyncset.done $0x0  }
0x1fb: {  	[sflag:s9] =	ssyncadd.s32 $0xFFFFF000  }
0x1fc: {  	_ =	swait.ge [sflag:s18], $0x1000  }
0x1fd: {  	[sflag:s18] =	ssyncset.done $0x0  }
0x1fe: {  	s7 =	rddreg [dreg:$0x13];
	[sflag:s18] =	ssyncadd.s32 $0xFFFFF000  }
0x1ff: {  	[tilespmem:s13], [sflag:$0x3] =	stream.indirect.gather [hbm4b:s5+s11], $0x20, s7, s11, $0xb8;
	[tilespmem:$0x1F400] =	vst v63  }
0x200: {  	s25 =	rddreg [dreg:$0x14]  }
0x201: {  	[spmem:s2] =	stream.indirect.scatter.add.f32 [tilespmem:s15], [sflag:$0x5], $0x20, s25, s11, $0xb8;
	[tilespmem:$0x1F400] =	vst v63  }
0x202: {  	_ =	swait.ge [sflag:s9], $0x1000  }
0x203: {  	[sflag:s9] =	ssyncset.done $0x0  }
0x204: {  	[sflag:s9] =	ssyncadd.s32 $0xFFFFF000  }
0x205: {  	_ =	swait.ge [sflag:s14], $0x1000  }
0x206: {  	[sflag:s14] =	ssyncset.done $0x0  }
0x207: {  	s7 =	rddreg [dreg:$0x15];
	[sflag:s14] =	ssyncadd.s32 $0xFFFFF000  }
0x208: {  	[tilespmem:s15], [sflag:$0x4] =	stream.indirect.gather [hbm4b:s5+s11], $0x20, s7, s11, $0xb8;
	[tilespmem:$0x1F400] =	vst v63  }
0x209: {  	s25 =	rddreg [dreg:$0x16]  }
0x20a: {  	[spmem:s2] =	stream.indirect.scatter.add.f32 [tilespmem:s8], [sflag:$0x5], $0x20, s25, s11, $0xb8;
	[tilespmem:$0x1F400] =	vst v63  }
0x20b: {  	_ =	swait.ge [sflag:s9], $0x1000  }
0x20c: {  	[sflag:s9] =	ssyncset.done $0x0  }
0x20d: {  	[sflag:s9] =	ssyncadd.s32 $0xFFFFF000  }
0x20e: {  	_ =	swait.ge [sflag:s16], $0x1000  }
0x20f: {  	[sflag:s16] =	ssyncset.done $0x0  }
0x210: {  	s7 =	rddreg [dreg:$0x17];
	[sflag:s16] =	ssyncadd.s32 $0xFFFFF000  }
0x211: {  	[tilespmem:s8], [sflag:$0x1] =	stream.indirect.gather [hbm4b:s5+s11], $0x20, s7, s11, $0xb8;
	[tilespmem:$0x1F400] =	vst v63  }
0x212: {  	s25 =	rddreg [dreg:$0x18]  }
0x213: {  	[spmem:s2] =	stream.indirect.scatter.add.f32 [tilespmem:s12], [sflag:$0x5], $0x20, s25, s11, $0xb8;
	[tilespmem:$0x1F400] =	vst v63  }
0x214: {  	_ =	swait.ge [sflag:s9], $0x1000  }
0x215: {  	[sflag:s9] =	ssyncset.done $0x0  }
0x216: {  	[sflag:s9] =	ssyncadd.s32 $0xFFFFF000  }
0x217: {  	_ =	swait.ge [sflag:s17], $0x1000  }
0x218: {  	[sflag:s17] =	ssyncset.done $0x0  }
0x219: {  	s7 =	rddreg [dreg:$0x19];
	[sflag:s17] =	ssyncadd.s32 $0xFFFFF000  }
0x21a: {  	[tilespmem:s12], [sflag:$0x2] =	stream.indirect.gather [hbm4b:s5+s11], $0x20, s7, s11, $0xb8;
	[tilespmem:$0x1F400] =	vst v63  }
0x21b: {  	s25 =	rddreg [dreg:$0x1a]  }
0x21c: {  	[spmem:s2] =	stream.indirect.scatter.add.f32 [tilespmem:s13], [sflag:$0x5], $0x20, s25, s11, $0xb8;
	[tilespmem:$0x1F400] =	vst v63  }
0x21d: {  	_ =	swait.ge [sflag:s9], $0x1000  }
0x21e: {  	[sflag:s9] =	ssyncset.done $0x0  }
0x21f: {  	[sflag:s9] =	ssyncadd.s32 $0xFFFFF000  }
0x220: {  	_ =	swait.ge [sflag:s18], $0x1000  }
0x221: {  	[sflag:s18] =	ssyncset.done $0x0  }
0x222: {  	s7 =	rddreg [dreg:$0x1b];
	[sflag:s18] =	ssyncadd.s32 $0xFFFFF000  }
0x223: {  	[tilespmem:s13], [sflag:$0x3] =	stream.indirect.gather [hbm4b:s5+s11], $0x20, s7, s11, $0xb8;
	[tilespmem:$0x1F400] =	vst v63  }
0x224: {  	s25 =	rddreg [dreg:$0x1c]  }
0x225: {  	[spmem:s2] =	stream.indirect.scatter.add.f32 [tilespmem:s15], [sflag:$0x5], $0x20, s25, s11, $0xb8;
	[tilespmem:$0x1F400] =	vst v63  }
0x226: {  	_ =	swait.ge [sflag:s9], $0x1000  }
0x227: {  	[sflag:s9] =	ssyncset.done $0x0  }
0x228: {  	[sflag:s9] =	ssyncadd.s32 $0xFFFFF000  }
0x229: {  	_ =	swait.ge [sflag:s14], $0x1000  }
0x22a: {  	[sflag:s14] =	ssyncset.done $0x0  }
0x22b: {  	[sflag:s14] =	ssyncadd.s32 $0xFFFFF000  }
0x22c: {  	[tilespmem:s15], [sflag:$0x4] =	stream.indirect.gather [hbm4b:s5+s11], $0x20, s19, s11, $0xb8;
	[tilespmem:$0x1F400] =	vst v63  }
0x22d: {  	_ = 	snop  }
0x22e: {  	[spmem:s2] =	stream.indirect.scatter.add.f32 [tilespmem:s8], [sflag:$0x5], $0x20, s20, s11, $0xb8;
	[tilespmem:$0x1F400] =	vst v63  }
0x22f: {  	_ =	swait.ge [sflag:s9], $0x1000  }
0x230: {  	[sflag:s9] =	ssyncset.done $0x0  }
0x231: {  	[sflag:s9] =	ssyncadd.s32 $0xFFFFF000  }
0x232: {  	_ =	swait.ge [sflag:s16], $0x1000  }
0x233: {  	[sflag:s16] =	ssyncset.done $0x0  }
0x234: {  	[sflag:s16] =	ssyncadd.s32 $0xFFFFF000  }
0x235: {  	[tilespmem:s8], [sflag:$0x1] =	stream.indirect.gather [hbm4b:s5+s11], $0x20, s21, s11, $0xb8;
	[tilespmem:$0x1F400] =	vst v63  }
0x236: {  	_ = 	snop  }
0x237: {  	[spmem:s2] =	stream.indirect.scatter.add.f32 [tilespmem:s12], [sflag:$0x5], $0x20, s22, s11, $0xb8;
	[tilespmem:$0x1F400] =	vst v63  }
0x238: {  	_ =	swait.ge [sflag:s9], $0x1000  }
0x239: {  	[sflag:s9] =	ssyncset.done $0x0  }
0x23a: {  	[sflag:s9] =	ssyncadd.s32 $0xFFFFF000  }
0x23b: {  	_ =	swait.ge [sflag:s17], $0x1000  }
0x23c: {  	[sflag:s17] =	ssyncset.done $0x0  }
0x23d: {  	[sflag:s17] =	ssyncadd.s32 $0xFFFFF000  }
0x23e: {  	[tilespmem:s12], [sflag:$0x2] =	stream.indirect.gather [hbm4b:s5+s11], $0x20, s23, s11, $0xb8;
	[tilespmem:$0x1F400] =	vst v63  }
0x23f: {  	_ = 	snop  }
0x240: {  	[spmem:s2] =	stream.indirect.scatter.add.f32 [tilespmem:s13], [sflag:$0x5], $0x20, s24, s11, $0xb8;
	[tilespmem:$0x1F400] =	vst v63  }
0x241: {  	_ =	swait.ge [sflag:s9], $0x1000  }
0x242: {  	[sflag:s9] =	ssyncset.done $0x0  }
0x243: {  	[sflag:s9] =	ssyncadd.s32 $0xFFFFF000  }
0x244: {  	_ =	swait.ge [sflag:s18], $0x1000  }
0x245: {  	[sflag:s18] =	ssyncset.done $0x0  }
0x246: {  	[sflag:s18] =	ssyncadd.s32 $0xFFFFF000  }
0x247: {  	[tilespmem:s13], [sflag:$0x3] =	stream.indirect.gather [hbm4b:s5+s11], $0x20, s26, s11, $0xb8;
	[tilespmem:$0x1F400] =	vst v63  }
0x248: {  	_ = 	snop  }
0x249: {  	[spmem:s2] =	stream.indirect.scatter.add.f32 [tilespmem:s15], [sflag:$0x5], $0x20, s28, s11, $0xb8;
	[tilespmem:$0x1F400] =	vst v63  }
0x24a: {  	_ =	swait.ge [sflag:s9], $0x1000  }
0x24b: {  	[sflag:s9] =	ssyncset.done $0x0  }
0x24c: {  	[sflag:s9] =	ssyncadd.s32 $0xFFFFF000  }
0x24d: {  	_ =	swait.ge [sflag:s14], $0x1000  }
0x24e: {  	[sflag:s14] =	ssyncset.done $0x0  }
0x24f: {  	[sflag:s14] =	ssyncadd.s32 $0xFFFFF000  }
0x250: {  	[tilespmem:s15], [sflag:$0x4] =	stream.indirect.gather [hbm4b:s5+s11], $0x20, s29, s11, $0xb8;
	[tilespmem:$0x1F400] =	vst v63  }
0x251: {  	_ = 	snop  }
0x252: {  	[spmem:s2] =	stream.indirect.scatter.add.f32 [tilespmem:s8], [sflag:$0x5], $0x20, s30, s11, $0xb8;
	[tilespmem:$0x1F400] =	vst v63  }
0x253: {  	_ =	swait.ge [sflag:s9], $0x1000  }
0x254: {  	[sflag:s9] =	ssyncset.done $0x0  }
0x255: {  	[sflag:s9] =	ssyncadd.s32 $0xFFFFF000  }
0x256: {  	_ =	swait.ge [sflag:s16], $0x1000  }
0x257: {  	[sflag:s16] =	ssyncset.done $0x0  }
0x258: {  	[sflag:s16] =	ssyncadd.s32 $0xFFFFF000  }
0x259: {  	[spmem:s2] =	stream.indirect.scatter.add.f32 [tilespmem:s12], [sflag:$0x5], $0x20, s31, s11, $0xb8;
	[tilespmem:$0x1F400] =	vst v63  }
0x25a: {  	_ =	swait.ge [sflag:s9], $0x1000  }
0x25b: {  	[sflag:s9] =	ssyncset.done $0x0  }
0x25c: {  	[sflag:s9] =	ssyncadd.s32 $0xFFFFF000  }
0x25d: {  	_ =	swait.ge [sflag:s17], $0x1000  }
0x25e: {  	[sflag:s17] =	ssyncset.done $0x0  }
0x25f: {  	[sflag:s17] =	ssyncadd.s32 $0xFFFFF000  }
0x260: {  	[spmem:s2] =	stream.indirect.scatter.add.f32 [tilespmem:s13], [sflag:$0x5], $0x20, s1, s11, $0xb8;
	[tilespmem:$0x1F400] =	vst v63  }
0x261: {  	_ =	swait.ge [sflag:s9], $0x1000  }
0x262: {  	[sflag:s9] =	ssyncset.done $0x0  }
0x263: {  	[sflag:s9] =	ssyncadd.s32 $0xFFFFF000  }
0x264: {  	_ =	swait.ge [sflag:s18], $0x1000  }
0x265: {  	[sflag:s18] =	ssyncset.done $0x0  }
0x266: {  	[sflag:s18] =	ssyncadd.s32 $0xFFFFF000  }
0x267: {  	[spmem:s2] =	stream.indirect.scatter.add.f32 [tilespmem:s15], [sflag:$0x5], $0x20, s0, s11, $0xb8;
	[tilespmem:$0x1F400] =	vst v63  }
0x268: {  	_ =	swait.ge [sflag:s9], $0x1000  }
0x269: {  	[sflag:s9] =	ssyncset.done $0x0  }
0x26a: {  	[sflag:s9] =	ssyncadd.s32 $0xFFFFF000  }
0x26b: {  	s25 =	stileid.u32;
	[bflag:$0x0] =	sbarrier.arrive $0xFFFF  }
0x26c: {  	s6 =	sshll.u32 s25, $0x6;
	s7 =	rddreg [dreg:$0x1d]  }
0x26d: {  	s6 =	sor.u32 $0x1C05, s6;
	s25 =	rddreg [dreg:$0x1f]  }
0x26e: {  	[hbm:s7], [sflag:s6] =	dma.local [spmem:s25], $0x3400  }
0x26f: {  	_ =	swait.ge [sflag:s9], $0x3400  }
0x270: {  	s6 =	sld [smem:$0x7FD];
	_ =	sdelay $0x2  }
0x271: {  	s25 =	rddreg [dreg:$0x1e];
	s7 =	sadd.s32 $0x1, s6  }
0x272: {  	p0 =	sne.s32 s7, s25  }
.Ltmp3:
0x273: {  	_ = 	snop;
	(pc) =	sbr.rel @p0 .LBB2_1-.Ltmp3, $3  }
0x274: {  	_ =	sdelay $0x1  }
0x275: {  	[sflag:s9] =	ssyncset.done $0x0  }
0x276: {  	[sflag:s9] =	ssyncadd.s32 $0xFFFFCC00  }
0x277: {  	_ =	sfence.sel $0x180000  }
0x278: {  	[bflag:$0x0] =	sbarrier.arrive $0xFFFF  }
0x279: {  	_ =	strace $0x9000004A  }
0x27a: {  	s0 =	stileid.u32;
	[bflag:$0x2] =	sbarrier.arrive $0xFFFF  }
0x27b: {  	p0 =	sne.s32 s0, $0x0;
	s0 =	rddreg [dreg:$0x2]  }
0x27c: {  	s0 =	sadd.s32 @!p0 $0x100000, s0  }
0x27d: {  	[sflag:s0] =	ssyncadd.tile.s32 @!p0 $0x1;
	_ =	shalt  }
.Lfunc_end2:
_tile_overlayer_lowered:
.L_overlay_start_2:
0x27e: {  	(tag) =	ssettag $0x2  }
0x27f: {  	s0 =	rddreg [dreg:$0x0];
	s2 =	stileid.u32  }
0x280: {  	s1 =	rddreg [dreg:$0x1];
	p0 =	sne.s32 s2, $0x0  }
0x281: {  	s3 =	rddreg [dreg:$0x2];
	[bflag:$0x3] =	sbarrier.arrive $0xFFFF;
	s2 =	simm.s32 @!p0 $0x1C05  }
0x282: {  	[timem:s3], [sflag:s2] =	dma.local @!p0 [hbm:s0], s1  }
0x283: {  	s0 =	simm.s32 @!p0 $0x5  }
0x284: {  	_ =	swait.ge @!p0 [sflag:s0], s1  }
0x285: {  	s1 =	ssub.s32 @!p0 $0x0, s1;
	[sflag:s0] =	ssyncset.done @!p0 $0x0  }
0x286: {  	[sflag:s0] =	ssyncadd.s32 @!p0 s1  }
0x287: {  	[bflag:$0x3] =	sbarrier.arrive $0xFFFF  }
0x288: {  	_ =	shalt  }

// kernel: kernel.16.cloned.1.call-start
scs
__scs_entry_jumppad:
0x0: {  	(pc) =	sbr.rel $0x88, $3  }
0x1: {  	(tag) =	ssettag $0x0;
	lr =	simm.s32 $0x1  }
0x2: {  	[smem:$0x3F98] =	sst lr;
	_ =	strace $0xD0000000  }
0x3: {  	_ = 	snop  }
0x4: {  	_ = 	snop  }
0x5: {  	_ = 	snop  }
0x6: {  	_ = 	snop  }
0x7: {  	_ = 	snop  }
__scs_overlays_trampoline_lowered:
0x8: {  	[smem:$0x3FA7] =	sst s0  }
0x9: {  	[smem:$0x3FA8] =	sst s1  }
0xa: {  	[smem:$0x3FA9] =	sst s2  }
0xb: {  	[smem:$0x3FAA] =	sst s3  }
0xc: {  	[smem:$0x3FAB] =	sst s4  }
0xd: {  	[smem:$0x3FAC] =	sst s5  }
0xe: {  	[smem:$0x3FAD] =	sst s6  }
0xf: {  	[smem:$0x3FAE] =	sst s7  }
0x10: {  	[smem:$0x3FAF] =	sst s8  }
0x11: {  	[smem:$0x3FB0] =	sst s9;
	s0 =	simm.s32 @!p0 $0x0  }
0x12: {  	s1 =	sld [smem:$0x3F96];
	s0 =	simm.s32 @p0 $0x1  }
0x13: {  	[smem:$0x3FB1] =	sst s0;
	s0 =	simm.s32 @!p1 $0x0  }
0x14: {  	s2 =	sld [smem:$0x3F95];
	s0 =	simm.s32 @p1 $0x1  }
0x15: {  	[smem:$0x3FB2] =	sst s0;
	s0 =	simm.s32 @!p2 $0x0  }
0x16: {  	s3 =	sld [smem:$0x3FDB];
	s0 =	simm.s32 @p2 $0x1  }
0x17: {  	s4 =	simm.s32 $0x1BF5;
	[smem:$0x3FB4] =	sst s0  }
0x18: {  	s0 =	sld [smem:$0x3F97];
	_ =	swait.ge [sflag:s4], $0x0  }
0x19: {  	s7 =	sld [smem:$0x3F98]  }
0x1a: {  	s8 =	sadd.s32 $0xFFFFE003, lr  }
0x1b: {  	s9 =	sadd.s32 $0xFFFFFEF7, lr;
	s5 =	simm.s32 $0xFFFFFFFF;
	p2 =	slt.u32 s8, $0xFFFFF086  }
0x1c: {  	p1 =	slt.u32 s9, $0xF7A;
	s5 =	simm.s32 @!p2 $0x0  }
0x1d: {  	s5 =	simm.s32 @p1 $0x1;
	p0 =	seq.s32 s7, s2  }
0x1e: {  	s7 =	smul.u32 @!p0 $0xF7A, s2;
	p2 =	seq.s32 @!p0 s5, $0x0  }
0x1f: {  	s9 =	smul.u32 $0xF7A, s1;
	s8 =	simm.s32 @!p0 $0x1BF5;
	p2 =	por !p2, p0  }
0x20: {  	[sflag:s8] =	ssyncset.s32 @!p0 $0xFFFFF086;
	s6 =	sadd.s32 @!p0 s3, s7;
	s7 =	simm.s32 @!p0 $0x108  }
0x21: {  	s3 =	sadd.s32 s3, s9;
	s6 =	sadd.s32 @!p0 $0x88, s6;
	s7 =	simm.s32 @p2 $0x1082  }
0x22: {  	[simem:s7], [sflag:s8] =	dma.local @!p0 [hbm:s6], $0xF7A  }
0x23: {  	s9 =	sor.u32 $0xD0000000, s2;
	s6 =	simm.s32 $0x108;
	_ =	swait.ge @!p0 [sflag:s8], $0x0  }
0x24: {  	s3 =	sadd.s32 $0x88, s3;
	s6 =	simm.s32 @!p1 $0x1082;
	[sflag:s4] =	ssyncset.s32 $0xFFFFF086  }
0x25: {  	[simem:s6], [sflag:s4] =	dma.local [hbm:s3], $0xF7A  }
0x26: {  	[smem:$0x3F98] =	sst s1;
	(tag) =	ssettag s2;
	_ =	strace s9  }
0x27: {  	s1 =	sld [smem:$0x3FA8]  }
0x28: {  	s2 =	sld [smem:$0x3FA9]  }
0x29: {  	s4 =	sld [smem:$0x3FAB]  }
0x2a: {  	p0 =	seq.s32 s5, $0x0;
	s5 =	sld [smem:$0x3FAC]  }
0x2b: {  	s6 =	sld [smem:$0x3FAD]  }
0x2c: {  	s7 =	sld [smem:$0x3FAE]  }
0x2d: {  	s3 =	simm.s32 $0x108;
	s8 =	sld [smem:$0x3FAF]  }
0x2e: {  	s3 =	simm.s32 @!p0 $0x1082;
	s9 =	sld [smem:$0x3FB0]  }
0x2f: {  	lr =	sadd.s32 s0, s3;
	s0 =	sld [smem:$0x3FA7]  }
0x30: {  	s3 =	sld [smem:$0x3FAA]  }
0x31: {  	[smem:$0x3FB3] =	sst s10  }
0x32: {  	s10 =	sld [smem:$0x3FB1];
	_ =	sdelay $0x3  }
0x33: {  	p0 =	seq.s32 s10, $0x1;
	s10 =	sld [smem:$0x3FB3];
	_ =	sdelay $0x3  }
0x34: {  	[smem:$0x3FB3] =	sst s10  }
0x35: {  	s10 =	sld [smem:$0x3FB2];
	_ =	sdelay $0x3  }
0x36: {  	p1 =	seq.s32 s10, $0x1;
	s10 =	sld [smem:$0x3FB3];
	_ =	sdelay $0x3  }
0x37: {  	[smem:$0x3FB3] =	sst s10  }
0x38: {  	s10 =	sld [smem:$0x3FB4]  }
0x39: {  	_ = 	snop;
	(pc) =	sbr.ind lr, $3  }
0x3a: {  	_ = 	snop  }
0x3b: {  	_ = 	snop  }
0x3c: {  	p2 =	seq.s32 s10, $0x1;
	s10 =	sld [smem:$0x3FB3]  }
0x3d: {  	_ =	shalt  }
0x3e: {  	_ =	shalt  }
0x3f: {  	_ =	shalt  }
0x40: {  	_ =	shalt  }
0x41: {  	_ =	shalt  }
0x42: {  	_ =	shalt  }
0x43: {  	_ =	shalt  }
0x44: {  	_ =	shalt  }
0x45: {  	_ =	shalt  }
0x46: {  	_ =	shalt  }
0x47: {  	_ =	shalt  }
0x48: {  	_ =	shalt  }
0x49: {  	_ =	shalt  }
0x4a: {  	_ =	shalt  }
0x4b: {  	_ =	shalt  }
0x4c: {  	_ =	shalt  }
0x4d: {  	_ =	shalt  }
0x4e: {  	_ =	shalt  }
0x4f: {  	_ =	shalt  }
0x50: {  	_ =	shalt  }
0x51: {  	_ =	shalt  }
0x52: {  	_ =	shalt  }
0x53: {  	_ =	shalt  }
0x54: {  	_ =	shalt  }
0x55: {  	_ =	shalt  }
0x56: {  	_ =	shalt  }
0x57: {  	_ =	shalt  }
0x58: {  	_ =	shalt  }
0x59: {  	_ =	shalt  }
0x5a: {  	_ =	shalt  }
0x5b: {  	_ =	shalt  }
0x5c: {  	_ =	shalt  }
0x5d: {  	_ =	shalt  }
0x5e: {  	_ =	shalt  }
0x5f: {  	_ =	shalt  }
0x60: {  	_ =	shalt  }
0x61: {  	_ =	shalt  }
0x62: {  	_ =	shalt  }
0x63: {  	_ =	shalt  }
0x64: {  	_ =	shalt  }
0x65: {  	_ =	shalt  }
0x66: {  	_ =	shalt  }
0x67: {  	_ =	shalt  }
0x68: {  	_ =	shalt  }
0x69: {  	_ =	shalt  }
0x6a: {  	_ =	shalt  }
0x6b: {  	_ =	shalt  }
0x6c: {  	_ =	shalt  }
0x6d: {  	_ =	shalt  }
0x6e: {  	_ =	shalt  }
0x6f: {  	_ =	shalt  }
0x70: {  	_ =	shalt  }
0x71: {  	_ =	shalt  }
0x72: {  	_ =	shalt  }
0x73: {  	_ =	shalt  }
0x74: {  	_ =	shalt  }
0x75: {  	_ =	shalt  }
0x76: {  	_ =	shalt  }
0x77: {  	_ =	shalt  }
0x78: {  	_ =	shalt  }
0x79: {  	_ =	shalt  }
0x7a: {  	_ =	shalt  }
0x7b: {  	_ =	shalt  }
0x7c: {  	_ =	shalt  }
0x7d: {  	_ =	shalt  }
0x7e: {  	_ =	shalt  }
0x7f: {  	_ =	shalt  }
0x80: {  	_ =	shalt  }
0x81: {  	_ =	shalt  }
0x82: {  	_ =	shalt  }
0x83: {  	_ =	shalt  }
0x84: {  	_ =	shalt  }
0x85: {  	_ =	shalt  }
0x86: {  	_ =	shalt  }
0x87: {  	_ =	shalt  }
.Lfunc_end0:
.L_simem_size_0:
called_computation.2_lowered:
.L_overlay_start_0:
0x88: {  	s2 =	sld [smem:$0x3FD9]  }
0x89: {  	s3 =	sld [smem:$0x3FFE];
	_ =	sdelay $0x1  }
0x8a: {  	s1 =	srdreg.scid  }
0x8b: {  	s0 =	sand.u32 $0x1, s1  }
0x8c: {  	s16 =	sshll.u32 s0, $0xA;
	s2 =	sadd.s32 s3, s2  }
0x8d: {  	s2 =	sadd.s32 s2, s16  }
0x8e: {  	[smem:$0x3FBF] =	sst s2  }
0x8f: {  	_ = 	snop  }
0x90: {  	(tm) =	ssettm $0x1  }
0x91: {  	s17 =	sld [smem:$0x3FFB];
	_ =	sdelay $0x3  }
0x92: {  	_ =	strace s17  }
0x93: {  	s2 =	sld [smem:$0x3FFC];
	_ =	sdelay $0x3  }
0x94: {  	_ =	strace s2  }
0x95: {  	s2 =	sld [smem:$0x3FFD];
	_ =	sdelay $0x3  }
0x96: {  	_ =	strace s2  }
0x97: {  	_ =	strace $0x8FFFFFFF  }
0x98: {  	s18 =	sld [smem:$0x3FDB];
	_ =	sdelay $0x1  }
0x99: {  	s19 =	simm.s32 $_scs_section_size  }
0x9a: {  	s4 =	simm.s32 $_size__tile_overlayer_lowered;
	s5 =	simm.s32 $_tile_overlayer_lowered  }
0x9b: {  	s22 =	simm.s32 $0x1BFF;
	s21 =	sshll.u32 s5, $0x1;
	s2 =	sadd.s32 s19, s18  }
0x9c: {  	s6 =	simm.s32 $0x0;
	s20 =	sshll.u32 s4, $0x1;
	s4 =	sadd.s32 s21, s2  }
0x9d: {  	[timem:s6], [sflag:s22] =	dma.local [hbm:s4], s20  }
0x9e: {  	_ =	swait.ge [sflag:s22], s20  }
0x9f: {  	s3 =	ssub.s32 $0x0, s20;
	[sflag:s22] =	ssyncset.done $0x0  }
0xa0: {  	[sflag:s22] =	ssyncadd.s32 s3;
	_ =	sdelay $0x1  }
0xa1: {  	s23 =	simm.s32 $0x1B8B  }
0xa2: {  	_ =	swait.ge [sflag:s23], $0x1  }
0xa3: {  	[sflag:s23] =	ssyncset.done $0x0  }
0xa4: {  	s25 =	simm.s32 $0x1B8E;
	s24 =	sld [smem:$0x3FFE];
	[sflag:s23] =	ssyncadd.s32 $0xFFFFFFFF  }
0xa5: {  	s26 =	simm.s32 $execute0_lowered;
	[smem:$0x3FD2] =	sst s25  }
0xa6: {  	s4 =	sshll.u32 s26, $0x1;
	_ =	strace $0x8000004C;
	[dreg:$0x1] =	wrdreg $0xFFFFFFFF  }
0xa7: {  	s28 =	simm.s32 $_size_execute0_lowered;
	s2 =	sadd.s32 s2, s4;
	[dreg:$0x0] =	wrdreg $0x0  }
0xa8: {  	s4 =	sshll.u32 s28, $0x1;
	[dreg:$0x2] =	wrdreg s2  }
0xa9: {  	[dreg:$0x3] =	wrdreg s4  }
0xaa: {  	[dreg:$0x4] =	wrdreg $0xC0  }
0xab: {  	_ =	task [dreg:s6], $0x5FFFF  }
0xac: {  	[dreg:$0x1] =	wrdreg $0xFFFFFFFF  }
0xad: {  	[dreg:$0x0] =	wrdreg $0x60  }
0xae: {  	[dreg:$0x2] =	wrdreg s24  }
0xaf: {  	[dreg:$0x3] =	wrdreg $0x54000  }
0xb0: {  	[dreg:$0x4] =	wrdreg $0x9  }
0xb1: {  	_ =	task.clear_ibuf [dreg:s6], $0x5FFFF;
	_ =	strace $0x9000004C  }
0xb2: {  	s29 =	simm.s32 $0x9;
	_ =	strace $0x8000004E  }
0xb3: {  	_ =	swait.ge [sflag:s29], $0x1  }
0xb4: {  	[sflag:s29] =	ssyncadd.s32 $0xFFFFFFFF  }
0xb5: {  	_ =	strace $0x9000004E  }
0xb6: {  	_ =	sfence  }
0xb7: {  	s30 =	sld [smem:$0x0];
	_ =	sdelay $0x2  }
0xb8: {  	s31 =	sshll.u32 s1, $0xD;
	s1 =	sshrl.u32 s1, $0x2  }
0xb9: {  	s3 =	sand.u32 $0x4000, s31;
	s1 =	sadd.s32 s1, s30  }
0xba: {  	s0 =	sor.u32 s3, s0;
	s1 =	sshll.u32 s1, $0x11  }
0xbb: {  	s0 =	sor.u32 s1, s0  }
0xbc: {  	s0 =	sadd.s32 $0x8F2B, s0  }
0xbd: {  	[sflag:s0] =	ssyncadd.remote.s32 $0x1  }
0xbe: {  	_ =	sfence.sel $0xFFFF  }
0xbf: {  	[dreg:$0x0] =	wrdreg $0xFFFFFFFF;
	(pc) =	sbr.abs _section_cstart, $3  }
0xc0: {  	[dreg:$0x1] =	wrdreg $0xFFFFFFFF  }
0xc1: {  	_ =	task.clear_ibuf [dreg:s6], $0x2FFFF;
	_ =	strace $0x9FFFFFFF  }
0xc2: {  	(tm) =	ssettm $0x7FFFFFFF  }
0xc3: {  	_ =	shalt  }
tec
execute0_lowered:
.L_overlay_start_1:
0x0: {  	(tag) =	ssettag $0x1  }
0x1: {  	s0 =	rddreg [dreg:$0x0]  }
0x2: {  	s2 =	rddreg [dreg:$0x1];
	s3 =	simm.s32 $0x0  }
0x3: {  	s8 =	stileid.u32;
	s11 =	simm.s32 $0x100;
	[smem:$0x7FF] =	sst s3  }
0x4: {  	s12 =	simm.s32 $0x180;
	_ =	strace $0x8000004D;
	[dreg:$0x5] =	wrdreg s11  }
0x5: {  	s4 =	srdreg.scid;
	s13 =	simm.s32 $0x200;
	[dreg:$0x6] =	wrdreg s12  }
0x6: {  	s14 =	simm.s32 $0xA80;
	s15 =	simm.s32 $0x280;
	[dreg:$0x7] =	wrdreg s13  }
0x7: {  	s16 =	simm.s32 $0xB00;
	s18 =	simm.s32 $0x300;
	[dreg:$0x8] =	wrdreg s14  }
0x8: {  	s19 =	simm.s32 $0xB80;
	s20 =	simm.s32 $0x380;
	[dreg:$0x9] =	wrdreg s15  }
0x9: {  	s22 =	simm.s32 $0xC00;
	s23 =	simm.s32 $0x400;
	[dreg:$0xa] =	wrdreg s16  }
0xa: {  	s24 =	simm.s32 $0xC80;
	s25 =	simm.s32 $0x480;
	[dreg:$0xb] =	wrdreg s18  }
0xb: {  	s9 =	simm.s32 $0x5;
	s28 =	simm.s32 $0x1180;
	[dreg:$0xc] =	wrdreg s19  }
0xc: {  	s29 =	simm.s32 $0x980;
	s1 =	smul.u32 $0x1900, s8;
	[dreg:$0xd] =	wrdreg s20  }
0xd: {  	s30 =	simm.s32 $0x1200;
	s10 =	smul.u32 $0x1A000, s8;
	[dreg:$0xe] =	wrdreg s22  }
0xe: {  	s4 =	sand.u32 $0x1, s4;
	s8 =	smul.u32 $0x68000, s8;
	[dreg:$0xf] =	wrdreg s23  }
0xf: {  	s31 =	simm.s32 $0x1280;
	s5 =	smul.u32 $0x34000, s4;
	[dreg:$0x10] =	wrdreg s24  }
0x10: {  	s7 =	smul.u32 $0x1A0000, s4;
	s4 =	ssub.s32 $0x2, s4;
	[dreg:$0x11] =	wrdreg s25  }
0x11: {  	s14 =	simm.s32 $0xD00;
	s16 =	simm.s32 $0x500;
	s18 =	simm.s32 $0x580  }
0x12: {  	s19 =	simm.s32 $0xE00;
	s11 =	simm.s32 $0x80;
	[dreg:$0x12] =	wrdreg s14  }
0x13: {  	s20 =	simm.s32 $0x600;
	s12 =	simm.s32 $0x2400;
	[dreg:$0x13] =	wrdreg s16  }
0x14: {  	s13 =	simm.s32 $0x3400;
	s22 =	simm.s32 $0x680;
	[dreg:$0x15] =	wrdreg s18  }
0x15: {  	s23 =	simm.s32 $0xF00;
	s24 =	simm.s32 $0x700;
	[dreg:$0x16] =	wrdreg s19  }
0x16: {  	s25 =	simm.s32 $0xF80;
	s1 =	sadd.s32 s1, s0;
	[dreg:$0x17] =	wrdreg s20  }
0x17: {  	s17 =	sshrl.u32 s4, $0x1;
	s21 =	sshrl.u32 s8, $0x2;
	[dreg:$0x19] =	wrdreg s22  }
0x18: {  	s26 =	sadd.s32 s10, s2;
	s8 =	simm.s32 $0x1400;
	[dreg:$0x1a] =	wrdreg s23  }
0x19: {  	s14 =	simm.s32 $0x1;
	s16 =	simm.s32 $0x2;
	[dreg:$0x1b] =	wrdreg s24  }
0x1a: {  	s18 =	simm.s32 $0x4;
	[dreg:$0x1c] =	wrdreg s25;
	s19 =	simm.s32 $0x780  }
0x1b: {  	s20 =	simm.s32 $0x1000;
	s22 =	simm.s32 $0x1080;
	s23 =	simm.s32 $0x880  }
0x1c: {  	s24 =	simm.s32 $0x1100;
	s6 =	sadd.s32 $0x1A00, s1;
	s1 =	sadd.s32 $0x1DE00, s1  }
0x1d: {  	s5 =	sadd.s32 s5, s0;
	s7 =	sadd.s32 s10, s7;
	[dreg:$0x3] =	wrdreg s6  }
0x1e: {  	s10 =	simm.s32 $0xA00;
	s26 =	sshrl.u32 s26, $0x3;
	[dreg:$0x4] =	wrdreg s1  }
0x1f: {  	s7 =	sshrl.u32 s7, $0x3;
	s5 =	sadd.s32 $0x446E00, s5;
	[dreg:$0x1f] =	wrdreg s26  }
0x20: {  	s26 =	simm.s32 $0x900;
	s1 =	simm.s32 $0x1300;
	s0 =	sadd.s32 s7, s0  }
0x21: {  	s7 =	ssub.s32 s4, s17;
	s4 =	sadd.s32 s21, s2;
	s17 =	simm.s32 $0xD80  }
0x22: {  	s21 =	simm.s32 $0xE80;
	s0 =	sadd.s32 $0x4AEE00, s0;
	[dreg:$0x14] =	wrdreg s17  }
0x23: {  	s15 =	smax.u32 s7, $0x1;
	[dreg:$0x18] =	wrdreg s21;
	s17 =	simm.s32 $0x3  }
0x24: {  	s21 =	simm.s32 $0x800;
	s7 =	simm.s32 $0x0;
	[dreg:$0x1d] =	wrdreg s0  }
0x25: {  	v0 =	vimm.f32 $0.0e+00;
	[dreg:$0x1e] =	wrdreg s15;
	s15 =	simm.s32 $0x4400;
	s0 =	simm.s32 $0x1380  }
.LBB2_1:
0x26: {  	[smem:$0x7FD] =	sst s7;
	s6 =	simm.s32 $0x0  }
.LBB2_2:
0x27: {  	p0 =	sne.s32 s6, $0x3F80  }
.Ltmp0:
0x28: {  	_ = 	snop;
	(pc) =	sbr.rel @p0 .LBB2_2-.Ltmp0, $4  }
0x29: {  	_ = 	snop  }
0x2a: {  	s7 =	sshra.s32 s6, $0x2  }
0x2b: {  	[tilespmem:s7+$0x1400] =	vst v0  }
0x2c: {  	s6 =	sadd.s32 $0x80, s6;
	[tilespmem:s7+$0x1410] =	vst v0  }
0x2d: {  	s6 =	sadd.s32 $0x0, s4  }
0x2e: {  	[spmem:s6] =	stream.linear.scatter [tilespmem:s8], [sflag:$0x5], $0x1000, $0x38;
	[tilespmem:$0x1F400] =	vst v63  }
0x2f: {  	s7 =	simm.s32 $0x4000;
	_ =	swait.ge [sflag:s9], $0x1000  }
.LBB2_4:
0x30: {  	s6 =	sshra.s32 s7, $0x2;
	[sflag:s9] =	ssyncset.done $0x0;
	p0 =	sne.s32 s7, $0x64000  }
.Ltmp1:
0x31: {  	s6 =	sadd.s32 s6, s4;
	[sflag:s9] =	ssyncadd.s32 $0xFFFFF000;
	(pc) =	sbr.rel @p0 .LBB2_4-.Ltmp1, $3  }
0x32: {  	[spmem:s6] =	stream.linear.scatter [tilespmem:s8], [sflag:$0x5], $0x1000, $0x38;
	[tilespmem:$0x1F400] =	vst v63  }
0x33: {  	s7 =	sadd.s32 $0x4000, s7;
	_ =	sdelay $0x1  }
0x34: {  	_ =	swait.ge [sflag:s9], $0x1000  }
0x35: {  	[sflag:s9] =	ssyncset.done $0x0  }
0x36: {  	[sflag:s9] =	ssyncadd.s32 $0xFFFFF000  }
0x37: {  	[bflag:$0x0] =	sbarrier.arrive $0xFFFF  }
0x38: {  	s6 =	rddreg [dreg:$0x4]  }
0x39: {  	s6 =	sadd.s32 $0x0, s6  }
0x3a: {  	[tilespmem:s3], [sflag:$0x5] =	stream.linear.gather [hbm4b:s6+s3], $0xA00, $0x38;
	[tilespmem:$0x1F400] =	vst v63  }
0x3b: {  	_ =	swait.ge [sflag:s9], $0xA00  }
0x3c: {  	s7 =	rddreg [dreg:$0x3];
	[sflag:s9] =	ssyncset.done $0x0  }
0x3d: {  	[sflag:s9] =	ssyncadd.s32 $0xFFFFF600;
	s6 =	sadd.s32 $0x0, s7  }
0x3e: {  	[tilespmem:s10], [sflag:$0x5] =	stream.linear.gather [hbm4b:s6+s3], $0xA00, $0x38;
	[tilespmem:$0x1F400] =	vst v63  }
0x3f: {  	_ =	swait.ge [sflag:s9], $0xA00  }
0x40: {  	[sflag:s9] =	ssyncset.done $0x0  }
0x41: {  	[sflag:s9] =	ssyncadd.s32 $0xFFFFF600  }
0x42: {  	[tilespmem:s8], [sflag:$0x1] =	stream.indirect.gather [hbm4b:s5+s11], $0x20, s3, s11, $0xb8;
	[tilespmem:$0x1F400] =	vst v63  }
0x43: {  	_ = 	snop  }
0x44: {  	[tilespmem:s12], [sflag:$0x2] =	stream.indirect.gather [hbm4b:s5+s11], $0x20, s11, s11, $0xb8;
	[tilespmem:$0x1F400] =	vst v63  }
0x45: {  	s25 =	rddreg [dreg:$0x5]  }
0x46: {  	[tilespmem:s13], [sflag:$0x3] =	stream.indirect.gather [hbm4b:s5+s11], $0x20, s25, s11, $0xb8;
	[tilespmem:$0x1F400] =	vst v63  }
0x47: {  	_ =	swait.ge [sflag:s14], $0x1000  }
0x48: {  	[sflag:s14] =	ssyncset.done $0x0  }
0x49: {  	s7 =	rddreg [dreg:$0x6];
	[sflag:s14] =	ssyncadd.s32 $0xFFFFF000  }
0x4a: {  	[tilespmem:s15], [sflag:$0x4] =	stream.indirect.gather [hbm4b:s5+s11], $0x20, s7, s11, $0xb8;
	[tilespmem:$0x1F400] =	vst v63  }
0x4b: {  	_ = 	snop  }
0x4c: {  	[spmem:s2] =	stream.indirect.scatter.add.f32 [tilespmem:s8], [sflag:$0x5], $0x20, s10, s11, $0xb8;
	[tilespmem:$0x1F400] =	vst v63  }
0x4d: {  	_ =	swait.ge [sflag:s9], $0x1000  }
0x4e: {  	[sflag:s9] =	ssyncset.done $0x0  }
0x4f: {  	[sflag:s9] =	ssyncadd.s32 $0xFFFFF000  }
0x50: {  	_ =	swait.ge [sflag:s16], $0x1000  }
0x51: {  	[sflag:s16] =	ssyncset.done $0x0  }
0x52: {  	s25 =	rddreg [dreg:$0x7];
	[sflag:s16] =	ssyncadd.s32 $0xFFFFF000  }
0x53: {  	[tilespmem:s8], [sflag:$0x1] =	stream.indirect.gather [hbm4b:s5+s11], $0x20, s25, s11, $0xb8;
	[tilespmem:$0x1F400] =	vst v63  }
0x54: {  	s7 =	rddreg [dreg:$0x8]  }
0x55: {  	[spmem:s2] =	stream.indirect.scatter.add.f32 [tilespmem:s12], [sflag:$0x5], $0x20, s7, s11, $0xb8;
	[tilespmem:$0x1F400] =	vst v63  }
0x56: {  	_ =	swait.ge [sflag:s9], $0x1000  }
0x57: {  	[sflag:s9] =	ssyncset.done $0x0  }
0x58: {  	[sflag:s9] =	ssyncadd.s32 $0xFFFFF000  }
0x59: {  	_ =	swait.ge [sflag:s17], $0x1000  }
0x5a: {  	[sflag:s17] =	ssyncset.done $0x0  }
0x5b: {  	s7 =	rddreg [dreg:$0x9];
	[sflag:s17] =	ssyncadd.s32 $0xFFFFF000  }
0x5c: {  	[tilespmem:s12], [sflag:$0x2] =	stream.indirect.gather [hbm4b:s5+s11], $0x20, s7, s11, $0xb8;
	[tilespmem:$0x1F400] =	vst v63  }
0x5d: {  	s25 =	rddreg [dreg:$0xa]  }
0x5e: {  	[spmem:s2] =	stream.indirect.scatter.add.f32 [tilespmem:s13], [sflag:$0x5], $0x20, s25, s11, $0xb8;
	[tilespmem:$0x1F400] =	vst v63  }
0x5f: {  	_ =	swait.ge [sflag:s9], $0x1000  }
0x60: {  	[sflag:s9] =	ssyncset.done $0x0  }
0x61: {  	[sflag:s9] =	ssyncadd.s32 $0xFFFFF000  }
0x62: {  	_ =	swait.ge [sflag:s18], $0x1000  }
0x63: {  	[sflag:s18] =	ssyncset.done $0x0  }
0x64: {  	s7 =	rddreg [dreg:$0xb];
	[sflag:s18] =	ssyncadd.s32 $0xFFFFF000  }
0x65: {  	[tilespmem:s13], [sflag:$0x3] =	stream.indirect.gather [hbm4b:s5+s11], $0x20, s7, s11, $0xb8;
	[tilespmem:$0x1F400] =	vst v63  }
0x66: {  	s25 =	rddreg [dreg:$0xc]  }
0x67: {  	[spmem:s2] =	stream.indirect.scatter.add.f32 [tilespmem:s15], [sflag:$0x5], $0x20, s25, s11, $0xb8;
	[tilespmem:$0x1F400] =	vst v63  }
0x68: {  	_ =	swait.ge [sflag:s9], $0x1000  }
0x69: {  	[sflag:s9] =	ssyncset.done $0x0  }
0x6a: {  	[sflag:s9] =	ssyncadd.s32 $0xFFFFF000  }
0x6b: {  	_ =	swait.ge [sflag:s14], $0x1000  }
0x6c: {  	[sflag:s14] =	ssyncset.done $0x0  }
0x6d: {  	s7 =	rddreg [dreg:$0xd];
	[sflag:s14] =	ssyncadd.s32 $0xFFFFF000  }
0x6e: {  	[tilespmem:s15], [sflag:$0x4] =	stream.indirect.gather [hbm4b:s5+s11], $0x20, s7, s11, $0xb8;
	[tilespmem:$0x1F400] =	vst v63  }
0x6f: {  	s25 =	rddreg [dreg:$0xe]  }
0x70: {  	[spmem:s2] =	stream.indirect.scatter.add.f32 [tilespmem:s8], [sflag:$0x5], $0x20, s25, s11, $0xb8;
	[tilespmem:$0x1F400] =	vst v63  }
0x71: {  	_ =	swait.ge [sflag:s9], $0x1000  }
0x72: {  	[sflag:s9] =	ssyncset.done $0x0  }
0x73: {  	[sflag:s9] =	ssyncadd.s32 $0xFFFFF000  }
0x74: {  	_ =	swait.ge [sflag:s16], $0x1000  }
0x75: {  	[sflag:s16] =	ssyncset.done $0x0  }
0x76: {  	s7 =	rddreg [dreg:$0xf];
	[sflag:s16] =	ssyncadd.s32 $0xFFFFF000  }
0x77: {  	[tilespmem:s8], [sflag:$0x1] =	stream.indirect.gather [hbm4b:s5+s11], $0x20, s7, s11, $0xb8;
	[tilespmem:$0x1F400] =	vst v63  }
0x78: {  	s25 =	rddreg [dreg:$0x10]  }
0x79: {  	[spmem:s2] =	stream.indirect.scatter.add.f32 [tilespmem:s12], [sflag:$0x5], $0x20, s25, s11, $0xb8;
	[tilespmem:$0x1F400] =	vst v63  }
0x7a: {  	_ =	swait.ge [sflag:s9], $0x1000  }
0x7b: {  	[sflag:s9] =	ssyncset.done $0x0  }
0x7c: {  	[sflag:s9] =	ssyncadd.s32 $0xFFFFF000  }
0x7d: {  	_ =	swait.ge [sflag:s17], $0x1000  }
0x7e: {  	[sflag:s17] =	ssyncset.done $0x0  }
0x7f: {  	s7 =	rddreg [dreg:$0x11];
	[sflag:s17] =	ssyncadd.s32 $0xFFFFF000  }
0x80: {  	[tilespmem:s12], [sflag:$0x2] =	stream.indirect.gather [hbm4b:s5+s11], $0x20, s7, s11, $0xb8;
	[tilespmem:$0x1F400] =	vst v63  }
0x81: {  	s25 =	rddreg [dreg:$0x12]  }
0x82: {  	[spmem:s2] =	stream.indirect.scatter.add.f32 [tilespmem:s13], [sflag:$0x5], $0x20, s25, s11, $0xb8;
	[tilespmem:$0x1F400] =	vst v63  }
0x83: {  	_ =	swait.ge [sflag:s9], $0x1000  }
0x84: {  	[sflag:s9] =	ssyncset.done $0x0  }
0x85: {  	[sflag:s9] =	ssyncadd.s32 $0xFFFFF000  }
0x86: {  	_ =	swait.ge [sflag:s18], $0x1000  }
0x87: {  	[sflag:s18] =	ssyncset.done $0x0  }
0x88: {  	s7 =	rddreg [dreg:$0x13];
	[sflag:s18] =	ssyncadd.s32 $0xFFFFF000  }
0x89: {  	[tilespmem:s13], [sflag:$0x3] =	stream.indirect.gather [hbm4b:s5+s11], $0x20, s7, s11, $0xb8;
	[tilespmem:$0x1F400] =	vst v63  }
0x8a: {  	s25 =	rddreg [dreg:$0x14]  }
0x8b: {  	[spmem:s2] =	stream.indirect.scatter.add.f32 [tilespmem:s15], [sflag:$0x5], $0x20, s25, s11, $0xb8;
	[tilespmem:$0x1F400] =	vst v63  }
0x8c: {  	_ =	swait.ge [sflag:s9], $0x1000  }
0x8d: {  	[sflag:s9] =	ssyncset.done $0x0  }
0x8e: {  	[sflag:s9] =	ssyncadd.s32 $0xFFFFF000  }
0x8f: {  	_ =	swait.ge [sflag:s14], $0x1000  }
0x90: {  	[sflag:s14] =	ssyncset.done $0x0  }
0x91: {  	s7 =	rddreg [dreg:$0x15];
	[sflag:s14] =	ssyncadd.s32 $0xFFFFF000  }
0x92: {  	[tilespmem:s15], [sflag:$0x4] =	stream.indirect.gather [hbm4b:s5+s11], $0x20, s7, s11, $0xb8;
	[tilespmem:$0x1F400] =	vst v63  }
0x93: {  	s25 =	rddreg [dreg:$0x16]  }
0x94: {  	[spmem:s2] =	stream.indirect.scatter.add.f32 [tilespmem:s8], [sflag:$0x5], $0x20, s25, s11, $0xb8;
	[tilespmem:$0x1F400] =	vst v63  }
0x95: {  	_ =	swait.ge [sflag:s9], $0x1000  }
0x96: {  	[sflag:s9] =	ssyncset.done $0x0  }
0x97: {  	[sflag:s9] =	ssyncadd.s32 $0xFFFFF000  }
0x98: {  	_ =	swait.ge [sflag:s16], $0x1000  }
0x99: {  	[sflag:s16] =	ssyncset.done $0x0  }
0x9a: {  	s7 =	rddreg [dreg:$0x17];
	[sflag:s16] =	ssyncadd.s32 $0xFFFFF000  }
0x9b: {  	[tilespmem:s8], [sflag:$0x1] =	stream.indirect.gather [hbm4b:s5+s11], $0x20, s7, s11, $0xb8;
	[tilespmem:$0x1F400] =	vst v63  }
0x9c: {  	s25 =	rddreg [dreg:$0x18]  }
0x9d: {  	[spmem:s2] =	stream.indirect.scatter.add.f32 [tilespmem:s12], [sflag:$0x5], $0x20, s25, s11, $0xb8;
	[tilespmem:$0x1F400] =	vst v63  }
0x9e: {  	_ =	swait.ge [sflag:s9], $0x1000  }
0x9f: {  	[sflag:s9] =	ssyncset.done $0x0  }
0xa0: {  	[sflag:s9] =	ssyncadd.s32 $0xFFFFF000  }
0xa1: {  	_ =	swait.ge [sflag:s17], $0x1000  }
0xa2: {  	[sflag:s17] =	ssyncset.done $0x0  }
0xa3: {  	s7 =	rddreg [dreg:$0x19];
	[sflag:s17] =	ssyncadd.s32 $0xFFFFF000  }
0xa4: {  	[tilespmem:s12], [sflag:$0x2] =	stream.indirect.gather [hbm4b:s5+s11], $0x20, s7, s11, $0xb8;
	[tilespmem:$0x1F400] =	vst v63  }
0xa5: {  	s25 =	rddreg [dreg:$0x1a]  }
0xa6: {  	[spmem:s2] =	stream.indirect.scatter.add.f32 [tilespmem:s13], [sflag:$0x5], $0x20, s25, s11, $0xb8;
	[tilespmem:$0x1F400] =	vst v63  }
0xa7: {  	_ =	swait.ge [sflag:s9], $0x1000  }
0xa8: {  	[sflag:s9] =	ssyncset.done $0x0  }
0xa9: {  	[sflag:s9] =	ssyncadd.s32 $0xFFFFF000  }
0xaa: {  	_ =	swait.ge [sflag:s18], $0x1000  }
0xab: {  	[sflag:s18] =	ssyncset.done $0x0  }
0xac: {  	s7 =	rddreg [dreg:$0x1b];
	[sflag:s18] =	ssyncadd.s32 $0xFFFFF000  }
0xad: {  	[tilespmem:s13], [sflag:$0x3] =	stream.indirect.gather [hbm4b:s5+s11], $0x20, s7, s11, $0xb8;
	[tilespmem:$0x1F400] =	vst v63  }
0xae: {  	s25 =	rddreg [dreg:$0x1c]  }
0xaf: {  	[spmem:s2] =	stream.indirect.scatter.add.f32 [tilespmem:s15], [sflag:$0x5], $0x20, s25, s11, $0xb8;
	[tilespmem:$0x1F400] =	vst v63  }
0xb0: {  	_ =	swait.ge [sflag:s9], $0x1000  }
0xb1: {  	[sflag:s9] =	ssyncset.done $0x0  }
0xb2: {  	[sflag:s9] =	ssyncadd.s32 $0xFFFFF000  }
0xb3: {  	_ =	swait.ge [sflag:s14], $0x1000  }
0xb4: {  	[sflag:s14] =	ssyncset.done $0x0  }
0xb5: {  	[sflag:s14] =	ssyncadd.s32 $0xFFFFF000  }
0xb6: {  	[tilespmem:s15], [sflag:$0x4] =	stream.indirect.gather [hbm4b:s5+s11], $0x20, s19, s11, $0xb8;
	[tilespmem:$0x1F400] =	vst v63  }
0xb7: {  	_ = 	snop  }
0xb8: {  	[spmem:s2] =	stream.indirect.scatter.add.f32 [tilespmem:s8], [sflag:$0x5], $0x20, s20, s11, $0xb8;
	[tilespmem:$0x1F400] =	vst v63  }
0xb9: {  	_ =	swait.ge [sflag:s9], $0x1000  }
0xba: {  	[sflag:s9] =	ssyncset.done $0x0  }
0xbb: {  	[sflag:s9] =	ssyncadd.s32 $0xFFFFF000  }
0xbc: {  	_ =	swait.ge [sflag:s16], $0x1000  }
0xbd: {  	[sflag:s16] =	ssyncset.done $0x0  }
0xbe: {  	[sflag:s16] =	ssyncadd.s32 $0xFFFFF000  }
0xbf: {  	[tilespmem:s8], [sflag:$0x1] =	stream.indirect.gather [hbm4b:s5+s11], $0x20, s21, s11, $0xb8;
	[tilespmem:$0x1F400] =	vst v63  }
0xc0: {  	_ = 	snop  }
0xc1: {  	[spmem:s2] =	stream.indirect.scatter.add.f32 [tilespmem:s12], [sflag:$0x5], $0x20, s22, s11, $0xb8;
	[tilespmem:$0x1F400] =	vst v63  }
0xc2: {  	_ =	swait.ge [sflag:s9], $0x1000  }
0xc3: {  	[sflag:s9] =	ssyncset.done $0x0  }
0xc4: {  	[sflag:s9] =	ssyncadd.s32 $0xFFFFF000  }
0xc5: {  	_ =	swait.ge [sflag:s17], $0x1000  }
0xc6: {  	[sflag:s17] =	ssyncset.done $0x0  }
0xc7: {  	[sflag:s17] =	ssyncadd.s32 $0xFFFFF000  }
0xc8: {  	[tilespmem:s12], [sflag:$0x2] =	stream.indirect.gather [hbm4b:s5+s11], $0x20, s23, s11, $0xb8;
	[tilespmem:$0x1F400] =	vst v63  }
0xc9: {  	_ = 	snop  }
0xca: {  	[spmem:s2] =	stream.indirect.scatter.add.f32 [tilespmem:s13], [sflag:$0x5], $0x20, s24, s11, $0xb8;
	[tilespmem:$0x1F400] =	vst v63  }
0xcb: {  	_ =	swait.ge [sflag:s9], $0x1000  }
0xcc: {  	[sflag:s9] =	ssyncset.done $0x0  }
0xcd: {  	[sflag:s9] =	ssyncadd.s32 $0xFFFFF000  }
0xce: {  	_ =	swait.ge [sflag:s18], $0x1000  }
0xcf: {  	[sflag:s18] =	ssyncset.done $0x0  }
0xd0: {  	[sflag:s18] =	ssyncadd.s32 $0xFFFFF000  }
0xd1: {  	[tilespmem:s13], [sflag:$0x3] =	stream.indirect.gather [hbm4b:s5+s11], $0x20, s26, s11, $0xb8;
	[tilespmem:$0x1F400] =	vst v63  }
0xd2: {  	_ = 	snop  }
0xd3: {  	[spmem:s2] =	stream.indirect.scatter.add.f32 [tilespmem:s15], [sflag:$0x5], $0x20, s28, s11, $0xb8;
	[tilespmem:$0x1F400] =	vst v63  }
0xd4: {  	_ =	swait.ge [sflag:s9], $0x1000  }
0xd5: {  	[sflag:s9] =	ssyncset.done $0x0  }
0xd6: {  	[sflag:s9] =	ssyncadd.s32 $0xFFFFF000  }
0xd7: {  	_ =	swait.ge [sflag:s14], $0x1000  }
0xd8: {  	[sflag:s14] =	ssyncset.done $0x0  }
0xd9: {  	[sflag:s14] =	ssyncadd.s32 $0xFFFFF000  }
0xda: {  	[tilespmem:s15], [sflag:$0x4] =	stream.indirect.gather [hbm4b:s5+s11], $0x20, s29, s11, $0xb8;
	[tilespmem:$0x1F400] =	vst v63  }
0xdb: {  	_ = 	snop  }
0xdc: {  	[spmem:s2] =	stream.indirect.scatter.add.f32 [tilespmem:s8], [sflag:$0x5], $0x20, s30, s11, $0xb8;
	[tilespmem:$0x1F400] =	vst v63  }
0xdd: {  	_ =	swait.ge [sflag:s9], $0x1000  }
0xde: {  	[sflag:s9] =	ssyncset.done $0x0  }
0xdf: {  	[sflag:s9] =	ssyncadd.s32 $0xFFFFF000  }
0xe0: {  	_ =	swait.ge [sflag:s16], $0x1000  }
0xe1: {  	[sflag:s16] =	ssyncset.done $0x0  }
0xe2: {  	[sflag:s16] =	ssyncadd.s32 $0xFFFFF000  }
0xe3: {  	[spmem:s2] =	stream.indirect.scatter.add.f32 [tilespmem:s12], [sflag:$0x5], $0x20, s31, s11, $0xb8;
	[tilespmem:$0x1F400] =	vst v63  }
0xe4: {  	_ =	swait.ge [sflag:s9], $0x1000  }
0xe5: {  	[sflag:s9] =	ssyncset.done $0x0  }
0xe6: {  	[sflag:s9] =	ssyncadd.s32 $0xFFFFF000  }
0xe7: {  	_ =	swait.ge [sflag:s17], $0x1000  }
0xe8: {  	[sflag:s17] =	ssyncset.done $0x0  }
0xe9: {  	[sflag:s17] =	ssyncadd.s32 $0xFFFFF000  }
0xea: {  	[spmem:s2] =	stream.indirect.scatter.add.f32 [tilespmem:s13], [sflag:$0x5], $0x20, s1, s11, $0xb8;
	[tilespmem:$0x1F400] =	vst v63  }
0xeb: {  	_ =	swait.ge [sflag:s9], $0x1000  }
0xec: {  	[sflag:s9] =	ssyncset.done $0x0  }
0xed: {  	[sflag:s9] =	ssyncadd.s32 $0xFFFFF000  }
0xee: {  	_ =	swait.ge [sflag:s18], $0x1000  }
0xef: {  	[sflag:s18] =	ssyncset.done $0x0  }
0xf0: {  	[sflag:s18] =	ssyncadd.s32 $0xFFFFF000  }
0xf1: {  	[spmem:s2] =	stream.indirect.scatter.add.f32 [tilespmem:s15], [sflag:$0x5], $0x20, s0, s11, $0xb8;
	[tilespmem:$0x1F400] =	vst v63  }
0xf2: {  	s7 =	simm.s32 $0x140;
	_ =	swait.ge [sflag:s9], $0x1000  }
0xf3: {  	s25 =	simm.s32 $0x280;
	s6 =	rddreg [dreg:$0x4];
	[sflag:s9] =	ssyncset.done $0x0  }
.LBB2_6:
0xf4: {  	[sflag:s9] =	ssyncadd.s32 $0xFFFFF000;
	s6 =	sadd.s32 s7, s6  }
0xf5: {  	[tilespmem:s3], [sflag:$0x5] =	stream.linear.gather [hbm4b:s6+s3], $0xA00, $0x38;
	[tilespmem:$0x1F400] =	vst v63  }
0xf6: {  	_ =	swait.ge [sflag:s9], $0xA00  }
0xf7: {  	s6 =	rddreg [dreg:$0x3];
	[sflag:s9] =	ssyncset.done $0x0  }
0xf8: {  	[sflag:s9] =	ssyncadd.s32 $0xFFFFF600;
	s6 =	sadd.s32 s7, s6  }
0xf9: {  	[tilespmem:s10], [sflag:$0x5] =	stream.linear.gather [hbm4b:s6+s3], $0xA00, $0x38;
	[tilespmem:$0x1F400] =	vst v63  }
0xfa: {  	_ =	swait.ge [sflag:s9], $0xA00  }
0xfb: {  	[sflag:s9] =	ssyncset.done $0x0  }
0xfc: {  	[sflag:s9] =	ssyncadd.s32 $0xFFFFF600  }
0xfd: {  	[tilespmem:s8], [sflag:$0x1] =	stream.indirect.gather [hbm4b:s5+s11], $0x20, s3, s11, $0xb8;
	[tilespmem:$0x1F400] =	vst v63  }
0xfe: {  	s19 =	smov.u32 s25  }
0xff: {  	[tilespmem:s12], [sflag:$0x2] =	stream.indirect.gather [hbm4b:s5+s11], $0x20, s11, s11, $0xb8;
	[tilespmem:$0x1F400] =	vst v63  }
0x100: {  	s7 =	smov.u32 s19;
	s19 =	rddreg [dreg:$0x5]  }
0x101: {  	[tilespmem:s13], [sflag:$0x3] =	stream.indirect.gather [hbm4b:s5+s11], $0x20, s19, s11, $0xb8;
	[tilespmem:$0x1F400] =	vst v63  }
0x102: {  	_ =	swait.ge [sflag:s14], $0x1000  }
0x103: {  	[sflag:s14] =	ssyncset.done $0x0  }
0x104: {  	s19 =	rddreg [dreg:$0x6];
	[sflag:s14] =	ssyncadd.s32 $0xFFFFF000  }
0x105: {  	[tilespmem:s15], [sflag:$0x4] =	stream.indirect.gather [hbm4b:s5+s11], $0x20, s19, s11, $0xb8;
	[tilespmem:$0x1F400] =	vst v63  }
0x106: {  	_ = 	snop  }
0x107: {  	[spmem:s2] =	stream.indirect.scatter.add.f32 [tilespmem:s8], [sflag:$0x5], $0x20, s10, s11, $0xb8;
	[tilespmem:$0x1F400] =	vst v63  }
0x108: {  	_ =	swait.ge [sflag:s9], $0x1000  }
0x109: {  	[sflag:s9] =	ssyncset.done $0x0  }
0x10a: {  	[sflag:s9] =	ssyncadd.s32 $0xFFFFF000  }
0x10b: {  	_ =	swait.ge [sflag:s16], $0x1000  }
0x10c: {  	[sflag:s16] =	ssyncset.done $0x0  }
0x10d: {  	s6 =	rddreg [dreg:$0x7];
	[sflag:s16] =	ssyncadd.s32 $0xFFFFF000  }
0x10e: {  	[tilespmem:s8], [sflag:$0x1] =	stream.indirect.gather [hbm4b:s5+s11], $0x20, s6, s11, $0xb8;
	[tilespmem:$0x1F400] =	vst v63  }
0x10f: {  	s19 =	rddreg [dreg:$0x8]  }
0x110: {  	[spmem:s2] =	stream.indirect.scatter.add.f32 [tilespmem:s12], [sflag:$0x5], $0x20, s19, s11, $0xb8;
	[tilespmem:$0x1F400] =	vst v63  }
0x111: {  	_ =	swait.ge [sflag:s9], $0x1000  }
0x112: {  	[sflag:s9] =	ssyncset.done $0x0  }
0x113: {  	[sflag:s9] =	ssyncadd.s32 $0xFFFFF000  }
0x114: {  	_ =	swait.ge [sflag:s17], $0x1000  }
0x115: {  	[sflag:s17] =	ssyncset.done $0x0  }
0x116: {  	s6 =	rddreg [dreg:$0x9];
	[sflag:s17] =	ssyncadd.s32 $0xFFFFF000  }
0x117: {  	[tilespmem:s12], [sflag:$0x2] =	stream.indirect.gather [hbm4b:s5+s11], $0x20, s6, s11, $0xb8;
	[tilespmem:$0x1F400] =	vst v63  }
0x118: {  	s19 =	rddreg [dreg:$0xa]  }
0x119: {  	[spmem:s2] =	stream.indirect.scatter.add.f32 [tilespmem:s13], [sflag:$0x5], $0x20, s19, s11, $0xb8;
	[tilespmem:$0x1F400] =	vst v63  }
0x11a: {  	_ =	swait.ge [sflag:s9], $0x1000  }
0x11b: {  	[sflag:s9] =	ssyncset.done $0x0  }
0x11c: {  	[sflag:s9] =	ssyncadd.s32 $0xFFFFF000  }
0x11d: {  	_ =	swait.ge [sflag:s18], $0x1000  }
0x11e: {  	[sflag:s18] =	ssyncset.done $0x0  }
0x11f: {  	s6 =	rddreg [dreg:$0xb];
	[sflag:s18] =	ssyncadd.s32 $0xFFFFF000  }
0x120: {  	[tilespmem:s13], [sflag:$0x3] =	stream.indirect.gather [hbm4b:s5+s11], $0x20, s6, s11, $0xb8;
	[tilespmem:$0x1F400] =	vst v63  }
0x121: {  	s19 =	rddreg [dreg:$0xc]  }
0x122: {  	[spmem:s2] =	stream.indirect.scatter.add.f32 [tilespmem:s15], [sflag:$0x5], $0x20, s19, s11, $0xb8;
	[tilespmem:$0x1F400] =	vst v63  }
0x123: {  	_ =	swait.ge [sflag:s9], $0x1000  }
0x124: {  	[sflag:s9] =	ssyncset.done $0x0  }
0x125: {  	[sflag:s9] =	ssyncadd.s32 $0xFFFFF000  }
0x126: {  	_ =	swait.ge [sflag:s14], $0x1000  }
0x127: {  	[sflag:s14] =	ssyncset.done $0x0  }
0x128: {  	s6 =	rddreg [dreg:$0xd];
	[sflag:s14] =	ssyncadd.s32 $0xFFFFF000  }
0x129: {  	[tilespmem:s15], [sflag:$0x4] =	stream.indirect.gather [hbm4b:s5+s11], $0x20, s6, s11, $0xb8;
	[tilespmem:$0x1F400] =	vst v63  }
0x12a: {  	s19 =	rddreg [dreg:$0xe]  }
0x12b: {  	[spmem:s2] =	stream.indirect.scatter.add.f32 [tilespmem:s8], [sflag:$0x5], $0x20, s19, s11, $0xb8;
	[tilespmem:$0x1F400] =	vst v63  }
0x12c: {  	_ =	swait.ge [sflag:s9], $0x1000  }
0x12d: {  	[sflag:s9] =	ssyncset.done $0x0  }
0x12e: {  	[sflag:s9] =	ssyncadd.s32 $0xFFFFF000  }
0x12f: {  	_ =	swait.ge [sflag:s16], $0x1000  }
0x130: {  	[sflag:s16] =	ssyncset.done $0x0  }
0x131: {  	s6 =	rddreg [dreg:$0xf];
	[sflag:s16] =	ssyncadd.s32 $0xFFFFF000  }
0x132: {  	[tilespmem:s8], [sflag:$0x1] =	stream.indirect.gather [hbm4b:s5+s11], $0x20, s6, s11, $0xb8;
	[tilespmem:$0x1F400] =	vst v63  }
0x133: {  	s19 =	rddreg [dreg:$0x10]  }
0x134: {  	[spmem:s2] =	stream.indirect.scatter.add.f32 [tilespmem:s12], [sflag:$0x5], $0x20, s19, s11, $0xb8;
	[tilespmem:$0x1F400] =	vst v63  }
0x135: {  	_ =	swait.ge [sflag:s9], $0x1000  }
0x136: {  	[sflag:s9] =	ssyncset.done $0x0  }
0x137: {  	[sflag:s9] =	ssyncadd.s32 $0xFFFFF000  }
0x138: {  	_ =	swait.ge [sflag:s17], $0x1000  }
0x139: {  	[sflag:s17] =	ssyncset.done $0x0  }
0x13a: {  	s6 =	rddreg [dreg:$0x11];
	[sflag:s17] =	ssyncadd.s32 $0xFFFFF000  }
0x13b: {  	[tilespmem:s12], [sflag:$0x2] =	stream.indirect.gather [hbm4b:s5+s11], $0x20, s6, s11, $0xb8;
	[tilespmem:$0x1F400] =	vst v63  }
0x13c: {  	s19 =	rddreg [dreg:$0x12]  }
0x13d: {  	[spmem:s2] =	stream.indirect.scatter.add.f32 [tilespmem:s13], [sflag:$0x5], $0x20, s19, s11, $0xb8;
	[tilespmem:$0x1F400] =	vst v63  }
0x13e: {  	_ =	swait.ge [sflag:s9], $0x1000  }
0x13f: {  	[sflag:s9] =	ssyncset.done $0x0  }
0x140: {  	[sflag:s9] =	ssyncadd.s32 $0xFFFFF000  }
0x141: {  	_ =	swait.ge [sflag:s18], $0x1000  }
0x142: {  	[sflag:s18] =	ssyncset.done $0x0  }
0x143: {  	s6 =	rddreg [dreg:$0x13];
	[sflag:s18] =	ssyncadd.s32 $0xFFFFF000  }
0x144: {  	[tilespmem:s13], [sflag:$0x3] =	stream.indirect.gather [hbm4b:s5+s11], $0x20, s6, s11, $0xb8;
	[tilespmem:$0x1F400] =	vst v63  }
0x145: {  	s19 =	rddreg [dreg:$0x14]  }
0x146: {  	[spmem:s2] =	stream.indirect.scatter.add.f32 [tilespmem:s15], [sflag:$0x5], $0x20, s19, s11, $0xb8;
	[tilespmem:$0x1F400] =	vst v63  }
0x147: {  	_ =	swait.ge [sflag:s9], $0x1000  }
0x148: {  	[sflag:s9] =	ssyncset.done $0x0  }
0x149: {  	[sflag:s9] =	ssyncadd.s32 $0xFFFFF000  }
0x14a: {  	_ =	swait.ge [sflag:s14], $0x1000  }
0x14b: {  	[sflag:s14] =	ssyncset.done $0x0  }
0x14c: {  	s6 =	rddreg [dreg:$0x15];
	[sflag:s14] =	ssyncadd.s32 $0xFFFFF000  }
0x14d: {  	[tilespmem:s15], [sflag:$0x4] =	stream.indirect.gather [hbm4b:s5+s11], $0x20, s6, s11, $0xb8;
	[tilespmem:$0x1F400] =	vst v63  }
0x14e: {  	s19 =	rddreg [dreg:$0x16]  }
0x14f: {  	[spmem:s2] =	stream.indirect.scatter.add.f32 [tilespmem:s8], [sflag:$0x5], $0x20, s19, s11, $0xb8;
	[tilespmem:$0x1F400] =	vst v63  }
0x150: {  	_ =	swait.ge [sflag:s9], $0x1000  }
0x151: {  	[sflag:s9] =	ssyncset.done $0x0  }
0x152: {  	[sflag:s9] =	ssyncadd.s32 $0xFFFFF000  }
0x153: {  	_ =	swait.ge [sflag:s16], $0x1000  }
0x154: {  	[sflag:s16] =	ssyncset.done $0x0  }
0x155: {  	s6 =	rddreg [dreg:$0x17];
	[sflag:s16] =	ssyncadd.s32 $0xFFFFF000  }
0x156: {  	[tilespmem:s8], [sflag:$0x1] =	stream.indirect.gather [hbm4b:s5+s11], $0x20, s6, s11, $0xb8;
	[tilespmem:$0x1F400] =	vst v63  }
0x157: {  	s19 =	rddreg [dreg:$0x18]  }
0x158: {  	[spmem:s2] =	stream.indirect.scatter.add.f32 [tilespmem:s12], [sflag:$0x5], $0x20, s19, s11, $0xb8;
	[tilespmem:$0x1F400] =	vst v63  }
0x159: {  	_ =	swait.ge [sflag:s9], $0x1000  }
0x15a: {  	[sflag:s9] =	ssyncset.done $0x0  }
0x15b: {  	[sflag:s9] =	ssyncadd.s32 $0xFFFFF000  }
0x15c: {  	_ =	swait.ge [sflag:s17], $0x1000  }
0x15d: {  	[sflag:s17] =	ssyncset.done $0x0  }
0x15e: {  	s6 =	rddreg [dreg:$0x19];
	[sflag:s17] =	ssyncadd.s32 $0xFFFFF000  }
0x15f: {  	[tilespmem:s12], [sflag:$0x2] =	stream.indirect.gather [hbm4b:s5+s11], $0x20, s6, s11, $0xb8;
	[tilespmem:$0x1F400] =	vst v63  }
0x160: {  	s19 =	rddreg [dreg:$0x1a]  }
0x161: {  	[spmem:s2] =	stream.indirect.scatter.add.f32 [tilespmem:s13], [sflag:$0x5], $0x20, s19, s11, $0xb8;
	[tilespmem:$0x1F400] =	vst v63  }
0x162: {  	_ =	swait.ge [sflag:s9], $0x1000  }
0x163: {  	[sflag:s9] =	ssyncset.done $0x0  }
0x164: {  	[sflag:s9] =	ssyncadd.s32 $0xFFFFF000  }
0x165: {  	_ =	swait.ge [sflag:s18], $0x1000  }
0x166: {  	[sflag:s18] =	ssyncset.done $0x0  }
0x167: {  	s6 =	rddreg [dreg:$0x1b];
	[sflag:s18] =	ssyncadd.s32 $0xFFFFF000  }
0x168: {  	[tilespmem:s13], [sflag:$0x3] =	stream.indirect.gather [hbm4b:s5+s11], $0x20, s6, s11, $0xb8;
	[tilespmem:$0x1F400] =	vst v63  }
0x169: {  	s19 =	rddreg [dreg:$0x1c]  }
0x16a: {  	[spmem:s2] =	stream.indirect.scatter.add.f32 [tilespmem:s15], [sflag:$0x5], $0x20, s19, s11, $0xb8;
	[tilespmem:$0x1F400] =	vst v63  }
0x16b: {  	_ =	swait.ge [sflag:s9], $0x1000  }
0x16c: {  	[sflag:s9] =	ssyncset.done $0x0  }
0x16d: {  	[sflag:s9] =	ssyncadd.s32 $0xFFFFF000  }
0x16e: {  	_ =	swait.ge [sflag:s14], $0x1000  }
0x16f: {  	[sflag:s14] =	ssyncset.done $0x0  }
0x170: {  	s19 =	simm.s32 $0x780;
	[sflag:s14] =	ssyncadd.s32 $0xFFFFF000  }
0x171: {  	[tilespmem:s15], [sflag:$0x4] =	stream.indirect.gather [hbm4b:s5+s11], $0x20, s19, s11, $0xb8;
	[tilespmem:$0x1F400] =	vst v63  }
0x172: {  	_ = 	snop  }
0x173: {  	[spmem:s2] =	stream.indirect.scatter.add.f32 [tilespmem:s8], [sflag:$0x5], $0x20, s20, s11, $0xb8;
	[tilespmem:$0x1F400] =	vst v63  }
0x174: {  	_ =	swait.ge [sflag:s9], $0x1000  }
0x175: {  	[sflag:s9] =	ssyncset.done $0x0  }
0x176: {  	[sflag:s9] =	ssyncadd.s32 $0xFFFFF000  }
0x177: {  	_ =	swait.ge [sflag:s16], $0x1000  }
0x178: {  	[sflag:s16] =	ssyncset.done $0x0  }
0x179: {  	[sflag:s16] =	ssyncadd.s32 $0xFFFFF000  }
0x17a: {  	[tilespmem:s8], [sflag:$0x1] =	stream.indirect.gather [hbm4b:s5+s11], $0x20, s21, s11, $0xb8;
	[tilespmem:$0x1F400] =	vst v63  }
0x17b: {  	_ = 	snop  }
0x17c: {  	[spmem:s2] =	stream.indirect.scatter.add.f32 [tilespmem:s12], [sflag:$0x5], $0x20, s22, s11, $0xb8;
	[tilespmem:$0x1F400] =	vst v63  }
0x17d: {  	_ =	swait.ge [sflag:s9], $0x1000  }
0x17e: {  	[sflag:s9] =	ssyncset.done $0x0  }
0x17f: {  	[sflag:s9] =	ssyncadd.s32 $0xFFFFF000  }
0x180: {  	_ =	swait.ge [sflag:s17], $0x1000  }
0x181: {  	[sflag:s17] =	ssyncset.done $0x0  }
0x182: {  	[sflag:s17] =	ssyncadd.s32 $0xFFFFF000  }
0x183: {  	[tilespmem:s12], [sflag:$0x2] =	stream.indirect.gather [hbm4b:s5+s11], $0x20, s23, s11, $0xb8;
	[tilespmem:$0x1F400] =	vst v63  }
0x184: {  	_ = 	snop  }
0x185: {  	[spmem:s2] =	stream.indirect.scatter.add.f32 [tilespmem:s13], [sflag:$0x5], $0x20, s24, s11, $0xb8;
	[tilespmem:$0x1F400] =	vst v63  }
0x186: {  	_ =	swait.ge [sflag:s9], $0x1000  }
0x187: {  	[sflag:s9] =	ssyncset.done $0x0  }
0x188: {  	[sflag:s9] =	ssyncadd.s32 $0xFFFFF000  }
0x189: {  	_ =	swait.ge [sflag:s18], $0x1000  }
0x18a: {  	[sflag:s18] =	ssyncset.done $0x0  }
0x18b: {  	[sflag:s18] =	ssyncadd.s32 $0xFFFFF000  }
0x18c: {  	[tilespmem:s13], [sflag:$0x3] =	stream.indirect.gather [hbm4b:s5+s11], $0x20, s26, s11, $0xb8;
	[tilespmem:$0x1F400] =	vst v63  }
0x18d: {  	_ = 	snop  }
0x18e: {  	[spmem:s2] =	stream.indirect.scatter.add.f32 [tilespmem:s15], [sflag:$0x5], $0x20, s28, s11, $0xb8;
	[tilespmem:$0x1F400] =	vst v63  }
0x18f: {  	_ =	swait.ge [sflag:s9], $0x1000  }
0x190: {  	[sflag:s9] =	ssyncset.done $0x0  }
0x191: {  	[sflag:s9] =	ssyncadd.s32 $0xFFFFF000  }
0x192: {  	_ =	swait.ge [sflag:s14], $0x1000  }
0x193: {  	[sflag:s14] =	ssyncset.done $0x0  }
0x194: {  	[sflag:s14] =	ssyncadd.s32 $0xFFFFF000  }
0x195: {  	[tilespmem:s15], [sflag:$0x4] =	stream.indirect.gather [hbm4b:s5+s11], $0x20, s29, s11, $0xb8;
	[tilespmem:$0x1F400] =	vst v63  }
0x196: {  	_ = 	snop  }
0x197: {  	[spmem:s2] =	stream.indirect.scatter.add.f32 [tilespmem:s8], [sflag:$0x5], $0x20, s30, s11, $0xb8;
	[tilespmem:$0x1F400] =	vst v63  }
0x198: {  	_ =	swait.ge [sflag:s9], $0x1000  }
0x199: {  	[sflag:s9] =	ssyncset.done $0x0  }
0x19a: {  	[sflag:s9] =	ssyncadd.s32 $0xFFFFF000  }
0x19b: {  	_ =	swait.ge [sflag:s16], $0x1000  }
0x19c: {  	[sflag:s16] =	ssyncset.done $0x0  }
0x19d: {  	[sflag:s16] =	ssyncadd.s32 $0xFFFFF000  }
0x19e: {  	[spmem:s2] =	stream.indirect.scatter.add.f32 [tilespmem:s12], [sflag:$0x5], $0x20, s31, s11, $0xb8;
	[tilespmem:$0x1F400] =	vst v63  }
0x19f: {  	_ =	swait.ge [sflag:s9], $0x1000  }
0x1a0: {  	[sflag:s9] =	ssyncset.done $0x0  }
0x1a1: {  	[sflag:s9] =	ssyncadd.s32 $0xFFFFF000  }
0x1a2: {  	_ =	swait.ge [sflag:s17], $0x1000  }
0x1a3: {  	[sflag:s17] =	ssyncset.done $0x0  }
0x1a4: {  	[sflag:s17] =	ssyncadd.s32 $0xFFFFF000  }
0x1a5: {  	[spmem:s2] =	stream.indirect.scatter.add.f32 [tilespmem:s13], [sflag:$0x5], $0x20, s1, s11, $0xb8;
	[tilespmem:$0x1F400] =	vst v63  }
0x1a6: {  	_ =	swait.ge [sflag:s9], $0x1000  }
0x1a7: {  	[sflag:s9] =	ssyncset.done $0x0  }
0x1a8: {  	[sflag:s9] =	ssyncadd.s32 $0xFFFFF000  }
0x1a9: {  	p0 =	sne.s32 s25, $0x17C0;
	_ =	swait.ge [sflag:s18], $0x1000  }
.Ltmp2:
0x1aa: {  	[sflag:s18] =	ssyncset.done $0x0;
	(pc) =	sbr.rel @p0 .LBB2_6-.Ltmp2, $4  }
0x1ab: {  	[sflag:s18] =	ssyncadd.s32 $0xFFFFF000  }
0x1ac: {  	[spmem:s2] =	stream.indirect.scatter.add.f32 [tilespmem:s15], [sflag:$0x5], $0x20, s0, s11, $0xb8;
	[tilespmem:$0x1F400] =	vst v63  }
0x1ad: {  	_ =	swait.ge [sflag:s9], $0x1000  }
0x1ae: {  	s25 =	sadd.s32 $0x140, s25;
	s6 =	rddreg [dreg:$0x4];
	[sflag:s9] =	ssyncset.done $0x0  }
0x1af: {  	[sflag:s9] =	ssyncadd.s32 $0xFFFFF000;
	s6 =	sadd.s32 s7, s6  }
0x1b0: {  	[tilespmem:s3], [sflag:$0x5] =	stream.linear.gather [hbm4b:s6+s3], $0xA00, $0x38;
	[tilespmem:$0x1F400] =	vst v63  }
0x1b1: {  	_ =	swait.ge [sflag:s9], $0xA00  }
0x1b2: {  	s25 =	rddreg [dreg:$0x3];
	[sflag:s9] =	ssyncset.done $0x0  }
0x1b3: {  	[sflag:s9] =	ssyncadd.s32 $0xFFFFF600;
	s6 =	sadd.s32 s7, s25  }
0x1b4: {  	[tilespmem:s10], [sflag:$0x5] =	stream.linear.gather [hbm4b:s6+s3], $0xA00, $0x38;
	[tilespmem:$0x1F400] =	vst v63  }
0x1b5: {  	_ =	swait.ge [sflag:s9], $0xA00  }
0x1b6: {  	[sflag:s9] =	ssyncset.done $0x0  }
0x1b7: {  	[sflag:s9] =	ssyncadd.s32 $0xFFFFF600  }
0x1b8: {  	[tilespmem:s8], [sflag:$0x1] =	stream.indirect.gather [hbm4b:s5+s11], $0x20, s3, s11, $0xb8;
	[tilespmem:$0x1F400] =	vst v63  }
0x1b9: {  	_ = 	snop  }
0x1ba: {  	[tilespmem:s12], [sflag:$0x2] =	stream.indirect.gather [hbm4b:s5+s11], $0x20, s11, s11, $0xb8;
	[tilespmem:$0x1F400] =	vst v63  }
0x1bb: {  	s7 =	rddreg [dreg:$0x5]  }
0x1bc: {  	[tilespmem:s13], [sflag:$0x3] =	stream.indirect.gather [hbm4b:s5+s11], $0x20, s7, s11, $0xb8;
	[tilespmem:$0x1F400] =	vst v63  }
0x1bd: {  	_ =	swait.ge [sflag:s14], $0x1000  }
0x1be: {  	[sflag:s14] =	ssyncset.done $0x0  }
0x1bf: {  	s25 =	rddreg [dreg:$0x6];
	[sflag:s14] =	ssyncadd.s32 $0xFFFFF000  }
0x1c0: {  	[tilespmem:s15], [sflag:$0x4] =	stream.indirect.gather [hbm4b:s5+s11], $0x20, s25, s11, $0xb8;
	[tilespmem:$0x1F400] =	vst v63  }
0x1c1: {  	_ = 	snop  }
0x1c2: {  	[spmem:s2] =	stream.indirect.scatter.add.f32 [tilespmem:s8], [sflag:$0x5], $0x20, s10, s11, $0xb8;
	[tilespmem:$0x1F400] =	vst v63  }
0x1c3: {  	_ =	swait.ge [sflag:s9], $0x1000  }
0x1c4: {  	[sflag:s9] =	ssyncset.done $0x0  }
0x1c5: {  	[sflag:s9] =	ssyncadd.s32 $0xFFFFF000  }
0x1c6: {  	_ =	swait.ge [sflag:s16], $0x1000  }
0x1c7: {  	[sflag:s16] =	ssyncset.done $0x0  }
0x1c8: {  	s7 =	rddreg [dreg:$0x7];
	[sflag:s16] =	ssyncadd.s32 $0xFFFFF000  }
0x1c9: {  	[tilespmem:s8], [sflag:$0x1] =	stream.indirect.gather [hbm4b:s5+s11], $0x20, s7, s11, $0xb8;
	[tilespmem:$0x1F400] =	vst v63  }
0x1ca: {  	s25 =	rddreg [dreg:$0x8]  }
0x1cb: {  	[spmem:s2] =	stream.indirect.scatter.add.f32 [tilespmem:s12], [sflag:$0x5], $0x20, s25, s11, $0xb8;
	[tilespmem:$0x1F400] =	vst v63  }
0x1cc: {  	_ =	swait.ge [sflag:s9], $0x1000  }
0x1cd: {  	[sflag:s9] =	ssyncset.done $0x0  }
0x1ce: {  	[sflag:s9] =	ssyncadd.s32 $0xFFFFF000  }
0x1cf: {  	_ =	swait.ge [sflag:s17], $0x1000  }
0x1d0: {  	[sflag:s17] =	ssyncset.done $0x0  }
0x1d1: {  	s7 =	rddreg [dreg:$0x9];
	[sflag:s17] =	ssyncadd.s32 $0xFFFFF000  }
0x1d2: {  	[tilespmem:s12], [sflag:$0x2] =	stream.indirect.gather [hbm4b:s5+s11], $0x20, s7, s11, $0xb8;
	[tilespmem:$0x1F400] =	vst v63  }
0x1d3: {  	s25 =	rddreg [dreg:$0xa]  }
0x1d4: {  	[spmem:s2] =	stream.indirect.scatter.add.f32 [tilespmem:s13], [sflag:$0x5], $0x20, s25, s11, $0xb8;
	[tilespmem:$0x1F400] =	vst v63  }
0x1d5: {  	_ =	swait.ge [sflag:s9], $0x1000  }
0x1d6: {  	[sflag:s9] =	ssyncset.done $0x0  }
0x1d7: {  	[sflag:s9] =	ssyncadd.s32 $0xFFFFF000  }
0x1d8: {  	_ =	swait.ge [sflag:s18], $0x1000  }
0x1d9: {  	[sflag:s18] =	ssyncset.done $0x0  }
0x1da: {  	s7 =	rddreg [dreg:$0xb];
	[sflag:s18] =	ssyncadd.s32 $0xFFFFF000  }
0x1db: {  	[tilespmem:s13], [sflag:$0x3] =	stream.indirect.gather [hbm4b:s5+s11], $0x20, s7, s11, $0xb8;
	[tilespmem:$0x1F400] =	vst v63  }
0x1dc: {  	s25 =	rddreg [dreg:$0xc]  }
0x1dd: {  	[spmem:s2] =	stream.indirect.scatter.add.f32 [tilespmem:s15], [sflag:$0x5], $0x20, s25, s11, $0xb8;
	[tilespmem:$0x1F400] =	vst v63  }
0x1de: {  	_ =	swait.ge [sflag:s9], $0x1000  }
0x1df: {  	[sflag:s9] =	ssyncset.done $0x0  }
0x1e0: {  	[sflag:s9] =	ssyncadd.s32 $0xFFFFF000  }
0x1e1: {  	_ =	swait.ge [sflag:s14], $0x1000  }
0x1e2: {  	[sflag:s14] =	ssyncset.done $0x0  }
0x1e3: {  	s7 =	rddreg [dreg:$0xd];
	[sflag:s14] =	ssyncadd.s32 $0xFFFFF000  }
0x1e4: {  	[tilespmem:s15], [sflag:$0x4] =	stream.indirect.gather [hbm4b:s5+s11], $0x20, s7, s11, $0xb8;
	[tilespmem:$0x1F400] =	vst v63  }
0x1e5: {  	s25 =	rddreg [dreg:$0xe]  }
0x1e6: {  	[spmem:s2] =	stream.indirect.scatter.add.f32 [tilespmem:s8], [sflag:$0x5], $0x20, s25, s11, $0xb8;
	[tilespmem:$0x1F400] =	vst v63  }
0x1e7: {  	_ =	swait.ge [sflag:s9], $0x1000  }
0x1e8: {  	[sflag:s9] =	ssyncset.done $0x0  }
0x1e9: {  	[sflag:s9] =	ssyncadd.s32 $0xFFFFF000  }
0x1ea: {  	_ =	swait.ge [sflag:s16], $0x1000  }
0x1eb: {  	[sflag:s16] =	ssyncset.done $0x0  }
0x1ec: {  	s7 =	rddreg [dreg:$0xf];
	[sflag:s16] =	ssyncadd.s32 $0xFFFFF000  }
0x1ed: {  	[tilespmem:s8], [sflag:$0x1] =	stream.indirect.gather [hbm4b:s5+s11], $0x20, s7, s11, $0xb8;
	[tilespmem:$0x1F400] =	vst v63  }
0x1ee: {  	s25 =	rddreg [dreg:$0x10]  }
0x1ef: {  	[spmem:s2] =	stream.indirect.scatter.add.f32 [tilespmem:s12], [sflag:$0x5], $0x20, s25, s11, $0xb8;
	[tilespmem:$0x1F400] =	vst v63  }
0x1f0: {  	_ =	swait.ge [sflag:s9], $0x1000  }
0x1f1: {  	[sflag:s9] =	ssyncset.done $0x0  }
0x1f2: {  	[sflag:s9] =	ssyncadd.s32 $0xFFFFF000  }
0x1f3: {  	_ =	swait.ge [sflag:s17], $0x1000  }
0x1f4: {  	[sflag:s17] =	ssyncset.done $0x0  }
0x1f5: {  	s7 =	rddreg [dreg:$0x11];
	[sflag:s17] =	ssyncadd.s32 $0xFFFFF000  }
0x1f6: {  	[tilespmem:s12], [sflag:$0x2] =	stream.indirect.gather [hbm4b:s5+s11], $0x20, s7, s11, $0xb8;
	[tilespmem:$0x1F400] =	vst v63  }
0x1f7: {  	s25 =	rddreg [dreg:$0x12]  }
0x1f8: {  	[spmem:s2] =	stream.indirect.scatter.add.f32 [tilespmem:s13], [sflag:$0x5], $0x20, s25, s11, $0xb8;
	[tilespmem:$0x1F400] =	vst v63  }
0x1f9: {  	_ =	swait.ge [sflag:s9], $0x1000  }
0x1fa: {  	[sflag:s9] =	ssyncset.done $0x0  }
0x1fb: {  	[sflag:s9] =	ssyncadd.s32 $0xFFFFF000  }
0x1fc: {  	_ =	swait.ge [sflag:s18], $0x1000  }
0x1fd: {  	[sflag:s18] =	ssyncset.done $0x0  }
0x1fe: {  	s7 =	rddreg [dreg:$0x13];
	[sflag:s18] =	ssyncadd.s32 $0xFFFFF000  }
0x1ff: {  	[tilespmem:s13], [sflag:$0x3] =	stream.indirect.gather [hbm4b:s5+s11], $0x20, s7, s11, $0xb8;
	[tilespmem:$0x1F400] =	vst v63  }
0x200: {  	s25 =	rddreg [dreg:$0x14]  }
0x201: {  	[spmem:s2] =	stream.indirect.scatter.add.f32 [tilespmem:s15], [sflag:$0x5], $0x20, s25, s11, $0xb8;
	[tilespmem:$0x1F400] =	vst v63  }
0x202: {  	_ =	swait.ge [sflag:s9], $0x1000  }
0x203: {  	[sflag:s9] =	ssyncset.done $0x0  }
0x204: {  	[sflag:s9] =	ssyncadd.s32 $0xFFFFF000  }
0x205: {  	_ =	swait.ge [sflag:s14], $0x1000  }
0x206: {  	[sflag:s14] =	ssyncset.done $0x0  }
0x207: {  	s7 =	rddreg [dreg:$0x15];
	[sflag:s14] =	ssyncadd.s32 $0xFFFFF000  }
0x208: {  	[tilespmem:s15], [sflag:$0x4] =	stream.indirect.gather [hbm4b:s5+s11], $0x20, s7, s11, $0xb8;
	[tilespmem:$0x1F400] =	vst v63  }
0x209: {  	s25 =	rddreg [dreg:$0x16]  }
0x20a: {  	[spmem:s2] =	stream.indirect.scatter.add.f32 [tilespmem:s8], [sflag:$0x5], $0x20, s25, s11, $0xb8;
	[tilespmem:$0x1F400] =	vst v63  }
0x20b: {  	_ =	swait.ge [sflag:s9], $0x1000  }
0x20c: {  	[sflag:s9] =	ssyncset.done $0x0  }
0x20d: {  	[sflag:s9] =	ssyncadd.s32 $0xFFFFF000  }
0x20e: {  	_ =	swait.ge [sflag:s16], $0x1000  }
0x20f: {  	[sflag:s16] =	ssyncset.done $0x0  }
0x210: {  	s7 =	rddreg [dreg:$0x17];
	[sflag:s16] =	ssyncadd.s32 $0xFFFFF000  }
0x211: {  	[tilespmem:s8], [sflag:$0x1] =	stream.indirect.gather [hbm4b:s5+s11], $0x20, s7, s11, $0xb8;
	[tilespmem:$0x1F400] =	vst v63  }
0x212: {  	s25 =	rddreg [dreg:$0x18]  }
0x213: {  	[spmem:s2] =	stream.indirect.scatter.add.f32 [tilespmem:s12], [sflag:$0x5], $0x20, s25, s11, $0xb8;
	[tilespmem:$0x1F400] =	vst v63  }
0x214: {  	_ =	swait.ge [sflag:s9], $0x1000  }
0x215: {  	[sflag:s9] =	ssyncset.done $0x0  }
0x216: {  	[sflag:s9] =	ssyncadd.s32 $0xFFFFF000  }
0x217: {  	_ =	swait.ge [sflag:s17], $0x1000  }
0x218: {  	[sflag:s17] =	ssyncset.done $0x0  }
0x219: {  	s7 =	rddreg [dreg:$0x19];
	[sflag:s17] =	ssyncadd.s32 $0xFFFFF000  }
0x21a: {  	[tilespmem:s12], [sflag:$0x2] =	stream.indirect.gather [hbm4b:s5+s11], $0x20, s7, s11, $0xb8;
	[tilespmem:$0x1F400] =	vst v63  }
0x21b: {  	s25 =	rddreg [dreg:$0x1a]  }
0x21c: {  	[spmem:s2] =	stream.indirect.scatter.add.f32 [tilespmem:s13], [sflag:$0x5], $0x20, s25, s11, $0xb8;
	[tilespmem:$0x1F400] =	vst v63  }
0x21d: {  	_ =	swait.ge [sflag:s9], $0x1000  }
0x21e: {  	[sflag:s9] =	ssyncset.done $0x0  }
0x21f: {  	[sflag:s9] =	ssyncadd.s32 $0xFFFFF000  }
0x220: {  	_ =	swait.ge [sflag:s18], $0x1000  }
0x221: {  	[sflag:s18] =	ssyncset.done $0x0  }
0x222: {  	s7 =	rddreg [dreg:$0x1b];
	[sflag:s18] =	ssyncadd.s32 $0xFFFFF000  }
0x223: {  	[tilespmem:s13], [sflag:$0x3] =	stream.indirect.gather [hbm4b:s5+s11], $0x20, s7, s11, $0xb8;
	[tilespmem:$0x1F400] =	vst v63  }
0x224: {  	s25 =	rddreg [dreg:$0x1c]  }
0x225: {  	[spmem:s2] =	stream.indirect.scatter.add.f32 [tilespmem:s15], [sflag:$0x5], $0x20, s25, s11, $0xb8;
	[tilespmem:$0x1F400] =	vst v63  }
0x226: {  	_ =	swait.ge [sflag:s9], $0x1000  }
0x227: {  	[sflag:s9] =	ssyncset.done $0x0  }
0x228: {  	[sflag:s9] =	ssyncadd.s32 $0xFFFFF000  }
0x229: {  	_ =	swait.ge [sflag:s14], $0x1000  }
0x22a: {  	[sflag:s14] =	ssyncset.done $0x0  }
0x22b: {  	[sflag:s14] =	ssyncadd.s32 $0xFFFFF000  }
0x22c: {  	[tilespmem:s15], [sflag:$0x4] =	stream.indirect.gather [hbm4b:s5+s11], $0x20, s19, s11, $0xb8;
	[tilespmem:$0x1F400] =	vst v63  }
0x22d: {  	_ = 	snop  }
0x22e: {  	[spmem:s2] =	stream.indirect.scatter.add.f32 [tilespmem:s8], [sflag:$0x5], $0x20, s20, s11, $0xb8;
	[tilespmem:$0x1F400] =	vst v63  }
0x22f: {  	_ =	swait.ge [sflag:s9], $0x1000  }
0x230: {  	[sflag:s9] =	ssyncset.done $0x0  }
0x231: {  	[sflag:s9] =	ssyncadd.s32 $0xFFFFF000  }
0x232: {  	_ =	swait.ge [sflag:s16], $0x1000  }
0x233: {  	[sflag:s16] =	ssyncset.done $0x0  }
0x234: {  	[sflag:s16] =	ssyncadd.s32 $0xFFFFF000  }
0x235: {  	[tilespmem:s8], [sflag:$0x1] =	stream.indirect.gather [hbm4b:s5+s11], $0x20, s21, s11, $0xb8;
	[tilespmem:$0x1F400] =	vst v63  }
0x236: {  	_ = 	snop  }
0x237: {  	[spmem:s2] =	stream.indirect.scatter.add.f32 [tilespmem:s12], [sflag:$0x5], $0x20, s22, s11, $0xb8;
	[tilespmem:$0x1F400] =	vst v63  }
0x238: {  	_ =	swait.ge [sflag:s9], $0x1000  }
0x239: {  	[sflag:s9] =	ssyncset.done $0x0  }
0x23a: {  	[sflag:s9] =	ssyncadd.s32 $0xFFFFF000  }
0x23b: {  	_ =	swait.ge [sflag:s17], $0x1000  }
0x23c: {  	[sflag:s17] =	ssyncset.done $0x0  }
0x23d: {  	[sflag:s17] =	ssyncadd.s32 $0xFFFFF000  }
0x23e: {  	[tilespmem:s12], [sflag:$0x2] =	stream.indirect.gather [hbm4b:s5+s11], $0x20, s23, s11, $0xb8;
	[tilespmem:$0x1F400] =	vst v63  }
0x23f: {  	_ = 	snop  }
0x240: {  	[spmem:s2] =	stream.indirect.scatter.add.f32 [tilespmem:s13], [sflag:$0x5], $0x20, s24, s11, $0xb8;
	[tilespmem:$0x1F400] =	vst v63  }
0x241: {  	_ =	swait.ge [sflag:s9], $0x1000  }
0x242: {  	[sflag:s9] =	ssyncset.done $0x0  }
0x243: {  	[sflag:s9] =	ssyncadd.s32 $0xFFFFF000  }
0x244: {  	_ =	swait.ge [sflag:s18], $0x1000  }
0x245: {  	[sflag:s18] =	ssyncset.done $0x0  }
0x246: {  	[sflag:s18] =	ssyncadd.s32 $0xFFFFF000  }
0x247: {  	[tilespmem:s13], [sflag:$0x3] =	stream.indirect.gather [hbm4b:s5+s11], $0x20, s26, s11, $0xb8;
	[tilespmem:$0x1F400] =	vst v63  }
0x248: {  	_ = 	snop  }
0x249: {  	[spmem:s2] =	stream.indirect.scatter.add.f32 [tilespmem:s15], [sflag:$0x5], $0x20, s28, s11, $0xb8;
	[tilespmem:$0x1F400] =	vst v63  }
0x24a: {  	_ =	swait.ge [sflag:s9], $0x1000  }
0x24b: {  	[sflag:s9] =	ssyncset.done $0x0  }
0x24c: {  	[sflag:s9] =	ssyncadd.s32 $0xFFFFF000  }
0x24d: {  	_ =	swait.ge [sflag:s14], $0x1000  }
0x24e: {  	[sflag:s14] =	ssyncset.done $0x0  }
0x24f: {  	[sflag:s14] =	ssyncadd.s32 $0xFFFFF000  }
0x250: {  	[tilespmem:s15], [sflag:$0x4] =	stream.indirect.gather [hbm4b:s5+s11], $0x20, s29, s11, $0xb8;
	[tilespmem:$0x1F400] =	vst v63  }
0x251: {  	_ = 	snop  }
0x252: {  	[spmem:s2] =	stream.indirect.scatter.add.f32 [tilespmem:s8], [sflag:$0x5], $0x20, s30, s11, $0xb8;
	[tilespmem:$0x1F400] =	vst v63  }
0x253: {  	_ =	swait.ge [sflag:s9], $0x1000  }
0x254: {  	[sflag:s9] =	ssyncset.done $0x0  }
0x255: {  	[sflag:s9] =	ssyncadd.s32 $0xFFFFF000  }
0x256: {  	_ =	swait.ge [sflag:s16], $0x1000  }
0x257: {  	[sflag:s16] =	ssyncset.done $0x0  }
0x258: {  	[sflag:s16] =	ssyncadd.s32 $0xFFFFF000  }
0x259: {  	[spmem:s2] =	stream.indirect.scatter.add.f32 [tilespmem:s12], [sflag:$0x5], $0x20, s31, s11, $0xb8;
	[tilespmem:$0x1F400] =	vst v63  }
0x25a: {  	_ =	swait.ge [sflag:s9], $0x1000  }
0x25b: {  	[sflag:s9] =	ssyncset.done $0x0  }
0x25c: {  	[sflag:s9] =	ssyncadd.s32 $0xFFFFF000  }
0x25d: {  	_ =	swait.ge [sflag:s17], $0x1000  }
0x25e: {  	[sflag:s17] =	ssyncset.done $0x0  }
0x25f: {  	[sflag:s17] =	ssyncadd.s32 $0xFFFFF000  }
0x260: {  	[spmem:s2] =	stream.indirect.scatter.add.f32 [tilespmem:s13], [sflag:$0x5], $0x20, s1, s11, $0xb8;
	[tilespmem:$0x1F400] =	vst v63  }
0x261: {  	_ =	swait.ge [sflag:s9], $0x1000  }
0x262: {  	[sflag:s9] =	ssyncset.done $0x0  }
0x263: {  	[sflag:s9] =	ssyncadd.s32 $0xFFFFF000  }
0x264: {  	_ =	swait.ge [sflag:s18], $0x1000  }
0x265: {  	[sflag:s18] =	ssyncset.done $0x0  }
0x266: {  	[sflag:s18] =	ssyncadd.s32 $0xFFFFF000  }
0x267: {  	[spmem:s2] =	stream.indirect.scatter.add.f32 [tilespmem:s15], [sflag:$0x5], $0x20, s0, s11, $0xb8;
	[tilespmem:$0x1F400] =	vst v63  }
0x268: {  	_ =	swait.ge [sflag:s9], $0x1000  }
0x269: {  	[sflag:s9] =	ssyncset.done $0x0  }
0x26a: {  	[sflag:s9] =	ssyncadd.s32 $0xFFFFF000  }
0x26b: {  	s25 =	stileid.u32;
	[bflag:$0x0] =	sbarrier.arrive $0xFFFF  }
0x26c: {  	s6 =	sshll.u32 s25, $0x6;
	s7 =	rddreg [dreg:$0x1d]  }
0x26d: {  	s6 =	sor.u32 $0x1C05, s6;
	s25 =	rddreg [dreg:$0x1f]  }
0x26e: {  	[hbm:s7], [sflag:s6] =	dma.local [spmem:s25], $0x3400  }
0x26f: {  	_ =	swait.ge [sflag:s9], $0x3400  }
0x270: {  	s6 =	sld [smem:$0x7FD];
	_ =	sdelay $0x2  }
0x271: {  	s25 =	rddreg [dreg:$0x1e];
	s7 =	sadd.s32 $0x1, s6  }
0x272: {  	p0 =	sne.s32 s7, s25  }
.Ltmp3:
0x273: {  	_ = 	snop;
	(pc) =	sbr.rel @p0 .LBB2_1-.Ltmp3, $3  }
0x274: {  	_ =	sdelay $0x1  }
0x275: {  	[sflag:s9] =	ssyncset.done $0x0  }
0x276: {  	[sflag:s9] =	ssyncadd.s32 $0xFFFFCC00  }
0x277: {  	_ =	sfence.sel $0x180000  }
0x278: {  	[bflag:$0x0] =	sbarrier.arrive $0xFFFF  }
0x279: {  	_ =	strace $0x9000004D  }
0x27a: {  	s0 =	stileid.u32;
	[bflag:$0x2] =	sbarrier.arrive $0xFFFF  }
0x27b: {  	p0 =	sne.s32 s0, $0x0;
	s0 =	rddreg [dreg:$0x2]  }
0x27c: {  	s0 =	sadd.s32 @!p0 $0x100000, s0  }
0x27d: {  	[sflag:s0] =	ssyncadd.tile.s32 @!p0 $0x1;
	_ =	shalt  }
.Lfunc_end2:
_tile_overlayer_lowered:
.L_overlay_start_2:
0x27e: {  	(tag) =	ssettag $0x2  }
0x27f: {  	s0 =	rddreg [dreg:$0x0];
	s2 =	stileid.u32  }
0x280: {  	s1 =	rddreg [dreg:$0x1];
	p0 =	sne.s32 s2, $0x0  }
0x281: {  	s3 =	rddreg [dreg:$0x2];
	[bflag:$0x3] =	sbarrier.arrive $0xFFFF;
	s2 =	simm.s32 @!p0 $0x1C05  }
0x282: {  	[timem:s3], [sflag:s2] =	dma.local @!p0 [hbm:s0], s1  }
0x283: {  	s0 =	simm.s32 @!p0 $0x5  }
0x284: {  	_ =	swait.ge @!p0 [sflag:s0], s1  }
0x285: {  	s1 =	ssub.s32 @!p0 $0x0, s1;
	[sflag:s0] =	ssyncset.done @!p0 $0x0  }
0x286: {  	[sflag:s0] =	ssyncadd.s32 @!p0 s1  }
0x287: {  	[bflag:$0x3] =	sbarrier.arrive $0xFFFF  }
0x288: {  	_ =	shalt  }

// kernel: kernel.19.cloned.1.call-start
scs
__scs_entry_jumppad:
0x0: {  	(pc) =	sbr.rel $0x88, $3  }
0x1: {  	(tag) =	ssettag $0x0;
	lr =	simm.s32 $0x1  }
0x2: {  	[smem:$0x3F98] =	sst lr;
	_ =	strace $0xD0000000  }
0x3: {  	_ = 	snop  }
0x4: {  	_ = 	snop  }
0x5: {  	_ = 	snop  }
0x6: {  	_ = 	snop  }
0x7: {  	_ = 	snop  }
__scs_overlays_trampoline_lowered:
0x8: {  	[smem:$0x3FA7] =	sst s0  }
0x9: {  	[smem:$0x3FA8] =	sst s1  }
0xa: {  	[smem:$0x3FA9] =	sst s2  }
0xb: {  	[smem:$0x3FAA] =	sst s3  }
0xc: {  	[smem:$0x3FAB] =	sst s4  }
0xd: {  	[smem:$0x3FAC] =	sst s5  }
0xe: {  	[smem:$0x3FAD] =	sst s6  }
0xf: {  	[smem:$0x3FAE] =	sst s7  }
0x10: {  	[smem:$0x3FAF] =	sst s8  }
0x11: {  	[smem:$0x3FB0] =	sst s9;
	s0 =	simm.s32 @!p0 $0x0  }
0x12: {  	s1 =	sld [smem:$0x3F96];
	s0 =	simm.s32 @p0 $0x1  }
0x13: {  	[smem:$0x3FB1] =	sst s0;
	s0 =	simm.s32 @!p1 $0x0  }
0x14: {  	s2 =	sld [smem:$0x3F95];
	s0 =	simm.s32 @p1 $0x1  }
0x15: {  	[smem:$0x3FB2] =	sst s0;
	s0 =	simm.s32 @!p2 $0x0  }
0x16: {  	s3 =	sld [smem:$0x3FDB];
	s0 =	simm.s32 @p2 $0x1  }
0x17: {  	s4 =	simm.s32 $0x1BF5;
	[smem:$0x3FB4] =	sst s0  }
0x18: {  	s0 =	sld [smem:$0x3F97];
	_ =	swait.ge [sflag:s4], $0x0  }
0x19: {  	s7 =	sld [smem:$0x3F98]  }
0x1a: {  	s8 =	sadd.s32 $0xFFFFE003, lr  }
0x1b: {  	s9 =	sadd.s32 $0xFFFFFEF7, lr;
	s5 =	simm.s32 $0xFFFFFFFF;
	p2 =	slt.u32 s8, $0xFFFFF086  }
0x1c: {  	p1 =	slt.u32 s9, $0xF7A;
	s5 =	simm.s32 @!p2 $0x0  }
0x1d: {  	s5 =	simm.s32 @p1 $0x1;
	p0 =	seq.s32 s7, s2  }
0x1e: {  	s7 =	smul.u32 @!p0 $0xF7A, s2;
	p2 =	seq.s32 @!p0 s5, $0x0  }
0x1f: {  	s9 =	smul.u32 $0xF7A, s1;
	s8 =	simm.s32 @!p0 $0x1BF5;
	p2 =	por !p2, p0  }
0x20: {  	[sflag:s8] =	ssyncset.s32 @!p0 $0xFFFFF086;
	s6 =	sadd.s32 @!p0 s3, s7;
	s7 =	simm.s32 @!p0 $0x108  }
0x21: {  	s3 =	sadd.s32 s3, s9;
	s6 =	sadd.s32 @!p0 $0x88, s6;
	s7 =	simm.s32 @p2 $0x1082  }
0x22: {  	[simem:s7], [sflag:s8] =	dma.local @!p0 [hbm:s6], $0xF7A  }
0x23: {  	s9 =	sor.u32 $0xD0000000, s2;
	s6 =	simm.s32 $0x108;
	_ =	swait.ge @!p0 [sflag:s8], $0x0  }
0x24: {  	s3 =	sadd.s32 $0x88, s3;
	s6 =	simm.s32 @!p1 $0x1082;
	[sflag:s4] =	ssyncset.s32 $0xFFFFF086  }
0x25: {  	[simem:s6], [sflag:s4] =	dma.local [hbm:s3], $0xF7A  }
0x26: {  	[smem:$0x3F98] =	sst s1;
	(tag) =	ssettag s2;
	_ =	strace s9  }
0x27: {  	s1 =	sld [smem:$0x3FA8]  }
0x28: {  	s2 =	sld [smem:$0x3FA9]  }
0x29: {  	s4 =	sld [smem:$0x3FAB]  }
0x2a: {  	p0 =	seq.s32 s5, $0x0;
	s5 =	sld [smem:$0x3FAC]  }
0x2b: {  	s6 =	sld [smem:$0x3FAD]  }
0x2c: {  	s7 =	sld [smem:$0x3FAE]  }
0x2d: {  	s3 =	simm.s32 $0x108;
	s8 =	sld [smem:$0x3FAF]  }
0x2e: {  	s3 =	simm.s32 @!p0 $0x1082;
	s9 =	sld [smem:$0x3FB0]  }
0x2f: {  	lr =	sadd.s32 s0, s3;
	s0 =	sld [smem:$0x3FA7]  }
0x30: {  	s3 =	sld [smem:$0x3FAA]  }
0x31: {  	[smem:$0x3FB3] =	sst s10  }
0x32: {  	s10 =	sld [smem:$0x3FB1];
	_ =	sdelay $0x3  }
0x33: {  	p0 =	seq.s32 s10, $0x1;
	s10 =	sld [smem:$0x3FB3];
	_ =	sdelay $0x3  }
0x34: {  	[smem:$0x3FB3] =	sst s10  }
0x35: {  	s10 =	sld [smem:$0x3FB2];
	_ =	sdelay $0x3  }
0x36: {  	p1 =	seq.s32 s10, $0x1;
	s10 =	sld [smem:$0x3FB3];
	_ =	sdelay $0x3  }
0x37: {  	[smem:$0x3FB3] =	sst s10  }
0x38: {  	s10 =	sld [smem:$0x3FB4]  }
0x39: {  	_ = 	snop;
	(pc) =	sbr.ind lr, $3  }
0x3a: {  	_ = 	snop  }
0x3b: {  	_ = 	snop  }
0x3c: {  	p2 =	seq.s32 s10, $0x1;
	s10 =	sld [smem:$0x3FB3]  }
0x3d: {  	_ =	shalt  }
0x3e: {  	_ =	shalt  }
0x3f: {  	_ =	shalt  }
0x40: {  	_ =	shalt  }
0x41: {  	_ =	shalt  }
0x42: {  	_ =	shalt  }
0x43: {  	_ =	shalt  }
0x44: {  	_ =	shalt  }
0x45: {  	_ =	shalt  }
0x46: {  	_ =	shalt  }
0x47: {  	_ =	shalt  }
0x48: {  	_ =	shalt  }
0x49: {  	_ =	shalt  }
0x4a: {  	_ =	shalt  }
0x4b: {  	_ =	shalt  }
0x4c: {  	_ =	shalt  }
0x4d: {  	_ =	shalt  }
0x4e: {  	_ =	shalt  }
0x4f: {  	_ =	shalt  }
0x50: {  	_ =	shalt  }
0x51: {  	_ =	shalt  }
0x52: {  	_ =	shalt  }
0x53: {  	_ =	shalt  }
0x54: {  	_ =	shalt  }
0x55: {  	_ =	shalt  }
0x56: {  	_ =	shalt  }
0x57: {  	_ =	shalt  }
0x58: {  	_ =	shalt  }
0x59: {  	_ =	shalt  }
0x5a: {  	_ =	shalt  }
0x5b: {  	_ =	shalt  }
0x5c: {  	_ =	shalt  }
0x5d: {  	_ =	shalt  }
0x5e: {  	_ =	shalt  }
0x5f: {  	_ =	shalt  }
0x60: {  	_ =	shalt  }
0x61: {  	_ =	shalt  }
0x62: {  	_ =	shalt  }
0x63: {  	_ =	shalt  }
0x64: {  	_ =	shalt  }
0x65: {  	_ =	shalt  }
0x66: {  	_ =	shalt  }
0x67: {  	_ =	shalt  }
0x68: {  	_ =	shalt  }
0x69: {  	_ =	shalt  }
0x6a: {  	_ =	shalt  }
0x6b: {  	_ =	shalt  }
0x6c: {  	_ =	shalt  }
0x6d: {  	_ =	shalt  }
0x6e: {  	_ =	shalt  }
0x6f: {  	_ =	shalt  }
0x70: {  	_ =	shalt  }
0x71: {  	_ =	shalt  }
0x72: {  	_ =	shalt  }
0x73: {  	_ =	shalt  }
0x74: {  	_ =	shalt  }
0x75: {  	_ =	shalt  }
0x76: {  	_ =	shalt  }
0x77: {  	_ =	shalt  }
0x78: {  	_ =	shalt  }
0x79: {  	_ =	shalt  }
0x7a: {  	_ =	shalt  }
0x7b: {  	_ =	shalt  }
0x7c: {  	_ =	shalt  }
0x7d: {  	_ =	shalt  }
0x7e: {  	_ =	shalt  }
0x7f: {  	_ =	shalt  }
0x80: {  	_ =	shalt  }
0x81: {  	_ =	shalt  }
0x82: {  	_ =	shalt  }
0x83: {  	_ =	shalt  }
0x84: {  	_ =	shalt  }
0x85: {  	_ =	shalt  }
0x86: {  	_ =	shalt  }
0x87: {  	_ =	shalt  }
.Lfunc_end0:
.L_simem_size_0:
called_computation.3_lowered:
.L_overlay_start_0:
0x88: {  	s2 =	sld [smem:$0x3FD9]  }
0x89: {  	s3 =	sld [smem:$0x3FFE];
	_ =	sdelay $0x1  }
0x8a: {  	s1 =	srdreg.scid  }
0x8b: {  	s0 =	sand.u32 $0x1, s1  }
0x8c: {  	s16 =	sshll.u32 s0, $0xA;
	s2 =	sadd.s32 s3, s2  }
0x8d: {  	s2 =	sadd.s32 s2, s16  }
0x8e: {  	[smem:$0x3FBF] =	sst s2  }
0x8f: {  	_ = 	snop  }
0x90: {  	(tm) =	ssettm $0x1  }
0x91: {  	s17 =	sld [smem:$0x3FFB];
	_ =	sdelay $0x3  }
0x92: {  	_ =	strace s17  }
0x93: {  	s2 =	sld [smem:$0x3FFC];
	_ =	sdelay $0x3  }
0x94: {  	_ =	strace s2  }
0x95: {  	s2 =	sld [smem:$0x3FFD];
	_ =	sdelay $0x3  }
0x96: {  	_ =	strace s2  }
0x97: {  	_ =	strace $0x8FFFFFFF  }
0x98: {  	s18 =	sld [smem:$0x3FDB];
	_ =	sdelay $0x1  }
0x99: {  	s19 =	simm.s32 $_scs_section_size  }
0x9a: {  	s4 =	simm.s32 $_size__tile_overlayer_lowered;
	s5 =	simm.s32 $_tile_overlayer_lowered  }
0x9b: {  	s22 =	simm.s32 $0x1BFF;
	s21 =	sshll.u32 s5, $0x1;
	s2 =	sadd.s32 s19, s18  }
0x9c: {  	s6 =	simm.s32 $0x0;
	s20 =	sshll.u32 s4, $0x1;
	s4 =	sadd.s32 s21, s2  }
0x9d: {  	[timem:s6], [sflag:s22] =	dma.local [hbm:s4], s20  }
0x9e: {  	_ =	swait.ge [sflag:s22], s20  }
0x9f: {  	s3 =	ssub.s32 $0x0, s20;
	[sflag:s22] =	ssyncset.done $0x0  }
0xa0: {  	[sflag:s22] =	ssyncadd.s32 s3;
	_ =	sdelay $0x1  }
0xa1: {  	s23 =	simm.s32 $0x1B8B  }
0xa2: {  	_ =	swait.ge [sflag:s23], $0x1  }
0xa3: {  	[sflag:s23] =	ssyncset.done $0x0  }
0xa4: {  	s25 =	simm.s32 $0x1B8E;
	s24 =	sld [smem:$0x3FFE];
	[sflag:s23] =	ssyncadd.s32 $0xFFFFFFFF  }
0xa5: {  	s26 =	simm.s32 $execute0_lowered;
	[smem:$0x3FD2] =	sst s25  }
0xa6: {  	s4 =	sshll.u32 s26, $0x1;
	_ =	strace $0x8000004F;
	[dreg:$0x1] =	wrdreg $0xFFFFFFFF  }
0xa7: {  	s28 =	simm.s32 $_size_execute0_lowered;
	s2 =	sadd.s32 s2, s4;
	[dreg:$0x0] =	wrdreg $0x0  }
0xa8: {  	s4 =	sshll.u32 s28, $0x1;
	[dreg:$0x2] =	wrdreg s2  }
0xa9: {  	[dreg:$0x3] =	wrdreg s4  }
0xaa: {  	[dreg:$0x4] =	wrdreg $0xC0  }
0xab: {  	_ =	task [dreg:s6], $0x5FFFF  }
0xac: {  	[dreg:$0x1] =	wrdreg $0xFFFFFFFF  }
0xad: {  	[dreg:$0x0] =	wrdreg $0x60  }
0xae: {  	[dreg:$0x2] =	wrdreg s24  }
0xaf: {  	[dreg:$0x3] =	wrdreg $0x88000  }
0xb0: {  	[dreg:$0x4] =	wrdreg $0x9  }
0xb1: {  	_ =	task.clear_ibuf [dreg:s6], $0x5FFFF;
	_ =	strace $0x9000004F  }
0xb2: {  	s29 =	simm.s32 $0x9;
	_ =	strace $0x80000051  }
0xb3: {  	_ =	swait.ge [sflag:s29], $0x1  }
0xb4: {  	[sflag:s29] =	ssyncadd.s32 $0xFFFFFFFF  }
0xb5: {  	_ =	strace $0x90000051  }
0xb6: {  	_ =	sfence  }
0xb7: {  	s30 =	sld [smem:$0x0];
	_ =	sdelay $0x2  }
0xb8: {  	s31 =	sshll.u32 s1, $0xD;
	s1 =	sshrl.u32 s1, $0x2  }
0xb9: {  	s3 =	sand.u32 $0x4000, s31;
	s1 =	sadd.s32 s1, s30  }
0xba: {  	s0 =	sor.u32 s3, s0;
	s1 =	sshll.u32 s1, $0x11  }
0xbb: {  	s0 =	sor.u32 s1, s0  }
0xbc: {  	s0 =	sadd.s32 $0x8F2B, s0  }
0xbd: {  	[sflag:s0] =	ssyncadd.remote.s32 $0x1  }
0xbe: {  	_ =	sfence.sel $0xFFFF  }
0xbf: {  	[dreg:$0x0] =	wrdreg $0xFFFFFFFF;
	(pc) =	sbr.abs _section_cstart, $3  }
0xc0: {  	[dreg:$0x1] =	wrdreg $0xFFFFFFFF  }
0xc1: {  	_ =	task.clear_ibuf [dreg:s6], $0x2FFFF;
	_ =	strace $0x9FFFFFFF  }
0xc2: {  	(tm) =	ssettm $0x7FFFFFFF  }
0xc3: {  	_ =	shalt  }
tec
execute0_lowered:
.L_overlay_start_1:
0x0: {  	(tag) =	ssettag $0x1  }
0x1: {  	s0 =	rddreg [dreg:$0x0];
	s2 =	srdreg.scid  }
0x2: {  	s1 =	rddreg [dreg:$0x1];
	s11 =	stileid.u32;
	s8 =	simm.s32 $0x800  }
0x3: {  	s9 =	simm.s32 $0x1;
	s10 =	simm.s32 $0x80;
	s22 =	simm.s32 $0x380  }
0x4: {  	s23 =	simm.s32 $0x4000;
	s24 =	simm.s32 $0x400;
	s25 =	simm.s32 $0x4800  }
0x5: {  	s26 =	simm.s32 $0x480;
	s28 =	simm.s32 $0x5000;
	s29 =	simm.s32 $0x500  }
0x6: {  	s30 =	simm.s32 $0x5800;
	s31 =	simm.s32 $0x580;
	s12 =	simm.s32 $0x6800  }
0x7: {  	s13 =	simm.s32 $0x680;
	s14 =	simm.s32 $0x7000;
	s15 =	simm.s32 $0x700  }
0x8: {  	s16 =	simm.s32 $0x7800;
	s17 =	simm.s32 $0x780;
	s18 =	simm.s32 $0x8000  }
0x9: {  	s19 =	simm.s32 $0x0;
	s3 =	sand.u32 $0x1, s2;
	s2 =	simm.s32 $0x0  }
0xa: {  	s5 =	sshll.u32 s11, $0xB;
	p0 =	sne.s32 s11, $0x0;
	p1 =	slt.u32 s11, $0xD  }
0xb: {  	s11 =	simm.s32 $0x600;
	s4 =	smul.u32 $0x6800, s3;
	[smem:$0x7FF] =	sst s2  }
0xc: {  	s6 =	smul.u32 $0x420, s3;
	s3 =	ssub.s32 $0x2, s3;
	_ =	strace $0x80000050  }
.Ltmp0:
0xd: {  	s7 =	sshrl.u32 s3, $0x1;
	s4 =	sadd.s32 s4, s5;
	(pc) =	sbr.rel .LBB2_1-.Ltmp0, $4  }
0xe: {  	s7 =	ssub.s32 s3, s7;
	s5 =	sshll.u32 s4, $0x1;
	s4 =	sshrl.u32 s4, $0x3  }
0xf: {  	s3 =	sadd.s32 $0x1080, s1;
	s7 =	smax.u32 s7, $0x1;
	s4 =	sadd.s32 s4, s0  }
0x10: {  	s5 =	sadd.s32 s5, s0;
	s0 =	sadd.s32 s6, s0;
	s4 =	sadd.s32 $0x1AA00, s4  }
0x11: {  	v0 =	vimm.f32 $0.0e+00;
	s5 =	sadd.s32 $0x1C400, s5;
	s6 =	sadd.s32 $0x1A00, s0;
	s0 =	simm.s32 $0x6000  }
.LBB2_7:
0x12: {  	[bflag:$0x0] =	sbarrier.arrive $0xFFFF  }
.LBB2_8:
0x13: {  	s19 =	sadd.s32 $0x1, s19  }
0x14: {  	p2 =	sne.s32 s19, s7  }
.Ltmp1:
0x15: {  	_ = 	snop;
	(pc) =	sbr.rel @!p2 .LBB2_9-.Ltmp1, $1  }
0x16: {  	_ =	sdelay $0x3  }
.LBB2_1:
0x17: {  	s20 =	simm.s32 $0x40;
	s21 =	simm.s32 $0x0  }
.LBB2_2:
0x18: {  	p2 =	sne.s32 s20, $0x41C0;
	[tilespmem:s21+$0x800] =	vst v0;
	s21 =	smov.u32 s20;
	s20 =	sadd.s32 $0x40, s20  }
.Ltmp2:
0x19: {  	(pc) =	sbr.rel @p2 .LBB2_2-.Ltmp2, $2  }
0x1a: {  	_ =	sdelay $0x2  }
0x1b: {  	s21 =	sshra.s32 s21, $0x2  }
.Ltmp3:
0x1c: {  	(pc) =	sbr.rel @!p0 .LBB2_4-.Ltmp3, $2  }
0x1d: {  	_ =	sdelay $0x2  }
0x1e: {  	[tilespmem:s21+$0x800] =	vst v0  }
.Ltmp4:
0x1f: {  	(pc) =	sbr.rel @p1 .LBB2_5-.Ltmp4, $4  }
.Ltmp5:
0x20: {  	(pc) =	sbr.rel @!p1 .LBB2_7-.Ltmp5, $4  }
0x21: {  	_ = 	snop  }
0x22: {  	[bflag:$0x0] =	sbarrier.arrive $0xFFFF  }
0x23: {  	_ = 	snop  }
0x24: {  	_ = 	snop  }
.LBB2_4:
0x25: {  	[spmem:s1] =	stream.linear.scatter [tilespmem:s8], [sflag:$0x1], $0x1080, $0x38;
	[tilespmem:$0x8A10] =	vst v63  }
0x26: {  	_ =	swait.ge [sflag:s9], $0x1080  }
0x27: {  	[sflag:s9] =	ssyncset.done $0x0  }
0x28: {  	[sflag:s9] =	ssyncadd.s32 $0xFFFFEF80  }
0x29: {  	[spmem:s3] =	stream.linear.scatter [tilespmem:s8], [sflag:$0x1], $0x1080, $0x38;
	[tilespmem:$0x8A10] =	vst v63  }
0x2a: {  	_ =	swait.ge [sflag:s9], $0x1080  }
0x2b: {  	[sflag:s9] =	ssyncset.done $0x0  }
0x2c: {  	[sflag:s9] =	ssyncadd.s32 $0xFFFFEF80  }
0x2d: {  	[bflag:$0x0] =	sbarrier.arrive $0xFFFF  }
.LBB2_5:
0x2e: {  	[tilespmem:s2], [sflag:$0x1] =	stream.linear.gather [hbm4b:s4+s2], $0x800, $0x38;
	[tilespmem:$0x8A10] =	vst v63  }
0x2f: {  	_ =	swait.ge [sflag:s9], $0x800  }
0x30: {  	[sflag:s9] =	ssyncset.done $0x0  }
0x31: {  	[sflag:s9] =	ssyncadd.s32 $0xFFFFF800  }
0x32: {  	[tilespmem:s8], [sflag:$0x1] =	stream.linear.gather [hbm4b:s5+s2], $0x8000, $0x38;
	[tilespmem:$0x8A10] =	vst v63  }
0x33: {  	_ =	swait.ge [sflag:s9], $0x8000  }
0x34: {  	[sflag:s9] =	ssyncset.done $0x0  }
0x35: {  	[sflag:s9] =	ssyncadd.s32 $0xFFFF8000  }
0x36: {  	[spmem:s1] =	stream.indirect.scatter.add.f32 [tilespmem:s8], [sflag:$0x1], $0x10, s2, s10, $0xb8;
	[tilespmem:$0x8A10] =	vst v63  }
0x37: {  	_ =	swait.ge [sflag:s9], $0x800  }
0x38: {  	[sflag:s9] =	ssyncset.done $0x0  }
0x39: {  	s20 =	simm.s32 $0x1000;
	[sflag:s9] =	ssyncadd.s32 $0xFFFFF800  }
0x3a: {  	[spmem:s1] =	stream.indirect.scatter.add.f32 [tilespmem:s20], [sflag:$0x1], $0x10, s10, s10, $0xb8;
	[tilespmem:$0x8A10] =	vst v63  }
0x3b: {  	_ =	swait.ge [sflag:s9], $0x800  }
0x3c: {  	[sflag:s9] =	ssyncset.done $0x0  }
0x3d: {  	s21 =	simm.s32 $0x1800;
	s20 =	simm.s32 $0x100;
	[sflag:s9] =	ssyncadd.s32 $0xFFFFF800  }
0x3e: {  	[spmem:s1] =	stream.indirect.scatter.add.f32 [tilespmem:s21], [sflag:$0x1], $0x10, s20, s10, $0xb8;
	[tilespmem:$0x8A10] =	vst v63  }
0x3f: {  	_ =	swait.ge [sflag:s9], $0x800  }
0x40: {  	[sflag:s9] =	ssyncset.done $0x0  }
0x41: {  	s20 =	simm.s32 $0x180;
	s21 =	simm.s32 $0x2000;
	[sflag:s9] =	ssyncadd.s32 $0xFFFFF800  }
0x42: {  	[spmem:s1] =	stream.indirect.scatter.add.f32 [tilespmem:s21], [sflag:$0x1], $0x10, s20, s10, $0xb8;
	[tilespmem:$0x8A10] =	vst v63  }
0x43: {  	_ =	swait.ge [sflag:s9], $0x800  }
0x44: {  	[sflag:s9] =	ssyncset.done $0x0  }
0x45: {  	s20 =	simm.s32 $0x200;
	s21 =	simm.s32 $0x2800;
	[sflag:s9] =	ssyncadd.s32 $0xFFFFF800  }
0x46: {  	[spmem:s1] =	stream.indirect.scatter.add.f32 [tilespmem:s21], [sflag:$0x1], $0x10, s20, s10, $0xb8;
	[tilespmem:$0x8A10] =	vst v63  }
0x47: {  	_ =	swait.ge [sflag:s9], $0x800  }
0x48: {  	[sflag:s9] =	ssyncset.done $0x0  }
0x49: {  	s20 =	simm.s32 $0x280;
	s21 =	simm.s32 $0x3000;
	[sflag:s9] =	ssyncadd.s32 $0xFFFFF800  }
0x4a: {  	[spmem:s1] =	stream.indirect.scatter.add.f32 [tilespmem:s21], [sflag:$0x1], $0x10, s20, s10, $0xb8;
	[tilespmem:$0x8A10] =	vst v63  }
0x4b: {  	_ =	swait.ge [sflag:s9], $0x800  }
0x4c: {  	[sflag:s9] =	ssyncset.done $0x0  }
0x4d: {  	s20 =	simm.s32 $0x300;
	s21 =	simm.s32 $0x3800;
	[sflag:s9] =	ssyncadd.s32 $0xFFFFF800  }
0x4e: {  	[spmem:s1] =	stream.indirect.scatter.add.f32 [tilespmem:s21], [sflag:$0x1], $0x10, s20, s10, $0xb8;
	[tilespmem:$0x8A10] =	vst v63  }
0x4f: {  	_ =	swait.ge [sflag:s9], $0x800  }
0x50: {  	[sflag:s9] =	ssyncset.done $0x0  }
0x51: {  	[sflag:s9] =	ssyncadd.s32 $0xFFFFF800  }
0x52: {  	[spmem:s1] =	stream.indirect.scatter.add.f32 [tilespmem:s23], [sflag:$0x1], $0x10, s22, s10, $0xb8;
	[tilespmem:$0x8A10] =	vst v63  }
0x53: {  	_ =	swait.ge [sflag:s9], $0x800  }
0x54: {  	[sflag:s9] =	ssyncset.done $0x0  }
0x55: {  	[sflag:s9] =	ssyncadd.s32 $0xFFFFF800  }
0x56: {  	[spmem:s1] =	stream.indirect.scatter.add.f32 [tilespmem:s25], [sflag:$0x1], $0x10, s24, s10, $0xb8;
	[tilespmem:$0x8A10] =	vst v63  }
0x57: {  	_ =	swait.ge [sflag:s9], $0x800  }
0x58: {  	[sflag:s9] =	ssyncset.done $0x0  }
0x59: {  	[sflag:s9] =	ssyncadd.s32 $0xFFFFF800  }
0x5a: {  	[spmem:s1] =	stream.indirect.scatter.add.f32 [tilespmem:s28], [sflag:$0x1], $0x10, s26, s10, $0xb8;
	[tilespmem:$0x8A10] =	vst v63  }
0x5b: {  	_ =	swait.ge [sflag:s9], $0x800  }
0x5c: {  	[sflag:s9] =	ssyncset.done $0x0  }
0x5d: {  	[sflag:s9] =	ssyncadd.s32 $0xFFFFF800  }
0x5e: {  	[spmem:s1] =	stream.indirect.scatter.add.f32 [tilespmem:s30], [sflag:$0x1], $0x10, s29, s10, $0xb8;
	[tilespmem:$0x8A10] =	vst v63  }
0x5f: {  	_ =	swait.ge [sflag:s9], $0x800  }
0x60: {  	[sflag:s9] =	ssyncset.done $0x0  }
0x61: {  	[sflag:s9] =	ssyncadd.s32 $0xFFFFF800  }
0x62: {  	[spmem:s1] =	stream.indirect.scatter.add.f32 [tilespmem:s0], [sflag:$0x1], $0x10, s31, s10, $0xb8;
	[tilespmem:$0x8A10] =	vst v63  }
0x63: {  	_ =	swait.ge [sflag:s9], $0x800  }
0x64: {  	[sflag:s9] =	ssyncset.done $0x0  }
0x65: {  	[sflag:s9] =	ssyncadd.s32 $0xFFFFF800  }
0x66: {  	[spmem:s1] =	stream.indirect.scatter.add.f32 [tilespmem:s12], [sflag:$0x1], $0x10, s11, s10, $0xb8;
	[tilespmem:$0x8A10] =	vst v63  }
0x67: {  	_ =	swait.ge [sflag:s9], $0x800  }
0x68: {  	[sflag:s9] =	ssyncset.done $0x0  }
0x69: {  	[sflag:s9] =	ssyncadd.s32 $0xFFFFF800  }
0x6a: {  	[spmem:s1] =	stream.indirect.scatter.add.f32 [tilespmem:s14], [sflag:$0x1], $0x10, s13, s10, $0xb8;
	[tilespmem:$0x8A10] =	vst v63  }
0x6b: {  	_ =	swait.ge [sflag:s9], $0x800  }
0x6c: {  	[sflag:s9] =	ssyncset.done $0x0  }
0x6d: {  	[sflag:s9] =	ssyncadd.s32 $0xFFFFF800  }
0x6e: {  	[spmem:s1] =	stream.indirect.scatter.add.f32 [tilespmem:s16], [sflag:$0x1], $0x10, s15, s10, $0xb8;
	[tilespmem:$0x8A10] =	vst v63  }
0x6f: {  	_ =	swait.ge [sflag:s9], $0x800  }
0x70: {  	[sflag:s9] =	ssyncset.done $0x0  }
0x71: {  	[sflag:s9] =	ssyncadd.s32 $0xFFFFF800  }
0x72: {  	[spmem:s1] =	stream.indirect.scatter.add.f32 [tilespmem:s18], [sflag:$0x1], $0x10, s17, s10, $0xb8;
	[tilespmem:$0x8A10] =	vst v63  }
0x73: {  	_ =	swait.ge [sflag:s9], $0x800  }
0x74: {  	[sflag:s9] =	ssyncset.done $0x0  }
0x75: {  	[sflag:s9] =	ssyncadd.s32 $0xFFFFF800  }
0x76: {  	s20 =	sshrl.u32 @!p0 s1, $0x3;
	s21 =	simm.s32 @!p0 $0x1C01;
	[bflag:$0x0] =	sbarrier.arrive $0xFFFF  }
0x77: {  	[hbm:s6], [sflag:s21] =	dma.local @!p0 [spmem:s20], $0x420  }
.Ltmp6:
0x78: {  	_ = 	snop;
	(pc) =	sbr.rel .LBB2_8-.Ltmp6, $4  }
0x79: {  	s20 =	simm.s32 @!p0 $0x1  }
0x7a: {  	_ =	swait.ge @!p0 [sflag:s20], $0x420  }
0x7b: {  	[sflag:s20] =	ssyncset.done @!p0 $0x0  }
0x7c: {  	[sflag:s20] =	ssyncadd.s32 @!p0 $0xFFFFFBE0  }
.LBB2_9:
0x7d: {  	_ =	sfence.sel $0x180000  }
0x7e: {  	[bflag:$0x0] =	sbarrier.arrive $0xFFFF  }
0x7f: {  	_ =	strace $0x90000050  }
0x80: {  	[bflag:$0x2] =	sbarrier.arrive $0xFFFF  }
0x81: {  	s0 =	rddreg [dreg:$0x2]  }
0x82: {  	s0 =	sadd.s32 @!p0 $0x100000, s0  }
0x83: {  	[sflag:s0] =	ssyncadd.tile.s32 @!p0 $0x1;
	_ =	shalt  }
.Lfunc_end2:
_tile_overlayer_lowered:
.L_overlay_start_2:
0x84: {  	(tag) =	ssettag $0x2  }
0x85: {  	s0 =	rddreg [dreg:$0x0];
	s2 =	stileid.u32  }
0x86: {  	s1 =	rddreg [dreg:$0x1];
	p0 =	sne.s32 s2, $0x0  }
0x87: {  	s3 =	rddreg [dreg:$0x2];
	[bflag:$0x3] =	sbarrier.arrive $0xFFFF;
	s2 =	simm.s32 @!p0 $0x1C01  }
0x88: {  	[timem:s3], [sflag:s2] =	dma.local @!p0 [hbm:s0], s1  }
0x89: {  	s0 =	simm.s32 @!p0 $0x1  }
0x8a: {  	_ =	swait.ge @!p0 [sflag:s0], s1  }
0x8b: {  	s1 =	ssub.s32 @!p0 $0x0, s1;
	[sflag:s0] =	ssyncset.done @!p0 $0x0  }
0x8c: {  	[sflag:s0] =	ssyncadd.s32 @!p0 s1  }
0x8d: {  	[bflag:$0x3] =	sbarrier.arrive $0xFFFF  }
0x8e: {  	_ =	shalt  }

</sc_bundles>
